<compile_context>
chip_gen: v7x
topology: tpu7x:2x2x1
jax: 0.10.2.dev20260603
libtpu: 0.0.44.dev20260713+nightly
codegen_flags: <defaults>
</compile_context>

<pallas_src>
import jax
import jax.numpy as jnp
from jax import lax
from jax.experimental import pallas as pl
from jax.experimental.pallas import tpu as pltpu, tpu_sc as plsc

NUM_Q = 100000
NUM_C = 1000
D = 128
MAX_C = 4
TOKENS = 51200

_info = plsc.get_sparse_core_info()
NC, NS, L = _info.num_cores, _info.num_subcores, _info.num_lanes
NW = NC * NS
PER_W = TOKENS // NW
CHUNK = 80
CHUNKS = PER_W // CHUNK
PAIRS = CHUNKS // 2
TG = CHUNK // 16


def _body(qseq, embq, ctab, meta, out,
          qi0, qi1, mv0, mv1,
          ca0, ca1, ca2, ca3, cb0, cb1, cb2, cb3,
          qr0, qr1, fb0, fb1, ctab_v,
          wb0, wb1,
          sg0, sg1, sm0, sm1, ss0, ss1):
    wid = lax.axis_index("s") * NC + lax.axis_index("c")
    qids = (qi0, qi1)
    meta_v = (mv0, mv1)
    cidb = ((ca0, ca1, ca2, ca3), (cb0, cb1, cb2, cb3))
    qrows = (qr0, qr1)
    fbuf = (fb0, fb1)
    wbuf = (wb0, wb1)
    semG = (sg0, sg1)
    semM = (sm0, sm1)
    semS = (ss0, ss1)

    pltpu.sync_copy(ctab, ctab_v)

    def copy_qids(ch, p):
        base = wid * PER_W + ch * CHUNK
        pltpu.sync_copy(qseq.at[pl.ds(base, CHUNK)], qids[p])

    def start_meta(p):
        return pltpu.async_copy(meta.at[qids[p]], meta_v[p], semM[p])

    def wait_meta(p):
        pltpu.make_async_copy(meta.at[qids[p]], meta_v[p], semM[p]).wait()

    def stage_meta(p):
        for tg in range(TG):
            toks = tg * 16 + lax.iota(jnp.int32, 16)
            ms = []
            for j in range(MAX_C):
                cid = plsc.load_gather(
                    meta_v[p], [toks, jnp.full((16,), j, jnp.int32)])
                m = plsc.load_gather(
                    meta_v[p], [toks, jnp.full((16,), MAX_C + j, jnp.int32)])
                ms.append(m)
                cidb[p][j][pl.ds(tg * 16, 16)] = cid
            cnt = ms[0] + ms[1] + ms[2] + ms[3]
            inv = 1.0 / cnt.astype(jnp.float32)
            for j in range(MAX_C):
                wbuf[p][j, pl.ds(tg * 16, 16)] = ms[j].astype(jnp.float32) * inv

    def start_gathers(p):
        pltpu.async_copy(embq.at[qids[p]], qrows[p], semG[p])

    def wait_gathers(p):
        pltpu.make_async_copy(embq.at[qids[p]], qrows[p], semG[p]).wait()

    def fusion(p):
        def unpack2(word):
            lo = plsc.bitcast(lax.shift_left(word, 16), jnp.float32)
            hi = plsc.bitcast(
                lax.bitwise_and(word, jnp.int32(-65536)), jnp.float32)
            return lo, hi

        for tg in range(TG):
            toks = tg * 16 + lax.iota(jnp.int32, 16)
            cv = [cidb[p][j][pl.ds(tg * 16, 16)] for j in range(MAX_C)]
            ws = [wbuf[p][j, pl.ds(tg * 16, 16)] for j in range(MAX_C)]

            @plsc.parallel_loop(0, D // 2, unroll=4)
            def dp_body(dp):
                dvec = jnp.full((16,), dp, jnp.int32)
                lo0, hi0 = unpack2(plsc.load_gather(ctab_v, [cv[0], dvec]))
                lo1, hi1 = unpack2(plsc.load_gather(ctab_v, [cv[1], dvec]))
                lo2, hi2 = unpack2(plsc.load_gather(ctab_v, [cv[2], dvec]))
                lo3, hi3 = unpack2(plsc.load_gather(ctab_v, [cv[3], dvec]))
                acc_lo = lo0 * ws[0] + lo1 * ws[1] + lo2 * ws[2] + lo3 * ws[3]
                acc_hi = hi0 * ws[0] + hi1 * ws[1] + hi2 * ws[2] + hi3 * ws[3]
                plsc.store_scatter(fbuf[p], [toks, 2 * dvec], acc_lo)
                plsc.store_scatter(fbuf[p], [toks, 2 * dvec + 1], acc_hi)

    def start_stores(ch, p):
        base = wid * PER_W + ch * CHUNK
        pltpu.async_copy(fbuf[p], out.at[pl.ds(base, CHUNK), pl.ds(0, D)],
                         semS[p])
        pltpu.async_copy(qrows[p], out.at[pl.ds(base, CHUNK), pl.ds(D, D)],
                         semS[p])

    def wait_stores(ch, p):
        base = wid * PER_W + ch * CHUNK
        pltpu.make_async_copy(
            fbuf[p], out.at[pl.ds(base, CHUNK), pl.ds(0, D)], semS[p]).wait()
        pltpu.make_async_copy(
            qrows[p], out.at[pl.ds(base, CHUNK), pl.ds(D, D)], semS[p]).wait()

    copy_qids(0, 0)
    start_meta(0)
    wait_meta(0)
    stage_meta(0)
    copy_qids(1, 1)
    start_meta(1)
    start_gathers(0)

    def pair_body(o, carry):
        for b in range(2):
            k = 2 * o + b
            wait_gathers(b)
            if b == 0:
                wait_meta(1)
                stage_meta(1)
            else:
                @pl.when(o < PAIRS - 1)
                def _():
                    wait_meta(0)
                    stage_meta(0)
            @pl.when(o < PAIRS - 1)
            def _():
                copy_qids(k + 2, b)
                start_meta(b)
            if b == 0:
                @pl.when(o > 0)
                def _():
                    wait_stores(k - 1, 1)
                start_gathers(1)
            else:
                wait_stores(k - 1, 0)

                @pl.when(o < PAIRS - 1)
                def _():
                    start_gathers(0)
            fusion(b)
            start_stores(k, b)
        return carry

    lax.fori_loop(0, PAIRS, pair_body, 0)
    wait_stores(CHUNKS - 1, 1)


@jax.jit
def kernel(question_seq, embed_question, embed_concept, q2c_table, q2c_mask):
    B, S = question_seq.shape
    qseq = question_seq.reshape(-1).astype(jnp.int32)
    meta = jnp.concatenate(
        [q2c_table.astype(jnp.int32), q2c_mask.astype(jnp.int32),
         jnp.zeros((NUM_Q, 16 - 2 * MAX_C), jnp.int32)], axis=1)
    ctab = jax.lax.bitcast_convert_type(
        embed_concept.astype(jnp.bfloat16).reshape(NUM_C, D // 2, 2),
        jnp.int32)

    mesh = plsc.VectorSubcoreMesh(core_axis_name="c", subcore_axis_name="s")
    fv = jnp.float32
    iv = jnp.int32
    scratch = (
        [pltpu.VMEM((CHUNK,), iv)] * 2 +
        [pltpu.VMEM((CHUNK, 16), iv)] * 2 +
        [pltpu.VMEM((CHUNK,), iv)] * 8 +
        [pltpu.VMEM((CHUNK, D), fv)] * 2 +
        [pltpu.VMEM((CHUNK, D), fv)] * 2 +
        [pltpu.VMEM((NUM_C, D // 2), iv)] * 1 +
        [pltpu.VMEM((MAX_C, CHUNK), fv)] * 2 +
        [pltpu.SemaphoreType.DMA] * 6
    )
    out = pl.kernel(
        _body, mesh=mesh,
        out_type=jax.ShapeDtypeStruct((TOKENS, 2 * D), jnp.float32),
        scratch_types=scratch,
        compiler_params=pltpu.CompilerParams(
            needs_layout_passes=False, use_tc_tiling_on_sc=False),
    )(qseq, embed_question, ctab, meta)
    return out.reshape(B, S, 2 * D)

# --- scband reference (transcript-rebuilt; emitter-appended) ---
"""Pipeline reference for scband-ktembed-layer-31421980737849 (READ-ONLY COPY).

The authoritative reference and input builder live on the scoring server;
editing this copy changes nothing except your own understanding.
"""

import jax, jax.numpy as jnp
import numpy as np

NUM_QUESTION = 100000
NUM_CONCEPT = 1000
EMB_DIM = 128
MAX_C = 4
BATCH = 1024
SEQ = 50


def setup_inputs(seed: int = 0) -> dict:
    key = jax.random.key(seed)
    k1, k2, k3, k4, k5 = jax.random.split(key, 5)
    question_seq = jax.random.randint(k1, (BATCH, SEQ), 0, NUM_QUESTION, dtype=jnp.int64)
    embed_question = jax.random.normal(k2, (NUM_QUESTION, EMB_DIM), dtype=jnp.float32)
    embed_concept = jax.random.normal(k3, (NUM_CONCEPT, EMB_DIM), dtype=jnp.float32)
    # question2concept_table: padded concept ids per question (derived from Q_table in the original)
    q2c_table = jax.random.randint(k4, (NUM_QUESTION, MAX_C), 0, NUM_CONCEPT, dtype=jnp.int64)
    # number of true concepts per question in [1, MAX_C]
    counts = jax.random.randint(k5, (NUM_QUESTION,), 1, MAX_C + 1, dtype=jnp.int64)
    q2c_mask = (jnp.arange(MAX_C, dtype=jnp.int64)[None, :] < counts[:, None]).astype(jnp.int64)
    return {
        "question_seq": question_seq,
        "embed_question": embed_question,
        "embed_concept": embed_concept,
        "q2c_table": q2c_table,
        "q2c_mask": q2c_mask,
    }


def reference(question_seq, embed_question, embed_concept, q2c_table, q2c_mask):
    # get_emb('question', question_seq)
    emb_question = jnp.take(embed_question, question_seq, axis=0)  # [B, L, D]
    # get_emb('concept', question2concept_table[question_seq])
    concept_ids = jnp.take(q2c_table, question_seq, axis=0)        # [B, L, MAX_C]
    emb_concept = jnp.take(embed_concept, concept_ids, axis=0)     # [B, L, MAX_C, D]
    mask_concept = jnp.take(q2c_mask, question_seq, axis=0)        # [B, L, MAX_C]
    # concept_fusion == 'mean'
    mask_f = mask_concept.astype(emb_concept.dtype)
    emb_concept_fusion = (emb_concept * mask_f[..., None]).sum(-2)
    emb_concept_fusion = emb_concept_fusion / mask_f.sum(-1)[..., None]
    return jnp.concatenate((emb_concept_fusion, emb_question), axis=-1)

if __name__ == "__main__":
    import jax
    _d = setup_inputs()
    print(jax.jit(kernel)(*tuple(_d.values())))

</pallas_src>

<mosaic_0001>
#map = affine_map<(d0, d1) -> (0)>
#map1 = affine_map<(d0, d1) -> (0, 0)>
module attributes {stable_mosaic.version = 14 : i64} {
  func.func @_body(%arg0: i32, %arg1: i32, %arg2: memref<51200xi32, #tpu.memory_space<hbm>>, %arg3: memref<100000x128xf32, #tpu.memory_space<hbm>>, %arg4: memref<1000x64xi32, #tpu.memory_space<hbm>>, %arg5: memref<100000x16xi32, #tpu.memory_space<hbm>>, %arg6: memref<51200x256xf32, #tpu.memory_space<hbm>>, %arg7: memref<80xi32, #tpu.memory_space<vmem>>, %arg8: memref<80xi32, #tpu.memory_space<vmem>>, %arg9: memref<80x16xi32, #tpu.memory_space<vmem>>, %arg10: memref<80x16xi32, #tpu.memory_space<vmem>>, %arg11: memref<80xi32, #tpu.memory_space<vmem>>, %arg12: memref<80xi32, #tpu.memory_space<vmem>>, %arg13: memref<80xi32, #tpu.memory_space<vmem>>, %arg14: memref<80xi32, #tpu.memory_space<vmem>>, %arg15: memref<80xi32, #tpu.memory_space<vmem>>, %arg16: memref<80xi32, #tpu.memory_space<vmem>>, %arg17: memref<80xi32, #tpu.memory_space<vmem>>, %arg18: memref<80xi32, #tpu.memory_space<vmem>>, %arg19: memref<80x128xf32, #tpu.memory_space<vmem>>, %arg20: memref<80x128xf32, #tpu.memory_space<vmem>>, %arg21: memref<80x128xf32, #tpu.memory_space<vmem>>, %arg22: memref<80x128xf32, #tpu.memory_space<vmem>>, %arg23: memref<1000x64xi32, #tpu.memory_space<vmem>>, %arg24: memref<4x80xf32, #tpu.memory_space<vmem>>, %arg25: memref<4x80xf32, #tpu.memory_space<vmem>>, %arg26: memref<!tpu.dma_semaphore, #tpu.memory_space<semaphore_mem>>, %arg27: memref<!tpu.dma_semaphore, #tpu.memory_space<semaphore_mem>>, %arg28: memref<!tpu.dma_semaphore, #tpu.memory_space<semaphore_mem>>, %arg29: memref<!tpu.dma_semaphore, #tpu.memory_space<semaphore_mem>>, %arg30: memref<!tpu.dma_semaphore, #tpu.memory_space<semaphore_mem>>, %arg31: memref<!tpu.dma_semaphore, #tpu.memory_space<semaphore_mem>>) attributes {dimension_semantics = [#tpu.dimension_semantics<core_parallel>, #tpu.dimension_semantics<subcore_parallel>], iteration_bounds = array<i64: 2, 16>, scalar_prefetch = 0 : i64, scratch_operands = 25 : i64, tpu.core_type = #tpu.core_type<sc_vector_subcore>, window_params = [{transform_indices = #map}, {transform_indices = #map1}, {transform_indices = #map1}, {transform_indices = #map1}, {transform_indices = #map1}]} {
    %mul3A = arith.constant 2 : i32
    %mul3A_0 = arith.muli %arg1, %mul3A : i32
    %add3A = arith.addi %mul3A_0, %arg0 : i32
    "tpu.region"() ({
      %run_scoped3A = tpu.sem_alloc : memref<!tpu.dma_semaphore, #tpu.memory_space<semaphore_mem>>
      tpu.enqueue_dma source(%arg4 : memref<1000x64xi32, #tpu.memory_space<hbm>>) target(%arg23 : memref<1000x64xi32, #tpu.memory_space<vmem>>) target_semaphore(%run_scoped3A : memref<!tpu.dma_semaphore, #tpu.memory_space<semaphore_mem>>)
      tpu.wait_dma2 semaphore(%run_scoped3A : memref<!tpu.dma_semaphore, #tpu.memory_space<semaphore_mem>>) src(%arg4 : memref<1000x64xi32, #tpu.memory_space<hbm>>) dst(%arg23 : memref<1000x64xi32, #tpu.memory_space<vmem>>)
      tpu.yield
    }) : () -> ()
    %mul3A_1 = arith.constant 1600 : i32
    %mul3A_2 = arith.muli %add3A, %mul3A_1 : i32
    %add3A_3 = arith.constant 0 : i32
    %add3A_4 = arith.addi %mul3A_2, %add3A_3 : i32
    "tpu.region"() ({
      %run_scoped3A = tpu.sem_alloc : memref<!tpu.dma_semaphore, #tpu.memory_space<semaphore_mem>>
      %dma_start3A_365 = tpu.memref_slice %arg2[%add3A_4] : memref<51200xi32, #tpu.memory_space<hbm>> -> memref<80xi32, #tpu.memory_space<hbm>>
      %dma_start3A_366 = tpu.memref_slice %arg2[%add3A_4] : memref<51200xi32, #tpu.memory_space<hbm>> -> memref<80xi32, #tpu.memory_space<hbm>>
      tpu.enqueue_dma source(%dma_start3A_366 : memref<80xi32, #tpu.memory_space<hbm>>) target(%arg7 : memref<80xi32, #tpu.memory_space<vmem>>) target_semaphore(%run_scoped3A : memref<!tpu.dma_semaphore, #tpu.memory_space<semaphore_mem>>)
      %dma_wait3A_367 = tpu.memref_slice %arg2[%add3A_4] : memref<51200xi32, #tpu.memory_space<hbm>> -> memref<80xi32, #tpu.memory_space<hbm>>
      %dma_wait3A_368 = tpu.memref_slice %arg2[%add3A_4] : memref<51200xi32, #tpu.memory_space<hbm>> -> memref<80xi32, #tpu.memory_space<hbm>>
      tpu.wait_dma2 semaphore(%run_scoped3A : memref<!tpu.dma_semaphore, #tpu.memory_space<semaphore_mem>>) src(%dma_wait3A_368 : memref<80xi32, #tpu.memory_space<hbm>>) dst(%arg7 : memref<80xi32, #tpu.memory_space<vmem>>)
      tpu.yield
    }) : () -> ()
    %dma_start3A = arith.constant 0 : i32
    %dma_start3A_5 = arith.constant 0 : i32
    %dma_start3A_6 = tpu.memref_slice %arg5[%dma_start3A, %dma_start3A_5] : memref<100000x16xi32, #tpu.memory_space<hbm>> -> memref<100000x16xi32, #tpu.memory_space<hbm>>
    tpu.enqueue_indirect_dma source(%dma_start3A_6 : memref<100000x16xi32, #tpu.memory_space<hbm>>) target(%arg9 : memref<80x16xi32, #tpu.memory_space<vmem>>) offsets(%arg7 : memref<80xi32, #tpu.memory_space<vmem>>) semaphore(%arg28 : memref<!tpu.dma_semaphore, #tpu.memory_space<semaphore_mem>>)
    %dma_wait3A = arith.constant 0 : i32
    %dma_wait3A_7 = arith.constant 0 : i32
    %dma_wait3A_8 = tpu.memref_slice %arg5[%dma_wait3A, %dma_wait3A_7] : memref<100000x16xi32, #tpu.memory_space<hbm>> -> memref<100000x16xi32, #tpu.memory_space<hbm>>
    tpu.wait_indirect_dma semaphore(%arg28 : memref<!tpu.dma_semaphore, #tpu.memory_space<semaphore_mem>>) src(%dma_wait3A_8 : memref<100000x16xi32, #tpu.memory_space<hbm>>) dst(%arg9 : memref<80x16xi32, #tpu.memory_space<vmem>>)
    %iota3A = tpu.iota {dimensions = array<i32: 0>} : vector<16xi32>
    %add3A_9 = arith.constant 0 : i32
    %add3A_10 = vector.broadcast %add3A_9 : i32 to vector<16xi32>
    %add3A_11 = arith.addi %add3A_10, %iota3A : vector<16xi32>
    %broadcast_in_dim3A = arith.constant 0 : i32
    %broadcast_in_dim3A_12 = vector.broadcast %broadcast_in_dim3A : i32 to vector<16xi32>
    %gather3A = tpu.vector_load_idx %arg9[%add3A_11, %broadcast_in_dim3A_12] : memref<80x16xi32, #tpu.memory_space<vmem>>[vector<16xi32>, vector<16xi32>], vector<16xi32>,
    %broadcast_in_dim3A_13 = arith.constant 4 : i32
    %broadcast_in_dim3A_14 = vector.broadcast %broadcast_in_dim3A_13 : i32 to vector<16xi32>
    %gather3A_15 = tpu.vector_load_idx %arg9[%add3A_11, %broadcast_in_dim3A_14] : memref<80x16xi32, #tpu.memory_space<vmem>>[vector<16xi32>, vector<16xi32>], vector<16xi32>,
    %swap3A = arith.constant 0 : index
    %swap3A_16 = tpu.vector_load %arg11[%swap3A] {strides = array<i32>} : memref<80xi32, #tpu.memory_space<vmem>>, vector<16xi32>,
    tpu.vector_store %arg11[%swap3A], %gather3A {strides = array<i32>} : memref<80xi32, #tpu.memory_space<vmem>>, vector<16xi32>,
    %broadcast_in_dim3A_17 = arith.constant 1 : i32
    %broadcast_in_dim3A_18 = vector.broadcast %broadcast_in_dim3A_17 : i32 to vector<16xi32>
    %gather3A_19 = tpu.vector_load_idx %arg9[%add3A_11, %broadcast_in_dim3A_18] : memref<80x16xi32, #tpu.memory_space<vmem>>[vector<16xi32>, vector<16xi32>], vector<16xi32>,
    %broadcast_in_dim3A_20 = arith.constant 5 : i32
    %broadcast_in_dim3A_21 = vector.broadcast %broadcast_in_dim3A_20 : i32 to vector<16xi32>
    %gather3A_22 = tpu.vector_load_idx %arg9[%add3A_11, %broadcast_in_dim3A_21] : memref<80x16xi32, #tpu.memory_space<vmem>>[vector<16xi32>, vector<16xi32>], vector<16xi32>,
    %swap3A_23 = arith.constant 0 : index
    %swap3A_24 = tpu.vector_load %arg12[%swap3A_23] {strides = array<i32>} : memref<80xi32, #tpu.memory_space<vmem>>, vector<16xi32>,
    tpu.vector_store %arg12[%swap3A_23], %gather3A_19 {strides = array<i32>} : memref<80xi32, #tpu.memory_space<vmem>>, vector<16xi32>,
    %broadcast_in_dim3A_25 = arith.constant 2 : i32
    %broadcast_in_dim3A_26 = vector.broadcast %broadcast_in_dim3A_25 : i32 to vector<16xi32>
    %gather3A_27 = tpu.vector_load_idx %arg9[%add3A_11, %broadcast_in_dim3A_26] : memref<80x16xi32, #tpu.memory_space<vmem>>[vector<16xi32>, vector<16xi32>], vector<16xi32>,
    %broadcast_in_dim3A_28 = arith.constant 6 : i32
    %broadcast_in_dim3A_29 = vector.broadcast %broadcast_in_dim3A_28 : i32 to vector<16xi32>
    %gather3A_30 = tpu.vector_load_idx %arg9[%add3A_11, %broadcast_in_dim3A_29] : memref<80x16xi32, #tpu.memory_space<vmem>>[vector<16xi32>, vector<16xi32>], vector<16xi32>,
    %swap3A_31 = arith.constant 0 : index
    %swap3A_32 = tpu.vector_load %arg13[%swap3A_31] {strides = array<i32>} : memref<80xi32, #tpu.memory_space<vmem>>, vector<16xi32>,
    tpu.vector_store %arg13[%swap3A_31], %gather3A_27 {strides = array<i32>} : memref<80xi32, #tpu.memory_space<vmem>>, vector<16xi32>,
    %broadcast_in_dim3A_33 = arith.constant 3 : i32
    %broadcast_in_dim3A_34 = vector.broadcast %broadcast_in_dim3A_33 : i32 to vector<16xi32>
    %gather3A_35 = tpu.vector_load_idx %arg9[%add3A_11, %broadcast_in_dim3A_34] : memref<80x16xi32, #tpu.memory_space<vmem>>[vector<16xi32>, vector<16xi32>], vector<16xi32>,
    %broadcast_in_dim3A_36 = arith.constant 7 : i32
    %broadcast_in_dim3A_37 = vector.broadcast %broadcast_in_dim3A_36 : i32 to vector<16xi32>
    %gather3A_38 = tpu.vector_load_idx %arg9[%add3A_11, %broadcast_in_dim3A_37] : memref<80x16xi32, #tpu.memory_space<vmem>>[vector<16xi32>, vector<16xi32>], vector<16xi32>,
    %swap3A_39 = arith.constant 0 : index
    %swap3A_40 = tpu.vector_load %arg14[%swap3A_39] {strides = array<i32>} : memref<80xi32, #tpu.memory_space<vmem>>, vector<16xi32>,
    tpu.vector_store %arg14[%swap3A_39], %gather3A_35 {strides = array<i32>} : memref<80xi32, #tpu.memory_space<vmem>>, vector<16xi32>,
    %add3A_41 = arith.addi %gather3A_15, %gather3A_22 : vector<16xi32>
    %add3A_42 = arith.addi %add3A_41, %gather3A_30 : vector<16xi32>
    %add3A_43 = arith.addi %add3A_42, %gather3A_38 : vector<16xi32>
    %convert_element_type3A = arith.sitofp %add3A_43 : vector<16xi32> to vector<16xf32>
    %div3A = arith.constant 1.000000e+00 : f32
    %div3A_44 = vector.broadcast %div3A : f32 to vector<16xf32>
    %div3A_45 = arith.divf %div3A_44, %convert_element_type3A : vector<16xf32>
    %convert_element_type3A_46 = arith.sitofp %gather3A_15 : vector<16xi32> to vector<16xf32>
    %mul3A_47 = arith.mulf %convert_element_type3A_46, %div3A_45 : vector<16xf32>
    %swap3A_48 = arith.constant 0 : i32
    %swap3A_49 = arith.index_cast %swap3A_48 : i32 to index
    %swap3A_50 = arith.constant 0 : index
    %swap3A_51 = tpu.vector_load %arg24[%swap3A_49, %swap3A_50] {strides = array<i32>} : memref<4x80xf32, #tpu.memory_space<vmem>>, vector<16xf32>,
    tpu.vector_store %arg24[%swap3A_49, %swap3A_50], %mul3A_47 {strides = array<i32>} : memref<4x80xf32, #tpu.memory_space<vmem>>, vector<16xf32>,
    %convert_element_type3A_52 = arith.sitofp %gather3A_22 : vector<16xi32> to vector<16xf32>
    %mul3A_53 = arith.mulf %convert_element_type3A_52, %div3A_45 : vector<16xf32>
    %swap3A_54 = arith.constant 1 : i32
    %swap3A_55 = arith.index_cast %swap3A_54 : i32 to index
    %swap3A_56 = arith.constant 0 : index
    %swap3A_57 = tpu.vector_load %arg24[%swap3A_55, %swap3A_56] {strides = array<i32>} : memref<4x80xf32, #tpu.memory_space<vmem>>, vector<16xf32>,
    tpu.vector_store %arg24[%swap3A_55, %swap3A_56], %mul3A_53 {strides = array<i32>} : memref<4x80xf32, #tpu.memory_space<vmem>>, vector<16xf32>,
    %convert_element_type3A_58 = arith.sitofp %gather3A_30 : vector<16xi32> to vector<16xf32>
    %mul3A_59 = arith.mulf %convert_element_type3A_58, %div3A_45 : vector<16xf32>
    %swap3A_60 = arith.constant 2 : i32
    %swap3A_61 = arith.index_cast %swap3A_60 : i32 to index
    %swap3A_62 = arith.constant 0 : index
    %swap3A_63 = tpu.vector_load %arg24[%swap3A_61, %swap3A_62] {strides = array<i32>} : memref<4x80xf32, #tpu.memory_space<vmem>>, vector<16xf32>,
    tpu.vector_store %arg24[%swap3A_61, %swap3A_62], %mul3A_59 {strides = array<i32>} : memref<4x80xf32, #tpu.memory_space<vmem>>, vector<16xf32>,
    %convert_element_type3A_64 = arith.sitofp %gather3A_38 : vector<16xi32> to vector<16xf32>
    %mul3A_65 = arith.mulf %convert_element_type3A_64, %div3A_45 : vector<16xf32>
    %swap3A_66 = arith.constant 3 : i32
    %swap3A_67 = arith.index_cast %swap3A_66 : i32 to index
    %swap3A_68 = arith.constant 0 : index
    %swap3A_69 = tpu.vector_load %arg24[%swap3A_67, %swap3A_68] {strides = array<i32>} : memref<4x80xf32, #tpu.memory_space<vmem>>, vector<16xf32>,
    tpu.vector_store %arg24[%swap3A_67, %swap3A_68], %mul3A_65 {strides = array<i32>} : memref<4x80xf32, #tpu.memory_space<vmem>>, vector<16xf32>,
    %iota3A_70 = tpu.iota {dimensions = array<i32: 0>} : vector<16xi32>
    %add3A_71 = arith.constant 16 : i32
    %add3A_72 = vector.broadcast %add3A_71 : i32 to vector<16xi32>
    %add3A_73 = arith.addi %add3A_72, %iota3A_70 : vector<16xi32>
    %broadcast_in_dim3A_74 = arith.constant 0 : i32
    %broadcast_in_dim3A_75 = vector.broadcast %broadcast_in_dim3A_74 : i32 to vector<16xi32>
    %gather3A_76 = tpu.vector_load_idx %arg9[%add3A_73, %broadcast_in_dim3A_75] : memref<80x16xi32, #tpu.memory_space<vmem>>[vector<16xi32>, vector<16xi32>], vector<16xi32>,
    %broadcast_in_dim3A_77 = arith.constant 4 : i32
    %broadcast_in_dim3A_78 = vector.broadcast %broadcast_in_dim3A_77 : i32 to vector<16xi32>
    %gather3A_79 = tpu.vector_load_idx %arg9[%add3A_73, %broadcast_in_dim3A_78] : memref<80x16xi32, #tpu.memory_space<vmem>>[vector<16xi32>, vector<16xi32>], vector<16xi32>,
    %swap3A_80 = arith.constant 16 : index
    %swap3A_81 = tpu.vector_load %arg11[%swap3A_80] {strides = array<i32>} : memref<80xi32, #tpu.memory_space<vmem>>, vector<16xi32>,
    tpu.vector_store %arg11[%swap3A_80], %gather3A_76 {strides = array<i32>} : memref<80xi32, #tpu.memory_space<vmem>>, vector<16xi32>,
    %broadcast_in_dim3A_82 = arith.constant 1 : i32
    %broadcast_in_dim3A_83 = vector.broadcast %broadcast_in_dim3A_82 : i32 to vector<16xi32>
    %gather3A_84 = tpu.vector_load_idx %arg9[%add3A_73, %broadcast_in_dim3A_83] : memref<80x16xi32, #tpu.memory_space<vmem>>[vector<16xi32>, vector<16xi32>], vector<16xi32>,
    %broadcast_in_dim3A_85 = arith.constant 5 : i32
    %broadcast_in_dim3A_86 = vector.broadcast %broadcast_in_dim3A_85 : i32 to vector<16xi32>
    %gather3A_87 = tpu.vector_load_idx %arg9[%add3A_73, %broadcast_in_dim3A_86] : memref<80x16xi32, #tpu.memory_space<vmem>>[vector<16xi32>, vector<16xi32>], vector<16xi32>,
    %swap3A_88 = arith.constant 16 : index
    %swap3A_89 = tpu.vector_load %arg12[%swap3A_88] {strides = array<i32>} : memref<80xi32, #tpu.memory_space<vmem>>, vector<16xi32>,
    tpu.vector_store %arg12[%swap3A_88], %gather3A_84 {strides = array<i32>} : memref<80xi32, #tpu.memory_space<vmem>>, vector<16xi32>,
    %broadcast_in_dim3A_90 = arith.constant 2 : i32
    %broadcast_in_dim3A_91 = vector.broadcast %broadcast_in_dim3A_90 : i32 to vector<16xi32>
    %gather3A_92 = tpu.vector_load_idx %arg9[%add3A_73, %broadcast_in_dim3A_91] : memref<80x16xi32, #tpu.memory_space<vmem>>[vector<16xi32>, vector<16xi32>], vector<16xi32>,
    %broadcast_in_dim3A_93 = arith.constant 6 : i32
    %broadcast_in_dim3A_94 = vector.broadcast %broadcast_in_dim3A_93 : i32 to vector<16xi32>
    %gather3A_95 = tpu.vector_load_idx %arg9[%add3A_73, %broadcast_in_dim3A_94] : memref<80x16xi32, #tpu.memory_space<vmem>>[vector<16xi32>, vector<16xi32>], vector<16xi32>,
    %swap3A_96 = arith.constant 16 : index
    %swap3A_97 = tpu.vector_load %arg13[%swap3A_96] {strides = array<i32>} : memref<80xi32, #tpu.memory_space<vmem>>, vector<16xi32>,
    tpu.vector_store %arg13[%swap3A_96], %gather3A_92 {strides = array<i32>} : memref<80xi32, #tpu.memory_space<vmem>>, vector<16xi32>,
    %broadcast_in_dim3A_98 = arith.constant 3 : i32
    %broadcast_in_dim3A_99 = vector.broadcast %broadcast_in_dim3A_98 : i32 to vector<16xi32>
    %gather3A_100 = tpu.vector_load_idx %arg9[%add3A_73, %broadcast_in_dim3A_99] : memref<80x16xi32, #tpu.memory_space<vmem>>[vector<16xi32>, vector<16xi32>], vector<16xi32>,
    %broadcast_in_dim3A_101 = arith.constant 7 : i32
    %broadcast_in_dim3A_102 = vector.broadcast %broadcast_in_dim3A_101 : i32 to vector<16xi32>
    %gather3A_103 = tpu.vector_load_idx %arg9[%add3A_73, %broadcast_in_dim3A_102] : memref<80x16xi32, #tpu.memory_space<vmem>>[vector<16xi32>, vector<16xi32>], vector<16xi32>,
    %swap3A_104 = arith.constant 16 : index
    %swap3A_105 = tpu.vector_load %arg14[%swap3A_104] {strides = array<i32>} : memref<80xi32, #tpu.memory_space<vmem>>, vector<16xi32>,
    tpu.vector_store %arg14[%swap3A_104], %gather3A_100 {strides = array<i32>} : memref<80xi32, #tpu.memory_space<vmem>>, vector<16xi32>,
    %add3A_106 = arith.addi %gather3A_79, %gather3A_87 : vector<16xi32>
    %add3A_107 = arith.addi %add3A_106, %gather3A_95 : vector<16xi32>
    %add3A_108 = arith.addi %add3A_107, %gather3A_103 : vector<16xi32>
    %convert_element_type3A_109 = arith.sitofp %add3A_108 : vector<16xi32> to vector<16xf32>
    %div3A_110 = arith.constant 1.000000e+00 : f32
    %div3A_111 = vector.broadcast %div3A_110 : f32 to vector<16xf32>
    %div3A_112 = arith.divf %div3A_111, %convert_element_type3A_109 : vector<16xf32>
    %convert_element_type3A_113 = arith.sitofp %gather3A_79 : vector<16xi32> to vector<16xf32>
    %mul3A_114 = arith.mulf %convert_element_type3A_113, %div3A_112 : vector<16xf32>
    %swap3A_115 = arith.constant 0 : i32
    %swap3A_116 = arith.index_cast %swap3A_115 : i32 to index
    %swap3A_117 = arith.constant 16 : index
    %swap3A_118 = tpu.vector_load %arg24[%swap3A_116, %swap3A_117] {strides = array<i32>} : memref<4x80xf32, #tpu.memory_space<vmem>>, vector<16xf32>,
    tpu.vector_store %arg24[%swap3A_116, %swap3A_117], %mul3A_114 {strides = array<i32>} : memref<4x80xf32, #tpu.memory_space<vmem>>, vector<16xf32>,
    %convert_element_type3A_119 = arith.sitofp %gather3A_87 : vector<16xi32> to vector<16xf32>
    %mul3A_120 = arith.mulf %convert_element_type3A_119, %div3A_112 : vector<16xf32>
    %swap3A_121 = arith.constant 1 : i32
    %swap3A_122 = arith.index_cast %swap3A_121 : i32 to index
    %swap3A_123 = arith.constant 16 : index
    %swap3A_124 = tpu.vector_load %arg24[%swap3A_122, %swap3A_123] {strides = array<i32>} : memref<4x80xf32, #tpu.memory_space<vmem>>, vector<16xf32>,
    tpu.vector_store %arg24[%swap3A_122, %swap3A_123], %mul3A_120 {strides = array<i32>} : memref<4x80xf32, #tpu.memory_space<vmem>>, vector<16xf32>,
    %convert_element_type3A_125 = arith.sitofp %gather3A_95 : vector<16xi32> to vector<16xf32>
    %mul3A_126 = arith.mulf %convert_element_type3A_125, %div3A_112 : vector<16xf32>
    %swap3A_127 = arith.constant 2 : i32
    %swap3A_128 = arith.index_cast %swap3A_127 : i32 to index
    %swap3A_129 = arith.constant 16 : index
    %swap3A_130 = tpu.vector_load %arg24[%swap3A_128, %swap3A_129] {strides = array<i32>} : memref<4x80xf32, #tpu.memory_space<vmem>>, vector<16xf32>,
    tpu.vector_store %arg24[%swap3A_128, %swap3A_129], %mul3A_126 {strides = array<i32>} : memref<4x80xf32, #tpu.memory_space<vmem>>, vector<16xf32>,
    %convert_element_type3A_131 = arith.sitofp %gather3A_103 : vector<16xi32> to vector<16xf32>
    %mul3A_132 = arith.mulf %convert_element_type3A_131, %div3A_112 : vector<16xf32>
    %swap3A_133 = arith.constant 3 : i32
    %swap3A_134 = arith.index_cast %swap3A_133 : i32 to index
    %swap3A_135 = arith.constant 16 : index
    %swap3A_136 = tpu.vector_load %arg24[%swap3A_134, %swap3A_135] {strides = array<i32>} : memref<4x80xf32, #tpu.memory_space<vmem>>, vector<16xf32>,
    tpu.vector_store %arg24[%swap3A_134, %swap3A_135], %mul3A_132 {strides = array<i32>} : memref<4x80xf32, #tpu.memory_space<vmem>>, vector<16xf32>,
    %iota3A_137 = tpu.iota {dimensions = array<i32: 0>} : vector<16xi32>
    %add3A_138 = arith.constant 32 : i32
    %add3A_139 = vector.broadcast %add3A_138 : i32 to vector<16xi32>
    %add3A_140 = arith.addi %add3A_139, %iota3A_137 : vector<16xi32>
    %broadcast_in_dim3A_141 = arith.constant 0 : i32
    %broadcast_in_dim3A_142 = vector.broadcast %broadcast_in_dim3A_141 : i32 to vector<16xi32>
    %gather3A_143 = tpu.vector_load_idx %arg9[%add3A_140, %broadcast_in_dim3A_142] : memref<80x16xi32, #tpu.memory_space<vmem>>[vector<16xi32>, vector<16xi32>], vector<16xi32>,
    %broadcast_in_dim3A_144 = arith.constant 4 : i32
    %broadcast_in_dim3A_145 = vector.broadcast %broadcast_in_dim3A_144 : i32 to vector<16xi32>
    %gather3A_146 = tpu.vector_load_idx %arg9[%add3A_140, %broadcast_in_dim3A_145] : memref<80x16xi32, #tpu.memory_space<vmem>>[vector<16xi32>, vector<16xi32>], vector<16xi32>,
    %swap3A_147 = arith.constant 32 : index
    %swap3A_148 = tpu.vector_load %arg11[%swap3A_147] {strides = array<i32>} : memref<80xi32, #tpu.memory_space<vmem>>, vector<16xi32>,
    tpu.vector_store %arg11[%swap3A_147], %gather3A_143 {strides = array<i32>} : memref<80xi32, #tpu.memory_space<vmem>>, vector<16xi32>,
    %broadcast_in_dim3A_149 = arith.constant 1 : i32
    %broadcast_in_dim3A_150 = vector.broadcast %broadcast_in_dim3A_149 : i32 to vector<16xi32>
    %gather3A_151 = tpu.vector_load_idx %arg9[%add3A_140, %broadcast_in_dim3A_150] : memref<80x16xi32, #tpu.memory_space<vmem>>[vector<16xi32>, vector<16xi32>], vector<16xi32>,
    %broadcast_in_dim3A_152 = arith.constant 5 : i32
    %broadcast_in_dim3A_153 = vector.broadcast %broadcast_in_dim3A_152 : i32 to vector<16xi32>
    %gather3A_154 = tpu.vector_load_idx %arg9[%add3A_140, %broadcast_in_dim3A_153] : memref<80x16xi32, #tpu.memory_space<vmem>>[vector<16xi32>, vector<16xi32>], vector<16xi32>,
    %swap3A_155 = arith.constant 32 : index
    %swap3A_156 = tpu.vector_load %arg12[%swap3A_155] {strides = array<i32>} : memref<80xi32, #tpu.memory_space<vmem>>, vector<16xi32>,
    tpu.vector_store %arg12[%swap3A_155], %gather3A_151 {strides = array<i32>} : memref<80xi32, #tpu.memory_space<vmem>>, vector<16xi32>,
    %broadcast_in_dim3A_157 = arith.constant 2 : i32
    %broadcast_in_dim3A_158 = vector.broadcast %broadcast_in_dim3A_157 : i32 to vector<16xi32>
    %gather3A_159 = tpu.vector_load_idx %arg9[%add3A_140, %broadcast_in_dim3A_158] : memref<80x16xi32, #tpu.memory_space<vmem>>[vector<16xi32>, vector<16xi32>], vector<16xi32>,
    %broadcast_in_dim3A_160 = arith.constant 6 : i32
    %broadcast_in_dim3A_161 = vector.broadcast %broadcast_in_dim3A_160 : i32 to vector<16xi32>
    %gather3A_162 = tpu.vector_load_idx %arg9[%add3A_140, %broadcast_in_dim3A_161] : memref<80x16xi32, #tpu.memory_space<vmem>>[vector<16xi32>, vector<16xi32>], vector<16xi32>,
    %swap3A_163 = arith.constant 32 : index
    %swap3A_164 = tpu.vector_load %arg13[%swap3A_163] {strides = array<i32>} : memref<80xi32, #tpu.memory_space<vmem>>, vector<16xi32>,
    tpu.vector_store %arg13[%swap3A_163], %gather3A_159 {strides = array<i32>} : memref<80xi32, #tpu.memory_space<vmem>>, vector<16xi32>,
    %broadcast_in_dim3A_165 = arith.constant 3 : i32
    %broadcast_in_dim3A_166 = vector.broadcast %broadcast_in_dim3A_165 : i32 to vector<16xi32>
    %gather3A_167 = tpu.vector_load_idx %arg9[%add3A_140, %broadcast_in_dim3A_166] : memref<80x16xi32, #tpu.memory_space<vmem>>[vector<16xi32>, vector<16xi32>], vector<16xi32>,
    %broadcast_in_dim3A_168 = arith.constant 7 : i32
    %broadcast_in_dim3A_169 = vector.broadcast %broadcast_in_dim3A_168 : i32 to vector<16xi32>
    %gather3A_170 = tpu.vector_load_idx %arg9[%add3A_140, %broadcast_in_dim3A_169] : memref<80x16xi32, #tpu.memory_space<vmem>>[vector<16xi32>, vector<16xi32>], vector<16xi32>,
    %swap3A_171 = arith.constant 32 : index
    %swap3A_172 = tpu.vector_load %arg14[%swap3A_171] {strides = array<i32>} : memref<80xi32, #tpu.memory_space<vmem>>, vector<16xi32>,
    tpu.vector_store %arg14[%swap3A_171], %gather3A_167 {strides = array<i32>} : memref<80xi32, #tpu.memory_space<vmem>>, vector<16xi32>,
    %add3A_173 = arith.addi %gather3A_146, %gather3A_154 : vector<16xi32>
    %add3A_174 = arith.addi %add3A_173, %gather3A_162 : vector<16xi32>
    %add3A_175 = arith.addi %add3A_174, %gather3A_170 : vector<16xi32>
    %convert_element_type3A_176 = arith.sitofp %add3A_175 : vector<16xi32> to vector<16xf32>
    %div3A_177 = arith.constant 1.000000e+00 : f32
    %div3A_178 = vector.broadcast %div3A_177 : f32 to vector<16xf32>
    %div3A_179 = arith.divf %div3A_178, %convert_element_type3A_176 : vector<16xf32>
    %convert_element_type3A_180 = arith.sitofp %gather3A_146 : vector<16xi32> to vector<16xf32>
    %mul3A_181 = arith.mulf %convert_element_type3A_180, %div3A_179 : vector<16xf32>
    %swap3A_182 = arith.constant 0 : i32
    %swap3A_183 = arith.index_cast %swap3A_182 : i32 to index
    %swap3A_184 = arith.constant 32 : index
    %swap3A_185 = tpu.vector_load %arg24[%swap3A_183, %swap3A_184] {strides = array<i32>} : memref<4x80xf32, #tpu.memory_space<vmem>>, vector<16xf32>,
    tpu.vector_store %arg24[%swap3A_183, %swap3A_184], %mul3A_181 {strides = array<i32>} : memref<4x80xf32, #tpu.memory_space<vmem>>, vector<16xf32>,
    %convert_element_type3A_186 = arith.sitofp %gather3A_154 : vector<16xi32> to vector<16xf32>
    %mul3A_187 = arith.mulf %convert_element_type3A_186, %div3A_179 : vector<16xf32>
    %swap3A_188 = arith.constant 1 : i32
    %swap3A_189 = arith.index_cast %swap3A_188 : i32 to index
    %swap3A_190 = arith.constant 32 : index
    %swap3A_191 = tpu.vector_load %arg24[%swap3A_189, %swap3A_190] {strides = array<i32>} : memref<4x80xf32, #tpu.memory_space<vmem>>, vector<16xf32>,
    tpu.vector_store %arg24[%swap3A_189, %swap3A_190], %mul3A_187 {strides = array<i32>} : memref<4x80xf32, #tpu.memory_space<vmem>>, vector<16xf32>,
    %convert_element_type3A_192 = arith.sitofp %gather3A_162 : vector<16xi32> to vector<16xf32>
    %mul3A_193 = arith.mulf %convert_element_type3A_192, %div3A_179 : vector<16xf32>
    %swap3A_194 = arith.constant 2 : i32
    %swap3A_195 = arith.index_cast %swap3A_194 : i32 to index
    %swap3A_196 = arith.constant 32 : index
    %swap3A_197 = tpu.vector_load %arg24[%swap3A_195, %swap3A_196] {strides = array<i32>} : memref<4x80xf32, #tpu.memory_space<vmem>>, vector<16xf32>,
    tpu.vector_store %arg24[%swap3A_195, %swap3A_196], %mul3A_193 {strides = array<i32>} : memref<4x80xf32, #tpu.memory_space<vmem>>, vector<16xf32>,
    %convert_element_type3A_198 = arith.sitofp %gather3A_170 : vector<16xi32> to vector<16xf32>
    %mul3A_199 = arith.mulf %convert_element_type3A_198, %div3A_179 : vector<16xf32>
    %swap3A_200 = arith.constant 3 : i32
    %swap3A_201 = arith.index_cast %swap3A_200 : i32 to index
    %swap3A_202 = arith.constant 32 : index
    %swap3A_203 = tpu.vector_load %arg24[%swap3A_201, %swap3A_202] {strides = array<i32>} : memref<4x80xf32, #tpu.memory_space<vmem>>, vector<16xf32>,
    tpu.vector_store %arg24[%swap3A_201, %swap3A_202], %mul3A_199 {strides = array<i32>} : memref<4x80xf32, #tpu.memory_space<vmem>>, vector<16xf32>,
    %iota3A_204 = tpu.iota {dimensions = array<i32: 0>} : vector<16xi32>
    %add3A_205 = arith.constant 48 : i32
    %add3A_206 = vector.broadcast %add3A_205 : i32 to vector<16xi32>
    %add3A_207 = arith.addi %add3A_206, %iota3A_204 : vector<16xi32>
    %broadcast_in_dim3A_208 = arith.constant 0 : i32
    %broadcast_in_dim3A_209 = vector.broadcast %broadcast_in_dim3A_208 : i32 to vector<16xi32>
    %gather3A_210 = tpu.vector_load_idx %arg9[%add3A_207, %broadcast_in_dim3A_209] : memref<80x16xi32, #tpu.memory_space<vmem>>[vector<16xi32>, vector<16xi32>], vector<16xi32>,
    %broadcast_in_dim3A_211 = arith.constant 4 : i32
    %broadcast_in_dim3A_212 = vector.broadcast %broadcast_in_dim3A_211 : i32 to vector<16xi32>
    %gather3A_213 = tpu.vector_load_idx %arg9[%add3A_207, %broadcast_in_dim3A_212] : memref<80x16xi32, #tpu.memory_space<vmem>>[vector<16xi32>, vector<16xi32>], vector<16xi32>,
    %swap3A_214 = arith.constant 48 : index
    %swap3A_215 = tpu.vector_load %arg11[%swap3A_214] {strides = array<i32>} : memref<80xi32, #tpu.memory_space<vmem>>, vector<16xi32>,
    tpu.vector_store %arg11[%swap3A_214], %gather3A_210 {strides = array<i32>} : memref<80xi32, #tpu.memory_space<vmem>>, vector<16xi32>,
    %broadcast_in_dim3A_216 = arith.constant 1 : i32
    %broadcast_in_dim3A_217 = vector.broadcast %broadcast_in_dim3A_216 : i32 to vector<16xi32>
    %gather3A_218 = tpu.vector_load_idx %arg9[%add3A_207, %broadcast_in_dim3A_217] : memref<80x16xi32, #tpu.memory_space<vmem>>[vector<16xi32>, vector<16xi32>], vector<16xi32>,
    %broadcast_in_dim3A_219 = arith.constant 5 : i32
    %broadcast_in_dim3A_220 = vector.broadcast %broadcast_in_dim3A_219 : i32 to vector<16xi32>
    %gather3A_221 = tpu.vector_load_idx %arg9[%add3A_207, %broadcast_in_dim3A_220] : memref<80x16xi32, #tpu.memory_space<vmem>>[vector<16xi32>, vector<16xi32>], vector<16xi32>,
    %swap3A_222 = arith.constant 48 : index
    %swap3A_223 = tpu.vector_load %arg12[%swap3A_222] {strides = array<i32>} : memref<80xi32, #tpu.memory_space<vmem>>, vector<16xi32>,
    tpu.vector_store %arg12[%swap3A_222], %gather3A_218 {strides = array<i32>} : memref<80xi32, #tpu.memory_space<vmem>>, vector<16xi32>,
    %broadcast_in_dim3A_224 = arith.constant 2 : i32
    %broadcast_in_dim3A_225 = vector.broadcast %broadcast_in_dim3A_224 : i32 to vector<16xi32>
    %gather3A_226 = tpu.vector_load_idx %arg9[%add3A_207, %broadcast_in_dim3A_225] : memref<80x16xi32, #tpu.memory_space<vmem>>[vector<16xi32>, vector<16xi32>], vector<16xi32>,
    %broadcast_in_dim3A_227 = arith.constant 6 : i32
    %broadcast_in_dim3A_228 = vector.broadcast %broadcast_in_dim3A_227 : i32 to vector<16xi32>
    %gather3A_229 = tpu.vector_load_idx %arg9[%add3A_207, %broadcast_in_dim3A_228] : memref<80x16xi32, #tpu.memory_space<vmem>>[vector<16xi32>, vector<16xi32>], vector<16xi32>,
    %swap3A_230 = arith.constant 48 : index
    %swap3A_231 = tpu.vector_load %arg13[%swap3A_230] {strides = array<i32>} : memref<80xi32, #tpu.memory_space<vmem>>, vector<16xi32>,
    tpu.vector_store %arg13[%swap3A_230], %gather3A_226 {strides = array<i32>} : memref<80xi32, #tpu.memory_space<vmem>>, vector<16xi32>,
    %broadcast_in_dim3A_232 = arith.constant 3 : i32
    %broadcast_in_dim3A_233 = vector.broadcast %broadcast_in_dim3A_232 : i32 to vector<16xi32>
    %gather3A_234 = tpu.vector_load_idx %arg9[%add3A_207, %broadcast_in_dim3A_233] : memref<80x16xi32, #tpu.memory_space<vmem>>[vector<16xi32>, vector<16xi32>], vector<16xi32>,
    %broadcast_in_dim3A_235 = arith.constant 7 : i32
    %broadcast_in_dim3A_236 = vector.broadcast %broadcast_in_dim3A_235 : i32 to vector<16xi32>
    %gather3A_237 = tpu.vector_load_idx %arg9[%add3A_207, %broadcast_in_dim3A_236] : memref<80x16xi32, #tpu.memory_space<vmem>>[vector<16xi32>, vector<16xi32>], vector<16xi32>,
    %swap3A_238 = arith.constant 48 : index
    %swap3A_239 = tpu.vector_load %arg14[%swap3A_238] {strides = array<i32>} : memref<80xi32, #tpu.memory_space<vmem>>, vector<16xi32>,
    tpu.vector_store %arg14[%swap3A_238], %gather3A_234 {strides = array<i32>} : memref<80xi32, #tpu.memory_space<vmem>>, vector<16xi32>,
    %add3A_240 = arith.addi %gather3A_213, %gather3A_221 : vector<16xi32>
    %add3A_241 = arith.addi %add3A_240, %gather3A_229 : vector<16xi32>
    %add3A_242 = arith.addi %add3A_241, %gather3A_237 : vector<16xi32>
    %convert_element_type3A_243 = arith.sitofp %add3A_242 : vector<16xi32> to vector<16xf32>
    %div3A_244 = arith.constant 1.000000e+00 : f32
    %div3A_245 = vector.broadcast %div3A_244 : f32 to vector<16xf32>
    %div3A_246 = arith.divf %div3A_245, %convert_element_type3A_243 : vector<16xf32>
    %convert_element_type3A_247 = arith.sitofp %gather3A_213 : vector<16xi32> to vector<16xf32>
    %mul3A_248 = arith.mulf %convert_element_type3A_247, %div3A_246 : vector<16xf32>
    %swap3A_249 = arith.constant 0 : i32
    %swap3A_250 = arith.index_cast %swap3A_249 : i32 to index
    %swap3A_251 = arith.constant 48 : index
    %swap3A_252 = tpu.vector_load %arg24[%swap3A_250, %swap3A_251] {strides = array<i32>} : memref<4x80xf32, #tpu.memory_space<vmem>>, vector<16xf32>,
    tpu.vector_store %arg24[%swap3A_250, %swap3A_251], %mul3A_248 {strides = array<i32>} : memref<4x80xf32, #tpu.memory_space<vmem>>, vector<16xf32>,
    %convert_element_type3A_253 = arith.sitofp %gather3A_221 : vector<16xi32> to vector<16xf32>
    %mul3A_254 = arith.mulf %convert_element_type3A_253, %div3A_246 : vector<16xf32>
    %swap3A_255 = arith.constant 1 : i32
    %swap3A_256 = arith.index_cast %swap3A_255 : i32 to index
    %swap3A_257 = arith.constant 48 : index
    %swap3A_258 = tpu.vector_load %arg24[%swap3A_256, %swap3A_257] {strides = array<i32>} : memref<4x80xf32, #tpu.memory_space<vmem>>, vector<16xf32>,
    tpu.vector_store %arg24[%swap3A_256, %swap3A_257], %mul3A_254 {strides = array<i32>} : memref<4x80xf32, #tpu.memory_space<vmem>>, vector<16xf32>,
    %convert_element_type3A_259 = arith.sitofp %gather3A_229 : vector<16xi32> to vector<16xf32>
    %mul3A_260 = arith.mulf %convert_element_type3A_259, %div3A_246 : vector<16xf32>
    %swap3A_261 = arith.constant 2 : i32
    %swap3A_262 = arith.index_cast %swap3A_261 : i32 to index
    %swap3A_263 = arith.constant 48 : index
    %swap3A_264 = tpu.vector_load %arg24[%swap3A_262, %swap3A_263] {strides = array<i32>} : memref<4x80xf32, #tpu.memory_space<vmem>>, vector<16xf32>,
    tpu.vector_store %arg24[%swap3A_262, %swap3A_263], %mul3A_260 {strides = array<i32>} : memref<4x80xf32, #tpu.memory_space<vmem>>, vector<16xf32>,
    %convert_element_type3A_265 = arith.sitofp %gather3A_237 : vector<16xi32> to vector<16xf32>
    %mul3A_266 = arith.mulf %convert_element_type3A_265, %div3A_246 : vector<16xf32>
    %swap3A_267 = arith.constant 3 : i32
    %swap3A_268 = arith.index_cast %swap3A_267 : i32 to index
    %swap3A_269 = arith.constant 48 : index
    %swap3A_270 = tpu.vector_load %arg24[%swap3A_268, %swap3A_269] {strides = array<i32>} : memref<4x80xf32, #tpu.memory_space<vmem>>, vector<16xf32>,
    tpu.vector_store %arg24[%swap3A_268, %swap3A_269], %mul3A_266 {strides = array<i32>} : memref<4x80xf32, #tpu.memory_space<vmem>>, vector<16xf32>,
    %iota3A_271 = tpu.iota {dimensions = array<i32: 0>} : vector<16xi32>
    %add3A_272 = arith.constant 64 : i32
    %add3A_273 = vector.broadcast %add3A_272 : i32 to vector<16xi32>
    %add3A_274 = arith.addi %add3A_273, %iota3A_271 : vector<16xi32>
    %broadcast_in_dim3A_275 = arith.constant 0 : i32
    %broadcast_in_dim3A_276 = vector.broadcast %broadcast_in_dim3A_275 : i32 to vector<16xi32>
    %gather3A_277 = tpu.vector_load_idx %arg9[%add3A_274, %broadcast_in_dim3A_276] : memref<80x16xi32, #tpu.memory_space<vmem>>[vector<16xi32>, vector<16xi32>], vector<16xi32>,
    %broadcast_in_dim3A_278 = arith.constant 4 : i32
    %broadcast_in_dim3A_279 = vector.broadcast %broadcast_in_dim3A_278 : i32 to vector<16xi32>
    %gather3A_280 = tpu.vector_load_idx %arg9[%add3A_274, %broadcast_in_dim3A_279] : memref<80x16xi32, #tpu.memory_space<vmem>>[vector<16xi32>, vector<16xi32>], vector<16xi32>,
    %swap3A_281 = arith.constant 64 : index
    %swap3A_282 = tpu.vector_load %arg11[%swap3A_281] {strides = array<i32>} : memref<80xi32, #tpu.memory_space<vmem>>, vector<16xi32>,
    tpu.vector_store %arg11[%swap3A_281], %gather3A_277 {strides = array<i32>} : memref<80xi32, #tpu.memory_space<vmem>>, vector<16xi32>,
    %broadcast_in_dim3A_283 = arith.constant 1 : i32
    %broadcast_in_dim3A_284 = vector.broadcast %broadcast_in_dim3A_283 : i32 to vector<16xi32>
    %gather3A_285 = tpu.vector_load_idx %arg9[%add3A_274, %broadcast_in_dim3A_284] : memref<80x16xi32, #tpu.memory_space<vmem>>[vector<16xi32>, vector<16xi32>], vector<16xi32>,
    %broadcast_in_dim3A_286 = arith.constant 5 : i32
    %broadcast_in_dim3A_287 = vector.broadcast %broadcast_in_dim3A_286 : i32 to vector<16xi32>
    %gather3A_288 = tpu.vector_load_idx %arg9[%add3A_274, %broadcast_in_dim3A_287] : memref<80x16xi32, #tpu.memory_space<vmem>>[vector<16xi32>, vector<16xi32>], vector<16xi32>,
    %swap3A_289 = arith.constant 64 : index
    %swap3A_290 = tpu.vector_load %arg12[%swap3A_289] {strides = array<i32>} : memref<80xi32, #tpu.memory_space<vmem>>, vector<16xi32>,
    tpu.vector_store %arg12[%swap3A_289], %gather3A_285 {strides = array<i32>} : memref<80xi32, #tpu.memory_space<vmem>>, vector<16xi32>,
    %broadcast_in_dim3A_291 = arith.constant 2 : i32
    %broadcast_in_dim3A_292 = vector.broadcast %broadcast_in_dim3A_291 : i32 to vector<16xi32>
    %gather3A_293 = tpu.vector_load_idx %arg9[%add3A_274, %broadcast_in_dim3A_292] : memref<80x16xi32, #tpu.memory_space<vmem>>[vector<16xi32>, vector<16xi32>], vector<16xi32>,
    %broadcast_in_dim3A_294 = arith.constant 6 : i32
    %broadcast_in_dim3A_295 = vector.broadcast %broadcast_in_dim3A_294 : i32 to vector<16xi32>
    %gather3A_296 = tpu.vector_load_idx %arg9[%add3A_274, %broadcast_in_dim3A_295] : memref<80x16xi32, #tpu.memory_space<vmem>>[vector<16xi32>, vector<16xi32>], vector<16xi32>,
    %swap3A_297 = arith.constant 64 : index
    %swap3A_298 = tpu.vector_load %arg13[%swap3A_297] {strides = array<i32>} : memref<80xi32, #tpu.memory_space<vmem>>, vector<16xi32>,
    tpu.vector_store %arg13[%swap3A_297], %gather3A_293 {strides = array<i32>} : memref<80xi32, #tpu.memory_space<vmem>>, vector<16xi32>,
    %broadcast_in_dim3A_299 = arith.constant 3 : i32
    %broadcast_in_dim3A_300 = vector.broadcast %broadcast_in_dim3A_299 : i32 to vector<16xi32>
    %gather3A_301 = tpu.vector_load_idx %arg9[%add3A_274, %broadcast_in_dim3A_300] : memref<80x16xi32, #tpu.memory_space<vmem>>[vector<16xi32>, vector<16xi32>], vector<16xi32>,
    %broadcast_in_dim3A_302 = arith.constant 7 : i32
    %broadcast_in_dim3A_303 = vector.broadcast %broadcast_in_dim3A_302 : i32 to vector<16xi32>
    %gather3A_304 = tpu.vector_load_idx %arg9[%add3A_274, %broadcast_in_dim3A_303] : memref<80x16xi32, #tpu.memory_space<vmem>>[vector<16xi32>, vector<16xi32>], vector<16xi32>,
    %swap3A_305 = arith.constant 64 : index
    %swap3A_306 = tpu.vector_load %arg14[%swap3A_305] {strides = array<i32>} : memref<80xi32, #tpu.memory_space<vmem>>, vector<16xi32>,
    tpu.vector_store %arg14[%swap3A_305], %gather3A_301 {strides = array<i32>} : memref<80xi32, #tpu.memory_space<vmem>>, vector<16xi32>,
    %add3A_307 = arith.addi %gather3A_280, %gather3A_288 : vector<16xi32>
    %add3A_308 = arith.addi %add3A_307, %gather3A_296 : vector<16xi32>
    %add3A_309 = arith.addi %add3A_308, %gather3A_304 : vector<16xi32>
    %convert_element_type3A_310 = arith.sitofp %add3A_309 : vector<16xi32> to vector<16xf32>
    %div3A_311 = arith.constant 1.000000e+00 : f32
    %div3A_312 = vector.broadcast %div3A_311 : f32 to vector<16xf32>
    %div3A_313 = arith.divf %div3A_312, %convert_element_type3A_310 : vector<16xf32>
    %convert_element_type3A_314 = arith.sitofp %gather3A_280 : vector<16xi32> to vector<16xf32>
    %mul3A_315 = arith.mulf %convert_element_type3A_314, %div3A_313 : vector<16xf32>
    %swap3A_316 = arith.constant 0 : i32
    %swap3A_317 = arith.index_cast %swap3A_316 : i32 to index
    %swap3A_318 = arith.constant 64 : index
    %swap3A_319 = tpu.vector_load %arg24[%swap3A_317, %swap3A_318] {strides = array<i32>} : memref<4x80xf32, #tpu.memory_space<vmem>>, vector<16xf32>,
    tpu.vector_store %arg24[%swap3A_317, %swap3A_318], %mul3A_315 {strides = array<i32>} : memref<4x80xf32, #tpu.memory_space<vmem>>, vector<16xf32>,
    %convert_element_type3A_320 = arith.sitofp %gather3A_288 : vector<16xi32> to vector<16xf32>
    %mul3A_321 = arith.mulf %convert_element_type3A_320, %div3A_313 : vector<16xf32>
    %swap3A_322 = arith.constant 1 : i32
    %swap3A_323 = arith.index_cast %swap3A_322 : i32 to index
    %swap3A_324 = arith.constant 64 : index
    %swap3A_325 = tpu.vector_load %arg24[%swap3A_323, %swap3A_324] {strides = array<i32>} : memref<4x80xf32, #tpu.memory_space<vmem>>, vector<16xf32>,
    tpu.vector_store %arg24[%swap3A_323, %swap3A_324], %mul3A_321 {strides = array<i32>} : memref<4x80xf32, #tpu.memory_space<vmem>>, vector<16xf32>,
    %convert_element_type3A_326 = arith.sitofp %gather3A_296 : vector<16xi32> to vector<16xf32>
    %mul3A_327 = arith.mulf %convert_element_type3A_326, %div3A_313 : vector<16xf32>
    %swap3A_328 = arith.constant 2 : i32
    %swap3A_329 = arith.index_cast %swap3A_328 : i32 to index
    %swap3A_330 = arith.constant 64 : index
    %swap3A_331 = tpu.vector_load %arg24[%swap3A_329, %swap3A_330] {strides = array<i32>} : memref<4x80xf32, #tpu.memory_space<vmem>>, vector<16xf32>,
    tpu.vector_store %arg24[%swap3A_329, %swap3A_330], %mul3A_327 {strides = array<i32>} : memref<4x80xf32, #tpu.memory_space<vmem>>, vector<16xf32>,
    %convert_element_type3A_332 = arith.sitofp %gather3A_304 : vector<16xi32> to vector<16xf32>
    %mul3A_333 = arith.mulf %convert_element_type3A_332, %div3A_313 : vector<16xf32>
    %swap3A_334 = arith.constant 3 : i32
    %swap3A_335 = arith.index_cast %swap3A_334 : i32 to index
    %swap3A_336 = arith.constant 64 : index
    %swap3A_337 = tpu.vector_load %arg24[%swap3A_335, %swap3A_336] {strides = array<i32>} : memref<4x80xf32, #tpu.memory_space<vmem>>, vector<16xf32>,
    tpu.vector_store %arg24[%swap3A_335, %swap3A_336], %mul3A_333 {strides = array<i32>} : memref<4x80xf32, #tpu.memory_space<vmem>>, vector<16xf32>,
    %mul3A_338 = arith.constant 1600 : i32
    %mul3A_339 = arith.muli %add3A, %mul3A_338 : i32
    %add3A_340 = arith.constant 80 : i32
    %add3A_341 = arith.addi %mul3A_339, %add3A_340 : i32
    "tpu.region"() ({
      %run_scoped3A = tpu.sem_alloc : memref<!tpu.dma_semaphore, #tpu.memory_space<semaphore_mem>>
      %dma_start3A_365 = tpu.memref_slice %arg2[%add3A_341] : memref<51200xi32, #tpu.memory_space<hbm>> -> memref<80xi32, #tpu.memory_space<hbm>>
      %dma_start3A_366 = tpu.memref_slice %arg2[%add3A_341] : memref<51200xi32, #tpu.memory_space<hbm>> -> memref<80xi32, #tpu.memory_space<hbm>>
      tpu.enqueue_dma source(%dma_start3A_366 : memref<80xi32, #tpu.memory_space<hbm>>) target(%arg8 : memref<80xi32, #tpu.memory_space<vmem>>) target_semaphore(%run_scoped3A : memref<!tpu.dma_semaphore, #tpu.memory_space<semaphore_mem>>)
      %dma_wait3A_367 = tpu.memref_slice %arg2[%add3A_341] : memref<51200xi32, #tpu.memory_space<hbm>> -> memref<80xi32, #tpu.memory_space<hbm>>
      %dma_wait3A_368 = tpu.memref_slice %arg2[%add3A_341] : memref<51200xi32, #tpu.memory_space<hbm>> -> memref<80xi32, #tpu.memory_space<hbm>>
      tpu.wait_dma2 semaphore(%run_scoped3A : memref<!tpu.dma_semaphore, #tpu.memory_space<semaphore_mem>>) src(%dma_wait3A_368 : memref<80xi32, #tpu.memory_space<hbm>>) dst(%arg8 : memref<80xi32, #tpu.memory_space<vmem>>)
      tpu.yield
    }) : () -> ()
    %dma_start3A_342 = arith.constant 0 : i32
    %dma_start3A_343 = arith.constant 0 : i32
    %dma_start3A_344 = tpu.memref_slice %arg5[%dma_start3A_342, %dma_start3A_343] : memref<100000x16xi32, #tpu.memory_space<hbm>> -> memref<100000x16xi32, #tpu.memory_space<hbm>>
    tpu.enqueue_indirect_dma source(%dma_start3A_344 : memref<100000x16xi32, #tpu.memory_space<hbm>>) target(%arg10 : memref<80x16xi32, #tpu.memory_space<vmem>>) offsets(%arg8 : memref<80xi32, #tpu.memory_space<vmem>>) semaphore(%arg29 : memref<!tpu.dma_semaphore, #tpu.memory_space<semaphore_mem>>)
    %dma_start3A_345 = arith.constant 0 : i32
    %dma_start3A_346 = arith.constant 0 : i32
    %dma_start3A_347 = tpu.memref_slice %arg3[%dma_start3A_345, %dma_start3A_346] : memref<100000x128xf32, #tpu.memory_space<hbm>> -> memref<100000x128xf32, #tpu.memory_space<hbm>>
    tpu.enqueue_indirect_dma source(%dma_start3A_347 : memref<100000x128xf32, #tpu.memory_space<hbm>>) target(%arg19 : memref<80x128xf32, #tpu.memory_space<vmem>>) offsets(%arg7 : memref<80xi32, #tpu.memory_space<vmem>>) semaphore(%arg26 : memref<!tpu.dma_semaphore, #tpu.memory_space<semaphore_mem>>)
    %scan3A = arith.constant 0 : i32
    %scan3A_348 = arith.constant 0 : i32
    %scan3A_349 = arith.constant 10 : i32
    %scan3A_350 = arith.addi %scan3A_348, %scan3A_349 : i32
    %scan3A_351 = arith.constant 1 : i32
    scf.for %scan3A_365 = %scan3A_348 to %scan3A_350 step %scan3A_351  : i32 {
      %mul3A_366 = arith.constant 2 : i32
      %mul3A_367 = arith.muli %mul3A_366, %scan3A_365 : i32
      %add3A_368 = arith.constant 0 : i32
      %add3A_369 = arith.addi %mul3A_367, %add3A_368 : i32
      %dma_wait3A_370 = arith.constant 0 : i32
      %dma_wait3A_371 = arith.constant 0 : i32
      %dma_wait3A_372 = tpu.memref_slice %arg3[%dma_wait3A_370, %dma_wait3A_371] : memref<100000x128xf32, #tpu.memory_space<hbm>> -> memref<100000x128xf32, #tpu.memory_space<hbm>>
      tpu.wait_indirect_dma semaphore(%arg26 : memref<!tpu.dma_semaphore, #tpu.memory_space<semaphore_mem>>) src(%dma_wait3A_372 : memref<100000x128xf32, #tpu.memory_space<hbm>>) dst(%arg19 : memref<80x128xf32, #tpu.memory_space<vmem>>)
      %dma_wait3A_373 = arith.constant 0 : i32
      %dma_wait3A_374 = arith.constant 0 : i32
      %dma_wait3A_375 = tpu.memref_slice %arg5[%dma_wait3A_373, %dma_wait3A_374] : memref<100000x16xi32, #tpu.memory_space<hbm>> -> memref<100000x16xi32, #tpu.memory_space<hbm>>
      tpu.wait_indirect_dma semaphore(%arg29 : memref<!tpu.dma_semaphore, #tpu.memory_space<semaphore_mem>>) src(%dma_wait3A_375 : memref<100000x16xi32, #tpu.memory_space<hbm>>) dst(%arg10 : memref<80x16xi32, #tpu.memory_space<vmem>>)
      %iota3A_376 = tpu.iota {dimensions = array<i32: 0>} : vector<16xi32>
      %add3A_377 = arith.constant 0 : i32
      %add3A_378 = vector.broadcast %add3A_377 : i32 to vector<16xi32>
      %add3A_379 = arith.addi %add3A_378, %iota3A_376 : vector<16xi32>
      %broadcast_in_dim3A_380 = arith.constant 0 : i32
      %broadcast_in_dim3A_381 = vector.broadcast %broadcast_in_dim3A_380 : i32 to vector<16xi32>
      %gather3A_382 = tpu.vector_load_idx %arg10[%add3A_379, %broadcast_in_dim3A_381] : memref<80x16xi32, #tpu.memory_space<vmem>>[vector<16xi32>, vector<16xi32>], vector<16xi32>,
      %broadcast_in_dim3A_383 = arith.constant 4 : i32
      %broadcast_in_dim3A_384 = vector.broadcast %broadcast_in_dim3A_383 : i32 to vector<16xi32>
      %gather3A_385 = tpu.vector_load_idx %arg10[%add3A_379, %broadcast_in_dim3A_384] : memref<80x16xi32, #tpu.memory_space<vmem>>[vector<16xi32>, vector<16xi32>], vector<16xi32>,
      %swap3A_386 = arith.constant 0 : index
      %swap3A_387 = tpu.vector_load %arg15[%swap3A_386] {strides = array<i32>} : memref<80xi32, #tpu.memory_space<vmem>>, vector<16xi32>,
      tpu.vector_store %arg15[%swap3A_386], %gather3A_382 {strides = array<i32>} : memref<80xi32, #tpu.memory_space<vmem>>, vector<16xi32>,
      %broadcast_in_dim3A_388 = arith.constant 1 : i32
      %broadcast_in_dim3A_389 = vector.broadcast %broadcast_in_dim3A_388 : i32 to vector<16xi32>
      %gather3A_390 = tpu.vector_load_idx %arg10[%add3A_379, %broadcast_in_dim3A_389] : memref<80x16xi32, #tpu.memory_space<vmem>>[vector<16xi32>, vector<16xi32>], vector<16xi32>,
      %broadcast_in_dim3A_391 = arith.constant 5 : i32
      %broadcast_in_dim3A_392 = vector.broadcast %broadcast_in_dim3A_391 : i32 to vector<16xi32>
      %gather3A_393 = tpu.vector_load_idx %arg10[%add3A_379, %broadcast_in_dim3A_392] : memref<80x16xi32, #tpu.memory_space<vmem>>[vector<16xi32>, vector<16xi32>], vector<16xi32>,
      %swap3A_394 = arith.constant 0 : index
      %swap3A_395 = tpu.vector_load %arg16[%swap3A_394] {strides = array<i32>} : memref<80xi32, #tpu.memory_space<vmem>>, vector<16xi32>,
      tpu.vector_store %arg16[%swap3A_394], %gather3A_390 {strides = array<i32>} : memref<80xi32, #tpu.memory_space<vmem>>, vector<16xi32>,
      %broadcast_in_dim3A_396 = arith.constant 2 : i32
      %broadcast_in_dim3A_397 = vector.broadcast %broadcast_in_dim3A_396 : i32 to vector<16xi32>
      %gather3A_398 = tpu.vector_load_idx %arg10[%add3A_379, %broadcast_in_dim3A_397] : memref<80x16xi32, #tpu.memory_space<vmem>>[vector<16xi32>, vector<16xi32>], vector<16xi32>,
      %broadcast_in_dim3A_399 = arith.constant 6 : i32
      %broadcast_in_dim3A_400 = vector.broadcast %broadcast_in_dim3A_399 : i32 to vector<16xi32>
      %gather3A_401 = tpu.vector_load_idx %arg10[%add3A_379, %broadcast_in_dim3A_400] : memref<80x16xi32, #tpu.memory_space<vmem>>[vector<16xi32>, vector<16xi32>], vector<16xi32>,
      %swap3A_402 = arith.constant 0 : index
      %swap3A_403 = tpu.vector_load %arg17[%swap3A_402] {strides = array<i32>} : memref<80xi32, #tpu.memory_space<vmem>>, vector<16xi32>,
      tpu.vector_store %arg17[%swap3A_402], %gather3A_398 {strides = array<i32>} : memref<80xi32, #tpu.memory_space<vmem>>, vector<16xi32>,
      %broadcast_in_dim3A_404 = arith.constant 3 : i32
      %broadcast_in_dim3A_405 = vector.broadcast %broadcast_in_dim3A_404 : i32 to vector<16xi32>
      %gather3A_406 = tpu.vector_load_idx %arg10[%add3A_379, %broadcast_in_dim3A_405] : memref<80x16xi32, #tpu.memory_space<vmem>>[vector<16xi32>, vector<16xi32>], vector<16xi32>,
      %broadcast_in_dim3A_407 = arith.constant 7 : i32
      %broadcast_in_dim3A_408 = vector.broadcast %broadcast_in_dim3A_407 : i32 to vector<16xi32>
      %gather3A_409 = tpu.vector_load_idx %arg10[%add3A_379, %broadcast_in_dim3A_408] : memref<80x16xi32, #tpu.memory_space<vmem>>[vector<16xi32>, vector<16xi32>], vector<16xi32>,
      %swap3A_410 = arith.constant 0 : index
      %swap3A_411 = tpu.vector_load %arg18[%swap3A_410] {strides = array<i32>} : memref<80xi32, #tpu.memory_space<vmem>>, vector<16xi32>,
      tpu.vector_store %arg18[%swap3A_410], %gather3A_406 {strides = array<i32>} : memref<80xi32, #tpu.memory_space<vmem>>, vector<16xi32>,
      %add3A_412 = arith.addi %gather3A_385, %gather3A_393 : vector<16xi32>
      %add3A_413 = arith.addi %add3A_412, %gather3A_401 : vector<16xi32>
      %add3A_414 = arith.addi %add3A_413, %gather3A_409 : vector<16xi32>
      %convert_element_type3A_415 = arith.sitofp %add3A_414 : vector<16xi32> to vector<16xf32>
      %div3A_416 = arith.constant 1.000000e+00 : f32
      %div3A_417 = vector.broadcast %div3A_416 : f32 to vector<16xf32>
      %div3A_418 = arith.divf %div3A_417, %convert_element_type3A_415 : vector<16xf32>
      %convert_element_type3A_419 = arith.sitofp %gather3A_385 : vector<16xi32> to vector<16xf32>
      %mul3A_420 = arith.mulf %convert_element_type3A_419, %div3A_418 : vector<16xf32>
      %swap3A_421 = arith.constant 0 : i32
      %swap3A_422 = arith.index_cast %swap3A_421 : i32 to index
      %swap3A_423 = arith.constant 0 : index
      %swap3A_424 = tpu.vector_load %arg25[%swap3A_422, %swap3A_423] {strides = array<i32>} : memref<4x80xf32, #tpu.memory_space<vmem>>, vector<16xf32>,
      tpu.vector_store %arg25[%swap3A_422, %swap3A_423], %mul3A_420 {strides = array<i32>} : memref<4x80xf32, #tpu.memory_space<vmem>>, vector<16xf32>,
      %convert_element_type3A_425 = arith.sitofp %gather3A_393 : vector<16xi32> to vector<16xf32>
      %mul3A_426 = arith.mulf %convert_element_type3A_425, %div3A_418 : vector<16xf32>
      %swap3A_427 = arith.constant 1 : i32
      %swap3A_428 = arith.index_cast %swap3A_427 : i32 to index
      %swap3A_429 = arith.constant 0 : index
      %swap3A_430 = tpu.vector_load %arg25[%swap3A_428, %swap3A_429] {strides = array<i32>} : memref<4x80xf32, #tpu.memory_space<vmem>>, vector<16xf32>,
      tpu.vector_store %arg25[%swap3A_428, %swap3A_429], %mul3A_426 {strides = array<i32>} : memref<4x80xf32, #tpu.memory_space<vmem>>, vector<16xf32>,
      %convert_element_type3A_431 = arith.sitofp %gather3A_401 : vector<16xi32> to vector<16xf32>
      %mul3A_432 = arith.mulf %convert_element_type3A_431, %div3A_418 : vector<16xf32>
      %swap3A_433 = arith.constant 2 : i32
      %swap3A_434 = arith.index_cast %swap3A_433 : i32 to index
      %swap3A_435 = arith.constant 0 : index
      %swap3A_436 = tpu.vector_load %arg25[%swap3A_434, %swap3A_435] {strides = array<i32>} : memref<4x80xf32, #tpu.memory_space<vmem>>, vector<16xf32>,
      tpu.vector_store %arg25[%swap3A_434, %swap3A_435], %mul3A_432 {strides = array<i32>} : memref<4x80xf32, #tpu.memory_space<vmem>>, vector<16xf32>,
      %convert_element_type3A_437 = arith.sitofp %gather3A_409 : vector<16xi32> to vector<16xf32>
      %mul3A_438 = arith.mulf %convert_element_type3A_437, %div3A_418 : vector<16xf32>
      %swap3A_439 = arith.constant 3 : i32
      %swap3A_440 = arith.index_cast %swap3A_439 : i32 to index
      %swap3A_441 = arith.constant 0 : index
      %swap3A_442 = tpu.vector_load %arg25[%swap3A_440, %swap3A_441] {strides = array<i32>} : memref<4x80xf32, #tpu.memory_space<vmem>>, vector<16xf32>,
      tpu.vector_store %arg25[%swap3A_440, %swap3A_441], %mul3A_438 {strides = array<i32>} : memref<4x80xf32, #tpu.memory_space<vmem>>, vector<16xf32>,
      %iota3A_443 = tpu.iota {dimensions = array<i32: 0>} : vector<16xi32>
      %add3A_444 = arith.constant 16 : i32
      %add3A_445 = vector.broadcast %add3A_444 : i32 to vector<16xi32>
      %add3A_446 = arith.addi %add3A_445, %iota3A_443 : vector<16xi32>
      %broadcast_in_dim3A_447 = arith.constant 0 : i32
      %broadcast_in_dim3A_448 = vector.broadcast %broadcast_in_dim3A_447 : i32 to vector<16xi32>
      %gather3A_449 = tpu.vector_load_idx %arg10[%add3A_446, %broadcast_in_dim3A_448] : memref<80x16xi32, #tpu.memory_space<vmem>>[vector<16xi32>, vector<16xi32>], vector<16xi32>,
      %broadcast_in_dim3A_450 = arith.constant 4 : i32
      %broadcast_in_dim3A_451 = vector.broadcast %broadcast_in_dim3A_450 : i32 to vector<16xi32>
      %gather3A_452 = tpu.vector_load_idx %arg10[%add3A_446, %broadcast_in_dim3A_451] : memref<80x16xi32, #tpu.memory_space<vmem>>[vector<16xi32>, vector<16xi32>], vector<16xi32>,
      %swap3A_453 = arith.constant 16 : index
      %swap3A_454 = tpu.vector_load %arg15[%swap3A_453] {strides = array<i32>} : memref<80xi32, #tpu.memory_space<vmem>>, vector<16xi32>,
      tpu.vector_store %arg15[%swap3A_453], %gather3A_449 {strides = array<i32>} : memref<80xi32, #tpu.memory_space<vmem>>, vector<16xi32>,
      %broadcast_in_dim3A_455 = arith.constant 1 : i32
      %broadcast_in_dim3A_456 = vector.broadcast %broadcast_in_dim3A_455 : i32 to vector<16xi32>
      %gather3A_457 = tpu.vector_load_idx %arg10[%add3A_446, %broadcast_in_dim3A_456] : memref<80x16xi32, #tpu.memory_space<vmem>>[vector<16xi32>, vector<16xi32>], vector<16xi32>,
      %broadcast_in_dim3A_458 = arith.constant 5 : i32
      %broadcast_in_dim3A_459 = vector.broadcast %broadcast_in_dim3A_458 : i32 to vector<16xi32>
      %gather3A_460 = tpu.vector_load_idx %arg10[%add3A_446, %broadcast_in_dim3A_459] : memref<80x16xi32, #tpu.memory_space<vmem>>[vector<16xi32>, vector<16xi32>], vector<16xi32>,
      %swap3A_461 = arith.constant 16 : index
      %swap3A_462 = tpu.vector_load %arg16[%swap3A_461] {strides = array<i32>} : memref<80xi32, #tpu.memory_space<vmem>>, vector<16xi32>,
      tpu.vector_store %arg16[%swap3A_461], %gather3A_457 {strides = array<i32>} : memref<80xi32, #tpu.memory_space<vmem>>, vector<16xi32>,
      %broadcast_in_dim3A_463 = arith.constant 2 : i32
      %broadcast_in_dim3A_464 = vector.broadcast %broadcast_in_dim3A_463 : i32 to vector<16xi32>
      %gather3A_465 = tpu.vector_load_idx %arg10[%add3A_446, %broadcast_in_dim3A_464] : memref<80x16xi32, #tpu.memory_space<vmem>>[vector<16xi32>, vector<16xi32>], vector<16xi32>,
      %broadcast_in_dim3A_466 = arith.constant 6 : i32
      %broadcast_in_dim3A_467 = vector.broadcast %broadcast_in_dim3A_466 : i32 to vector<16xi32>
      %gather3A_468 = tpu.vector_load_idx %arg10[%add3A_446, %broadcast_in_dim3A_467] : memref<80x16xi32, #tpu.memory_space<vmem>>[vector<16xi32>, vector<16xi32>], vector<16xi32>,
      %swap3A_469 = arith.constant 16 : index
      %swap3A_470 = tpu.vector_load %arg17[%swap3A_469] {strides = array<i32>} : memref<80xi32, #tpu.memory_space<vmem>>, vector<16xi32>,
      tpu.vector_store %arg17[%swap3A_469], %gather3A_465 {strides = array<i32>} : memref<80xi32, #tpu.memory_space<vmem>>, vector<16xi32>,
      %broadcast_in_dim3A_471 = arith.constant 3 : i32
      %broadcast_in_dim3A_472 = vector.broadcast %broadcast_in_dim3A_471 : i32 to vector<16xi32>
      %gather3A_473 = tpu.vector_load_idx %arg10[%add3A_446, %broadcast_in_dim3A_472] : memref<80x16xi32, #tpu.memory_space<vmem>>[vector<16xi32>, vector<16xi32>], vector<16xi32>,
      %broadcast_in_dim3A_474 = arith.constant 7 : i32
      %broadcast_in_dim3A_475 = vector.broadcast %broadcast_in_dim3A_474 : i32 to vector<16xi32>
      %gather3A_476 = tpu.vector_load_idx %arg10[%add3A_446, %broadcast_in_dim3A_475] : memref<80x16xi32, #tpu.memory_space<vmem>>[vector<16xi32>, vector<16xi32>], vector<16xi32>,
      %swap3A_477 = arith.constant 16 : index
      %swap3A_478 = tpu.vector_load %arg18[%swap3A_477] {strides = array<i32>} : memref<80xi32, #tpu.memory_space<vmem>>, vector<16xi32>,
      tpu.vector_store %arg18[%swap3A_477], %gather3A_473 {strides = array<i32>} : memref<80xi32, #tpu.memory_space<vmem>>, vector<16xi32>,
      %add3A_479 = arith.addi %gather3A_452, %gather3A_460 : vector<16xi32>
      %add3A_480 = arith.addi %add3A_479, %gather3A_468 : vector<16xi32>
      %add3A_481 = arith.addi %add3A_480, %gather3A_476 : vector<16xi32>
      %convert_element_type3A_482 = arith.sitofp %add3A_481 : vector<16xi32> to vector<16xf32>
      %div3A_483 = arith.constant 1.000000e+00 : f32
      %div3A_484 = vector.broadcast %div3A_483 : f32 to vector<16xf32>
      %div3A_485 = arith.divf %div3A_484, %convert_element_type3A_482 : vector<16xf32>
      %convert_element_type3A_486 = arith.sitofp %gather3A_452 : vector<16xi32> to vector<16xf32>
      %mul3A_487 = arith.mulf %convert_element_type3A_486, %div3A_485 : vector<16xf32>
      %swap3A_488 = arith.constant 0 : i32
      %swap3A_489 = arith.index_cast %swap3A_488 : i32 to index
      %swap3A_490 = arith.constant 16 : index
      %swap3A_491 = tpu.vector_load %arg25[%swap3A_489, %swap3A_490] {strides = array<i32>} : memref<4x80xf32, #tpu.memory_space<vmem>>, vector<16xf32>,
      tpu.vector_store %arg25[%swap3A_489, %swap3A_490], %mul3A_487 {strides = array<i32>} : memref<4x80xf32, #tpu.memory_space<vmem>>, vector<16xf32>,
      %convert_element_type3A_492 = arith.sitofp %gather3A_460 : vector<16xi32> to vector<16xf32>
      %mul3A_493 = arith.mulf %convert_element_type3A_492, %div3A_485 : vector<16xf32>
      %swap3A_494 = arith.constant 1 : i32
      %swap3A_495 = arith.index_cast %swap3A_494 : i32 to index
      %swap3A_496 = arith.constant 16 : index
      %swap3A_497 = tpu.vector_load %arg25[%swap3A_495, %swap3A_496] {strides = array<i32>} : memref<4x80xf32, #tpu.memory_space<vmem>>, vector<16xf32>,
      tpu.vector_store %arg25[%swap3A_495, %swap3A_496], %mul3A_493 {strides = array<i32>} : memref<4x80xf32, #tpu.memory_space<vmem>>, vector<16xf32>,
      %convert_element_type3A_498 = arith.sitofp %gather3A_468 : vector<16xi32> to vector<16xf32>
      %mul3A_499 = arith.mulf %convert_element_type3A_498, %div3A_485 : vector<16xf32>
      %swap3A_500 = arith.constant 2 : i32
      %swap3A_501 = arith.index_cast %swap3A_500 : i32 to index
      %swap3A_502 = arith.constant 16 : index
      %swap3A_503 = tpu.vector_load %arg25[%swap3A_501, %swap3A_502] {strides = array<i32>} : memref<4x80xf32, #tpu.memory_space<vmem>>, vector<16xf32>,
      tpu.vector_store %arg25[%swap3A_501, %swap3A_502], %mul3A_499 {strides = array<i32>} : memref<4x80xf32, #tpu.memory_space<vmem>>, vector<16xf32>,
      %convert_element_type3A_504 = arith.sitofp %gather3A_476 : vector<16xi32> to vector<16xf32>
      %mul3A_505 = arith.mulf %convert_element_type3A_504, %div3A_485 : vector<16xf32>
      %swap3A_506 = arith.constant 3 : i32
      %swap3A_507 = arith.index_cast %swap3A_506 : i32 to index
      %swap3A_508 = arith.constant 16 : index
      %swap3A_509 = tpu.vector_load %arg25[%swap3A_507, %swap3A_508] {strides = array<i32>} : memref<4x80xf32, #tpu.memory_space<vmem>>, vector<16xf32>,
      tpu.vector_store %arg25[%swap3A_507, %swap3A_508], %mul3A_505 {strides = array<i32>} : memref<4x80xf32, #tpu.memory_space<vmem>>, vector<16xf32>,
      %iota3A_510 = tpu.iota {dimensions = array<i32: 0>} : vector<16xi32>
      %add3A_511 = arith.constant 32 : i32
      %add3A_512 = vector.broadcast %add3A_511 : i32 to vector<16xi32>
      %add3A_513 = arith.addi %add3A_512, %iota3A_510 : vector<16xi32>
      %broadcast_in_dim3A_514 = arith.constant 0 : i32
      %broadcast_in_dim3A_515 = vector.broadcast %broadcast_in_dim3A_514 : i32 to vector<16xi32>
      %gather3A_516 = tpu.vector_load_idx %arg10[%add3A_513, %broadcast_in_dim3A_515] : memref<80x16xi32, #tpu.memory_space<vmem>>[vector<16xi32>, vector<16xi32>], vector<16xi32>,
      %broadcast_in_dim3A_517 = arith.constant 4 : i32
      %broadcast_in_dim3A_518 = vector.broadcast %broadcast_in_dim3A_517 : i32 to vector<16xi32>
      %gather3A_519 = tpu.vector_load_idx %arg10[%add3A_513, %broadcast_in_dim3A_518] : memref<80x16xi32, #tpu.memory_space<vmem>>[vector<16xi32>, vector<16xi32>], vector<16xi32>,
      %swap3A_520 = arith.constant 32 : index
      %swap3A_521 = tpu.vector_load %arg15[%swap3A_520] {strides = array<i32>} : memref<80xi32, #tpu.memory_space<vmem>>, vector<16xi32>,
      tpu.vector_store %arg15[%swap3A_520], %gather3A_516 {strides = array<i32>} : memref<80xi32, #tpu.memory_space<vmem>>, vector<16xi32>,
      %broadcast_in_dim3A_522 = arith.constant 1 : i32
      %broadcast_in_dim3A_523 = vector.broadcast %broadcast_in_dim3A_522 : i32 to vector<16xi32>
      %gather3A_524 = tpu.vector_load_idx %arg10[%add3A_513, %broadcast_in_dim3A_523] : memref<80x16xi32, #tpu.memory_space<vmem>>[vector<16xi32>, vector<16xi32>], vector<16xi32>,
      %broadcast_in_dim3A_525 = arith.constant 5 : i32
      %broadcast_in_dim3A_526 = vector.broadcast %broadcast_in_dim3A_525 : i32 to vector<16xi32>
      %gather3A_527 = tpu.vector_load_idx %arg10[%add3A_513, %broadcast_in_dim3A_526] : memref<80x16xi32, #tpu.memory_space<vmem>>[vector<16xi32>, vector<16xi32>], vector<16xi32>,
      %swap3A_528 = arith.constant 32 : index
      %swap3A_529 = tpu.vector_load %arg16[%swap3A_528] {strides = array<i32>} : memref<80xi32, #tpu.memory_space<vmem>>, vector<16xi32>,
      tpu.vector_store %arg16[%swap3A_528], %gather3A_524 {strides = array<i32>} : memref<80xi32, #tpu.memory_space<vmem>>, vector<16xi32>,
      %broadcast_in_dim3A_530 = arith.constant 2 : i32
      %broadcast_in_dim3A_531 = vector.broadcast %broadcast_in_dim3A_530 : i32 to vector<16xi32>
      %gather3A_532 = tpu.vector_load_idx %arg10[%add3A_513, %broadcast_in_dim3A_531] : memref<80x16xi32, #tpu.memory_space<vmem>>[vector<16xi32>, vector<16xi32>], vector<16xi32>,
      %broadcast_in_dim3A_533 = arith.constant 6 : i32
      %broadcast_in_dim3A_534 = vector.broadcast %broadcast_in_dim3A_533 : i32 to vector<16xi32>
      %gather3A_535 = tpu.vector_load_idx %arg10[%add3A_513, %broadcast_in_dim3A_534] : memref<80x16xi32, #tpu.memory_space<vmem>>[vector<16xi32>, vector<16xi32>], vector<16xi32>,
      %swap3A_536 = arith.constant 32 : index
      %swap3A_537 = tpu.vector_load %arg17[%swap3A_536] {strides = array<i32>} : memref<80xi32, #tpu.memory_space<vmem>>, vector<16xi32>,
      tpu.vector_store %arg17[%swap3A_536], %gather3A_532 {strides = array<i32>} : memref<80xi32, #tpu.memory_space<vmem>>, vector<16xi32>,
      %broadcast_in_dim3A_538 = arith.constant 3 : i32
      %broadcast_in_dim3A_539 = vector.broadcast %broadcast_in_dim3A_538 : i32 to vector<16xi32>
      %gather3A_540 = tpu.vector_load_idx %arg10[%add3A_513, %broadcast_in_dim3A_539] : memref<80x16xi32, #tpu.memory_space<vmem>>[vector<16xi32>, vector<16xi32>], vector<16xi32>,
      %broadcast_in_dim3A_541 = arith.constant 7 : i32
      %broadcast_in_dim3A_542 = vector.broadcast %broadcast_in_dim3A_541 : i32 to vector<16xi32>
      %gather3A_543 = tpu.vector_load_idx %arg10[%add3A_513, %broadcast_in_dim3A_542] : memref<80x16xi32, #tpu.memory_space<vmem>>[vector<16xi32>, vector<16xi32>], vector<16xi32>,
      %swap3A_544 = arith.constant 32 : index
      %swap3A_545 = tpu.vector_load %arg18[%swap3A_544] {strides = array<i32>} : memref<80xi32, #tpu.memory_space<vmem>>, vector<16xi32>,
      tpu.vector_store %arg18[%swap3A_544], %gather3A_540 {strides = array<i32>} : memref<80xi32, #tpu.memory_space<vmem>>, vector<16xi32>,
      %add3A_546 = arith.addi %gather3A_519, %gather3A_527 : vector<16xi32>
      %add3A_547 = arith.addi %add3A_546, %gather3A_535 : vector<16xi32>
      %add3A_548 = arith.addi %add3A_547, %gather3A_543 : vector<16xi32>
      %convert_element_type3A_549 = arith.sitofp %add3A_548 : vector<16xi32> to vector<16xf32>
      %div3A_550 = arith.constant 1.000000e+00 : f32
      %div3A_551 = vector.broadcast %div3A_550 : f32 to vector<16xf32>
      %div3A_552 = arith.divf %div3A_551, %convert_element_type3A_549 : vector<16xf32>
      %convert_element_type3A_553 = arith.sitofp %gather3A_519 : vector<16xi32> to vector<16xf32>
      %mul3A_554 = arith.mulf %convert_element_type3A_553, %div3A_552 : vector<16xf32>
      %swap3A_555 = arith.constant 0 : i32
      %swap3A_556 = arith.index_cast %swap3A_555 : i32 to index
      %swap3A_557 = arith.constant 32 : index
      %swap3A_558 = tpu.vector_load %arg25[%swap3A_556, %swap3A_557] {strides = array<i32>} : memref<4x80xf32, #tpu.memory_space<vmem>>, vector<16xf32>,
      tpu.vector_store %arg25[%swap3A_556, %swap3A_557], %mul3A_554 {strides = array<i32>} : memref<4x80xf32, #tpu.memory_space<vmem>>, vector<16xf32>,
      %convert_element_type3A_559 = arith.sitofp %gather3A_527 : vector<16xi32> to vector<16xf32>
      %mul3A_560 = arith.mulf %convert_element_type3A_559, %div3A_552 : vector<16xf32>
      %swap3A_561 = arith.constant 1 : i32
      %swap3A_562 = arith.index_cast %swap3A_561 : i32 to index
      %swap3A_563 = arith.constant 32 : index
      %swap3A_564 = tpu.vector_load %arg25[%swap3A_562, %swap3A_563] {strides = array<i32>} : memref<4x80xf32, #tpu.memory_space<vmem>>, vector<16xf32>,
      tpu.vector_store %arg25[%swap3A_562, %swap3A_563], %mul3A_560 {strides = array<i32>} : memref<4x80xf32, #tpu.memory_space<vmem>>, vector<16xf32>,
      %convert_element_type3A_565 = arith.sitofp %gather3A_535 : vector<16xi32> to vector<16xf32>
      %mul3A_566 = arith.mulf %convert_element_type3A_565, %div3A_552 : vector<16xf32>
      %swap3A_567 = arith.constant 2 : i32
      %swap3A_568 = arith.index_cast %swap3A_567 : i32 to index
      %swap3A_569 = arith.constant 32 : index
      %swap3A_570 = tpu.vector_load %arg25[%swap3A_568, %swap3A_569] {strides = array<i32>} : memref<4x80xf32, #tpu.memory_space<vmem>>, vector<16xf32>,
      tpu.vector_store %arg25[%swap3A_568, %swap3A_569], %mul3A_566 {strides = array<i32>} : memref<4x80xf32, #tpu.memory_space<vmem>>, vector<16xf32>,
      %convert_element_type3A_571 = arith.sitofp %gather3A_543 : vector<16xi32> to vector<16xf32>
      %mul3A_572 = arith.mulf %convert_element_type3A_571, %div3A_552 : vector<16xf32>
      %swap3A_573 = arith.constant 3 : i32
      %swap3A_574 = arith.index_cast %swap3A_573 : i32 to index
      %swap3A_575 = arith.constant 32 : index
      %swap3A_576 = tpu.vector_load %arg25[%swap3A_574, %swap3A_575] {strides = array<i32>} : memref<4x80xf32, #tpu.memory_space<vmem>>, vector<16xf32>,
      tpu.vector_store %arg25[%swap3A_574, %swap3A_575], %mul3A_572 {strides = array<i32>} : memref<4x80xf32, #tpu.memory_space<vmem>>, vector<16xf32>,
      %iota3A_577 = tpu.iota {dimensions = array<i32: 0>} : vector<16xi32>
      %add3A_578 = arith.constant 48 : i32
      %add3A_579 = vector.broadcast %add3A_578 : i32 to vector<16xi32>
      %add3A_580 = arith.addi %add3A_579, %iota3A_577 : vector<16xi32>
      %broadcast_in_dim3A_581 = arith.constant 0 : i32
      %broadcast_in_dim3A_582 = vector.broadcast %broadcast_in_dim3A_581 : i32 to vector<16xi32>
      %gather3A_583 = tpu.vector_load_idx %arg10[%add3A_580, %broadcast_in_dim3A_582] : memref<80x16xi32, #tpu.memory_space<vmem>>[vector<16xi32>, vector<16xi32>], vector<16xi32>,
      %broadcast_in_dim3A_584 = arith.constant 4 : i32
      %broadcast_in_dim3A_585 = vector.broadcast %broadcast_in_dim3A_584 : i32 to vector<16xi32>
      %gather3A_586 = tpu.vector_load_idx %arg10[%add3A_580, %broadcast_in_dim3A_585] : memref<80x16xi32, #tpu.memory_space<vmem>>[vector<16xi32>, vector<16xi32>], vector<16xi32>,
      %swap3A_587 = arith.constant 48 : index
      %swap3A_588 = tpu.vector_load %arg15[%swap3A_587] {strides = array<i32>} : memref<80xi32, #tpu.memory_space<vmem>>, vector<16xi32>,
      tpu.vector_store %arg15[%swap3A_587], %gather3A_583 {strides = array<i32>} : memref<80xi32, #tpu.memory_space<vmem>>, vector<16xi32>,
      %broadcast_in_dim3A_589 = arith.constant 1 : i32
      %broadcast_in_dim3A_590 = vector.broadcast %broadcast_in_dim3A_589 : i32 to vector<16xi32>
      %gather3A_591 = tpu.vector_load_idx %arg10[%add3A_580, %broadcast_in_dim3A_590] : memref<80x16xi32, #tpu.memory_space<vmem>>[vector<16xi32>, vector<16xi32>], vector<16xi32>,
      %broadcast_in_dim3A_592 = arith.constant 5 : i32
      %broadcast_in_dim3A_593 = vector.broadcast %broadcast_in_dim3A_592 : i32 to vector<16xi32>
      %gather3A_594 = tpu.vector_load_idx %arg10[%add3A_580, %broadcast_in_dim3A_593] : memref<80x16xi32, #tpu.memory_space<vmem>>[vector<16xi32>, vector<16xi32>], vector<16xi32>,
      %swap3A_595 = arith.constant 48 : index
      %swap3A_596 = tpu.vector_load %arg16[%swap3A_595] {strides = array<i32>} : memref<80xi32, #tpu.memory_space<vmem>>, vector<16xi32>,
      tpu.vector_store %arg16[%swap3A_595], %gather3A_591 {strides = array<i32>} : memref<80xi32, #tpu.memory_space<vmem>>, vector<16xi32>,
      %broadcast_in_dim3A_597 = arith.constant 2 : i32
      %broadcast_in_dim3A_598 = vector.broadcast %broadcast_in_dim3A_597 : i32 to vector<16xi32>
      %gather3A_599 = tpu.vector_load_idx %arg10[%add3A_580, %broadcast_in_dim3A_598] : memref<80x16xi32, #tpu.memory_space<vmem>>[vector<16xi32>, vector<16xi32>], vector<16xi32>,
      %broadcast_in_dim3A_600 = arith.constant 6 : i32
      %broadcast_in_dim3A_601 = vector.broadcast %broadcast_in_dim3A_600 : i32 to vector<16xi32>
      %gather3A_602 = tpu.vector_load_idx %arg10[%add3A_580, %broadcast_in_dim3A_601] : memref<80x16xi32, #tpu.memory_space<vmem>>[vector<16xi32>, vector<16xi32>], vector<16xi32>,
      %swap3A_603 = arith.constant 48 : index
      %swap3A_604 = tpu.vector_load %arg17[%swap3A_603] {strides = array<i32>} : memref<80xi32, #tpu.memory_space<vmem>>, vector<16xi32>,
      tpu.vector_store %arg17[%swap3A_603], %gather3A_599 {strides = array<i32>} : memref<80xi32, #tpu.memory_space<vmem>>, vector<16xi32>,
      %broadcast_in_dim3A_605 = arith.constant 3 : i32
      %broadcast_in_dim3A_606 = vector.broadcast %broadcast_in_dim3A_605 : i32 to vector<16xi32>
      %gather3A_607 = tpu.vector_load_idx %arg10[%add3A_580, %broadcast_in_dim3A_606] : memref<80x16xi32, #tpu.memory_space<vmem>>[vector<16xi32>, vector<16xi32>], vector<16xi32>,
      %broadcast_in_dim3A_608 = arith.constant 7 : i32
      %broadcast_in_dim3A_609 = vector.broadcast %broadcast_in_dim3A_608 : i32 to vector<16xi32>
      %gather3A_610 = tpu.vector_load_idx %arg10[%add3A_580, %broadcast_in_dim3A_609] : memref<80x16xi32, #tpu.memory_space<vmem>>[vector<16xi32>, vector<16xi32>], vector<16xi32>,
      %swap3A_611 = arith.constant 48 : index
      %swap3A_612 = tpu.vector_load %arg18[%swap3A_611] {strides = array<i32>} : memref<80xi32, #tpu.memory_space<vmem>>, vector<16xi32>,
      tpu.vector_store %arg18[%swap3A_611], %gather3A_607 {strides = array<i32>} : memref<80xi32, #tpu.memory_space<vmem>>, vector<16xi32>,
      %add3A_613 = arith.addi %gather3A_586, %gather3A_594 : vector<16xi32>
      %add3A_614 = arith.addi %add3A_613, %gather3A_602 : vector<16xi32>
      %add3A_615 = arith.addi %add3A_614, %gather3A_610 : vector<16xi32>
      %convert_element_type3A_616 = arith.sitofp %add3A_615 : vector<16xi32> to vector<16xf32>
      %div3A_617 = arith.constant 1.000000e+00 : f32
      %div3A_618 = vector.broadcast %div3A_617 : f32 to vector<16xf32>
      %div3A_619 = arith.divf %div3A_618, %convert_element_type3A_616 : vector<16xf32>
      %convert_element_type3A_620 = arith.sitofp %gather3A_586 : vector<16xi32> to vector<16xf32>
      %mul3A_621 = arith.mulf %convert_element_type3A_620, %div3A_619 : vector<16xf32>
      %swap3A_622 = arith.constant 0 : i32
      %swap3A_623 = arith.index_cast %swap3A_622 : i32 to index
      %swap3A_624 = arith.constant 48 : index
      %swap3A_625 = tpu.vector_load %arg25[%swap3A_623, %swap3A_624] {strides = array<i32>} : memref<4x80xf32, #tpu.memory_space<vmem>>, vector<16xf32>,
      tpu.vector_store %arg25[%swap3A_623, %swap3A_624], %mul3A_621 {strides = array<i32>} : memref<4x80xf32, #tpu.memory_space<vmem>>, vector<16xf32>,
      %convert_element_type3A_626 = arith.sitofp %gather3A_594 : vector<16xi32> to vector<16xf32>
      %mul3A_627 = arith.mulf %convert_element_type3A_626, %div3A_619 : vector<16xf32>
      %swap3A_628 = arith.constant 1 : i32
      %swap3A_629 = arith.index_cast %swap3A_628 : i32 to index
      %swap3A_630 = arith.constant 48 : index
      %swap3A_631 = tpu.vector_load %arg25[%swap3A_629, %swap3A_630] {strides = array<i32>} : memref<4x80xf32, #tpu.memory_space<vmem>>, vector<16xf32>,
      tpu.vector_store %arg25[%swap3A_629, %swap3A_630], %mul3A_627 {strides = array<i32>} : memref<4x80xf32, #tpu.memory_space<vmem>>, vector<16xf32>,
      %convert_element_type3A_632 = arith.sitofp %gather3A_602 : vector<16xi32> to vector<16xf32>
      %mul3A_633 = arith.mulf %convert_element_type3A_632, %div3A_619 : vector<16xf32>
      %swap3A_634 = arith.constant 2 : i32
      %swap3A_635 = arith.index_cast %swap3A_634 : i32 to index
      %swap3A_636 = arith.constant 48 : index
      %swap3A_637 = tpu.vector_load %arg25[%swap3A_635, %swap3A_636] {strides = array<i32>} : memref<4x80xf32, #tpu.memory_space<vmem>>, vector<16xf32>,
      tpu.vector_store %arg25[%swap3A_635, %swap3A_636], %mul3A_633 {strides = array<i32>} : memref<4x80xf32, #tpu.memory_space<vmem>>, vector<16xf32>,
      %convert_element_type3A_638 = arith.sitofp %gather3A_610 : vector<16xi32> to vector<16xf32>
      %mul3A_639 = arith.mulf %convert_element_type3A_638, %div3A_619 : vector<16xf32>
      %swap3A_640 = arith.constant 3 : i32
      %swap3A_641 = arith.index_cast %swap3A_640 : i32 to index
      %swap3A_642 = arith.constant 48 : index
      %swap3A_643 = tpu.vector_load %arg25[%swap3A_641, %swap3A_642] {strides = array<i32>} : memref<4x80xf32, #tpu.memory_space<vmem>>, vector<16xf32>,
      tpu.vector_store %arg25[%swap3A_641, %swap3A_642], %mul3A_639 {strides = array<i32>} : memref<4x80xf32, #tpu.memory_space<vmem>>, vector<16xf32>,
      %iota3A_644 = tpu.iota {dimensions = array<i32: 0>} : vector<16xi32>
      %add3A_645 = arith.constant 64 : i32
      %add3A_646 = vector.broadcast %add3A_645 : i32 to vector<16xi32>
      %add3A_647 = arith.addi %add3A_646, %iota3A_644 : vector<16xi32>
      %broadcast_in_dim3A_648 = arith.constant 0 : i32
      %broadcast_in_dim3A_649 = vector.broadcast %broadcast_in_dim3A_648 : i32 to vector<16xi32>
      %gather3A_650 = tpu.vector_load_idx %arg10[%add3A_647, %broadcast_in_dim3A_649] : memref<80x16xi32, #tpu.memory_space<vmem>>[vector<16xi32>, vector<16xi32>], vector<16xi32>,
      %broadcast_in_dim3A_651 = arith.constant 4 : i32
      %broadcast_in_dim3A_652 = vector.broadcast %broadcast_in_dim3A_651 : i32 to vector<16xi32>
      %gather3A_653 = tpu.vector_load_idx %arg10[%add3A_647, %broadcast_in_dim3A_652] : memref<80x16xi32, #tpu.memory_space<vmem>>[vector<16xi32>, vector<16xi32>], vector<16xi32>,
      %swap3A_654 = arith.constant 64 : index
      %swap3A_655 = tpu.vector_load %arg15[%swap3A_654] {strides = array<i32>} : memref<80xi32, #tpu.memory_space<vmem>>, vector<16xi32>,
      tpu.vector_store %arg15[%swap3A_654], %gather3A_650 {strides = array<i32>} : memref<80xi32, #tpu.memory_space<vmem>>, vector<16xi32>,
      %broadcast_in_dim3A_656 = arith.constant 1 : i32
      %broadcast_in_dim3A_657 = vector.broadcast %broadcast_in_dim3A_656 : i32 to vector<16xi32>
      %gather3A_658 = tpu.vector_load_idx %arg10[%add3A_647, %broadcast_in_dim3A_657] : memref<80x16xi32, #tpu.memory_space<vmem>>[vector<16xi32>, vector<16xi32>], vector<16xi32>,
      %broadcast_in_dim3A_659 = arith.constant 5 : i32
      %broadcast_in_dim3A_660 = vector.broadcast %broadcast_in_dim3A_659 : i32 to vector<16xi32>
      %gather3A_661 = tpu.vector_load_idx %arg10[%add3A_647, %broadcast_in_dim3A_660] : memref<80x16xi32, #tpu.memory_space<vmem>>[vector<16xi32>, vector<16xi32>], vector<16xi32>,
      %swap3A_662 = arith.constant 64 : index
      %swap3A_663 = tpu.vector_load %arg16[%swap3A_662] {strides = array<i32>} : memref<80xi32, #tpu.memory_space<vmem>>, vector<16xi32>,
      tpu.vector_store %arg16[%swap3A_662], %gather3A_658 {strides = array<i32>} : memref<80xi32, #tpu.memory_space<vmem>>, vector<16xi32>,
      %broadcast_in_dim3A_664 = arith.constant 2 : i32
      %broadcast_in_dim3A_665 = vector.broadcast %broadcast_in_dim3A_664 : i32 to vector<16xi32>
      %gather3A_666 = tpu.vector_load_idx %arg10[%add3A_647, %broadcast_in_dim3A_665] : memref<80x16xi32, #tpu.memory_space<vmem>>[vector<16xi32>, vector<16xi32>], vector<16xi32>,
      %broadcast_in_dim3A_667 = arith.constant 6 : i32
      %broadcast_in_dim3A_668 = vector.broadcast %broadcast_in_dim3A_667 : i32 to vector<16xi32>
      %gather3A_669 = tpu.vector_load_idx %arg10[%add3A_647, %broadcast_in_dim3A_668] : memref<80x16xi32, #tpu.memory_space<vmem>>[vector<16xi32>, vector<16xi32>], vector<16xi32>,
      %swap3A_670 = arith.constant 64 : index
      %swap3A_671 = tpu.vector_load %arg17[%swap3A_670] {strides = array<i32>} : memref<80xi32, #tpu.memory_space<vmem>>, vector<16xi32>,
      tpu.vector_store %arg17[%swap3A_670], %gather3A_666 {strides = array<i32>} : memref<80xi32, #tpu.memory_space<vmem>>, vector<16xi32>,
      %broadcast_in_dim3A_672 = arith.constant 3 : i32
      %broadcast_in_dim3A_673 = vector.broadcast %broadcast_in_dim3A_672 : i32 to vector<16xi32>
      %gather3A_674 = tpu.vector_load_idx %arg10[%add3A_647, %broadcast_in_dim3A_673] : memref<80x16xi32, #tpu.memory_space<vmem>>[vector<16xi32>, vector<16xi32>], vector<16xi32>,
      %broadcast_in_dim3A_675 = arith.constant 7 : i32
      %broadcast_in_dim3A_676 = vector.broadcast %broadcast_in_dim3A_675 : i32 to vector<16xi32>
      %gather3A_677 = tpu.vector_load_idx %arg10[%add3A_647, %broadcast_in_dim3A_676] : memref<80x16xi32, #tpu.memory_space<vmem>>[vector<16xi32>, vector<16xi32>], vector<16xi32>,
      %swap3A_678 = arith.constant 64 : index
      %swap3A_679 = tpu.vector_load %arg18[%swap3A_678] {strides = array<i32>} : memref<80xi32, #tpu.memory_space<vmem>>, vector<16xi32>,
      tpu.vector_store %arg18[%swap3A_678], %gather3A_674 {strides = array<i32>} : memref<80xi32, #tpu.memory_space<vmem>>, vector<16xi32>,
      %add3A_680 = arith.addi %gather3A_653, %gather3A_661 : vector<16xi32>
      %add3A_681 = arith.addi %add3A_680, %gather3A_669 : vector<16xi32>
      %add3A_682 = arith.addi %add3A_681, %gather3A_677 : vector<16xi32>
      %convert_element_type3A_683 = arith.sitofp %add3A_682 : vector<16xi32> to vector<16xf32>
      %div3A_684 = arith.constant 1.000000e+00 : f32
      %div3A_685 = vector.broadcast %div3A_684 : f32 to vector<16xf32>
      %div3A_686 = arith.divf %div3A_685, %convert_element_type3A_683 : vector<16xf32>
      %convert_element_type3A_687 = arith.sitofp %gather3A_653 : vector<16xi32> to vector<16xf32>
      %mul3A_688 = arith.mulf %convert_element_type3A_687, %div3A_686 : vector<16xf32>
      %swap3A_689 = arith.constant 0 : i32
      %swap3A_690 = arith.index_cast %swap3A_689 : i32 to index
      %swap3A_691 = arith.constant 64 : index
      %swap3A_692 = tpu.vector_load %arg25[%swap3A_690, %swap3A_691] {strides = array<i32>} : memref<4x80xf32, #tpu.memory_space<vmem>>, vector<16xf32>,
      tpu.vector_store %arg25[%swap3A_690, %swap3A_691], %mul3A_688 {strides = array<i32>} : memref<4x80xf32, #tpu.memory_space<vmem>>, vector<16xf32>,
      %convert_element_type3A_693 = arith.sitofp %gather3A_661 : vector<16xi32> to vector<16xf32>
      %mul3A_694 = arith.mulf %convert_element_type3A_693, %div3A_686 : vector<16xf32>
      %swap3A_695 = arith.constant 1 : i32
      %swap3A_696 = arith.index_cast %swap3A_695 : i32 to index
      %swap3A_697 = arith.constant 64 : index
      %swap3A_698 = tpu.vector_load %arg25[%swap3A_696, %swap3A_697] {strides = array<i32>} : memref<4x80xf32, #tpu.memory_space<vmem>>, vector<16xf32>,
      tpu.vector_store %arg25[%swap3A_696, %swap3A_697], %mul3A_694 {strides = array<i32>} : memref<4x80xf32, #tpu.memory_space<vmem>>, vector<16xf32>,
      %convert_element_type3A_699 = arith.sitofp %gather3A_669 : vector<16xi32> to vector<16xf32>
      %mul3A_700 = arith.mulf %convert_element_type3A_699, %div3A_686 : vector<16xf32>
      %swap3A_701 = arith.constant 2 : i32
      %swap3A_702 = arith.index_cast %swap3A_701 : i32 to index
      %swap3A_703 = arith.constant 64 : index
      %swap3A_704 = tpu.vector_load %arg25[%swap3A_702, %swap3A_703] {strides = array<i32>} : memref<4x80xf32, #tpu.memory_space<vmem>>, vector<16xf32>,
      tpu.vector_store %arg25[%swap3A_702, %swap3A_703], %mul3A_700 {strides = array<i32>} : memref<4x80xf32, #tpu.memory_space<vmem>>, vector<16xf32>,
      %convert_element_type3A_705 = arith.sitofp %gather3A_677 : vector<16xi32> to vector<16xf32>
      %mul3A_706 = arith.mulf %convert_element_type3A_705, %div3A_686 : vector<16xf32>
      %swap3A_707 = arith.constant 3 : i32
      %swap3A_708 = arith.index_cast %swap3A_707 : i32 to index
      %swap3A_709 = arith.constant 64 : index
      %swap3A_710 = tpu.vector_load %arg25[%swap3A_708, %swap3A_709] {strides = array<i32>} : memref<4x80xf32, #tpu.memory_space<vmem>>, vector<16xf32>,
      tpu.vector_store %arg25[%swap3A_708, %swap3A_709], %mul3A_706 {strides = array<i32>} : memref<4x80xf32, #tpu.memory_space<vmem>>, vector<16xf32>,
      %lt3A = arith.constant 9 : i32
      %lt3A_711 = arith.cmpi slt, %scan3A_365, %lt3A : i32
      %convert_element_type3A_712 = arith.extui %lt3A_711 : i1 to i32
      %cond3A = arith.constant 0 : i32
      %cond3A_713 = arith.cmpi ne, %convert_element_type3A_712, %cond3A : i32
      scf.if %cond3A_713 {
        %add3A_1091 = arith.constant 2 : i32
        %add3A_1092 = arith.addi %add3A_369, %add3A_1091 : i32
        %mul3A_1093 = arith.constant 1600 : i32
        %mul3A_1094 = arith.muli %add3A, %mul3A_1093 : i32
        %mul3A_1095 = arith.constant 80 : i32
        %mul3A_1096 = arith.muli %add3A_1092, %mul3A_1095 : i32
        %add3A_1097 = arith.addi %mul3A_1094, %mul3A_1096 : i32
        "tpu.region"() ({
          %run_scoped3A = tpu.sem_alloc : memref<!tpu.dma_semaphore, #tpu.memory_space<semaphore_mem>>
          %dma_start3A_1101 = tpu.memref_slice %arg2[%add3A_1097] : memref<51200xi32, #tpu.memory_space<hbm>> -> memref<80xi32, #tpu.memory_space<hbm>>
          %dma_start3A_1102 = tpu.memref_slice %arg2[%add3A_1097] : memref<51200xi32, #tpu.memory_space<hbm>> -> memref<80xi32, #tpu.memory_space<hbm>>
          tpu.enqueue_dma source(%dma_start3A_1102 : memref<80xi32, #tpu.memory_space<hbm>>) target(%arg7 : memref<80xi32, #tpu.memory_space<vmem>>) target_semaphore(%run_scoped3A : memref<!tpu.dma_semaphore, #tpu.memory_space<semaphore_mem>>)
          %dma_wait3A_1103 = tpu.memref_slice %arg2[%add3A_1097] : memref<51200xi32, #tpu.memory_space<hbm>> -> memref<80xi32, #tpu.memory_space<hbm>>
          %dma_wait3A_1104 = tpu.memref_slice %arg2[%add3A_1097] : memref<51200xi32, #tpu.memory_space<hbm>> -> memref<80xi32, #tpu.memory_space<hbm>>
          tpu.wait_dma2 semaphore(%run_scoped3A : memref<!tpu.dma_semaphore, #tpu.memory_space<semaphore_mem>>) src(%dma_wait3A_1104 : memref<80xi32, #tpu.memory_space<hbm>>) dst(%arg7 : memref<80xi32, #tpu.memory_space<vmem>>)
          tpu.yield
        }) : () -> ()
        %dma_start3A_1098 = arith.constant 0 : i32
        %dma_start3A_1099 = arith.constant 0 : i32
        %dma_start3A_1100 = tpu.memref_slice %arg5[%dma_start3A_1098, %dma_start3A_1099] : memref<100000x16xi32, #tpu.memory_space<hbm>> -> memref<100000x16xi32, #tpu.memory_space<hbm>>
        tpu.enqueue_indirect_dma source(%dma_start3A_1100 : memref<100000x16xi32, #tpu.memory_space<hbm>>) target(%arg9 : memref<80x16xi32, #tpu.memory_space<vmem>>) offsets(%arg7 : memref<80xi32, #tpu.memory_space<vmem>>) semaphore(%arg28 : memref<!tpu.dma_semaphore, #tpu.memory_space<semaphore_mem>>)
      } else {
      }
      %gt3A = arith.constant 0 : i32
      %gt3A_714 = arith.cmpi sgt, %scan3A_365, %gt3A : i32
      %convert_element_type3A_715 = arith.extui %gt3A_714 : i1 to i32
      %cond3A_716 = arith.constant 0 : i32
      %cond3A_717 = arith.cmpi ne, %convert_element_type3A_715, %cond3A_716 : i32
      scf.if %cond3A_717 {
        %sub3A_1091 = arith.constant 1 : i32
        %sub3A_1092 = arith.subi %add3A_369, %sub3A_1091 : i32
        %mul3A_1093 = arith.constant 1600 : i32
        %mul3A_1094 = arith.muli %add3A, %mul3A_1093 : i32
        %mul3A_1095 = arith.constant 80 : i32
        %mul3A_1096 = arith.muli %sub3A_1092, %mul3A_1095 : i32
        %add3A_1097 = arith.addi %mul3A_1094, %mul3A_1096 : i32
        %dma_wait3A_1098 = arith.constant 0 : i32
        %dma_wait3A_1099 = tpu.memref_slice %arg6[%add3A_1097, %dma_wait3A_1098] : memref<51200x256xf32, #tpu.memory_space<hbm>> -> memref<80x128xf32, #tpu.memory_space<hbm>>
        %dma_wait3A_1100 = arith.constant 0 : i32
        %dma_wait3A_1101 = tpu.memref_slice %arg6[%add3A_1097, %dma_wait3A_1100] : memref<51200x256xf32, #tpu.memory_space<hbm>> -> memref<80x128xf32, #tpu.memory_space<hbm>>
        tpu.wait_dma2 semaphore(%arg31 : memref<!tpu.dma_semaphore, #tpu.memory_space<semaphore_mem>>) src(%arg22 : memref<80x128xf32, #tpu.memory_space<vmem>>) dst(%dma_wait3A_1101 : memref<80x128xf32, #tpu.memory_space<hbm>>)
        %dma_wait3A_1102 = arith.constant 128 : i32
        %dma_wait3A_1103 = tpu.memref_slice %arg6[%add3A_1097, %dma_wait3A_1102] : memref<51200x256xf32, #tpu.memory_space<hbm>> -> memref<80x128xf32, #tpu.memory_space<hbm>>
        %dma_wait3A_1104 = arith.constant 128 : i32
        %dma_wait3A_1105 = tpu.memref_slice %arg6[%add3A_1097, %dma_wait3A_1104] : memref<51200x256xf32, #tpu.memory_space<hbm>> -> memref<80x128xf32, #tpu.memory_space<hbm>>
        tpu.wait_dma2 semaphore(%arg31 : memref<!tpu.dma_semaphore, #tpu.memory_space<semaphore_mem>>) src(%arg20 : memref<80x128xf32, #tpu.memory_space<vmem>>) dst(%dma_wait3A_1105 : memref<80x128xf32, #tpu.memory_space<hbm>>)
      } else {
      }
      %dma_start3A_718 = arith.constant 0 : i32
      %dma_start3A_719 = arith.constant 0 : i32
      %dma_start3A_720 = tpu.memref_slice %arg3[%dma_start3A_718, %dma_start3A_719] : memref<100000x128xf32, #tpu.memory_space<hbm>> -> memref<100000x128xf32, #tpu.memory_space<hbm>>
      tpu.enqueue_indirect_dma source(%dma_start3A_720 : memref<100000x128xf32, #tpu.memory_space<hbm>>) target(%arg20 : memref<80x128xf32, #tpu.memory_space<vmem>>) offsets(%arg8 : memref<80xi32, #tpu.memory_space<vmem>>) semaphore(%arg27 : memref<!tpu.dma_semaphore, #tpu.memory_space<semaphore_mem>>)
      %iota3A_721 = tpu.iota {dimensions = array<i32: 0>} : vector<16xi32>
      %add3A_722 = arith.constant 0 : i32
      %add3A_723 = vector.broadcast %add3A_722 : i32 to vector<16xi32>
      %add3A_724 = arith.addi %add3A_723, %iota3A_721 : vector<16xi32>
      %get3A = arith.constant 0 : index
      %get3A_725 = tpu.vector_load %arg11[%get3A] {strides = array<i32>} : memref<80xi32, #tpu.memory_space<vmem>>, vector<16xi32>,
      %get3A_726 = arith.constant 0 : index
      %get3A_727 = tpu.vector_load %arg12[%get3A_726] {strides = array<i32>} : memref<80xi32, #tpu.memory_space<vmem>>, vector<16xi32>,
      %get3A_728 = arith.constant 0 : index
      %get3A_729 = tpu.vector_load %arg13[%get3A_728] {strides = array<i32>} : memref<80xi32, #tpu.memory_space<vmem>>, vector<16xi32>,
      %get3A_730 = arith.constant 0 : index
      %get3A_731 = tpu.vector_load %arg14[%get3A_730] {strides = array<i32>} : memref<80xi32, #tpu.memory_space<vmem>>, vector<16xi32>,
      %get3A_732 = arith.constant 0 : i32
      %get3A_733 = arith.index_cast %get3A_732 : i32 to index
      %get3A_734 = arith.constant 0 : index
      %get3A_735 = tpu.vector_load %arg24[%get3A_733, %get3A_734] {strides = array<i32>} : memref<4x80xf32, #tpu.memory_space<vmem>>, vector<16xf32>,
      %get3A_736 = arith.constant 1 : i32
      %get3A_737 = arith.index_cast %get3A_736 : i32 to index
      %get3A_738 = arith.constant 0 : index
      %get3A_739 = tpu.vector_load %arg24[%get3A_737, %get3A_738] {strides = array<i32>} : memref<4x80xf32, #tpu.memory_space<vmem>>, vector<16xf32>,
      %get3A_740 = arith.constant 2 : i32
      %get3A_741 = arith.index_cast %get3A_740 : i32 to index
      %get3A_742 = arith.constant 0 : index
      %get3A_743 = tpu.vector_load %arg24[%get3A_741, %get3A_742] {strides = array<i32>} : memref<4x80xf32, #tpu.memory_space<vmem>>, vector<16xf32>,
      %get3A_744 = arith.constant 3 : i32
      %get3A_745 = arith.index_cast %get3A_744 : i32 to index
      %get3A_746 = arith.constant 0 : index
      %get3A_747 = tpu.vector_load %arg24[%get3A_745, %get3A_746] {strides = array<i32>} : memref<4x80xf32, #tpu.memory_space<vmem>>, vector<16xf32>,
      %parallel_loop3A = arith.constant 0 : i32
      %parallel_loop3A_748 = arith.constant 64 : i32
      %parallel_loop3A_749 = arith.constant 1 : i32
      scf.for %parallel_loop3A_1091 = %parallel_loop3A to %parallel_loop3A_748 step %parallel_loop3A_749  : i32 {
        %parallel_loop3A_1092 = vector.broadcast %parallel_loop3A_1091 : i32 to vector<16xi32>
        %parallel_loop3A_1093 = tpu.vector_load_idx %arg23[%get3A_725, %parallel_loop3A_1092] : memref<1000x64xi32, #tpu.memory_space<vmem>>[vector<16xi32>, vector<16xi32>], vector<16xi32>,
        %parallel_loop3A_1094 = arith.constant 16 : i32
        %parallel_loop3A_1095 = vector.broadcast %parallel_loop3A_1094 : i32 to vector<16xi32>
        %parallel_loop3A_1096 = arith.shli %parallel_loop3A_1093, %parallel_loop3A_1095 : vector<16xi32>
        %parallel_loop3A_1097 = vector.bitcast %parallel_loop3A_1096 : vector<16xi32> to vector<16xf32>
        %parallel_loop3A_1098 = arith.constant -65536 : i32
        %parallel_loop3A_1099 = vector.broadcast %parallel_loop3A_1098 : i32 to vector<16xi32>
        %parallel_loop3A_1100 = arith.andi %parallel_loop3A_1093, %parallel_loop3A_1099 : vector<16xi32>
        %parallel_loop3A_1101 = vector.bitcast %parallel_loop3A_1100 : vector<16xi32> to vector<16xf32>
        %parallel_loop3A_1102 = tpu.vector_load_idx %arg23[%get3A_727, %parallel_loop3A_1092] : memref<1000x64xi32, #tpu.memory_space<vmem>>[vector<16xi32>, vector<16xi32>], vector<16xi32>,
        %parallel_loop3A_1103 = arith.constant 16 : i32
        %parallel_loop3A_1104 = vector.broadcast %parallel_loop3A_1103 : i32 to vector<16xi32>
        %parallel_loop3A_1105 = arith.shli %parallel_loop3A_1102, %parallel_loop3A_1104 : vector<16xi32>
        %parallel_loop3A_1106 = vector.bitcast %parallel_loop3A_1105 : vector<16xi32> to vector<16xf32>
        %parallel_loop3A_1107 = arith.constant -65536 : i32
        %parallel_loop3A_1108 = vector.broadcast %parallel_loop3A_1107 : i32 to vector<16xi32>
        %parallel_loop3A_1109 = arith.andi %parallel_loop3A_1102, %parallel_loop3A_1108 : vector<16xi32>
        %parallel_loop3A_1110 = vector.bitcast %parallel_loop3A_1109 : vector<16xi32> to vector<16xf32>
        %parallel_loop3A_1111 = tpu.vector_load_idx %arg23[%get3A_729, %parallel_loop3A_1092] : memref<1000x64xi32, #tpu.memory_space<vmem>>[vector<16xi32>, vector<16xi32>], vector<16xi32>,
        %parallel_loop3A_1112 = arith.constant 16 : i32
        %parallel_loop3A_1113 = vector.broadcast %parallel_loop3A_1112 : i32 to vector<16xi32>
        %parallel_loop3A_1114 = arith.shli %parallel_loop3A_1111, %parallel_loop3A_1113 : vector<16xi32>
        %parallel_loop3A_1115 = vector.bitcast %parallel_loop3A_1114 : vector<16xi32> to vector<16xf32>
        %parallel_loop3A_1116 = arith.constant -65536 : i32
        %parallel_loop3A_1117 = vector.broadcast %parallel_loop3A_1116 : i32 to vector<16xi32>
        %parallel_loop3A_1118 = arith.andi %parallel_loop3A_1111, %parallel_loop3A_1117 : vector<16xi32>
        %parallel_loop3A_1119 = vector.bitcast %parallel_loop3A_1118 : vector<16xi32> to vector<16xf32>
        %parallel_loop3A_1120 = tpu.vector_load_idx %arg23[%get3A_731, %parallel_loop3A_1092] : memref<1000x64xi32, #tpu.memory_space<vmem>>[vector<16xi32>, vector<16xi32>], vector<16xi32>,
        %parallel_loop3A_1121 = arith.constant 16 : i32
        %parallel_loop3A_1122 = vector.broadcast %parallel_loop3A_1121 : i32 to vector<16xi32>
        %parallel_loop3A_1123 = arith.shli %parallel_loop3A_1120, %parallel_loop3A_1122 : vector<16xi32>
        %parallel_loop3A_1124 = vector.bitcast %parallel_loop3A_1123 : vector<16xi32> to vector<16xf32>
        %parallel_loop3A_1125 = arith.constant -65536 : i32
        %parallel_loop3A_1126 = vector.broadcast %parallel_loop3A_1125 : i32 to vector<16xi32>
        %parallel_loop3A_1127 = arith.andi %parallel_loop3A_1120, %parallel_loop3A_1126 : vector<16xi32>
        %parallel_loop3A_1128 = vector.bitcast %parallel_loop3A_1127 : vector<16xi32> to vector<16xf32>
        %parallel_loop3A_1129 = arith.mulf %parallel_loop3A_1097, %get3A_735 : vector<16xf32>
        %parallel_loop3A_1130 = arith.mulf %parallel_loop3A_1106, %get3A_739 : vector<16xf32>
        %parallel_loop3A_1131 = arith.addf %parallel_loop3A_1129, %parallel_loop3A_1130 : vector<16xf32>
        %parallel_loop3A_1132 = arith.mulf %parallel_loop3A_1115, %get3A_743 : vector<16xf32>
        %parallel_loop3A_1133 = arith.addf %parallel_loop3A_1131, %parallel_loop3A_1132 : vector<16xf32>
        %parallel_loop3A_1134 = arith.mulf %parallel_loop3A_1124, %get3A_747 : vector<16xf32>
        %parallel_loop3A_1135 = arith.addf %parallel_loop3A_1133, %parallel_loop3A_1134 : vector<16xf32>
        %parallel_loop3A_1136 = arith.mulf %parallel_loop3A_1101, %get3A_735 : vector<16xf32>
        %parallel_loop3A_1137 = arith.mulf %parallel_loop3A_1110, %get3A_739 : vector<16xf32>
        %parallel_loop3A_1138 = arith.addf %parallel_loop3A_1136, %parallel_loop3A_1137 : vector<16xf32>
        %parallel_loop3A_1139 = arith.mulf %parallel_loop3A_1119, %get3A_743 : vector<16xf32>
        %parallel_loop3A_1140 = arith.addf %parallel_loop3A_1138, %parallel_loop3A_1139 : vector<16xf32>
        %parallel_loop3A_1141 = arith.mulf %parallel_loop3A_1128, %get3A_747 : vector<16xf32>
        %parallel_loop3A_1142 = arith.addf %parallel_loop3A_1140, %parallel_loop3A_1141 : vector<16xf32>
        %parallel_loop3A_1143 = arith.constant 2 : i32
        %parallel_loop3A_1144 = vector.broadcast %parallel_loop3A_1143 : i32 to vector<16xi32>
        %parallel_loop3A_1145 = arith.muli %parallel_loop3A_1144, %parallel_loop3A_1092 : vector<16xi32>
        tpu.vector_store_idx %arg21[%add3A_724, %parallel_loop3A_1145], %parallel_loop3A_1135 : memref<80x128xf32, #tpu.memory_space<vmem>>[vector<16xi32>, vector<16xi32>], vector<16xf32>,
        %parallel_loop3A_1146 = arith.constant 2 : i32
        %parallel_loop3A_1147 = vector.broadcast %parallel_loop3A_1146 : i32 to vector<16xi32>
        %parallel_loop3A_1148 = arith.muli %parallel_loop3A_1147, %parallel_loop3A_1092 : vector<16xi32>
        %parallel_loop3A_1149 = arith.constant 1 : i32
        %parallel_loop3A_1150 = vector.broadcast %parallel_loop3A_1149 : i32 to vector<16xi32>
        %parallel_loop3A_1151 = arith.addi %parallel_loop3A_1148, %parallel_loop3A_1150 : vector<16xi32>
        tpu.vector_store_idx %arg21[%add3A_724, %parallel_loop3A_1151], %parallel_loop3A_1142 : memref<80x128xf32, #tpu.memory_space<vmem>>[vector<16xi32>, vector<16xi32>], vector<16xf32>,
      } {sc.loop_unroll_factor = 4 : i64, sc.parallel_access}
      %iota3A_750 = tpu.iota {dimensions = array<i32: 0>} : vector<16xi32>
      %add3A_751 = arith.constant 16 : i32
      %add3A_752 = vector.broadcast %add3A_751 : i32 to vector<16xi32>
      %add3A_753 = arith.addi %add3A_752, %iota3A_750 : vector<16xi32>
      %get3A_754 = arith.constant 16 : index
      %get3A_755 = tpu.vector_load %arg11[%get3A_754] {strides = array<i32>} : memref<80xi32, #tpu.memory_space<vmem>>, vector<16xi32>,
      %get3A_756 = arith.constant 16 : index
      %get3A_757 = tpu.vector_load %arg12[%get3A_756] {strides = array<i32>} : memref<80xi32, #tpu.memory_space<vmem>>, vector<16xi32>,
      %get3A_758 = arith.constant 16 : index
      %get3A_759 = tpu.vector_load %arg13[%get3A_758] {strides = array<i32>} : memref<80xi32, #tpu.memory_space<vmem>>, vector<16xi32>,
      %get3A_760 = arith.constant 16 : index
      %get3A_761 = tpu.vector_load %arg14[%get3A_760] {strides = array<i32>} : memref<80xi32, #tpu.memory_space<vmem>>, vector<16xi32>,
      %get3A_762 = arith.constant 0 : i32
      %get3A_763 = arith.index_cast %get3A_762 : i32 to index
      %get3A_764 = arith.constant 16 : index
      %get3A_765 = tpu.vector_load %arg24[%get3A_763, %get3A_764] {strides = array<i32>} : memref<4x80xf32, #tpu.memory_space<vmem>>, vector<16xf32>,
      %get3A_766 = arith.constant 1 : i32
      %get3A_767 = arith.index_cast %get3A_766 : i32 to index
      %get3A_768 = arith.constant 16 : index
      %get3A_769 = tpu.vector_load %arg24[%get3A_767, %get3A_768] {strides = array<i32>} : memref<4x80xf32, #tpu.memory_space<vmem>>, vector<16xf32>,
      %get3A_770 = arith.constant 2 : i32
      %get3A_771 = arith.index_cast %get3A_770 : i32 to index
      %get3A_772 = arith.constant 16 : index
      %get3A_773 = tpu.vector_load %arg24[%get3A_771, %get3A_772] {strides = array<i32>} : memref<4x80xf32, #tpu.memory_space<vmem>>, vector<16xf32>,
      %get3A_774 = arith.constant 3 : i32
      %get3A_775 = arith.index_cast %get3A_774 : i32 to index
      %get3A_776 = arith.constant 16 : index
      %get3A_777 = tpu.vector_load %arg24[%get3A_775, %get3A_776] {strides = array<i32>} : memref<4x80xf32, #tpu.memory_space<vmem>>, vector<16xf32>,
      %parallel_loop3A_778 = arith.constant 0 : i32
      %parallel_loop3A_779 = arith.constant 64 : i32
      %parallel_loop3A_780 = arith.constant 1 : i32
      scf.for %parallel_loop3A_1091 = %parallel_loop3A_778 to %parallel_loop3A_779 step %parallel_loop3A_780  : i32 {
        %parallel_loop3A_1092 = vector.broadcast %parallel_loop3A_1091 : i32 to vector<16xi32>
        %parallel_loop3A_1093 = tpu.vector_load_idx %arg23[%get3A_755, %parallel_loop3A_1092] : memref<1000x64xi32, #tpu.memory_space<vmem>>[vector<16xi32>, vector<16xi32>], vector<16xi32>,
        %parallel_loop3A_1094 = arith.constant 16 : i32
        %parallel_loop3A_1095 = vector.broadcast %parallel_loop3A_1094 : i32 to vector<16xi32>
        %parallel_loop3A_1096 = arith.shli %parallel_loop3A_1093, %parallel_loop3A_1095 : vector<16xi32>
        %parallel_loop3A_1097 = vector.bitcast %parallel_loop3A_1096 : vector<16xi32> to vector<16xf32>
        %parallel_loop3A_1098 = arith.constant -65536 : i32
        %parallel_loop3A_1099 = vector.broadcast %parallel_loop3A_1098 : i32 to vector<16xi32>
        %parallel_loop3A_1100 = arith.andi %parallel_loop3A_1093, %parallel_loop3A_1099 : vector<16xi32>
        %parallel_loop3A_1101 = vector.bitcast %parallel_loop3A_1100 : vector<16xi32> to vector<16xf32>
        %parallel_loop3A_1102 = tpu.vector_load_idx %arg23[%get3A_757, %parallel_loop3A_1092] : memref<1000x64xi32, #tpu.memory_space<vmem>>[vector<16xi32>, vector<16xi32>], vector<16xi32>,
        %parallel_loop3A_1103 = arith.constant 16 : i32
        %parallel_loop3A_1104 = vector.broadcast %parallel_loop3A_1103 : i32 to vector<16xi32>
        %parallel_loop3A_1105 = arith.shli %parallel_loop3A_1102, %parallel_loop3A_1104 : vector<16xi32>
        %parallel_loop3A_1106 = vector.bitcast %parallel_loop3A_1105 : vector<16xi32> to vector<16xf32>
        %parallel_loop3A_1107 = arith.constant -65536 : i32
        %parallel_loop3A_1108 = vector.broadcast %parallel_loop3A_1107 : i32 to vector<16xi32>
        %parallel_loop3A_1109 = arith.andi %parallel_loop3A_1102, %parallel_loop3A_1108 : vector<16xi32>
        %parallel_loop3A_1110 = vector.bitcast %parallel_loop3A_1109 : vector<16xi32> to vector<16xf32>
        %parallel_loop3A_1111 = tpu.vector_load_idx %arg23[%get3A_759, %parallel_loop3A_1092] : memref<1000x64xi32, #tpu.memory_space<vmem>>[vector<16xi32>, vector<16xi32>], vector<16xi32>,
        %parallel_loop3A_1112 = arith.constant 16 : i32
        %parallel_loop3A_1113 = vector.broadcast %parallel_loop3A_1112 : i32 to vector<16xi32>
        %parallel_loop3A_1114 = arith.shli %parallel_loop3A_1111, %parallel_loop3A_1113 : vector<16xi32>
        %parallel_loop3A_1115 = vector.bitcast %parallel_loop3A_1114 : vector<16xi32> to vector<16xf32>
        %parallel_loop3A_1116 = arith.constant -65536 : i32
        %parallel_loop3A_1117 = vector.broadcast %parallel_loop3A_1116 : i32 to vector<16xi32>
        %parallel_loop3A_1118 = arith.andi %parallel_loop3A_1111, %parallel_loop3A_1117 : vector<16xi32>
        %parallel_loop3A_1119 = vector.bitcast %parallel_loop3A_1118 : vector<16xi32> to vector<16xf32>
        %parallel_loop3A_1120 = tpu.vector_load_idx %arg23[%get3A_761, %parallel_loop3A_1092] : memref<1000x64xi32, #tpu.memory_space<vmem>>[vector<16xi32>, vector<16xi32>], vector<16xi32>,
        %parallel_loop3A_1121 = arith.constant 16 : i32
        %parallel_loop3A_1122 = vector.broadcast %parallel_loop3A_1121 : i32 to vector<16xi32>
        %parallel_loop3A_1123 = arith.shli %parallel_loop3A_1120, %parallel_loop3A_1122 : vector<16xi32>
        %parallel_loop3A_1124 = vector.bitcast %parallel_loop3A_1123 : vector<16xi32> to vector<16xf32>
        %parallel_loop3A_1125 = arith.constant -65536 : i32
        %parallel_loop3A_1126 = vector.broadcast %parallel_loop3A_1125 : i32 to vector<16xi32>
        %parallel_loop3A_1127 = arith.andi %parallel_loop3A_1120, %parallel_loop3A_1126 : vector<16xi32>
        %parallel_loop3A_1128 = vector.bitcast %parallel_loop3A_1127 : vector<16xi32> to vector<16xf32>
        %parallel_loop3A_1129 = arith.mulf %parallel_loop3A_1097, %get3A_765 : vector<16xf32>
        %parallel_loop3A_1130 = arith.mulf %parallel_loop3A_1106, %get3A_769 : vector<16xf32>
        %parallel_loop3A_1131 = arith.addf %parallel_loop3A_1129, %parallel_loop3A_1130 : vector<16xf32>
        %parallel_loop3A_1132 = arith.mulf %parallel_loop3A_1115, %get3A_773 : vector<16xf32>
        %parallel_loop3A_1133 = arith.addf %parallel_loop3A_1131, %parallel_loop3A_1132 : vector<16xf32>
        %parallel_loop3A_1134 = arith.mulf %parallel_loop3A_1124, %get3A_777 : vector<16xf32>
        %parallel_loop3A_1135 = arith.addf %parallel_loop3A_1133, %parallel_loop3A_1134 : vector<16xf32>
        %parallel_loop3A_1136 = arith.mulf %parallel_loop3A_1101, %get3A_765 : vector<16xf32>
        %parallel_loop3A_1137 = arith.mulf %parallel_loop3A_1110, %get3A_769 : vector<16xf32>
        %parallel_loop3A_1138 = arith.addf %parallel_loop3A_1136, %parallel_loop3A_1137 : vector<16xf32>
        %parallel_loop3A_1139 = arith.mulf %parallel_loop3A_1119, %get3A_773 : vector<16xf32>
        %parallel_loop3A_1140 = arith.addf %parallel_loop3A_1138, %parallel_loop3A_1139 : vector<16xf32>
        %parallel_loop3A_1141 = arith.mulf %parallel_loop3A_1128, %get3A_777 : vector<16xf32>
        %parallel_loop3A_1142 = arith.addf %parallel_loop3A_1140, %parallel_loop3A_1141 : vector<16xf32>
        %parallel_loop3A_1143 = arith.constant 2 : i32
        %parallel_loop3A_1144 = vector.broadcast %parallel_loop3A_1143 : i32 to vector<16xi32>
        %parallel_loop3A_1145 = arith.muli %parallel_loop3A_1144, %parallel_loop3A_1092 : vector<16xi32>
        tpu.vector_store_idx %arg21[%add3A_753, %parallel_loop3A_1145], %parallel_loop3A_1135 : memref<80x128xf32, #tpu.memory_space<vmem>>[vector<16xi32>, vector<16xi32>], vector<16xf32>,
        %parallel_loop3A_1146 = arith.constant 2 : i32
        %parallel_loop3A_1147 = vector.broadcast %parallel_loop3A_1146 : i32 to vector<16xi32>
        %parallel_loop3A_1148 = arith.muli %parallel_loop3A_1147, %parallel_loop3A_1092 : vector<16xi32>
        %parallel_loop3A_1149 = arith.constant 1 : i32
        %parallel_loop3A_1150 = vector.broadcast %parallel_loop3A_1149 : i32 to vector<16xi32>
        %parallel_loop3A_1151 = arith.addi %parallel_loop3A_1148, %parallel_loop3A_1150 : vector<16xi32>
        tpu.vector_store_idx %arg21[%add3A_753, %parallel_loop3A_1151], %parallel_loop3A_1142 : memref<80x128xf32, #tpu.memory_space<vmem>>[vector<16xi32>, vector<16xi32>], vector<16xf32>,
      } {sc.loop_unroll_factor = 4 : i64, sc.parallel_access}
      %iota3A_781 = tpu.iota {dimensions = array<i32: 0>} : vector<16xi32>
      %add3A_782 = arith.constant 32 : i32
      %add3A_783 = vector.broadcast %add3A_782 : i32 to vector<16xi32>
      %add3A_784 = arith.addi %add3A_783, %iota3A_781 : vector<16xi32>
      %get3A_785 = arith.constant 32 : index
      %get3A_786 = tpu.vector_load %arg11[%get3A_785] {strides = array<i32>} : memref<80xi32, #tpu.memory_space<vmem>>, vector<16xi32>,
      %get3A_787 = arith.constant 32 : index
      %get3A_788 = tpu.vector_load %arg12[%get3A_787] {strides = array<i32>} : memref<80xi32, #tpu.memory_space<vmem>>, vector<16xi32>,
      %get3A_789 = arith.constant 32 : index
      %get3A_790 = tpu.vector_load %arg13[%get3A_789] {strides = array<i32>} : memref<80xi32, #tpu.memory_space<vmem>>, vector<16xi32>,
      %get3A_791 = arith.constant 32 : index
      %get3A_792 = tpu.vector_load %arg14[%get3A_791] {strides = array<i32>} : memref<80xi32, #tpu.memory_space<vmem>>, vector<16xi32>,
      %get3A_793 = arith.constant 0 : i32
      %get3A_794 = arith.index_cast %get3A_793 : i32 to index
      %get3A_795 = arith.constant 32 : index
      %get3A_796 = tpu.vector_load %arg24[%get3A_794, %get3A_795] {strides = array<i32>} : memref<4x80xf32, #tpu.memory_space<vmem>>, vector<16xf32>,
      %get3A_797 = arith.constant 1 : i32
      %get3A_798 = arith.index_cast %get3A_797 : i32 to index
      %get3A_799 = arith.constant 32 : index
      %get3A_800 = tpu.vector_load %arg24[%get3A_798, %get3A_799] {strides = array<i32>} : memref<4x80xf32, #tpu.memory_space<vmem>>, vector<16xf32>,
      %get3A_801 = arith.constant 2 : i32
      %get3A_802 = arith.index_cast %get3A_801 : i32 to index
      %get3A_803 = arith.constant 32 : index
      %get3A_804 = tpu.vector_load %arg24[%get3A_802, %get3A_803] {strides = array<i32>} : memref<4x80xf32, #tpu.memory_space<vmem>>, vector<16xf32>,
      %get3A_805 = arith.constant 3 : i32
      %get3A_806 = arith.index_cast %get3A_805 : i32 to index
      %get3A_807 = arith.constant 32 : index
      %get3A_808 = tpu.vector_load %arg24[%get3A_806, %get3A_807] {strides = array<i32>} : memref<4x80xf32, #tpu.memory_space<vmem>>, vector<16xf32>,
      %parallel_loop3A_809 = arith.constant 0 : i32
      %parallel_loop3A_810 = arith.constant 64 : i32
      %parallel_loop3A_811 = arith.constant 1 : i32
      scf.for %parallel_loop3A_1091 = %parallel_loop3A_809 to %parallel_loop3A_810 step %parallel_loop3A_811  : i32 {
        %parallel_loop3A_1092 = vector.broadcast %parallel_loop3A_1091 : i32 to vector<16xi32>
        %parallel_loop3A_1093 = tpu.vector_load_idx %arg23[%get3A_786, %parallel_loop3A_1092] : memref<1000x64xi32, #tpu.memory_space<vmem>>[vector<16xi32>, vector<16xi32>], vector<16xi32>,
        %parallel_loop3A_1094 = arith.constant 16 : i32
        %parallel_loop3A_1095 = vector.broadcast %parallel_loop3A_1094 : i32 to vector<16xi32>
        %parallel_loop3A_1096 = arith.shli %parallel_loop3A_1093, %parallel_loop3A_1095 : vector<16xi32>
        %parallel_loop3A_1097 = vector.bitcast %parallel_loop3A_1096 : vector<16xi32> to vector<16xf32>
        %parallel_loop3A_1098 = arith.constant -65536 : i32
        %parallel_loop3A_1099 = vector.broadcast %parallel_loop3A_1098 : i32 to vector<16xi32>
        %parallel_loop3A_1100 = arith.andi %parallel_loop3A_1093, %parallel_loop3A_1099 : vector<16xi32>
        %parallel_loop3A_1101 = vector.bitcast %parallel_loop3A_1100 : vector<16xi32> to vector<16xf32>
        %parallel_loop3A_1102 = tpu.vector_load_idx %arg23[%get3A_788, %parallel_loop3A_1092] : memref<1000x64xi32, #tpu.memory_space<vmem>>[vector<16xi32>, vector<16xi32>], vector<16xi32>,
        %parallel_loop3A_1103 = arith.constant 16 : i32
        %parallel_loop3A_1104 = vector.broadcast %parallel_loop3A_1103 : i32 to vector<16xi32>
        %parallel_loop3A_1105 = arith.shli %parallel_loop3A_1102, %parallel_loop3A_1104 : vector<16xi32>
        %parallel_loop3A_1106 = vector.bitcast %parallel_loop3A_1105 : vector<16xi32> to vector<16xf32>
        %parallel_loop3A_1107 = arith.constant -65536 : i32
        %parallel_loop3A_1108 = vector.broadcast %parallel_loop3A_1107 : i32 to vector<16xi32>
        %parallel_loop3A_1109 = arith.andi %parallel_loop3A_1102, %parallel_loop3A_1108 : vector<16xi32>
        %parallel_loop3A_1110 = vector.bitcast %parallel_loop3A_1109 : vector<16xi32> to vector<16xf32>
        %parallel_loop3A_1111 = tpu.vector_load_idx %arg23[%get3A_790, %parallel_loop3A_1092] : memref<1000x64xi32, #tpu.memory_space<vmem>>[vector<16xi32>, vector<16xi32>], vector<16xi32>,
        %parallel_loop3A_1112 = arith.constant 16 : i32
        %parallel_loop3A_1113 = vector.broadcast %parallel_loop3A_1112 : i32 to vector<16xi32>
        %parallel_loop3A_1114 = arith.shli %parallel_loop3A_1111, %parallel_loop3A_1113 : vector<16xi32>
        %parallel_loop3A_1115 = vector.bitcast %parallel_loop3A_1114 : vector<16xi32> to vector<16xf32>
        %parallel_loop3A_1116 = arith.constant -65536 : i32
        %parallel_loop3A_1117 = vector.broadcast %parallel_loop3A_1116 : i32 to vector<16xi32>
        %parallel_loop3A_1118 = arith.andi %parallel_loop3A_1111, %parallel_loop3A_1117 : vector<16xi32>
        %parallel_loop3A_1119 = vector.bitcast %parallel_loop3A_1118 : vector<16xi32> to vector<16xf32>
        %parallel_loop3A_1120 = tpu.vector_load_idx %arg23[%get3A_792, %parallel_loop3A_1092] : memref<1000x64xi32, #tpu.memory_space<vmem>>[vector<16xi32>, vector<16xi32>], vector<16xi32>,
        %parallel_loop3A_1121 = arith.constant 16 : i32
        %parallel_loop3A_1122 = vector.broadcast %parallel_loop3A_1121 : i32 to vector<16xi32>
        %parallel_loop3A_1123 = arith.shli %parallel_loop3A_1120, %parallel_loop3A_1122 : vector<16xi32>
        %parallel_loop3A_1124 = vector.bitcast %parallel_loop3A_1123 : vector<16xi32> to vector<16xf32>
        %parallel_loop3A_1125 = arith.constant -65536 : i32
        %parallel_loop3A_1126 = vector.broadcast %parallel_loop3A_1125 : i32 to vector<16xi32>
        %parallel_loop3A_1127 = arith.andi %parallel_loop3A_1120, %parallel_loop3A_1126 : vector<16xi32>
        %parallel_loop3A_1128 = vector.bitcast %parallel_loop3A_1127 : vector<16xi32> to vector<16xf32>
        %parallel_loop3A_1129 = arith.mulf %parallel_loop3A_1097, %get3A_796 : vector<16xf32>
        %parallel_loop3A_1130 = arith.mulf %parallel_loop3A_1106, %get3A_800 : vector<16xf32>
        %parallel_loop3A_1131 = arith.addf %parallel_loop3A_1129, %parallel_loop3A_1130 : vector<16xf32>
        %parallel_loop3A_1132 = arith.mulf %parallel_loop3A_1115, %get3A_804 : vector<16xf32>
        %parallel_loop3A_1133 = arith.addf %parallel_loop3A_1131, %parallel_loop3A_1132 : vector<16xf32>
        %parallel_loop3A_1134 = arith.mulf %parallel_loop3A_1124, %get3A_808 : vector<16xf32>
        %parallel_loop3A_1135 = arith.addf %parallel_loop3A_1133, %parallel_loop3A_1134 : vector<16xf32>
        %parallel_loop3A_1136 = arith.mulf %parallel_loop3A_1101, %get3A_796 : vector<16xf32>
        %parallel_loop3A_1137 = arith.mulf %parallel_loop3A_1110, %get3A_800 : vector<16xf32>
        %parallel_loop3A_1138 = arith.addf %parallel_loop3A_1136, %parallel_loop3A_1137 : vector<16xf32>
        %parallel_loop3A_1139 = arith.mulf %parallel_loop3A_1119, %get3A_804 : vector<16xf32>
        %parallel_loop3A_1140 = arith.addf %parallel_loop3A_1138, %parallel_loop3A_1139 : vector<16xf32>
        %parallel_loop3A_1141 = arith.mulf %parallel_loop3A_1128, %get3A_808 : vector<16xf32>
        %parallel_loop3A_1142 = arith.addf %parallel_loop3A_1140, %parallel_loop3A_1141 : vector<16xf32>
        %parallel_loop3A_1143 = arith.constant 2 : i32
        %parallel_loop3A_1144 = vector.broadcast %parallel_loop3A_1143 : i32 to vector<16xi32>
        %parallel_loop3A_1145 = arith.muli %parallel_loop3A_1144, %parallel_loop3A_1092 : vector<16xi32>
        tpu.vector_store_idx %arg21[%add3A_784, %parallel_loop3A_1145], %parallel_loop3A_1135 : memref<80x128xf32, #tpu.memory_space<vmem>>[vector<16xi32>, vector<16xi32>], vector<16xf32>,
        %parallel_loop3A_1146 = arith.constant 2 : i32
        %parallel_loop3A_1147 = vector.broadcast %parallel_loop3A_1146 : i32 to vector<16xi32>
        %parallel_loop3A_1148 = arith.muli %parallel_loop3A_1147, %parallel_loop3A_1092 : vector<16xi32>
        %parallel_loop3A_1149 = arith.constant 1 : i32
        %parallel_loop3A_1150 = vector.broadcast %parallel_loop3A_1149 : i32 to vector<16xi32>
        %parallel_loop3A_1151 = arith.addi %parallel_loop3A_1148, %parallel_loop3A_1150 : vector<16xi32>
        tpu.vector_store_idx %arg21[%add3A_784, %parallel_loop3A_1151], %parallel_loop3A_1142 : memref<80x128xf32, #tpu.memory_space<vmem>>[vector<16xi32>, vector<16xi32>], vector<16xf32>,
      } {sc.loop_unroll_factor = 4 : i64, sc.parallel_access}
      %iota3A_812 = tpu.iota {dimensions = array<i32: 0>} : vector<16xi32>
      %add3A_813 = arith.constant 48 : i32
      %add3A_814 = vector.broadcast %add3A_813 : i32 to vector<16xi32>
      %add3A_815 = arith.addi %add3A_814, %iota3A_812 : vector<16xi32>
      %get3A_816 = arith.constant 48 : index
      %get3A_817 = tpu.vector_load %arg11[%get3A_816] {strides = array<i32>} : memref<80xi32, #tpu.memory_space<vmem>>, vector<16xi32>,
      %get3A_818 = arith.constant 48 : index
      %get3A_819 = tpu.vector_load %arg12[%get3A_818] {strides = array<i32>} : memref<80xi32, #tpu.memory_space<vmem>>, vector<16xi32>,
      %get3A_820 = arith.constant 48 : index
      %get3A_821 = tpu.vector_load %arg13[%get3A_820] {strides = array<i32>} : memref<80xi32, #tpu.memory_space<vmem>>, vector<16xi32>,
      %get3A_822 = arith.constant 48 : index
      %get3A_823 = tpu.vector_load %arg14[%get3A_822] {strides = array<i32>} : memref<80xi32, #tpu.memory_space<vmem>>, vector<16xi32>,
      %get3A_824 = arith.constant 0 : i32
      %get3A_825 = arith.index_cast %get3A_824 : i32 to index
      %get3A_826 = arith.constant 48 : index
      %get3A_827 = tpu.vector_load %arg24[%get3A_825, %get3A_826] {strides = array<i32>} : memref<4x80xf32, #tpu.memory_space<vmem>>, vector<16xf32>,
      %get3A_828 = arith.constant 1 : i32
      %get3A_829 = arith.index_cast %get3A_828 : i32 to index
      %get3A_830 = arith.constant 48 : index
      %get3A_831 = tpu.vector_load %arg24[%get3A_829, %get3A_830] {strides = array<i32>} : memref<4x80xf32, #tpu.memory_space<vmem>>, vector<16xf32>,
      %get3A_832 = arith.constant 2 : i32
      %get3A_833 = arith.index_cast %get3A_832 : i32 to index
      %get3A_834 = arith.constant 48 : index
      %get3A_835 = tpu.vector_load %arg24[%get3A_833, %get3A_834] {strides = array<i32>} : memref<4x80xf32, #tpu.memory_space<vmem>>, vector<16xf32>,
      %get3A_836 = arith.constant 3 : i32
      %get3A_837 = arith.index_cast %get3A_836 : i32 to index
      %get3A_838 = arith.constant 48 : index
      %get3A_839 = tpu.vector_load %arg24[%get3A_837, %get3A_838] {strides = array<i32>} : memref<4x80xf32, #tpu.memory_space<vmem>>, vector<16xf32>,
      %parallel_loop3A_840 = arith.constant 0 : i32
      %parallel_loop3A_841 = arith.constant 64 : i32
      %parallel_loop3A_842 = arith.constant 1 : i32
      scf.for %parallel_loop3A_1091 = %parallel_loop3A_840 to %parallel_loop3A_841 step %parallel_loop3A_842  : i32 {
        %parallel_loop3A_1092 = vector.broadcast %parallel_loop3A_1091 : i32 to vector<16xi32>
        %parallel_loop3A_1093 = tpu.vector_load_idx %arg23[%get3A_817, %parallel_loop3A_1092] : memref<1000x64xi32, #tpu.memory_space<vmem>>[vector<16xi32>, vector<16xi32>], vector<16xi32>,
        %parallel_loop3A_1094 = arith.constant 16 : i32
        %parallel_loop3A_1095 = vector.broadcast %parallel_loop3A_1094 : i32 to vector<16xi32>
        %parallel_loop3A_1096 = arith.shli %parallel_loop3A_1093, %parallel_loop3A_1095 : vector<16xi32>
        %parallel_loop3A_1097 = vector.bitcast %parallel_loop3A_1096 : vector<16xi32> to vector<16xf32>
        %parallel_loop3A_1098 = arith.constant -65536 : i32
        %parallel_loop3A_1099 = vector.broadcast %parallel_loop3A_1098 : i32 to vector<16xi32>
        %parallel_loop3A_1100 = arith.andi %parallel_loop3A_1093, %parallel_loop3A_1099 : vector<16xi32>
        %parallel_loop3A_1101 = vector.bitcast %parallel_loop3A_1100 : vector<16xi32> to vector<16xf32>
        %parallel_loop3A_1102 = tpu.vector_load_idx %arg23[%get3A_819, %parallel_loop3A_1092] : memref<1000x64xi32, #tpu.memory_space<vmem>>[vector<16xi32>, vector<16xi32>], vector<16xi32>,
        %parallel_loop3A_1103 = arith.constant 16 : i32
        %parallel_loop3A_1104 = vector.broadcast %parallel_loop3A_1103 : i32 to vector<16xi32>
        %parallel_loop3A_1105 = arith.shli %parallel_loop3A_1102, %parallel_loop3A_1104 : vector<16xi32>
        %parallel_loop3A_1106 = vector.bitcast %parallel_loop3A_1105 : vector<16xi32> to vector<16xf32>
        %parallel_loop3A_1107 = arith.constant -65536 : i32
        %parallel_loop3A_1108 = vector.broadcast %parallel_loop3A_1107 : i32 to vector<16xi32>
        %parallel_loop3A_1109 = arith.andi %parallel_loop3A_1102, %parallel_loop3A_1108 : vector<16xi32>
        %parallel_loop3A_1110 = vector.bitcast %parallel_loop3A_1109 : vector<16xi32> to vector<16xf32>
        %parallel_loop3A_1111 = tpu.vector_load_idx %arg23[%get3A_821, %parallel_loop3A_1092] : memref<1000x64xi32, #tpu.memory_space<vmem>>[vector<16xi32>, vector<16xi32>], vector<16xi32>,
        %parallel_loop3A_1112 = arith.constant 16 : i32
        %parallel_loop3A_1113 = vector.broadcast %parallel_loop3A_1112 : i32 to vector<16xi32>
        %parallel_loop3A_1114 = arith.shli %parallel_loop3A_1111, %parallel_loop3A_1113 : vector<16xi32>
        %parallel_loop3A_1115 = vector.bitcast %parallel_loop3A_1114 : vector<16xi32> to vector<16xf32>
        %parallel_loop3A_1116 = arith.constant -65536 : i32
        %parallel_loop3A_1117 = vector.broadcast %parallel_loop3A_1116 : i32 to vector<16xi32>
        %parallel_loop3A_1118 = arith.andi %parallel_loop3A_1111, %parallel_loop3A_1117 : vector<16xi32>
        %parallel_loop3A_1119 = vector.bitcast %parallel_loop3A_1118 : vector<16xi32> to vector<16xf32>
        %parallel_loop3A_1120 = tpu.vector_load_idx %arg23[%get3A_823, %parallel_loop3A_1092] : memref<1000x64xi32, #tpu.memory_space<vmem>>[vector<16xi32>, vector<16xi32>], vector<16xi32>,
        %parallel_loop3A_1121 = arith.constant 16 : i32
        %parallel_loop3A_1122 = vector.broadcast %parallel_loop3A_1121 : i32 to vector<16xi32>
        %parallel_loop3A_1123 = arith.shli %parallel_loop3A_1120, %parallel_loop3A_1122 : vector<16xi32>
        %parallel_loop3A_1124 = vector.bitcast %parallel_loop3A_1123 : vector<16xi32> to vector<16xf32>
        %parallel_loop3A_1125 = arith.constant -65536 : i32
        %parallel_loop3A_1126 = vector.broadcast %parallel_loop3A_1125 : i32 to vector<16xi32>
        %parallel_loop3A_1127 = arith.andi %parallel_loop3A_1120, %parallel_loop3A_1126 : vector<16xi32>
        %parallel_loop3A_1128 = vector.bitcast %parallel_loop3A_1127 : vector<16xi32> to vector<16xf32>
        %parallel_loop3A_1129 = arith.mulf %parallel_loop3A_1097, %get3A_827 : vector<16xf32>
        %parallel_loop3A_1130 = arith.mulf %parallel_loop3A_1106, %get3A_831 : vector<16xf32>
        %parallel_loop3A_1131 = arith.addf %parallel_loop3A_1129, %parallel_loop3A_1130 : vector<16xf32>
        %parallel_loop3A_1132 = arith.mulf %parallel_loop3A_1115, %get3A_835 : vector<16xf32>
        %parallel_loop3A_1133 = arith.addf %parallel_loop3A_1131, %parallel_loop3A_1132 : vector<16xf32>
        %parallel_loop3A_1134 = arith.mulf %parallel_loop3A_1124, %get3A_839 : vector<16xf32>
        %parallel_loop3A_1135 = arith.addf %parallel_loop3A_1133, %parallel_loop3A_1134 : vector<16xf32>
        %parallel_loop3A_1136 = arith.mulf %parallel_loop3A_1101, %get3A_827 : vector<16xf32>
        %parallel_loop3A_1137 = arith.mulf %parallel_loop3A_1110, %get3A_831 : vector<16xf32>
        %parallel_loop3A_1138 = arith.addf %parallel_loop3A_1136, %parallel_loop3A_1137 : vector<16xf32>
        %parallel_loop3A_1139 = arith.mulf %parallel_loop3A_1119, %get3A_835 : vector<16xf32>
        %parallel_loop3A_1140 = arith.addf %parallel_loop3A_1138, %parallel_loop3A_1139 : vector<16xf32>
        %parallel_loop3A_1141 = arith.mulf %parallel_loop3A_1128, %get3A_839 : vector<16xf32>
        %parallel_loop3A_1142 = arith.addf %parallel_loop3A_1140, %parallel_loop3A_1141 : vector<16xf32>
        %parallel_loop3A_1143 = arith.constant 2 : i32
        %parallel_loop3A_1144 = vector.broadcast %parallel_loop3A_1143 : i32 to vector<16xi32>
        %parallel_loop3A_1145 = arith.muli %parallel_loop3A_1144, %parallel_loop3A_1092 : vector<16xi32>
        tpu.vector_store_idx %arg21[%add3A_815, %parallel_loop3A_1145], %parallel_loop3A_1135 : memref<80x128xf32, #tpu.memory_space<vmem>>[vector<16xi32>, vector<16xi32>], vector<16xf32>,
        %parallel_loop3A_1146 = arith.constant 2 : i32
        %parallel_loop3A_1147 = vector.broadcast %parallel_loop3A_1146 : i32 to vector<16xi32>
        %parallel_loop3A_1148 = arith.muli %parallel_loop3A_1147, %parallel_loop3A_1092 : vector<16xi32>
        %parallel_loop3A_1149 = arith.constant 1 : i32
        %parallel_loop3A_1150 = vector.broadcast %parallel_loop3A_1149 : i32 to vector<16xi32>
        %parallel_loop3A_1151 = arith.addi %parallel_loop3A_1148, %parallel_loop3A_1150 : vector<16xi32>
        tpu.vector_store_idx %arg21[%add3A_815, %parallel_loop3A_1151], %parallel_loop3A_1142 : memref<80x128xf32, #tpu.memory_space<vmem>>[vector<16xi32>, vector<16xi32>], vector<16xf32>,
      } {sc.loop_unroll_factor = 4 : i64, sc.parallel_access}
      %iota3A_843 = tpu.iota {dimensions = array<i32: 0>} : vector<16xi32>
      %add3A_844 = arith.constant 64 : i32
      %add3A_845 = vector.broadcast %add3A_844 : i32 to vector<16xi32>
      %add3A_846 = arith.addi %add3A_845, %iota3A_843 : vector<16xi32>
      %get3A_847 = arith.constant 64 : index
      %get3A_848 = tpu.vector_load %arg11[%get3A_847] {strides = array<i32>} : memref<80xi32, #tpu.memory_space<vmem>>, vector<16xi32>,
      %get3A_849 = arith.constant 64 : index
      %get3A_850 = tpu.vector_load %arg12[%get3A_849] {strides = array<i32>} : memref<80xi32, #tpu.memory_space<vmem>>, vector<16xi32>,
      %get3A_851 = arith.constant 64 : index
      %get3A_852 = tpu.vector_load %arg13[%get3A_851] {strides = array<i32>} : memref<80xi32, #tpu.memory_space<vmem>>, vector<16xi32>,
      %get3A_853 = arith.constant 64 : index
      %get3A_854 = tpu.vector_load %arg14[%get3A_853] {strides = array<i32>} : memref<80xi32, #tpu.memory_space<vmem>>, vector<16xi32>,
      %get3A_855 = arith.constant 0 : i32
      %get3A_856 = arith.index_cast %get3A_855 : i32 to index
      %get3A_857 = arith.constant 64 : index
      %get3A_858 = tpu.vector_load %arg24[%get3A_856, %get3A_857] {strides = array<i32>} : memref<4x80xf32, #tpu.memory_space<vmem>>, vector<16xf32>,
      %get3A_859 = arith.constant 1 : i32
      %get3A_860 = arith.index_cast %get3A_859 : i32 to index
      %get3A_861 = arith.constant 64 : index
      %get3A_862 = tpu.vector_load %arg24[%get3A_860, %get3A_861] {strides = array<i32>} : memref<4x80xf32, #tpu.memory_space<vmem>>, vector<16xf32>,
      %get3A_863 = arith.constant 2 : i32
      %get3A_864 = arith.index_cast %get3A_863 : i32 to index
      %get3A_865 = arith.constant 64 : index
      %get3A_866 = tpu.vector_load %arg24[%get3A_864, %get3A_865] {strides = array<i32>} : memref<4x80xf32, #tpu.memory_space<vmem>>, vector<16xf32>,
      %get3A_867 = arith.constant 3 : i32
      %get3A_868 = arith.index_cast %get3A_867 : i32 to index
      %get3A_869 = arith.constant 64 : index
      %get3A_870 = tpu.vector_load %arg24[%get3A_868, %get3A_869] {strides = array<i32>} : memref<4x80xf32, #tpu.memory_space<vmem>>, vector<16xf32>,
      %parallel_loop3A_871 = arith.constant 0 : i32
      %parallel_loop3A_872 = arith.constant 64 : i32
      %parallel_loop3A_873 = arith.constant 1 : i32
      scf.for %parallel_loop3A_1091 = %parallel_loop3A_871 to %parallel_loop3A_872 step %parallel_loop3A_873  : i32 {
        %parallel_loop3A_1092 = vector.broadcast %parallel_loop3A_1091 : i32 to vector<16xi32>
        %parallel_loop3A_1093 = tpu.vector_load_idx %arg23[%get3A_848, %parallel_loop3A_1092] : memref<1000x64xi32, #tpu.memory_space<vmem>>[vector<16xi32>, vector<16xi32>], vector<16xi32>,
        %parallel_loop3A_1094 = arith.constant 16 : i32
        %parallel_loop3A_1095 = vector.broadcast %parallel_loop3A_1094 : i32 to vector<16xi32>
        %parallel_loop3A_1096 = arith.shli %parallel_loop3A_1093, %parallel_loop3A_1095 : vector<16xi32>
        %parallel_loop3A_1097 = vector.bitcast %parallel_loop3A_1096 : vector<16xi32> to vector<16xf32>
        %parallel_loop3A_1098 = arith.constant -65536 : i32
        %parallel_loop3A_1099 = vector.broadcast %parallel_loop3A_1098 : i32 to vector<16xi32>
        %parallel_loop3A_1100 = arith.andi %parallel_loop3A_1093, %parallel_loop3A_1099 : vector<16xi32>
        %parallel_loop3A_1101 = vector.bitcast %parallel_loop3A_1100 : vector<16xi32> to vector<16xf32>
        %parallel_loop3A_1102 = tpu.vector_load_idx %arg23[%get3A_850, %parallel_loop3A_1092] : memref<1000x64xi32, #tpu.memory_space<vmem>>[vector<16xi32>, vector<16xi32>], vector<16xi32>,
        %parallel_loop3A_1103 = arith.constant 16 : i32
        %parallel_loop3A_1104 = vector.broadcast %parallel_loop3A_1103 : i32 to vector<16xi32>
        %parallel_loop3A_1105 = arith.shli %parallel_loop3A_1102, %parallel_loop3A_1104 : vector<16xi32>
        %parallel_loop3A_1106 = vector.bitcast %parallel_loop3A_1105 : vector<16xi32> to vector<16xf32>
        %parallel_loop3A_1107 = arith.constant -65536 : i32
        %parallel_loop3A_1108 = vector.broadcast %parallel_loop3A_1107 : i32 to vector<16xi32>
        %parallel_loop3A_1109 = arith.andi %parallel_loop3A_1102, %parallel_loop3A_1108 : vector<16xi32>
        %parallel_loop3A_1110 = vector.bitcast %parallel_loop3A_1109 : vector<16xi32> to vector<16xf32>
        %parallel_loop3A_1111 = tpu.vector_load_idx %arg23[%get3A_852, %parallel_loop3A_1092] : memref<1000x64xi32, #tpu.memory_space<vmem>>[vector<16xi32>, vector<16xi32>], vector<16xi32>,
        %parallel_loop3A_1112 = arith.constant 16 : i32
        %parallel_loop3A_1113 = vector.broadcast %parallel_loop3A_1112 : i32 to vector<16xi32>
        %parallel_loop3A_1114 = arith.shli %parallel_loop3A_1111, %parallel_loop3A_1113 : vector<16xi32>
        %parallel_loop3A_1115 = vector.bitcast %parallel_loop3A_1114 : vector<16xi32> to vector<16xf32>
        %parallel_loop3A_1116 = arith.constant -65536 : i32
        %parallel_loop3A_1117 = vector.broadcast %parallel_loop3A_1116 : i32 to vector<16xi32>
        %parallel_loop3A_1118 = arith.andi %parallel_loop3A_1111, %parallel_loop3A_1117 : vector<16xi32>
        %parallel_loop3A_1119 = vector.bitcast %parallel_loop3A_1118 : vector<16xi32> to vector<16xf32>
        %parallel_loop3A_1120 = tpu.vector_load_idx %arg23[%get3A_854, %parallel_loop3A_1092] : memref<1000x64xi32, #tpu.memory_space<vmem>>[vector<16xi32>, vector<16xi32>], vector<16xi32>,
        %parallel_loop3A_1121 = arith.constant 16 : i32
        %parallel_loop3A_1122 = vector.broadcast %parallel_loop3A_1121 : i32 to vector<16xi32>
        %parallel_loop3A_1123 = arith.shli %parallel_loop3A_1120, %parallel_loop3A_1122 : vector<16xi32>
        %parallel_loop3A_1124 = vector.bitcast %parallel_loop3A_1123 : vector<16xi32> to vector<16xf32>
        %parallel_loop3A_1125 = arith.constant -65536 : i32
        %parallel_loop3A_1126 = vector.broadcast %parallel_loop3A_1125 : i32 to vector<16xi32>
        %parallel_loop3A_1127 = arith.andi %parallel_loop3A_1120, %parallel_loop3A_1126 : vector<16xi32>
        %parallel_loop3A_1128 = vector.bitcast %parallel_loop3A_1127 : vector<16xi32> to vector<16xf32>
        %parallel_loop3A_1129 = arith.mulf %parallel_loop3A_1097, %get3A_858 : vector<16xf32>
        %parallel_loop3A_1130 = arith.mulf %parallel_loop3A_1106, %get3A_862 : vector<16xf32>
        %parallel_loop3A_1131 = arith.addf %parallel_loop3A_1129, %parallel_loop3A_1130 : vector<16xf32>
        %parallel_loop3A_1132 = arith.mulf %parallel_loop3A_1115, %get3A_866 : vector<16xf32>
        %parallel_loop3A_1133 = arith.addf %parallel_loop3A_1131, %parallel_loop3A_1132 : vector<16xf32>
        %parallel_loop3A_1134 = arith.mulf %parallel_loop3A_1124, %get3A_870 : vector<16xf32>
        %parallel_loop3A_1135 = arith.addf %parallel_loop3A_1133, %parallel_loop3A_1134 : vector<16xf32>
        %parallel_loop3A_1136 = arith.mulf %parallel_loop3A_1101, %get3A_858 : vector<16xf32>
        %parallel_loop3A_1137 = arith.mulf %parallel_loop3A_1110, %get3A_862 : vector<16xf32>
        %parallel_loop3A_1138 = arith.addf %parallel_loop3A_1136, %parallel_loop3A_1137 : vector<16xf32>
        %parallel_loop3A_1139 = arith.mulf %parallel_loop3A_1119, %get3A_866 : vector<16xf32>
        %parallel_loop3A_1140 = arith.addf %parallel_loop3A_1138, %parallel_loop3A_1139 : vector<16xf32>
        %parallel_loop3A_1141 = arith.mulf %parallel_loop3A_1128, %get3A_870 : vector<16xf32>
        %parallel_loop3A_1142 = arith.addf %parallel_loop3A_1140, %parallel_loop3A_1141 : vector<16xf32>
        %parallel_loop3A_1143 = arith.constant 2 : i32
        %parallel_loop3A_1144 = vector.broadcast %parallel_loop3A_1143 : i32 to vector<16xi32>
        %parallel_loop3A_1145 = arith.muli %parallel_loop3A_1144, %parallel_loop3A_1092 : vector<16xi32>
        tpu.vector_store_idx %arg21[%add3A_846, %parallel_loop3A_1145], %parallel_loop3A_1135 : memref<80x128xf32, #tpu.memory_space<vmem>>[vector<16xi32>, vector<16xi32>], vector<16xf32>,
        %parallel_loop3A_1146 = arith.constant 2 : i32
        %parallel_loop3A_1147 = vector.broadcast %parallel_loop3A_1146 : i32 to vector<16xi32>
        %parallel_loop3A_1148 = arith.muli %parallel_loop3A_1147, %parallel_loop3A_1092 : vector<16xi32>
        %parallel_loop3A_1149 = arith.constant 1 : i32
        %parallel_loop3A_1150 = vector.broadcast %parallel_loop3A_1149 : i32 to vector<16xi32>
        %parallel_loop3A_1151 = arith.addi %parallel_loop3A_1148, %parallel_loop3A_1150 : vector<16xi32>
        tpu.vector_store_idx %arg21[%add3A_846, %parallel_loop3A_1151], %parallel_loop3A_1142 : memref<80x128xf32, #tpu.memory_space<vmem>>[vector<16xi32>, vector<16xi32>], vector<16xf32>,
      } {sc.loop_unroll_factor = 4 : i64, sc.parallel_access}
      %mul3A_874 = arith.constant 1600 : i32
      %mul3A_875 = arith.muli %add3A, %mul3A_874 : i32
      %mul3A_876 = arith.constant 80 : i32
      %mul3A_877 = arith.muli %add3A_369, %mul3A_876 : i32
      %add3A_878 = arith.addi %mul3A_875, %mul3A_877 : i32
      %dma_start3A_879 = arith.constant 0 : i32
      %dma_start3A_880 = tpu.memref_slice %arg6[%add3A_878, %dma_start3A_879] : memref<51200x256xf32, #tpu.memory_space<hbm>> -> memref<80x128xf32, #tpu.memory_space<hbm>>
      %dma_start3A_881 = arith.constant 0 : i32
      %dma_start3A_882 = tpu.memref_slice %arg6[%add3A_878, %dma_start3A_881] : memref<51200x256xf32, #tpu.memory_space<hbm>> -> memref<80x128xf32, #tpu.memory_space<hbm>>
      tpu.enqueue_dma source(%arg21 : memref<80x128xf32, #tpu.memory_space<vmem>>) target(%dma_start3A_882 : memref<80x128xf32, #tpu.memory_space<hbm>>) target_semaphore(%arg30 : memref<!tpu.dma_semaphore, #tpu.memory_space<semaphore_mem>>)
      %dma_start3A_883 = arith.constant 128 : i32
      %dma_start3A_884 = tpu.memref_slice %arg6[%add3A_878, %dma_start3A_883] : memref<51200x256xf32, #tpu.memory_space<hbm>> -> memref<80x128xf32, #tpu.memory_space<hbm>>
      %dma_start3A_885 = arith.constant 128 : i32
      %dma_start3A_886 = tpu.memref_slice %arg6[%add3A_878, %dma_start3A_885] : memref<51200x256xf32, #tpu.memory_space<hbm>> -> memref<80x128xf32, #tpu.memory_space<hbm>>
      tpu.enqueue_dma source(%arg19 : memref<80x128xf32, #tpu.memory_space<vmem>>) target(%dma_start3A_886 : memref<80x128xf32, #tpu.memory_space<hbm>>) target_semaphore(%arg30 : memref<!tpu.dma_semaphore, #tpu.memory_space<semaphore_mem>>)
      %mul3A_887 = arith.constant 2 : i32
      %mul3A_888 = arith.muli %mul3A_887, %scan3A_365 : i32
      %add3A_889 = arith.constant 1 : i32
      %add3A_890 = arith.addi %mul3A_888, %add3A_889 : i32
      %dma_wait3A_891 = arith.constant 0 : i32
      %dma_wait3A_892 = arith.constant 0 : i32
      %dma_wait3A_893 = tpu.memref_slice %arg3[%dma_wait3A_891, %dma_wait3A_892] : memref<100000x128xf32, #tpu.memory_space<hbm>> -> memref<100000x128xf32, #tpu.memory_space<hbm>>
      tpu.wait_indirect_dma semaphore(%arg27 : memref<!tpu.dma_semaphore, #tpu.memory_space<semaphore_mem>>) src(%dma_wait3A_893 : memref<100000x128xf32, #tpu.memory_space<hbm>>) dst(%arg20 : memref<80x128xf32, #tpu.memory_space<vmem>>)
      %lt3A_894 = arith.constant 9 : i32
      %lt3A_895 = arith.cmpi slt, %scan3A_365, %lt3A_894 : i32
      %convert_element_type3A_896 = arith.extui %lt3A_895 : i1 to i32
      %cond3A_897 = arith.constant 0 : i32
      %cond3A_898 = arith.cmpi ne, %convert_element_type3A_896, %cond3A_897 : i32
      scf.if %cond3A_898 {
        %dma_wait3A_1091 = arith.constant 0 : i32
        %dma_wait3A_1092 = arith.constant 0 : i32
        %dma_wait3A_1093 = tpu.memref_slice %arg5[%dma_wait3A_1091, %dma_wait3A_1092] : memref<100000x16xi32, #tpu.memory_space<hbm>> -> memref<100000x16xi32, #tpu.memory_space<hbm>>
        tpu.wait_indirect_dma semaphore(%arg28 : memref<!tpu.dma_semaphore, #tpu.memory_space<semaphore_mem>>) src(%dma_wait3A_1093 : memref<100000x16xi32, #tpu.memory_space<hbm>>) dst(%arg9 : memref<80x16xi32, #tpu.memory_space<vmem>>)
        %iota3A_1094 = tpu.iota {dimensions = array<i32: 0>} : vector<16xi32>
        %add3A_1095 = arith.constant 0 : i32
        %add3A_1096 = vector.broadcast %add3A_1095 : i32 to vector<16xi32>
        %add3A_1097 = arith.addi %add3A_1096, %iota3A_1094 : vector<16xi32>
        %broadcast_in_dim3A_1098 = arith.constant 0 : i32
        %broadcast_in_dim3A_1099 = vector.broadcast %broadcast_in_dim3A_1098 : i32 to vector<16xi32>
        %gather3A_1100 = tpu.vector_load_idx %arg9[%add3A_1097, %broadcast_in_dim3A_1099] : memref<80x16xi32, #tpu.memory_space<vmem>>[vector<16xi32>, vector<16xi32>], vector<16xi32>,
        %broadcast_in_dim3A_1101 = arith.constant 4 : i32
        %broadcast_in_dim3A_1102 = vector.broadcast %broadcast_in_dim3A_1101 : i32 to vector<16xi32>
        %gather3A_1103 = tpu.vector_load_idx %arg9[%add3A_1097, %broadcast_in_dim3A_1102] : memref<80x16xi32, #tpu.memory_space<vmem>>[vector<16xi32>, vector<16xi32>], vector<16xi32>,
        %swap3A_1104 = arith.constant 0 : index
        %swap3A_1105 = tpu.vector_load %arg11[%swap3A_1104] {strides = array<i32>} : memref<80xi32, #tpu.memory_space<vmem>>, vector<16xi32>,
        tpu.vector_store %arg11[%swap3A_1104], %gather3A_1100 {strides = array<i32>} : memref<80xi32, #tpu.memory_space<vmem>>, vector<16xi32>,
        %broadcast_in_dim3A_1106 = arith.constant 1 : i32
        %broadcast_in_dim3A_1107 = vector.broadcast %broadcast_in_dim3A_1106 : i32 to vector<16xi32>
        %gather3A_1108 = tpu.vector_load_idx %arg9[%add3A_1097, %broadcast_in_dim3A_1107] : memref<80x16xi32, #tpu.memory_space<vmem>>[vector<16xi32>, vector<16xi32>], vector<16xi32>,
        %broadcast_in_dim3A_1109 = arith.constant 5 : i32
        %broadcast_in_dim3A_1110 = vector.broadcast %broadcast_in_dim3A_1109 : i32 to vector<16xi32>
        %gather3A_1111 = tpu.vector_load_idx %arg9[%add3A_1097, %broadcast_in_dim3A_1110] : memref<80x16xi32, #tpu.memory_space<vmem>>[vector<16xi32>, vector<16xi32>], vector<16xi32>,
        %swap3A_1112 = arith.constant 0 : index
        %swap3A_1113 = tpu.vector_load %arg12[%swap3A_1112] {strides = array<i32>} : memref<80xi32, #tpu.memory_space<vmem>>, vector<16xi32>,
        tpu.vector_store %arg12[%swap3A_1112], %gather3A_1108 {strides = array<i32>} : memref<80xi32, #tpu.memory_space<vmem>>, vector<16xi32>,
        %broadcast_in_dim3A_1114 = arith.constant 2 : i32
        %broadcast_in_dim3A_1115 = vector.broadcast %broadcast_in_dim3A_1114 : i32 to vector<16xi32>
        %gather3A_1116 = tpu.vector_load_idx %arg9[%add3A_1097, %broadcast_in_dim3A_1115] : memref<80x16xi32, #tpu.memory_space<vmem>>[vector<16xi32>, vector<16xi32>], vector<16xi32>,
        %broadcast_in_dim3A_1117 = arith.constant 6 : i32
        %broadcast_in_dim3A_1118 = vector.broadcast %broadcast_in_dim3A_1117 : i32 to vector<16xi32>
        %gather3A_1119 = tpu.vector_load_idx %arg9[%add3A_1097, %broadcast_in_dim3A_1118] : memref<80x16xi32, #tpu.memory_space<vmem>>[vector<16xi32>, vector<16xi32>], vector<16xi32>,
        %swap3A_1120 = arith.constant 0 : index
        %swap3A_1121 = tpu.vector_load %arg13[%swap3A_1120] {strides = array<i32>} : memref<80xi32, #tpu.memory_space<vmem>>, vector<16xi32>,
        tpu.vector_store %arg13[%swap3A_1120], %gather3A_1116 {strides = array<i32>} : memref<80xi32, #tpu.memory_space<vmem>>, vector<16xi32>,
        %broadcast_in_dim3A_1122 = arith.constant 3 : i32
        %broadcast_in_dim3A_1123 = vector.broadcast %broadcast_in_dim3A_1122 : i32 to vector<16xi32>
        %gather3A_1124 = tpu.vector_load_idx %arg9[%add3A_1097, %broadcast_in_dim3A_1123] : memref<80x16xi32, #tpu.memory_space<vmem>>[vector<16xi32>, vector<16xi32>], vector<16xi32>,
        %broadcast_in_dim3A_1125 = arith.constant 7 : i32
        %broadcast_in_dim3A_1126 = vector.broadcast %broadcast_in_dim3A_1125 : i32 to vector<16xi32>
        %gather3A_1127 = tpu.vector_load_idx %arg9[%add3A_1097, %broadcast_in_dim3A_1126] : memref<80x16xi32, #tpu.memory_space<vmem>>[vector<16xi32>, vector<16xi32>], vector<16xi32>,
        %swap3A_1128 = arith.constant 0 : index
        %swap3A_1129 = tpu.vector_load %arg14[%swap3A_1128] {strides = array<i32>} : memref<80xi32, #tpu.memory_space<vmem>>, vector<16xi32>,
        tpu.vector_store %arg14[%swap3A_1128], %gather3A_1124 {strides = array<i32>} : memref<80xi32, #tpu.memory_space<vmem>>, vector<16xi32>,
        %add3A_1130 = arith.addi %gather3A_1103, %gather3A_1111 : vector<16xi32>
        %add3A_1131 = arith.addi %add3A_1130, %gather3A_1119 : vector<16xi32>
        %add3A_1132 = arith.addi %add3A_1131, %gather3A_1127 : vector<16xi32>
        %convert_element_type3A_1133 = arith.sitofp %add3A_1132 : vector<16xi32> to vector<16xf32>
        %div3A_1134 = arith.constant 1.000000e+00 : f32
        %div3A_1135 = vector.broadcast %div3A_1134 : f32 to vector<16xf32>
        %div3A_1136 = arith.divf %div3A_1135, %convert_element_type3A_1133 : vector<16xf32>
        %convert_element_type3A_1137 = arith.sitofp %gather3A_1103 : vector<16xi32> to vector<16xf32>
        %mul3A_1138 = arith.mulf %convert_element_type3A_1137, %div3A_1136 : vector<16xf32>
        %swap3A_1139 = arith.constant 0 : i32
        %swap3A_1140 = arith.index_cast %swap3A_1139 : i32 to index
        %swap3A_1141 = arith.constant 0 : index
        %swap3A_1142 = tpu.vector_load %arg24[%swap3A_1140, %swap3A_1141] {strides = array<i32>} : memref<4x80xf32, #tpu.memory_space<vmem>>, vector<16xf32>,
        tpu.vector_store %arg24[%swap3A_1140, %swap3A_1141], %mul3A_1138 {strides = array<i32>} : memref<4x80xf32, #tpu.memory_space<vmem>>, vector<16xf32>,
        %convert_element_type3A_1143 = arith.sitofp %gather3A_1111 : vector<16xi32> to vector<16xf32>
        %mul3A_1144 = arith.mulf %convert_element_type3A_1143, %div3A_1136 : vector<16xf32>
        %swap3A_1145 = arith.constant 1 : i32
        %swap3A_1146 = arith.index_cast %swap3A_1145 : i32 to index
        %swap3A_1147 = arith.constant 0 : index
        %swap3A_1148 = tpu.vector_load %arg24[%swap3A_1146, %swap3A_1147] {strides = array<i32>} : memref<4x80xf32, #tpu.memory_space<vmem>>, vector<16xf32>,
        tpu.vector_store %arg24[%swap3A_1146, %swap3A_1147], %mul3A_1144 {strides = array<i32>} : memref<4x80xf32, #tpu.memory_space<vmem>>, vector<16xf32>,
        %convert_element_type3A_1149 = arith.sitofp %gather3A_1119 : vector<16xi32> to vector<16xf32>
        %mul3A_1150 = arith.mulf %convert_element_type3A_1149, %div3A_1136 : vector<16xf32>
        %swap3A_1151 = arith.constant 2 : i32
        %swap3A_1152 = arith.index_cast %swap3A_1151 : i32 to index
        %swap3A_1153 = arith.constant 0 : index
        %swap3A_1154 = tpu.vector_load %arg24[%swap3A_1152, %swap3A_1153] {strides = array<i32>} : memref<4x80xf32, #tpu.memory_space<vmem>>, vector<16xf32>,
        tpu.vector_store %arg24[%swap3A_1152, %swap3A_1153], %mul3A_1150 {strides = array<i32>} : memref<4x80xf32, #tpu.memory_space<vmem>>, vector<16xf32>,
        %convert_element_type3A_1155 = arith.sitofp %gather3A_1127 : vector<16xi32> to vector<16xf32>
        %mul3A_1156 = arith.mulf %convert_element_type3A_1155, %div3A_1136 : vector<16xf32>
        %swap3A_1157 = arith.constant 3 : i32
        %swap3A_1158 = arith.index_cast %swap3A_1157 : i32 to index
        %swap3A_1159 = arith.constant 0 : index
        %swap3A_1160 = tpu.vector_load %arg24[%swap3A_1158, %swap3A_1159] {strides = array<i32>} : memref<4x80xf32, #tpu.memory_space<vmem>>, vector<16xf32>,
        tpu.vector_store %arg24[%swap3A_1158, %swap3A_1159], %mul3A_1156 {strides = array<i32>} : memref<4x80xf32, #tpu.memory_space<vmem>>, vector<16xf32>,
        %iota3A_1161 = tpu.iota {dimensions = array<i32: 0>} : vector<16xi32>
        %add3A_1162 = arith.constant 16 : i32
        %add3A_1163 = vector.broadcast %add3A_1162 : i32 to vector<16xi32>
        %add3A_1164 = arith.addi %add3A_1163, %iota3A_1161 : vector<16xi32>
        %broadcast_in_dim3A_1165 = arith.constant 0 : i32
        %broadcast_in_dim3A_1166 = vector.broadcast %broadcast_in_dim3A_1165 : i32 to vector<16xi32>
        %gather3A_1167 = tpu.vector_load_idx %arg9[%add3A_1164, %broadcast_in_dim3A_1166] : memref<80x16xi32, #tpu.memory_space<vmem>>[vector<16xi32>, vector<16xi32>], vector<16xi32>,
        %broadcast_in_dim3A_1168 = arith.constant 4 : i32
        %broadcast_in_dim3A_1169 = vector.broadcast %broadcast_in_dim3A_1168 : i32 to vector<16xi32>
        %gather3A_1170 = tpu.vector_load_idx %arg9[%add3A_1164, %broadcast_in_dim3A_1169] : memref<80x16xi32, #tpu.memory_space<vmem>>[vector<16xi32>, vector<16xi32>], vector<16xi32>,
        %swap3A_1171 = arith.constant 16 : index
        %swap3A_1172 = tpu.vector_load %arg11[%swap3A_1171] {strides = array<i32>} : memref<80xi32, #tpu.memory_space<vmem>>, vector<16xi32>,
        tpu.vector_store %arg11[%swap3A_1171], %gather3A_1167 {strides = array<i32>} : memref<80xi32, #tpu.memory_space<vmem>>, vector<16xi32>,
        %broadcast_in_dim3A_1173 = arith.constant 1 : i32
        %broadcast_in_dim3A_1174 = vector.broadcast %broadcast_in_dim3A_1173 : i32 to vector<16xi32>
        %gather3A_1175 = tpu.vector_load_idx %arg9[%add3A_1164, %broadcast_in_dim3A_1174] : memref<80x16xi32, #tpu.memory_space<vmem>>[vector<16xi32>, vector<16xi32>], vector<16xi32>,
        %broadcast_in_dim3A_1176 = arith.constant 5 : i32
        %broadcast_in_dim3A_1177 = vector.broadcast %broadcast_in_dim3A_1176 : i32 to vector<16xi32>
        %gather3A_1178 = tpu.vector_load_idx %arg9[%add3A_1164, %broadcast_in_dim3A_1177] : memref<80x16xi32, #tpu.memory_space<vmem>>[vector<16xi32>, vector<16xi32>], vector<16xi32>,
        %swap3A_1179 = arith.constant 16 : index
        %swap3A_1180 = tpu.vector_load %arg12[%swap3A_1179] {strides = array<i32>} : memref<80xi32, #tpu.memory_space<vmem>>, vector<16xi32>,
        tpu.vector_store %arg12[%swap3A_1179], %gather3A_1175 {strides = array<i32>} : memref<80xi32, #tpu.memory_space<vmem>>, vector<16xi32>,
        %broadcast_in_dim3A_1181 = arith.constant 2 : i32
        %broadcast_in_dim3A_1182 = vector.broadcast %broadcast_in_dim3A_1181 : i32 to vector<16xi32>
        %gather3A_1183 = tpu.vector_load_idx %arg9[%add3A_1164, %broadcast_in_dim3A_1182] : memref<80x16xi32, #tpu.memory_space<vmem>>[vector<16xi32>, vector<16xi32>], vector<16xi32>,
        %broadcast_in_dim3A_1184 = arith.constant 6 : i32
        %broadcast_in_dim3A_1185 = vector.broadcast %broadcast_in_dim3A_1184 : i32 to vector<16xi32>
        %gather3A_1186 = tpu.vector_load_idx %arg9[%add3A_1164, %broadcast_in_dim3A_1185] : memref<80x16xi32, #tpu.memory_space<vmem>>[vector<16xi32>, vector<16xi32>], vector<16xi32>,
        %swap3A_1187 = arith.constant 16 : index
        %swap3A_1188 = tpu.vector_load %arg13[%swap3A_1187] {strides = array<i32>} : memref<80xi32, #tpu.memory_space<vmem>>, vector<16xi32>,
        tpu.vector_store %arg13[%swap3A_1187], %gather3A_1183 {strides = array<i32>} : memref<80xi32, #tpu.memory_space<vmem>>, vector<16xi32>,
        %broadcast_in_dim3A_1189 = arith.constant 3 : i32
        %broadcast_in_dim3A_1190 = vector.broadcast %broadcast_in_dim3A_1189 : i32 to vector<16xi32>
        %gather3A_1191 = tpu.vector_load_idx %arg9[%add3A_1164, %broadcast_in_dim3A_1190] : memref<80x16xi32, #tpu.memory_space<vmem>>[vector<16xi32>, vector<16xi32>], vector<16xi32>,
        %broadcast_in_dim3A_1192 = arith.constant 7 : i32
        %broadcast_in_dim3A_1193 = vector.broadcast %broadcast_in_dim3A_1192 : i32 to vector<16xi32>
        %gather3A_1194 = tpu.vector_load_idx %arg9[%add3A_1164, %broadcast_in_dim3A_1193] : memref<80x16xi32, #tpu.memory_space<vmem>>[vector<16xi32>, vector<16xi32>], vector<16xi32>,
        %swap3A_1195 = arith.constant 16 : index
        %swap3A_1196 = tpu.vector_load %arg14[%swap3A_1195] {strides = array<i32>} : memref<80xi32, #tpu.memory_space<vmem>>, vector<16xi32>,
        tpu.vector_store %arg14[%swap3A_1195], %gather3A_1191 {strides = array<i32>} : memref<80xi32, #tpu.memory_space<vmem>>, vector<16xi32>,
        %add3A_1197 = arith.addi %gather3A_1170, %gather3A_1178 : vector<16xi32>
        %add3A_1198 = arith.addi %add3A_1197, %gather3A_1186 : vector<16xi32>
        %add3A_1199 = arith.addi %add3A_1198, %gather3A_1194 : vector<16xi32>
        %convert_element_type3A_1200 = arith.sitofp %add3A_1199 : vector<16xi32> to vector<16xf32>
        %div3A_1201 = arith.constant 1.000000e+00 : f32
        %div3A_1202 = vector.broadcast %div3A_1201 : f32 to vector<16xf32>
        %div3A_1203 = arith.divf %div3A_1202, %convert_element_type3A_1200 : vector<16xf32>
        %convert_element_type3A_1204 = arith.sitofp %gather3A_1170 : vector<16xi32> to vector<16xf32>
        %mul3A_1205 = arith.mulf %convert_element_type3A_1204, %div3A_1203 : vector<16xf32>
        %swap3A_1206 = arith.constant 0 : i32
        %swap3A_1207 = arith.index_cast %swap3A_1206 : i32 to index
        %swap3A_1208 = arith.constant 16 : index
        %swap3A_1209 = tpu.vector_load %arg24[%swap3A_1207, %swap3A_1208] {strides = array<i32>} : memref<4x80xf32, #tpu.memory_space<vmem>>, vector<16xf32>,
        tpu.vector_store %arg24[%swap3A_1207, %swap3A_1208], %mul3A_1205 {strides = array<i32>} : memref<4x80xf32, #tpu.memory_space<vmem>>, vector<16xf32>,
        %convert_element_type3A_1210 = arith.sitofp %gather3A_1178 : vector<16xi32> to vector<16xf32>
        %mul3A_1211 = arith.mulf %convert_element_type3A_1210, %div3A_1203 : vector<16xf32>
        %swap3A_1212 = arith.constant 1 : i32
        %swap3A_1213 = arith.index_cast %swap3A_1212 : i32 to index
        %swap3A_1214 = arith.constant 16 : index
        %swap3A_1215 = tpu.vector_load %arg24[%swap3A_1213, %swap3A_1214] {strides = array<i32>} : memref<4x80xf32, #tpu.memory_space<vmem>>, vector<16xf32>,
        tpu.vector_store %arg24[%swap3A_1213, %swap3A_1214], %mul3A_1211 {strides = array<i32>} : memref<4x80xf32, #tpu.memory_space<vmem>>, vector<16xf32>,
        %convert_element_type3A_1216 = arith.sitofp %gather3A_1186 : vector<16xi32> to vector<16xf32>
        %mul3A_1217 = arith.mulf %convert_element_type3A_1216, %div3A_1203 : vector<16xf32>
        %swap3A_1218 = arith.constant 2 : i32
        %swap3A_1219 = arith.index_cast %swap3A_1218 : i32 to index
        %swap3A_1220 = arith.constant 16 : index
        %swap3A_1221 = tpu.vector_load %arg24[%swap3A_1219, %swap3A_1220] {strides = array<i32>} : memref<4x80xf32, #tpu.memory_space<vmem>>, vector<16xf32>,
        tpu.vector_store %arg24[%swap3A_1219, %swap3A_1220], %mul3A_1217 {strides = array<i32>} : memref<4x80xf32, #tpu.memory_space<vmem>>, vector<16xf32>,
        %convert_element_type3A_1222 = arith.sitofp %gather3A_1194 : vector<16xi32> to vector<16xf32>
        %mul3A_1223 = arith.mulf %convert_element_type3A_1222, %div3A_1203 : vector<16xf32>
        %swap3A_1224 = arith.constant 3 : i32
        %swap3A_1225 = arith.index_cast %swap3A_1224 : i32 to index
        %swap3A_1226 = arith.constant 16 : index
        %swap3A_1227 = tpu.vector_load %arg24[%swap3A_1225, %swap3A_1226] {strides = array<i32>} : memref<4x80xf32, #tpu.memory_space<vmem>>, vector<16xf32>,
        tpu.vector_store %arg24[%swap3A_1225, %swap3A_1226], %mul3A_1223 {strides = array<i32>} : memref<4x80xf32, #tpu.memory_space<vmem>>, vector<16xf32>,
        %iota3A_1228 = tpu.iota {dimensions = array<i32: 0>} : vector<16xi32>
        %add3A_1229 = arith.constant 32 : i32
        %add3A_1230 = vector.broadcast %add3A_1229 : i32 to vector<16xi32>
        %add3A_1231 = arith.addi %add3A_1230, %iota3A_1228 : vector<16xi32>
        %broadcast_in_dim3A_1232 = arith.constant 0 : i32
        %broadcast_in_dim3A_1233 = vector.broadcast %broadcast_in_dim3A_1232 : i32 to vector<16xi32>
        %gather3A_1234 = tpu.vector_load_idx %arg9[%add3A_1231, %broadcast_in_dim3A_1233] : memref<80x16xi32, #tpu.memory_space<vmem>>[vector<16xi32>, vector<16xi32>], vector<16xi32>,
        %broadcast_in_dim3A_1235 = arith.constant 4 : i32
        %broadcast_in_dim3A_1236 = vector.broadcast %broadcast_in_dim3A_1235 : i32 to vector<16xi32>
        %gather3A_1237 = tpu.vector_load_idx %arg9[%add3A_1231, %broadcast_in_dim3A_1236] : memref<80x16xi32, #tpu.memory_space<vmem>>[vector<16xi32>, vector<16xi32>], vector<16xi32>,
        %swap3A_1238 = arith.constant 32 : index
        %swap3A_1239 = tpu.vector_load %arg11[%swap3A_1238] {strides = array<i32>} : memref<80xi32, #tpu.memory_space<vmem>>, vector<16xi32>,
        tpu.vector_store %arg11[%swap3A_1238], %gather3A_1234 {strides = array<i32>} : memref<80xi32, #tpu.memory_space<vmem>>, vector<16xi32>,
        %broadcast_in_dim3A_1240 = arith.constant 1 : i32
        %broadcast_in_dim3A_1241 = vector.broadcast %broadcast_in_dim3A_1240 : i32 to vector<16xi32>
        %gather3A_1242 = tpu.vector_load_idx %arg9[%add3A_1231, %broadcast_in_dim3A_1241] : memref<80x16xi32, #tpu.memory_space<vmem>>[vector<16xi32>, vector<16xi32>], vector<16xi32>,
        %broadcast_in_dim3A_1243 = arith.constant 5 : i32
        %broadcast_in_dim3A_1244 = vector.broadcast %broadcast_in_dim3A_1243 : i32 to vector<16xi32>
        %gather3A_1245 = tpu.vector_load_idx %arg9[%add3A_1231, %broadcast_in_dim3A_1244] : memref<80x16xi32, #tpu.memory_space<vmem>>[vector<16xi32>, vector<16xi32>], vector<16xi32>,
        %swap3A_1246 = arith.constant 32 : index
        %swap3A_1247 = tpu.vector_load %arg12[%swap3A_1246] {strides = array<i32>} : memref<80xi32, #tpu.memory_space<vmem>>, vector<16xi32>,
        tpu.vector_store %arg12[%swap3A_1246], %gather3A_1242 {strides = array<i32>} : memref<80xi32, #tpu.memory_space<vmem>>, vector<16xi32>,
        %broadcast_in_dim3A_1248 = arith.constant 2 : i32
        %broadcast_in_dim3A_1249 = vector.broadcast %broadcast_in_dim3A_1248 : i32 to vector<16xi32>
        %gather3A_1250 = tpu.vector_load_idx %arg9[%add3A_1231, %broadcast_in_dim3A_1249] : memref<80x16xi32, #tpu.memory_space<vmem>>[vector<16xi32>, vector<16xi32>], vector<16xi32>,
        %broadcast_in_dim3A_1251 = arith.constant 6 : i32
        %broadcast_in_dim3A_1252 = vector.broadcast %broadcast_in_dim3A_1251 : i32 to vector<16xi32>
        %gather3A_1253 = tpu.vector_load_idx %arg9[%add3A_1231, %broadcast_in_dim3A_1252] : memref<80x16xi32, #tpu.memory_space<vmem>>[vector<16xi32>, vector<16xi32>], vector<16xi32>,
        %swap3A_1254 = arith.constant 32 : index
        %swap3A_1255 = tpu.vector_load %arg13[%swap3A_1254] {strides = array<i32>} : memref<80xi32, #tpu.memory_space<vmem>>, vector<16xi32>,
        tpu.vector_store %arg13[%swap3A_1254], %gather3A_1250 {strides = array<i32>} : memref<80xi32, #tpu.memory_space<vmem>>, vector<16xi32>,
        %broadcast_in_dim3A_1256 = arith.constant 3 : i32
        %broadcast_in_dim3A_1257 = vector.broadcast %broadcast_in_dim3A_1256 : i32 to vector<16xi32>
        %gather3A_1258 = tpu.vector_load_idx %arg9[%add3A_1231, %broadcast_in_dim3A_1257] : memref<80x16xi32, #tpu.memory_space<vmem>>[vector<16xi32>, vector<16xi32>], vector<16xi32>,
        %broadcast_in_dim3A_1259 = arith.constant 7 : i32
        %broadcast_in_dim3A_1260 = vector.broadcast %broadcast_in_dim3A_1259 : i32 to vector<16xi32>
        %gather3A_1261 = tpu.vector_load_idx %arg9[%add3A_1231, %broadcast_in_dim3A_1260] : memref<80x16xi32, #tpu.memory_space<vmem>>[vector<16xi32>, vector<16xi32>], vector<16xi32>,
        %swap3A_1262 = arith.constant 32 : index
        %swap3A_1263 = tpu.vector_load %arg14[%swap3A_1262] {strides = array<i32>} : memref<80xi32, #tpu.memory_space<vmem>>, vector<16xi32>,
        tpu.vector_store %arg14[%swap3A_1262], %gather3A_1258 {strides = array<i32>} : memref<80xi32, #tpu.memory_space<vmem>>, vector<16xi32>,
        %add3A_1264 = arith.addi %gather3A_1237, %gather3A_1245 : vector<16xi32>
        %add3A_1265 = arith.addi %add3A_1264, %gather3A_1253 : vector<16xi32>
        %add3A_1266 = arith.addi %add3A_1265, %gather3A_1261 : vector<16xi32>
        %convert_element_type3A_1267 = arith.sitofp %add3A_1266 : vector<16xi32> to vector<16xf32>
        %div3A_1268 = arith.constant 1.000000e+00 : f32
        %div3A_1269 = vector.broadcast %div3A_1268 : f32 to vector<16xf32>
        %div3A_1270 = arith.divf %div3A_1269, %convert_element_type3A_1267 : vector<16xf32>
        %convert_element_type3A_1271 = arith.sitofp %gather3A_1237 : vector<16xi32> to vector<16xf32>
        %mul3A_1272 = arith.mulf %convert_element_type3A_1271, %div3A_1270 : vector<16xf32>
        %swap3A_1273 = arith.constant 0 : i32
        %swap3A_1274 = arith.index_cast %swap3A_1273 : i32 to index
        %swap3A_1275 = arith.constant 32 : index
        %swap3A_1276 = tpu.vector_load %arg24[%swap3A_1274, %swap3A_1275] {strides = array<i32>} : memref<4x80xf32, #tpu.memory_space<vmem>>, vector<16xf32>,
        tpu.vector_store %arg24[%swap3A_1274, %swap3A_1275], %mul3A_1272 {strides = array<i32>} : memref<4x80xf32, #tpu.memory_space<vmem>>, vector<16xf32>,
        %convert_element_type3A_1277 = arith.sitofp %gather3A_1245 : vector<16xi32> to vector<16xf32>
        %mul3A_1278 = arith.mulf %convert_element_type3A_1277, %div3A_1270 : vector<16xf32>
        %swap3A_1279 = arith.constant 1 : i32
        %swap3A_1280 = arith.index_cast %swap3A_1279 : i32 to index
        %swap3A_1281 = arith.constant 32 : index
        %swap3A_1282 = tpu.vector_load %arg24[%swap3A_1280, %swap3A_1281] {strides = array<i32>} : memref<4x80xf32, #tpu.memory_space<vmem>>, vector<16xf32>,
        tpu.vector_store %arg24[%swap3A_1280, %swap3A_1281], %mul3A_1278 {strides = array<i32>} : memref<4x80xf32, #tpu.memory_space<vmem>>, vector<16xf32>,
        %convert_element_type3A_1283 = arith.sitofp %gather3A_1253 : vector<16xi32> to vector<16xf32>
        %mul3A_1284 = arith.mulf %convert_element_type3A_1283, %div3A_1270 : vector<16xf32>
        %swap3A_1285 = arith.constant 2 : i32
        %swap3A_1286 = arith.index_cast %swap3A_1285 : i32 to index
        %swap3A_1287 = arith.constant 32 : index
        %swap3A_1288 = tpu.vector_load %arg24[%swap3A_1286, %swap3A_1287] {strides = array<i32>} : memref<4x80xf32, #tpu.memory_space<vmem>>, vector<16xf32>,
        tpu.vector_store %arg24[%swap3A_1286, %swap3A_1287], %mul3A_1284 {strides = array<i32>} : memref<4x80xf32, #tpu.memory_space<vmem>>, vector<16xf32>,
        %convert_element_type3A_1289 = arith.sitofp %gather3A_1261 : vector<16xi32> to vector<16xf32>
        %mul3A_1290 = arith.mulf %convert_element_type3A_1289, %div3A_1270 : vector<16xf32>
        %swap3A_1291 = arith.constant 3 : i32
        %swap3A_1292 = arith.index_cast %swap3A_1291 : i32 to index
        %swap3A_1293 = arith.constant 32 : index
        %swap3A_1294 = tpu.vector_load %arg24[%swap3A_1292, %swap3A_1293] {strides = array<i32>} : memref<4x80xf32, #tpu.memory_space<vmem>>, vector<16xf32>,
        tpu.vector_store %arg24[%swap3A_1292, %swap3A_1293], %mul3A_1290 {strides = array<i32>} : memref<4x80xf32, #tpu.memory_space<vmem>>, vector<16xf32>,
        %iota3A_1295 = tpu.iota {dimensions = array<i32: 0>} : vector<16xi32>
        %add3A_1296 = arith.constant 48 : i32
        %add3A_1297 = vector.broadcast %add3A_1296 : i32 to vector<16xi32>
        %add3A_1298 = arith.addi %add3A_1297, %iota3A_1295 : vector<16xi32>
        %broadcast_in_dim3A_1299 = arith.constant 0 : i32
        %broadcast_in_dim3A_1300 = vector.broadcast %broadcast_in_dim3A_1299 : i32 to vector<16xi32>
        %gather3A_1301 = tpu.vector_load_idx %arg9[%add3A_1298, %broadcast_in_dim3A_1300] : memref<80x16xi32, #tpu.memory_space<vmem>>[vector<16xi32>, vector<16xi32>], vector<16xi32>,
        %broadcast_in_dim3A_1302 = arith.constant 4 : i32
        %broadcast_in_dim3A_1303 = vector.broadcast %broadcast_in_dim3A_1302 : i32 to vector<16xi32>
        %gather3A_1304 = tpu.vector_load_idx %arg9[%add3A_1298, %broadcast_in_dim3A_1303] : memref<80x16xi32, #tpu.memory_space<vmem>>[vector<16xi32>, vector<16xi32>], vector<16xi32>,
        %swap3A_1305 = arith.constant 48 : index
        %swap3A_1306 = tpu.vector_load %arg11[%swap3A_1305] {strides = array<i32>} : memref<80xi32, #tpu.memory_space<vmem>>, vector<16xi32>,
        tpu.vector_store %arg11[%swap3A_1305], %gather3A_1301 {strides = array<i32>} : memref<80xi32, #tpu.memory_space<vmem>>, vector<16xi32>,
        %broadcast_in_dim3A_1307 = arith.constant 1 : i32
        %broadcast_in_dim3A_1308 = vector.broadcast %broadcast_in_dim3A_1307 : i32 to vector<16xi32>
        %gather3A_1309 = tpu.vector_load_idx %arg9[%add3A_1298, %broadcast_in_dim3A_1308] : memref<80x16xi32, #tpu.memory_space<vmem>>[vector<16xi32>, vector<16xi32>], vector<16xi32>,
        %broadcast_in_dim3A_1310 = arith.constant 5 : i32
        %broadcast_in_dim3A_1311 = vector.broadcast %broadcast_in_dim3A_1310 : i32 to vector<16xi32>
        %gather3A_1312 = tpu.vector_load_idx %arg9[%add3A_1298, %broadcast_in_dim3A_1311] : memref<80x16xi32, #tpu.memory_space<vmem>>[vector<16xi32>, vector<16xi32>], vector<16xi32>,
        %swap3A_1313 = arith.constant 48 : index
        %swap3A_1314 = tpu.vector_load %arg12[%swap3A_1313] {strides = array<i32>} : memref<80xi32, #tpu.memory_space<vmem>>, vector<16xi32>,
        tpu.vector_store %arg12[%swap3A_1313], %gather3A_1309 {strides = array<i32>} : memref<80xi32, #tpu.memory_space<vmem>>, vector<16xi32>,
        %broadcast_in_dim3A_1315 = arith.constant 2 : i32
        %broadcast_in_dim3A_1316 = vector.broadcast %broadcast_in_dim3A_1315 : i32 to vector<16xi32>
        %gather3A_1317 = tpu.vector_load_idx %arg9[%add3A_1298, %broadcast_in_dim3A_1316] : memref<80x16xi32, #tpu.memory_space<vmem>>[vector<16xi32>, vector<16xi32>], vector<16xi32>,
        %broadcast_in_dim3A_1318 = arith.constant 6 : i32
        %broadcast_in_dim3A_1319 = vector.broadcast %broadcast_in_dim3A_1318 : i32 to vector<16xi32>
        %gather3A_1320 = tpu.vector_load_idx %arg9[%add3A_1298, %broadcast_in_dim3A_1319] : memref<80x16xi32, #tpu.memory_space<vmem>>[vector<16xi32>, vector<16xi32>], vector<16xi32>,
        %swap3A_1321 = arith.constant 48 : index
        %swap3A_1322 = tpu.vector_load %arg13[%swap3A_1321] {strides = array<i32>} : memref<80xi32, #tpu.memory_space<vmem>>, vector<16xi32>,
        tpu.vector_store %arg13[%swap3A_1321], %gather3A_1317 {strides = array<i32>} : memref<80xi32, #tpu.memory_space<vmem>>, vector<16xi32>,
        %broadcast_in_dim3A_1323 = arith.constant 3 : i32
        %broadcast_in_dim3A_1324 = vector.broadcast %broadcast_in_dim3A_1323 : i32 to vector<16xi32>
        %gather3A_1325 = tpu.vector_load_idx %arg9[%add3A_1298, %broadcast_in_dim3A_1324] : memref<80x16xi32, #tpu.memory_space<vmem>>[vector<16xi32>, vector<16xi32>], vector<16xi32>,
        %broadcast_in_dim3A_1326 = arith.constant 7 : i32
        %broadcast_in_dim3A_1327 = vector.broadcast %broadcast_in_dim3A_1326 : i32 to vector<16xi32>
        %gather3A_1328 = tpu.vector_load_idx %arg9[%add3A_1298, %broadcast_in_dim3A_1327] : memref<80x16xi32, #tpu.memory_space<vmem>>[vector<16xi32>, vector<16xi32>], vector<16xi32>,
        %swap3A_1329 = arith.constant 48 : index
        %swap3A_1330 = tpu.vector_load %arg14[%swap3A_1329] {strides = array<i32>} : memref<80xi32, #tpu.memory_space<vmem>>, vector<16xi32>,
        tpu.vector_store %arg14[%swap3A_1329], %gather3A_1325 {strides = array<i32>} : memref<80xi32, #tpu.memory_space<vmem>>, vector<16xi32>,
        %add3A_1331 = arith.addi %gather3A_1304, %gather3A_1312 : vector<16xi32>
        %add3A_1332 = arith.addi %add3A_1331, %gather3A_1320 : vector<16xi32>
        %add3A_1333 = arith.addi %add3A_1332, %gather3A_1328 : vector<16xi32>
        %convert_element_type3A_1334 = arith.sitofp %add3A_1333 : vector<16xi32> to vector<16xf32>
        %div3A_1335 = arith.constant 1.000000e+00 : f32
        %div3A_1336 = vector.broadcast %div3A_1335 : f32 to vector<16xf32>
        %div3A_1337 = arith.divf %div3A_1336, %convert_element_type3A_1334 : vector<16xf32>
        %convert_element_type3A_1338 = arith.sitofp %gather3A_1304 : vector<16xi32> to vector<16xf32>
        %mul3A_1339 = arith.mulf %convert_element_type3A_1338, %div3A_1337 : vector<16xf32>
        %swap3A_1340 = arith.constant 0 : i32
        %swap3A_1341 = arith.index_cast %swap3A_1340 : i32 to index
        %swap3A_1342 = arith.constant 48 : index
        %swap3A_1343 = tpu.vector_load %arg24[%swap3A_1341, %swap3A_1342] {strides = array<i32>} : memref<4x80xf32, #tpu.memory_space<vmem>>, vector<16xf32>,
        tpu.vector_store %arg24[%swap3A_1341, %swap3A_1342], %mul3A_1339 {strides = array<i32>} : memref<4x80xf32, #tpu.memory_space<vmem>>, vector<16xf32>,
        %convert_element_type3A_1344 = arith.sitofp %gather3A_1312 : vector<16xi32> to vector<16xf32>
        %mul3A_1345 = arith.mulf %convert_element_type3A_1344, %div3A_1337 : vector<16xf32>
        %swap3A_1346 = arith.constant 1 : i32
        %swap3A_1347 = arith.index_cast %swap3A_1346 : i32 to index
        %swap3A_1348 = arith.constant 48 : index
        %swap3A_1349 = tpu.vector_load %arg24[%swap3A_1347, %swap3A_1348] {strides = array<i32>} : memref<4x80xf32, #tpu.memory_space<vmem>>, vector<16xf32>,
        tpu.vector_store %arg24[%swap3A_1347, %swap3A_1348], %mul3A_1345 {strides = array<i32>} : memref<4x80xf32, #tpu.memory_space<vmem>>, vector<16xf32>,
        %convert_element_type3A_1350 = arith.sitofp %gather3A_1320 : vector<16xi32> to vector<16xf32>
        %mul3A_1351 = arith.mulf %convert_element_type3A_1350, %div3A_1337 : vector<16xf32>
        %swap3A_1352 = arith.constant 2 : i32
        %swap3A_1353 = arith.index_cast %swap3A_1352 : i32 to index
        %swap3A_1354 = arith.constant 48 : index
        %swap3A_1355 = tpu.vector_load %arg24[%swap3A_1353, %swap3A_1354] {strides = array<i32>} : memref<4x80xf32, #tpu.memory_space<vmem>>, vector<16xf32>,
        tpu.vector_store %arg24[%swap3A_1353, %swap3A_1354], %mul3A_1351 {strides = array<i32>} : memref<4x80xf32, #tpu.memory_space<vmem>>, vector<16xf32>,
        %convert_element_type3A_1356 = arith.sitofp %gather3A_1328 : vector<16xi32> to vector<16xf32>
        %mul3A_1357 = arith.mulf %convert_element_type3A_1356, %div3A_1337 : vector<16xf32>
        %swap3A_1358 = arith.constant 3 : i32
        %swap3A_1359 = arith.index_cast %swap3A_1358 : i32 to index
        %swap3A_1360 = arith.constant 48 : index
        %swap3A_1361 = tpu.vector_load %arg24[%swap3A_1359, %swap3A_1360] {strides = array<i32>} : memref<4x80xf32, #tpu.memory_space<vmem>>, vector<16xf32>,
        tpu.vector_store %arg24[%swap3A_1359, %swap3A_1360], %mul3A_1357 {strides = array<i32>} : memref<4x80xf32, #tpu.memory_space<vmem>>, vector<16xf32>,
        %iota3A_1362 = tpu.iota {dimensions = array<i32: 0>} : vector<16xi32>
        %add3A_1363 = arith.constant 64 : i32
        %add3A_1364 = vector.broadcast %add3A_1363 : i32 to vector<16xi32>
        %add3A_1365 = arith.addi %add3A_1364, %iota3A_1362 : vector<16xi32>
        %broadcast_in_dim3A_1366 = arith.constant 0 : i32
        %broadcast_in_dim3A_1367 = vector.broadcast %broadcast_in_dim3A_1366 : i32 to vector<16xi32>
        %gather3A_1368 = tpu.vector_load_idx %arg9[%add3A_1365, %broadcast_in_dim3A_1367] : memref<80x16xi32, #tpu.memory_space<vmem>>[vector<16xi32>, vector<16xi32>], vector<16xi32>,
        %broadcast_in_dim3A_1369 = arith.constant 4 : i32
        %broadcast_in_dim3A_1370 = vector.broadcast %broadcast_in_dim3A_1369 : i32 to vector<16xi32>
        %gather3A_1371 = tpu.vector_load_idx %arg9[%add3A_1365, %broadcast_in_dim3A_1370] : memref<80x16xi32, #tpu.memory_space<vmem>>[vector<16xi32>, vector<16xi32>], vector<16xi32>,
        %swap3A_1372 = arith.constant 64 : index
        %swap3A_1373 = tpu.vector_load %arg11[%swap3A_1372] {strides = array<i32>} : memref<80xi32, #tpu.memory_space<vmem>>, vector<16xi32>,
        tpu.vector_store %arg11[%swap3A_1372], %gather3A_1368 {strides = array<i32>} : memref<80xi32, #tpu.memory_space<vmem>>, vector<16xi32>,
        %broadcast_in_dim3A_1374 = arith.constant 1 : i32
        %broadcast_in_dim3A_1375 = vector.broadcast %broadcast_in_dim3A_1374 : i32 to vector<16xi32>
        %gather3A_1376 = tpu.vector_load_idx %arg9[%add3A_1365, %broadcast_in_dim3A_1375] : memref<80x16xi32, #tpu.memory_space<vmem>>[vector<16xi32>, vector<16xi32>], vector<16xi32>,
        %broadcast_in_dim3A_1377 = arith.constant 5 : i32
        %broadcast_in_dim3A_1378 = vector.broadcast %broadcast_in_dim3A_1377 : i32 to vector<16xi32>
        %gather3A_1379 = tpu.vector_load_idx %arg9[%add3A_1365, %broadcast_in_dim3A_1378] : memref<80x16xi32, #tpu.memory_space<vmem>>[vector<16xi32>, vector<16xi32>], vector<16xi32>,
        %swap3A_1380 = arith.constant 64 : index
        %swap3A_1381 = tpu.vector_load %arg12[%swap3A_1380] {strides = array<i32>} : memref<80xi32, #tpu.memory_space<vmem>>, vector<16xi32>,
        tpu.vector_store %arg12[%swap3A_1380], %gather3A_1376 {strides = array<i32>} : memref<80xi32, #tpu.memory_space<vmem>>, vector<16xi32>,
        %broadcast_in_dim3A_1382 = arith.constant 2 : i32
        %broadcast_in_dim3A_1383 = vector.broadcast %broadcast_in_dim3A_1382 : i32 to vector<16xi32>
        %gather3A_1384 = tpu.vector_load_idx %arg9[%add3A_1365, %broadcast_in_dim3A_1383] : memref<80x16xi32, #tpu.memory_space<vmem>>[vector<16xi32>, vector<16xi32>], vector<16xi32>,
        %broadcast_in_dim3A_1385 = arith.constant 6 : i32
        %broadcast_in_dim3A_1386 = vector.broadcast %broadcast_in_dim3A_1385 : i32 to vector<16xi32>
        %gather3A_1387 = tpu.vector_load_idx %arg9[%add3A_1365, %broadcast_in_dim3A_1386] : memref<80x16xi32, #tpu.memory_space<vmem>>[vector<16xi32>, vector<16xi32>], vector<16xi32>,
        %swap3A_1388 = arith.constant 64 : index
        %swap3A_1389 = tpu.vector_load %arg13[%swap3A_1388] {strides = array<i32>} : memref<80xi32, #tpu.memory_space<vmem>>, vector<16xi32>,
        tpu.vector_store %arg13[%swap3A_1388], %gather3A_1384 {strides = array<i32>} : memref<80xi32, #tpu.memory_space<vmem>>, vector<16xi32>,
        %broadcast_in_dim3A_1390 = arith.constant 3 : i32
        %broadcast_in_dim3A_1391 = vector.broadcast %broadcast_in_dim3A_1390 : i32 to vector<16xi32>
        %gather3A_1392 = tpu.vector_load_idx %arg9[%add3A_1365, %broadcast_in_dim3A_1391] : memref<80x16xi32, #tpu.memory_space<vmem>>[vector<16xi32>, vector<16xi32>], vector<16xi32>,
        %broadcast_in_dim3A_1393 = arith.constant 7 : i32
        %broadcast_in_dim3A_1394 = vector.broadcast %broadcast_in_dim3A_1393 : i32 to vector<16xi32>
        %gather3A_1395 = tpu.vector_load_idx %arg9[%add3A_1365, %broadcast_in_dim3A_1394] : memref<80x16xi32, #tpu.memory_space<vmem>>[vector<16xi32>, vector<16xi32>], vector<16xi32>,
        %swap3A_1396 = arith.constant 64 : index
        %swap3A_1397 = tpu.vector_load %arg14[%swap3A_1396] {strides = array<i32>} : memref<80xi32, #tpu.memory_space<vmem>>, vector<16xi32>,
        tpu.vector_store %arg14[%swap3A_1396], %gather3A_1392 {strides = array<i32>} : memref<80xi32, #tpu.memory_space<vmem>>, vector<16xi32>,
        %add3A_1398 = arith.addi %gather3A_1371, %gather3A_1379 : vector<16xi32>
        %add3A_1399 = arith.addi %add3A_1398, %gather3A_1387 : vector<16xi32>
        %add3A_1400 = arith.addi %add3A_1399, %gather3A_1395 : vector<16xi32>
        %convert_element_type3A_1401 = arith.sitofp %add3A_1400 : vector<16xi32> to vector<16xf32>
        %div3A_1402 = arith.constant 1.000000e+00 : f32
        %div3A_1403 = vector.broadcast %div3A_1402 : f32 to vector<16xf32>
        %div3A_1404 = arith.divf %div3A_1403, %convert_element_type3A_1401 : vector<16xf32>
        %convert_element_type3A_1405 = arith.sitofp %gather3A_1371 : vector<16xi32> to vector<16xf32>
        %mul3A_1406 = arith.mulf %convert_element_type3A_1405, %div3A_1404 : vector<16xf32>
        %swap3A_1407 = arith.constant 0 : i32
        %swap3A_1408 = arith.index_cast %swap3A_1407 : i32 to index
        %swap3A_1409 = arith.constant 64 : index
        %swap3A_1410 = tpu.vector_load %arg24[%swap3A_1408, %swap3A_1409] {strides = array<i32>} : memref<4x80xf32, #tpu.memory_space<vmem>>, vector<16xf32>,
        tpu.vector_store %arg24[%swap3A_1408, %swap3A_1409], %mul3A_1406 {strides = array<i32>} : memref<4x80xf32, #tpu.memory_space<vmem>>, vector<16xf32>,
        %convert_element_type3A_1411 = arith.sitofp %gather3A_1379 : vector<16xi32> to vector<16xf32>
        %mul3A_1412 = arith.mulf %convert_element_type3A_1411, %div3A_1404 : vector<16xf32>
        %swap3A_1413 = arith.constant 1 : i32
        %swap3A_1414 = arith.index_cast %swap3A_1413 : i32 to index
        %swap3A_1415 = arith.constant 64 : index
        %swap3A_1416 = tpu.vector_load %arg24[%swap3A_1414, %swap3A_1415] {strides = array<i32>} : memref<4x80xf32, #tpu.memory_space<vmem>>, vector<16xf32>,
        tpu.vector_store %arg24[%swap3A_1414, %swap3A_1415], %mul3A_1412 {strides = array<i32>} : memref<4x80xf32, #tpu.memory_space<vmem>>, vector<16xf32>,
        %convert_element_type3A_1417 = arith.sitofp %gather3A_1387 : vector<16xi32> to vector<16xf32>
        %mul3A_1418 = arith.mulf %convert_element_type3A_1417, %div3A_1404 : vector<16xf32>
        %swap3A_1419 = arith.constant 2 : i32
        %swap3A_1420 = arith.index_cast %swap3A_1419 : i32 to index
        %swap3A_1421 = arith.constant 64 : index
        %swap3A_1422 = tpu.vector_load %arg24[%swap3A_1420, %swap3A_1421] {strides = array<i32>} : memref<4x80xf32, #tpu.memory_space<vmem>>, vector<16xf32>,
        tpu.vector_store %arg24[%swap3A_1420, %swap3A_1421], %mul3A_1418 {strides = array<i32>} : memref<4x80xf32, #tpu.memory_space<vmem>>, vector<16xf32>,
        %convert_element_type3A_1423 = arith.sitofp %gather3A_1395 : vector<16xi32> to vector<16xf32>
        %mul3A_1424 = arith.mulf %convert_element_type3A_1423, %div3A_1404 : vector<16xf32>
        %swap3A_1425 = arith.constant 3 : i32
        %swap3A_1426 = arith.index_cast %swap3A_1425 : i32 to index
        %swap3A_1427 = arith.constant 64 : index
        %swap3A_1428 = tpu.vector_load %arg24[%swap3A_1426, %swap3A_1427] {strides = array<i32>} : memref<4x80xf32, #tpu.memory_space<vmem>>, vector<16xf32>,
        tpu.vector_store %arg24[%swap3A_1426, %swap3A_1427], %mul3A_1424 {strides = array<i32>} : memref<4x80xf32, #tpu.memory_space<vmem>>, vector<16xf32>,
      } else {
      }
      %lt3A_899 = arith.constant 9 : i32
      %lt3A_900 = arith.cmpi slt, %scan3A_365, %lt3A_899 : i32
      %convert_element_type3A_901 = arith.extui %lt3A_900 : i1 to i32
      %cond3A_902 = arith.constant 0 : i32
      %cond3A_903 = arith.cmpi ne, %convert_element_type3A_901, %cond3A_902 : i32
      scf.if %cond3A_903 {
        %add3A_1091 = arith.constant 2 : i32
        %add3A_1092 = arith.addi %add3A_890, %add3A_1091 : i32
        %mul3A_1093 = arith.constant 1600 : i32
        %mul3A_1094 = arith.muli %add3A, %mul3A_1093 : i32
        %mul3A_1095 = arith.constant 80 : i32
        %mul3A_1096 = arith.muli %add3A_1092, %mul3A_1095 : i32
        %add3A_1097 = arith.addi %mul3A_1094, %mul3A_1096 : i32
        "tpu.region"() ({
          %run_scoped3A = tpu.sem_alloc : memref<!tpu.dma_semaphore, #tpu.memory_space<semaphore_mem>>
          %dma_start3A_1101 = tpu.memref_slice %arg2[%add3A_1097] : memref<51200xi32, #tpu.memory_space<hbm>> -> memref<80xi32, #tpu.memory_space<hbm>>
          %dma_start3A_1102 = tpu.memref_slice %arg2[%add3A_1097] : memref<51200xi32, #tpu.memory_space<hbm>> -> memref<80xi32, #tpu.memory_space<hbm>>
          tpu.enqueue_dma source(%dma_start3A_1102 : memref<80xi32, #tpu.memory_space<hbm>>) target(%arg8 : memref<80xi32, #tpu.memory_space<vmem>>) target_semaphore(%run_scoped3A : memref<!tpu.dma_semaphore, #tpu.memory_space<semaphore_mem>>)
          %dma_wait3A_1103 = tpu.memref_slice %arg2[%add3A_1097] : memref<51200xi32, #tpu.memory_space<hbm>> -> memref<80xi32, #tpu.memory_space<hbm>>
          %dma_wait3A_1104 = tpu.memref_slice %arg2[%add3A_1097] : memref<51200xi32, #tpu.memory_space<hbm>> -> memref<80xi32, #tpu.memory_space<hbm>>
          tpu.wait_dma2 semaphore(%run_scoped3A : memref<!tpu.dma_semaphore, #tpu.memory_space<semaphore_mem>>) src(%dma_wait3A_1104 : memref<80xi32, #tpu.memory_space<hbm>>) dst(%arg8 : memref<80xi32, #tpu.memory_space<vmem>>)
          tpu.yield
        }) : () -> ()
        %dma_start3A_1098 = arith.constant 0 : i32
        %dma_start3A_1099 = arith.constant 0 : i32
        %dma_start3A_1100 = tpu.memref_slice %arg5[%dma_start3A_1098, %dma_start3A_1099] : memref<100000x16xi32, #tpu.memory_space<hbm>> -> memref<100000x16xi32, #tpu.memory_space<hbm>>
        tpu.enqueue_indirect_dma source(%dma_start3A_1100 : memref<100000x16xi32, #tpu.memory_space<hbm>>) target(%arg10 : memref<80x16xi32, #tpu.memory_space<vmem>>) offsets(%arg8 : memref<80xi32, #tpu.memory_space<vmem>>) semaphore(%arg29 : memref<!tpu.dma_semaphore, #tpu.memory_space<semaphore_mem>>)
      } else {
      }
      %sub3A = arith.constant 1 : i32
      %sub3A_904 = arith.subi %add3A_890, %sub3A : i32
      %mul3A_905 = arith.constant 1600 : i32
      %mul3A_906 = arith.muli %add3A, %mul3A_905 : i32
      %mul3A_907 = arith.constant 80 : i32
      %mul3A_908 = arith.muli %sub3A_904, %mul3A_907 : i32
      %add3A_909 = arith.addi %mul3A_906, %mul3A_908 : i32
      %dma_wait3A_910 = arith.constant 0 : i32
      %dma_wait3A_911 = tpu.memref_slice %arg6[%add3A_909, %dma_wait3A_910] : memref<51200x256xf32, #tpu.memory_space<hbm>> -> memref<80x128xf32, #tpu.memory_space<hbm>>
      %dma_wait3A_912 = arith.constant 0 : i32
      %dma_wait3A_913 = tpu.memref_slice %arg6[%add3A_909, %dma_wait3A_912] : memref<51200x256xf32, #tpu.memory_space<hbm>> -> memref<80x128xf32, #tpu.memory_space<hbm>>
      tpu.wait_dma2 semaphore(%arg30 : memref<!tpu.dma_semaphore, #tpu.memory_space<semaphore_mem>>) src(%arg21 : memref<80x128xf32, #tpu.memory_space<vmem>>) dst(%dma_wait3A_913 : memref<80x128xf32, #tpu.memory_space<hbm>>)
      %dma_wait3A_914 = arith.constant 128 : i32
      %dma_wait3A_915 = tpu.memref_slice %arg6[%add3A_909, %dma_wait3A_914] : memref<51200x256xf32, #tpu.memory_space<hbm>> -> memref<80x128xf32, #tpu.memory_space<hbm>>
      %dma_wait3A_916 = arith.constant 128 : i32
      %dma_wait3A_917 = tpu.memref_slice %arg6[%add3A_909, %dma_wait3A_916] : memref<51200x256xf32, #tpu.memory_space<hbm>> -> memref<80x128xf32, #tpu.memory_space<hbm>>
      tpu.wait_dma2 semaphore(%arg30 : memref<!tpu.dma_semaphore, #tpu.memory_space<semaphore_mem>>) src(%arg19 : memref<80x128xf32, #tpu.memory_space<vmem>>) dst(%dma_wait3A_917 : memref<80x128xf32, #tpu.memory_space<hbm>>)
      %lt3A_918 = arith.constant 9 : i32
      %lt3A_919 = arith.cmpi slt, %scan3A_365, %lt3A_918 : i32
      %convert_element_type3A_920 = arith.extui %lt3A_919 : i1 to i32
      %cond3A_921 = arith.constant 0 : i32
      %cond3A_922 = arith.cmpi ne, %convert_element_type3A_920, %cond3A_921 : i32
      scf.if %cond3A_922 {
        %dma_start3A_1091 = arith.constant 0 : i32
        %dma_start3A_1092 = arith.constant 0 : i32
        %dma_start3A_1093 = tpu.memref_slice %arg3[%dma_start3A_1091, %dma_start3A_1092] : memref<100000x128xf32, #tpu.memory_space<hbm>> -> memref<100000x128xf32, #tpu.memory_space<hbm>>
        tpu.enqueue_indirect_dma source(%dma_start3A_1093 : memref<100000x128xf32, #tpu.memory_space<hbm>>) target(%arg19 : memref<80x128xf32, #tpu.memory_space<vmem>>) offsets(%arg7 : memref<80xi32, #tpu.memory_space<vmem>>) semaphore(%arg26 : memref<!tpu.dma_semaphore, #tpu.memory_space<semaphore_mem>>)
      } else {
      }
      %iota3A_923 = tpu.iota {dimensions = array<i32: 0>} : vector<16xi32>
      %add3A_924 = arith.constant 0 : i32
      %add3A_925 = vector.broadcast %add3A_924 : i32 to vector<16xi32>
      %add3A_926 = arith.addi %add3A_925, %iota3A_923 : vector<16xi32>
      %get3A_927 = arith.constant 0 : index
      %get3A_928 = tpu.vector_load %arg15[%get3A_927] {strides = array<i32>} : memref<80xi32, #tpu.memory_space<vmem>>, vector<16xi32>,
      %get3A_929 = arith.constant 0 : index
      %get3A_930 = tpu.vector_load %arg16[%get3A_929] {strides = array<i32>} : memref<80xi32, #tpu.memory_space<vmem>>, vector<16xi32>,
      %get3A_931 = arith.constant 0 : index
      %get3A_932 = tpu.vector_load %arg17[%get3A_931] {strides = array<i32>} : memref<80xi32, #tpu.memory_space<vmem>>, vector<16xi32>,
      %get3A_933 = arith.constant 0 : index
      %get3A_934 = tpu.vector_load %arg18[%get3A_933] {strides = array<i32>} : memref<80xi32, #tpu.memory_space<vmem>>, vector<16xi32>,
      %get3A_935 = arith.constant 0 : i32
      %get3A_936 = arith.index_cast %get3A_935 : i32 to index
      %get3A_937 = arith.constant 0 : index
      %get3A_938 = tpu.vector_load %arg25[%get3A_936, %get3A_937] {strides = array<i32>} : memref<4x80xf32, #tpu.memory_space<vmem>>, vector<16xf32>,
      %get3A_939 = arith.constant 1 : i32
      %get3A_940 = arith.index_cast %get3A_939 : i32 to index
      %get3A_941 = arith.constant 0 : index
      %get3A_942 = tpu.vector_load %arg25[%get3A_940, %get3A_941] {strides = array<i32>} : memref<4x80xf32, #tpu.memory_space<vmem>>, vector<16xf32>,
      %get3A_943 = arith.constant 2 : i32
      %get3A_944 = arith.index_cast %get3A_943 : i32 to index
      %get3A_945 = arith.constant 0 : index
      %get3A_946 = tpu.vector_load %arg25[%get3A_944, %get3A_945] {strides = array<i32>} : memref<4x80xf32, #tpu.memory_space<vmem>>, vector<16xf32>,
      %get3A_947 = arith.constant 3 : i32
      %get3A_948 = arith.index_cast %get3A_947 : i32 to index
      %get3A_949 = arith.constant 0 : index
      %get3A_950 = tpu.vector_load %arg25[%get3A_948, %get3A_949] {strides = array<i32>} : memref<4x80xf32, #tpu.memory_space<vmem>>, vector<16xf32>,
      %parallel_loop3A_951 = arith.constant 0 : i32
      %parallel_loop3A_952 = arith.constant 64 : i32
      %parallel_loop3A_953 = arith.constant 1 : i32
      scf.for %parallel_loop3A_1091 = %parallel_loop3A_951 to %parallel_loop3A_952 step %parallel_loop3A_953  : i32 {
        %parallel_loop3A_1092 = vector.broadcast %parallel_loop3A_1091 : i32 to vector<16xi32>
        %parallel_loop3A_1093 = tpu.vector_load_idx %arg23[%get3A_928, %parallel_loop3A_1092] : memref<1000x64xi32, #tpu.memory_space<vmem>>[vector<16xi32>, vector<16xi32>], vector<16xi32>,
        %parallel_loop3A_1094 = arith.constant 16 : i32
        %parallel_loop3A_1095 = vector.broadcast %parallel_loop3A_1094 : i32 to vector<16xi32>
        %parallel_loop3A_1096 = arith.shli %parallel_loop3A_1093, %parallel_loop3A_1095 : vector<16xi32>
        %parallel_loop3A_1097 = vector.bitcast %parallel_loop3A_1096 : vector<16xi32> to vector<16xf32>
        %parallel_loop3A_1098 = arith.constant -65536 : i32
        %parallel_loop3A_1099 = vector.broadcast %parallel_loop3A_1098 : i32 to vector<16xi32>
        %parallel_loop3A_1100 = arith.andi %parallel_loop3A_1093, %parallel_loop3A_1099 : vector<16xi32>
        %parallel_loop3A_1101 = vector.bitcast %parallel_loop3A_1100 : vector<16xi32> to vector<16xf32>
        %parallel_loop3A_1102 = tpu.vector_load_idx %arg23[%get3A_930, %parallel_loop3A_1092] : memref<1000x64xi32, #tpu.memory_space<vmem>>[vector<16xi32>, vector<16xi32>], vector<16xi32>,
        %parallel_loop3A_1103 = arith.constant 16 : i32
        %parallel_loop3A_1104 = vector.broadcast %parallel_loop3A_1103 : i32 to vector<16xi32>
        %parallel_loop3A_1105 = arith.shli %parallel_loop3A_1102, %parallel_loop3A_1104 : vector<16xi32>
        %parallel_loop3A_1106 = vector.bitcast %parallel_loop3A_1105 : vector<16xi32> to vector<16xf32>
        %parallel_loop3A_1107 = arith.constant -65536 : i32
        %parallel_loop3A_1108 = vector.broadcast %parallel_loop3A_1107 : i32 to vector<16xi32>
        %parallel_loop3A_1109 = arith.andi %parallel_loop3A_1102, %parallel_loop3A_1108 : vector<16xi32>
        %parallel_loop3A_1110 = vector.bitcast %parallel_loop3A_1109 : vector<16xi32> to vector<16xf32>
        %parallel_loop3A_1111 = tpu.vector_load_idx %arg23[%get3A_932, %parallel_loop3A_1092] : memref<1000x64xi32, #tpu.memory_space<vmem>>[vector<16xi32>, vector<16xi32>], vector<16xi32>,
        %parallel_loop3A_1112 = arith.constant 16 : i32
        %parallel_loop3A_1113 = vector.broadcast %parallel_loop3A_1112 : i32 to vector<16xi32>
        %parallel_loop3A_1114 = arith.shli %parallel_loop3A_1111, %parallel_loop3A_1113 : vector<16xi32>
        %parallel_loop3A_1115 = vector.bitcast %parallel_loop3A_1114 : vector<16xi32> to vector<16xf32>
        %parallel_loop3A_1116 = arith.constant -65536 : i32
        %parallel_loop3A_1117 = vector.broadcast %parallel_loop3A_1116 : i32 to vector<16xi32>
        %parallel_loop3A_1118 = arith.andi %parallel_loop3A_1111, %parallel_loop3A_1117 : vector<16xi32>
        %parallel_loop3A_1119 = vector.bitcast %parallel_loop3A_1118 : vector<16xi32> to vector<16xf32>
        %parallel_loop3A_1120 = tpu.vector_load_idx %arg23[%get3A_934, %parallel_loop3A_1092] : memref<1000x64xi32, #tpu.memory_space<vmem>>[vector<16xi32>, vector<16xi32>], vector<16xi32>,
        %parallel_loop3A_1121 = arith.constant 16 : i32
        %parallel_loop3A_1122 = vector.broadcast %parallel_loop3A_1121 : i32 to vector<16xi32>
        %parallel_loop3A_1123 = arith.shli %parallel_loop3A_1120, %parallel_loop3A_1122 : vector<16xi32>
        %parallel_loop3A_1124 = vector.bitcast %parallel_loop3A_1123 : vector<16xi32> to vector<16xf32>
        %parallel_loop3A_1125 = arith.constant -65536 : i32
        %parallel_loop3A_1126 = vector.broadcast %parallel_loop3A_1125 : i32 to vector<16xi32>
        %parallel_loop3A_1127 = arith.andi %parallel_loop3A_1120, %parallel_loop3A_1126 : vector<16xi32>
        %parallel_loop3A_1128 = vector.bitcast %parallel_loop3A_1127 : vector<16xi32> to vector<16xf32>
        %parallel_loop3A_1129 = arith.mulf %parallel_loop3A_1097, %get3A_938 : vector<16xf32>
        %parallel_loop3A_1130 = arith.mulf %parallel_loop3A_1106, %get3A_942 : vector<16xf32>
        %parallel_loop3A_1131 = arith.addf %parallel_loop3A_1129, %parallel_loop3A_1130 : vector<16xf32>
        %parallel_loop3A_1132 = arith.mulf %parallel_loop3A_1115, %get3A_946 : vector<16xf32>
        %parallel_loop3A_1133 = arith.addf %parallel_loop3A_1131, %parallel_loop3A_1132 : vector<16xf32>
        %parallel_loop3A_1134 = arith.mulf %parallel_loop3A_1124, %get3A_950 : vector<16xf32>
        %parallel_loop3A_1135 = arith.addf %parallel_loop3A_1133, %parallel_loop3A_1134 : vector<16xf32>
        %parallel_loop3A_1136 = arith.mulf %parallel_loop3A_1101, %get3A_938 : vector<16xf32>
        %parallel_loop3A_1137 = arith.mulf %parallel_loop3A_1110, %get3A_942 : vector<16xf32>
        %parallel_loop3A_1138 = arith.addf %parallel_loop3A_1136, %parallel_loop3A_1137 : vector<16xf32>
        %parallel_loop3A_1139 = arith.mulf %parallel_loop3A_1119, %get3A_946 : vector<16xf32>
        %parallel_loop3A_1140 = arith.addf %parallel_loop3A_1138, %parallel_loop3A_1139 : vector<16xf32>
        %parallel_loop3A_1141 = arith.mulf %parallel_loop3A_1128, %get3A_950 : vector<16xf32>
        %parallel_loop3A_1142 = arith.addf %parallel_loop3A_1140, %parallel_loop3A_1141 : vector<16xf32>
        %parallel_loop3A_1143 = arith.constant 2 : i32
        %parallel_loop3A_1144 = vector.broadcast %parallel_loop3A_1143 : i32 to vector<16xi32>
        %parallel_loop3A_1145 = arith.muli %parallel_loop3A_1144, %parallel_loop3A_1092 : vector<16xi32>
        tpu.vector_store_idx %arg22[%add3A_926, %parallel_loop3A_1145], %parallel_loop3A_1135 : memref<80x128xf32, #tpu.memory_space<vmem>>[vector<16xi32>, vector<16xi32>], vector<16xf32>,
        %parallel_loop3A_1146 = arith.constant 2 : i32
        %parallel_loop3A_1147 = vector.broadcast %parallel_loop3A_1146 : i32 to vector<16xi32>
        %parallel_loop3A_1148 = arith.muli %parallel_loop3A_1147, %parallel_loop3A_1092 : vector<16xi32>
        %parallel_loop3A_1149 = arith.constant 1 : i32
        %parallel_loop3A_1150 = vector.broadcast %parallel_loop3A_1149 : i32 to vector<16xi32>
        %parallel_loop3A_1151 = arith.addi %parallel_loop3A_1148, %parallel_loop3A_1150 : vector<16xi32>
        tpu.vector_store_idx %arg22[%add3A_926, %parallel_loop3A_1151], %parallel_loop3A_1142 : memref<80x128xf32, #tpu.memory_space<vmem>>[vector<16xi32>, vector<16xi32>], vector<16xf32>,
      } {sc.loop_unroll_factor = 4 : i64, sc.parallel_access}
      %iota3A_954 = tpu.iota {dimensions = array<i32: 0>} : vector<16xi32>
      %add3A_955 = arith.constant 16 : i32
      %add3A_956 = vector.broadcast %add3A_955 : i32 to vector<16xi32>
      %add3A_957 = arith.addi %add3A_956, %iota3A_954 : vector<16xi32>
      %get3A_958 = arith.constant 16 : index
      %get3A_959 = tpu.vector_load %arg15[%get3A_958] {strides = array<i32>} : memref<80xi32, #tpu.memory_space<vmem>>, vector<16xi32>,
      %get3A_960 = arith.constant 16 : index
      %get3A_961 = tpu.vector_load %arg16[%get3A_960] {strides = array<i32>} : memref<80xi32, #tpu.memory_space<vmem>>, vector<16xi32>,
      %get3A_962 = arith.constant 16 : index
      %get3A_963 = tpu.vector_load %arg17[%get3A_962] {strides = array<i32>} : memref<80xi32, #tpu.memory_space<vmem>>, vector<16xi32>,
      %get3A_964 = arith.constant 16 : index
      %get3A_965 = tpu.vector_load %arg18[%get3A_964] {strides = array<i32>} : memref<80xi32, #tpu.memory_space<vmem>>, vector<16xi32>,
      %get3A_966 = arith.constant 0 : i32
      %get3A_967 = arith.index_cast %get3A_966 : i32 to index
      %get3A_968 = arith.constant 16 : index
      %get3A_969 = tpu.vector_load %arg25[%get3A_967, %get3A_968] {strides = array<i32>} : memref<4x80xf32, #tpu.memory_space<vmem>>, vector<16xf32>,
      %get3A_970 = arith.constant 1 : i32
      %get3A_971 = arith.index_cast %get3A_970 : i32 to index
      %get3A_972 = arith.constant 16 : index
      %get3A_973 = tpu.vector_load %arg25[%get3A_971, %get3A_972] {strides = array<i32>} : memref<4x80xf32, #tpu.memory_space<vmem>>, vector<16xf32>,
      %get3A_974 = arith.constant 2 : i32
      %get3A_975 = arith.index_cast %get3A_974 : i32 to index
      %get3A_976 = arith.constant 16 : index
      %get3A_977 = tpu.vector_load %arg25[%get3A_975, %get3A_976] {strides = array<i32>} : memref<4x80xf32, #tpu.memory_space<vmem>>, vector<16xf32>,
      %get3A_978 = arith.constant 3 : i32
      %get3A_979 = arith.index_cast %get3A_978 : i32 to index
      %get3A_980 = arith.constant 16 : index
      %get3A_981 = tpu.vector_load %arg25[%get3A_979, %get3A_980] {strides = array<i32>} : memref<4x80xf32, #tpu.memory_space<vmem>>, vector<16xf32>,
      %parallel_loop3A_982 = arith.constant 0 : i32
      %parallel_loop3A_983 = arith.constant 64 : i32
      %parallel_loop3A_984 = arith.constant 1 : i32
      scf.for %parallel_loop3A_1091 = %parallel_loop3A_982 to %parallel_loop3A_983 step %parallel_loop3A_984  : i32 {
        %parallel_loop3A_1092 = vector.broadcast %parallel_loop3A_1091 : i32 to vector<16xi32>
        %parallel_loop3A_1093 = tpu.vector_load_idx %arg23[%get3A_959, %parallel_loop3A_1092] : memref<1000x64xi32, #tpu.memory_space<vmem>>[vector<16xi32>, vector<16xi32>], vector<16xi32>,
        %parallel_loop3A_1094 = arith.constant 16 : i32
        %parallel_loop3A_1095 = vector.broadcast %parallel_loop3A_1094 : i32 to vector<16xi32>
        %parallel_loop3A_1096 = arith.shli %parallel_loop3A_1093, %parallel_loop3A_1095 : vector<16xi32>
        %parallel_loop3A_1097 = vector.bitcast %parallel_loop3A_1096 : vector<16xi32> to vector<16xf32>
        %parallel_loop3A_1098 = arith.constant -65536 : i32
        %parallel_loop3A_1099 = vector.broadcast %parallel_loop3A_1098 : i32 to vector<16xi32>
        %parallel_loop3A_1100 = arith.andi %parallel_loop3A_1093, %parallel_loop3A_1099 : vector<16xi32>
        %parallel_loop3A_1101 = vector.bitcast %parallel_loop3A_1100 : vector<16xi32> to vector<16xf32>
        %parallel_loop3A_1102 = tpu.vector_load_idx %arg23[%get3A_961, %parallel_loop3A_1092] : memref<1000x64xi32, #tpu.memory_space<vmem>>[vector<16xi32>, vector<16xi32>], vector<16xi32>,
        %parallel_loop3A_1103 = arith.constant 16 : i32
        %parallel_loop3A_1104 = vector.broadcast %parallel_loop3A_1103 : i32 to vector<16xi32>
        %parallel_loop3A_1105 = arith.shli %parallel_loop3A_1102, %parallel_loop3A_1104 : vector<16xi32>
        %parallel_loop3A_1106 = vector.bitcast %parallel_loop3A_1105 : vector<16xi32> to vector<16xf32>
        %parallel_loop3A_1107 = arith.constant -65536 : i32
        %parallel_loop3A_1108 = vector.broadcast %parallel_loop3A_1107 : i32 to vector<16xi32>
        %parallel_loop3A_1109 = arith.andi %parallel_loop3A_1102, %parallel_loop3A_1108 : vector<16xi32>
        %parallel_loop3A_1110 = vector.bitcast %parallel_loop3A_1109 : vector<16xi32> to vector<16xf32>
        %parallel_loop3A_1111 = tpu.vector_load_idx %arg23[%get3A_963, %parallel_loop3A_1092] : memref<1000x64xi32, #tpu.memory_space<vmem>>[vector<16xi32>, vector<16xi32>], vector<16xi32>,
        %parallel_loop3A_1112 = arith.constant 16 : i32
        %parallel_loop3A_1113 = vector.broadcast %parallel_loop3A_1112 : i32 to vector<16xi32>
        %parallel_loop3A_1114 = arith.shli %parallel_loop3A_1111, %parallel_loop3A_1113 : vector<16xi32>
        %parallel_loop3A_1115 = vector.bitcast %parallel_loop3A_1114 : vector<16xi32> to vector<16xf32>
        %parallel_loop3A_1116 = arith.constant -65536 : i32
        %parallel_loop3A_1117 = vector.broadcast %parallel_loop3A_1116 : i32 to vector<16xi32>
        %parallel_loop3A_1118 = arith.andi %parallel_loop3A_1111, %parallel_loop3A_1117 : vector<16xi32>
        %parallel_loop3A_1119 = vector.bitcast %parallel_loop3A_1118 : vector<16xi32> to vector<16xf32>
        %parallel_loop3A_1120 = tpu.vector_load_idx %arg23[%get3A_965, %parallel_loop3A_1092] : memref<1000x64xi32, #tpu.memory_space<vmem>>[vector<16xi32>, vector<16xi32>], vector<16xi32>,
        %parallel_loop3A_1121 = arith.constant 16 : i32
        %parallel_loop3A_1122 = vector.broadcast %parallel_loop3A_1121 : i32 to vector<16xi32>
        %parallel_loop3A_1123 = arith.shli %parallel_loop3A_1120, %parallel_loop3A_1122 : vector<16xi32>
        %parallel_loop3A_1124 = vector.bitcast %parallel_loop3A_1123 : vector<16xi32> to vector<16xf32>
        %parallel_loop3A_1125 = arith.constant -65536 : i32
        %parallel_loop3A_1126 = vector.broadcast %parallel_loop3A_1125 : i32 to vector<16xi32>
        %parallel_loop3A_1127 = arith.andi %parallel_loop3A_1120, %parallel_loop3A_1126 : vector<16xi32>
        %parallel_loop3A_1128 = vector.bitcast %parallel_loop3A_1127 : vector<16xi32> to vector<16xf32>
        %parallel_loop3A_1129 = arith.mulf %parallel_loop3A_1097, %get3A_969 : vector<16xf32>
        %parallel_loop3A_1130 = arith.mulf %parallel_loop3A_1106, %get3A_973 : vector<16xf32>
        %parallel_loop3A_1131 = arith.addf %parallel_loop3A_1129, %parallel_loop3A_1130 : vector<16xf32>
        %parallel_loop3A_1132 = arith.mulf %parallel_loop3A_1115, %get3A_977 : vector<16xf32>
        %parallel_loop3A_1133 = arith.addf %parallel_loop3A_1131, %parallel_loop3A_1132 : vector<16xf32>
        %parallel_loop3A_1134 = arith.mulf %parallel_loop3A_1124, %get3A_981 : vector<16xf32>
        %parallel_loop3A_1135 = arith.addf %parallel_loop3A_1133, %parallel_loop3A_1134 : vector<16xf32>
        %parallel_loop3A_1136 = arith.mulf %parallel_loop3A_1101, %get3A_969 : vector<16xf32>
        %parallel_loop3A_1137 = arith.mulf %parallel_loop3A_1110, %get3A_973 : vector<16xf32>
        %parallel_loop3A_1138 = arith.addf %parallel_loop3A_1136, %parallel_loop3A_1137 : vector<16xf32>
        %parallel_loop3A_1139 = arith.mulf %parallel_loop3A_1119, %get3A_977 : vector<16xf32>
        %parallel_loop3A_1140 = arith.addf %parallel_loop3A_1138, %parallel_loop3A_1139 : vector<16xf32>
        %parallel_loop3A_1141 = arith.mulf %parallel_loop3A_1128, %get3A_981 : vector<16xf32>
        %parallel_loop3A_1142 = arith.addf %parallel_loop3A_1140, %parallel_loop3A_1141 : vector<16xf32>
        %parallel_loop3A_1143 = arith.constant 2 : i32
        %parallel_loop3A_1144 = vector.broadcast %parallel_loop3A_1143 : i32 to vector<16xi32>
        %parallel_loop3A_1145 = arith.muli %parallel_loop3A_1144, %parallel_loop3A_1092 : vector<16xi32>
        tpu.vector_store_idx %arg22[%add3A_957, %parallel_loop3A_1145], %parallel_loop3A_1135 : memref<80x128xf32, #tpu.memory_space<vmem>>[vector<16xi32>, vector<16xi32>], vector<16xf32>,
        %parallel_loop3A_1146 = arith.constant 2 : i32
        %parallel_loop3A_1147 = vector.broadcast %parallel_loop3A_1146 : i32 to vector<16xi32>
        %parallel_loop3A_1148 = arith.muli %parallel_loop3A_1147, %parallel_loop3A_1092 : vector<16xi32>
        %parallel_loop3A_1149 = arith.constant 1 : i32
        %parallel_loop3A_1150 = vector.broadcast %parallel_loop3A_1149 : i32 to vector<16xi32>
        %parallel_loop3A_1151 = arith.addi %parallel_loop3A_1148, %parallel_loop3A_1150 : vector<16xi32>
        tpu.vector_store_idx %arg22[%add3A_957, %parallel_loop3A_1151], %parallel_loop3A_1142 : memref<80x128xf32, #tpu.memory_space<vmem>>[vector<16xi32>, vector<16xi32>], vector<16xf32>,
      } {sc.loop_unroll_factor = 4 : i64, sc.parallel_access}
      %iota3A_985 = tpu.iota {dimensions = array<i32: 0>} : vector<16xi32>
      %add3A_986 = arith.constant 32 : i32
      %add3A_987 = vector.broadcast %add3A_986 : i32 to vector<16xi32>
      %add3A_988 = arith.addi %add3A_987, %iota3A_985 : vector<16xi32>
      %get3A_989 = arith.constant 32 : index
      %get3A_990 = tpu.vector_load %arg15[%get3A_989] {strides = array<i32>} : memref<80xi32, #tpu.memory_space<vmem>>, vector<16xi32>,
      %get3A_991 = arith.constant 32 : index
      %get3A_992 = tpu.vector_load %arg16[%get3A_991] {strides = array<i32>} : memref<80xi32, #tpu.memory_space<vmem>>, vector<16xi32>,
      %get3A_993 = arith.constant 32 : index
      %get3A_994 = tpu.vector_load %arg17[%get3A_993] {strides = array<i32>} : memref<80xi32, #tpu.memory_space<vmem>>, vector<16xi32>,
      %get3A_995 = arith.constant 32 : index
      %get3A_996 = tpu.vector_load %arg18[%get3A_995] {strides = array<i32>} : memref<80xi32, #tpu.memory_space<vmem>>, vector<16xi32>,
      %get3A_997 = arith.constant 0 : i32
      %get3A_998 = arith.index_cast %get3A_997 : i32 to index
      %get3A_999 = arith.constant 32 : index
      %get3A_1000 = tpu.vector_load %arg25[%get3A_998, %get3A_999] {strides = array<i32>} : memref<4x80xf32, #tpu.memory_space<vmem>>, vector<16xf32>,
      %get3A_1001 = arith.constant 1 : i32
      %get3A_1002 = arith.index_cast %get3A_1001 : i32 to index
      %get3A_1003 = arith.constant 32 : index
      %get3A_1004 = tpu.vector_load %arg25[%get3A_1002, %get3A_1003] {strides = array<i32>} : memref<4x80xf32, #tpu.memory_space<vmem>>, vector<16xf32>,
      %get3A_1005 = arith.constant 2 : i32
      %get3A_1006 = arith.index_cast %get3A_1005 : i32 to index
      %get3A_1007 = arith.constant 32 : index
      %get3A_1008 = tpu.vector_load %arg25[%get3A_1006, %get3A_1007] {strides = array<i32>} : memref<4x80xf32, #tpu.memory_space<vmem>>, vector<16xf32>,
      %get3A_1009 = arith.constant 3 : i32
      %get3A_1010 = arith.index_cast %get3A_1009 : i32 to index
      %get3A_1011 = arith.constant 32 : index
      %get3A_1012 = tpu.vector_load %arg25[%get3A_1010, %get3A_1011] {strides = array<i32>} : memref<4x80xf32, #tpu.memory_space<vmem>>, vector<16xf32>,
      %parallel_loop3A_1013 = arith.constant 0 : i32
      %parallel_loop3A_1014 = arith.constant 64 : i32
      %parallel_loop3A_1015 = arith.constant 1 : i32
      scf.for %parallel_loop3A_1091 = %parallel_loop3A_1013 to %parallel_loop3A_1014 step %parallel_loop3A_1015  : i32 {
        %parallel_loop3A_1092 = vector.broadcast %parallel_loop3A_1091 : i32 to vector<16xi32>
        %parallel_loop3A_1093 = tpu.vector_load_idx %arg23[%get3A_990, %parallel_loop3A_1092] : memref<1000x64xi32, #tpu.memory_space<vmem>>[vector<16xi32>, vector<16xi32>], vector<16xi32>,
        %parallel_loop3A_1094 = arith.constant 16 : i32
        %parallel_loop3A_1095 = vector.broadcast %parallel_loop3A_1094 : i32 to vector<16xi32>
        %parallel_loop3A_1096 = arith.shli %parallel_loop3A_1093, %parallel_loop3A_1095 : vector<16xi32>
        %parallel_loop3A_1097 = vector.bitcast %parallel_loop3A_1096 : vector<16xi32> to vector<16xf32>
        %parallel_loop3A_1098 = arith.constant -65536 : i32
        %parallel_loop3A_1099 = vector.broadcast %parallel_loop3A_1098 : i32 to vector<16xi32>
        %parallel_loop3A_1100 = arith.andi %parallel_loop3A_1093, %parallel_loop3A_1099 : vector<16xi32>
        %parallel_loop3A_1101 = vector.bitcast %parallel_loop3A_1100 : vector<16xi32> to vector<16xf32>
        %parallel_loop3A_1102 = tpu.vector_load_idx %arg23[%get3A_992, %parallel_loop3A_1092] : memref<1000x64xi32, #tpu.memory_space<vmem>>[vector<16xi32>, vector<16xi32>], vector<16xi32>,
        %parallel_loop3A_1103 = arith.constant 16 : i32
        %parallel_loop3A_1104 = vector.broadcast %parallel_loop3A_1103 : i32 to vector<16xi32>
        %parallel_loop3A_1105 = arith.shli %parallel_loop3A_1102, %parallel_loop3A_1104 : vector<16xi32>
        %parallel_loop3A_1106 = vector.bitcast %parallel_loop3A_1105 : vector<16xi32> to vector<16xf32>
        %parallel_loop3A_1107 = arith.constant -65536 : i32
        %parallel_loop3A_1108 = vector.broadcast %parallel_loop3A_1107 : i32 to vector<16xi32>
        %parallel_loop3A_1109 = arith.andi %parallel_loop3A_1102, %parallel_loop3A_1108 : vector<16xi32>
        %parallel_loop3A_1110 = vector.bitcast %parallel_loop3A_1109 : vector<16xi32> to vector<16xf32>
        %parallel_loop3A_1111 = tpu.vector_load_idx %arg23[%get3A_994, %parallel_loop3A_1092] : memref<1000x64xi32, #tpu.memory_space<vmem>>[vector<16xi32>, vector<16xi32>], vector<16xi32>,
        %parallel_loop3A_1112 = arith.constant 16 : i32
        %parallel_loop3A_1113 = vector.broadcast %parallel_loop3A_1112 : i32 to vector<16xi32>
        %parallel_loop3A_1114 = arith.shli %parallel_loop3A_1111, %parallel_loop3A_1113 : vector<16xi32>
        %parallel_loop3A_1115 = vector.bitcast %parallel_loop3A_1114 : vector<16xi32> to vector<16xf32>
        %parallel_loop3A_1116 = arith.constant -65536 : i32
        %parallel_loop3A_1117 = vector.broadcast %parallel_loop3A_1116 : i32 to vector<16xi32>
        %parallel_loop3A_1118 = arith.andi %parallel_loop3A_1111, %parallel_loop3A_1117 : vector<16xi32>
        %parallel_loop3A_1119 = vector.bitcast %parallel_loop3A_1118 : vector<16xi32> to vector<16xf32>
        %parallel_loop3A_1120 = tpu.vector_load_idx %arg23[%get3A_996, %parallel_loop3A_1092] : memref<1000x64xi32, #tpu.memory_space<vmem>>[vector<16xi32>, vector<16xi32>], vector<16xi32>,
        %parallel_loop3A_1121 = arith.constant 16 : i32
        %parallel_loop3A_1122 = vector.broadcast %parallel_loop3A_1121 : i32 to vector<16xi32>
        %parallel_loop3A_1123 = arith.shli %parallel_loop3A_1120, %parallel_loop3A_1122 : vector<16xi32>
        %parallel_loop3A_1124 = vector.bitcast %parallel_loop3A_1123 : vector<16xi32> to vector<16xf32>
        %parallel_loop3A_1125 = arith.constant -65536 : i32
        %parallel_loop3A_1126 = vector.broadcast %parallel_loop3A_1125 : i32 to vector<16xi32>
        %parallel_loop3A_1127 = arith.andi %parallel_loop3A_1120, %parallel_loop3A_1126 : vector<16xi32>
        %parallel_loop3A_1128 = vector.bitcast %parallel_loop3A_1127 : vector<16xi32> to vector<16xf32>
        %parallel_loop3A_1129 = arith.mulf %parallel_loop3A_1097, %get3A_1000 : vector<16xf32>
        %parallel_loop3A_1130 = arith.mulf %parallel_loop3A_1106, %get3A_1004 : vector<16xf32>
        %parallel_loop3A_1131 = arith.addf %parallel_loop3A_1129, %parallel_loop3A_1130 : vector<16xf32>
        %parallel_loop3A_1132 = arith.mulf %parallel_loop3A_1115, %get3A_1008 : vector<16xf32>
        %parallel_loop3A_1133 = arith.addf %parallel_loop3A_1131, %parallel_loop3A_1132 : vector<16xf32>
        %parallel_loop3A_1134 = arith.mulf %parallel_loop3A_1124, %get3A_1012 : vector<16xf32>
        %parallel_loop3A_1135 = arith.addf %parallel_loop3A_1133, %parallel_loop3A_1134 : vector<16xf32>
        %parallel_loop3A_1136 = arith.mulf %parallel_loop3A_1101, %get3A_1000 : vector<16xf32>
        %parallel_loop3A_1137 = arith.mulf %parallel_loop3A_1110, %get3A_1004 : vector<16xf32>
        %parallel_loop3A_1138 = arith.addf %parallel_loop3A_1136, %parallel_loop3A_1137 : vector<16xf32>
        %parallel_loop3A_1139 = arith.mulf %parallel_loop3A_1119, %get3A_1008 : vector<16xf32>
        %parallel_loop3A_1140 = arith.addf %parallel_loop3A_1138, %parallel_loop3A_1139 : vector<16xf32>
        %parallel_loop3A_1141 = arith.mulf %parallel_loop3A_1128, %get3A_1012 : vector<16xf32>
        %parallel_loop3A_1142 = arith.addf %parallel_loop3A_1140, %parallel_loop3A_1141 : vector<16xf32>
        %parallel_loop3A_1143 = arith.constant 2 : i32
        %parallel_loop3A_1144 = vector.broadcast %parallel_loop3A_1143 : i32 to vector<16xi32>
        %parallel_loop3A_1145 = arith.muli %parallel_loop3A_1144, %parallel_loop3A_1092 : vector<16xi32>
        tpu.vector_store_idx %arg22[%add3A_988, %parallel_loop3A_1145], %parallel_loop3A_1135 : memref<80x128xf32, #tpu.memory_space<vmem>>[vector<16xi32>, vector<16xi32>], vector<16xf32>,
        %parallel_loop3A_1146 = arith.constant 2 : i32
        %parallel_loop3A_1147 = vector.broadcast %parallel_loop3A_1146 : i32 to vector<16xi32>
        %parallel_loop3A_1148 = arith.muli %parallel_loop3A_1147, %parallel_loop3A_1092 : vector<16xi32>
        %parallel_loop3A_1149 = arith.constant 1 : i32
        %parallel_loop3A_1150 = vector.broadcast %parallel_loop3A_1149 : i32 to vector<16xi32>
        %parallel_loop3A_1151 = arith.addi %parallel_loop3A_1148, %parallel_loop3A_1150 : vector<16xi32>
        tpu.vector_store_idx %arg22[%add3A_988, %parallel_loop3A_1151], %parallel_loop3A_1142 : memref<80x128xf32, #tpu.memory_space<vmem>>[vector<16xi32>, vector<16xi32>], vector<16xf32>,
      } {sc.loop_unroll_factor = 4 : i64, sc.parallel_access}
      %iota3A_1016 = tpu.iota {dimensions = array<i32: 0>} : vector<16xi32>
      %add3A_1017 = arith.constant 48 : i32
      %add3A_1018 = vector.broadcast %add3A_1017 : i32 to vector<16xi32>
      %add3A_1019 = arith.addi %add3A_1018, %iota3A_1016 : vector<16xi32>
      %get3A_1020 = arith.constant 48 : index
      %get3A_1021 = tpu.vector_load %arg15[%get3A_1020] {strides = array<i32>} : memref<80xi32, #tpu.memory_space<vmem>>, vector<16xi32>,
      %get3A_1022 = arith.constant 48 : index
      %get3A_1023 = tpu.vector_load %arg16[%get3A_1022] {strides = array<i32>} : memref<80xi32, #tpu.memory_space<vmem>>, vector<16xi32>,
      %get3A_1024 = arith.constant 48 : index
      %get3A_1025 = tpu.vector_load %arg17[%get3A_1024] {strides = array<i32>} : memref<80xi32, #tpu.memory_space<vmem>>, vector<16xi32>,
      %get3A_1026 = arith.constant 48 : index
      %get3A_1027 = tpu.vector_load %arg18[%get3A_1026] {strides = array<i32>} : memref<80xi32, #tpu.memory_space<vmem>>, vector<16xi32>,
      %get3A_1028 = arith.constant 0 : i32
      %get3A_1029 = arith.index_cast %get3A_1028 : i32 to index
      %get3A_1030 = arith.constant 48 : index
      %get3A_1031 = tpu.vector_load %arg25[%get3A_1029, %get3A_1030] {strides = array<i32>} : memref<4x80xf32, #tpu.memory_space<vmem>>, vector<16xf32>,
      %get3A_1032 = arith.constant 1 : i32
      %get3A_1033 = arith.index_cast %get3A_1032 : i32 to index
      %get3A_1034 = arith.constant 48 : index
      %get3A_1035 = tpu.vector_load %arg25[%get3A_1033, %get3A_1034] {strides = array<i32>} : memref<4x80xf32, #tpu.memory_space<vmem>>, vector<16xf32>,
      %get3A_1036 = arith.constant 2 : i32
      %get3A_1037 = arith.index_cast %get3A_1036 : i32 to index
      %get3A_1038 = arith.constant 48 : index
      %get3A_1039 = tpu.vector_load %arg25[%get3A_1037, %get3A_1038] {strides = array<i32>} : memref<4x80xf32, #tpu.memory_space<vmem>>, vector<16xf32>,
      %get3A_1040 = arith.constant 3 : i32
      %get3A_1041 = arith.index_cast %get3A_1040 : i32 to index
      %get3A_1042 = arith.constant 48 : index
      %get3A_1043 = tpu.vector_load %arg25[%get3A_1041, %get3A_1042] {strides = array<i32>} : memref<4x80xf32, #tpu.memory_space<vmem>>, vector<16xf32>,
      %parallel_loop3A_1044 = arith.constant 0 : i32
      %parallel_loop3A_1045 = arith.constant 64 : i32
      %parallel_loop3A_1046 = arith.constant 1 : i32
      scf.for %parallel_loop3A_1091 = %parallel_loop3A_1044 to %parallel_loop3A_1045 step %parallel_loop3A_1046  : i32 {
        %parallel_loop3A_1092 = vector.broadcast %parallel_loop3A_1091 : i32 to vector<16xi32>
        %parallel_loop3A_1093 = tpu.vector_load_idx %arg23[%get3A_1021, %parallel_loop3A_1092] : memref<1000x64xi32, #tpu.memory_space<vmem>>[vector<16xi32>, vector<16xi32>], vector<16xi32>,
        %parallel_loop3A_1094 = arith.constant 16 : i32
        %parallel_loop3A_1095 = vector.broadcast %parallel_loop3A_1094 : i32 to vector<16xi32>
        %parallel_loop3A_1096 = arith.shli %parallel_loop3A_1093, %parallel_loop3A_1095 : vector<16xi32>
        %parallel_loop3A_1097 = vector.bitcast %parallel_loop3A_1096 : vector<16xi32> to vector<16xf32>
        %parallel_loop3A_1098 = arith.constant -65536 : i32
        %parallel_loop3A_1099 = vector.broadcast %parallel_loop3A_1098 : i32 to vector<16xi32>
        %parallel_loop3A_1100 = arith.andi %parallel_loop3A_1093, %parallel_loop3A_1099 : vector<16xi32>
        %parallel_loop3A_1101 = vector.bitcast %parallel_loop3A_1100 : vector<16xi32> to vector<16xf32>
        %parallel_loop3A_1102 = tpu.vector_load_idx %arg23[%get3A_1023, %parallel_loop3A_1092] : memref<1000x64xi32, #tpu.memory_space<vmem>>[vector<16xi32>, vector<16xi32>], vector<16xi32>,
        %parallel_loop3A_1103 = arith.constant 16 : i32
        %parallel_loop3A_1104 = vector.broadcast %parallel_loop3A_1103 : i32 to vector<16xi32>
        %parallel_loop3A_1105 = arith.shli %parallel_loop3A_1102, %parallel_loop3A_1104 : vector<16xi32>
        %parallel_loop3A_1106 = vector.bitcast %parallel_loop3A_1105 : vector<16xi32> to vector<16xf32>
        %parallel_loop3A_1107 = arith.constant -65536 : i32
        %parallel_loop3A_1108 = vector.broadcast %parallel_loop3A_1107 : i32 to vector<16xi32>
        %parallel_loop3A_1109 = arith.andi %parallel_loop3A_1102, %parallel_loop3A_1108 : vector<16xi32>
        %parallel_loop3A_1110 = vector.bitcast %parallel_loop3A_1109 : vector<16xi32> to vector<16xf32>
        %parallel_loop3A_1111 = tpu.vector_load_idx %arg23[%get3A_1025, %parallel_loop3A_1092] : memref<1000x64xi32, #tpu.memory_space<vmem>>[vector<16xi32>, vector<16xi32>], vector<16xi32>,
        %parallel_loop3A_1112 = arith.constant 16 : i32
        %parallel_loop3A_1113 = vector.broadcast %parallel_loop3A_1112 : i32 to vector<16xi32>
        %parallel_loop3A_1114 = arith.shli %parallel_loop3A_1111, %parallel_loop3A_1113 : vector<16xi32>
        %parallel_loop3A_1115 = vector.bitcast %parallel_loop3A_1114 : vector<16xi32> to vector<16xf32>
        %parallel_loop3A_1116 = arith.constant -65536 : i32
        %parallel_loop3A_1117 = vector.broadcast %parallel_loop3A_1116 : i32 to vector<16xi32>
        %parallel_loop3A_1118 = arith.andi %parallel_loop3A_1111, %parallel_loop3A_1117 : vector<16xi32>
        %parallel_loop3A_1119 = vector.bitcast %parallel_loop3A_1118 : vector<16xi32> to vector<16xf32>
        %parallel_loop3A_1120 = tpu.vector_load_idx %arg23[%get3A_1027, %parallel_loop3A_1092] : memref<1000x64xi32, #tpu.memory_space<vmem>>[vector<16xi32>, vector<16xi32>], vector<16xi32>,
        %parallel_loop3A_1121 = arith.constant 16 : i32
        %parallel_loop3A_1122 = vector.broadcast %parallel_loop3A_1121 : i32 to vector<16xi32>
        %parallel_loop3A_1123 = arith.shli %parallel_loop3A_1120, %parallel_loop3A_1122 : vector<16xi32>
        %parallel_loop3A_1124 = vector.bitcast %parallel_loop3A_1123 : vector<16xi32> to vector<16xf32>
        %parallel_loop3A_1125 = arith.constant -65536 : i32
        %parallel_loop3A_1126 = vector.broadcast %parallel_loop3A_1125 : i32 to vector<16xi32>
        %parallel_loop3A_1127 = arith.andi %parallel_loop3A_1120, %parallel_loop3A_1126 : vector<16xi32>
        %parallel_loop3A_1128 = vector.bitcast %parallel_loop3A_1127 : vector<16xi32> to vector<16xf32>
        %parallel_loop3A_1129 = arith.mulf %parallel_loop3A_1097, %get3A_1031 : vector<16xf32>
        %parallel_loop3A_1130 = arith.mulf %parallel_loop3A_1106, %get3A_1035 : vector<16xf32>
        %parallel_loop3A_1131 = arith.addf %parallel_loop3A_1129, %parallel_loop3A_1130 : vector<16xf32>
        %parallel_loop3A_1132 = arith.mulf %parallel_loop3A_1115, %get3A_1039 : vector<16xf32>
        %parallel_loop3A_1133 = arith.addf %parallel_loop3A_1131, %parallel_loop3A_1132 : vector<16xf32>
        %parallel_loop3A_1134 = arith.mulf %parallel_loop3A_1124, %get3A_1043 : vector<16xf32>
        %parallel_loop3A_1135 = arith.addf %parallel_loop3A_1133, %parallel_loop3A_1134 : vector<16xf32>
        %parallel_loop3A_1136 = arith.mulf %parallel_loop3A_1101, %get3A_1031 : vector<16xf32>
        %parallel_loop3A_1137 = arith.mulf %parallel_loop3A_1110, %get3A_1035 : vector<16xf32>
        %parallel_loop3A_1138 = arith.addf %parallel_loop3A_1136, %parallel_loop3A_1137 : vector<16xf32>
        %parallel_loop3A_1139 = arith.mulf %parallel_loop3A_1119, %get3A_1039 : vector<16xf32>
        %parallel_loop3A_1140 = arith.addf %parallel_loop3A_1138, %parallel_loop3A_1139 : vector<16xf32>
        %parallel_loop3A_1141 = arith.mulf %parallel_loop3A_1128, %get3A_1043 : vector<16xf32>
        %parallel_loop3A_1142 = arith.addf %parallel_loop3A_1140, %parallel_loop3A_1141 : vector<16xf32>
        %parallel_loop3A_1143 = arith.constant 2 : i32
        %parallel_loop3A_1144 = vector.broadcast %parallel_loop3A_1143 : i32 to vector<16xi32>
        %parallel_loop3A_1145 = arith.muli %parallel_loop3A_1144, %parallel_loop3A_1092 : vector<16xi32>
        tpu.vector_store_idx %arg22[%add3A_1019, %parallel_loop3A_1145], %parallel_loop3A_1135 : memref<80x128xf32, #tpu.memory_space<vmem>>[vector<16xi32>, vector<16xi32>], vector<16xf32>,
        %parallel_loop3A_1146 = arith.constant 2 : i32
        %parallel_loop3A_1147 = vector.broadcast %parallel_loop3A_1146 : i32 to vector<16xi32>
        %parallel_loop3A_1148 = arith.muli %parallel_loop3A_1147, %parallel_loop3A_1092 : vector<16xi32>
        %parallel_loop3A_1149 = arith.constant 1 : i32
        %parallel_loop3A_1150 = vector.broadcast %parallel_loop3A_1149 : i32 to vector<16xi32>
        %parallel_loop3A_1151 = arith.addi %parallel_loop3A_1148, %parallel_loop3A_1150 : vector<16xi32>
        tpu.vector_store_idx %arg22[%add3A_1019, %parallel_loop3A_1151], %parallel_loop3A_1142 : memref<80x128xf32, #tpu.memory_space<vmem>>[vector<16xi32>, vector<16xi32>], vector<16xf32>,
      } {sc.loop_unroll_factor = 4 : i64, sc.parallel_access}
      %iota3A_1047 = tpu.iota {dimensions = array<i32: 0>} : vector<16xi32>
      %add3A_1048 = arith.constant 64 : i32
      %add3A_1049 = vector.broadcast %add3A_1048 : i32 to vector<16xi32>
      %add3A_1050 = arith.addi %add3A_1049, %iota3A_1047 : vector<16xi32>
      %get3A_1051 = arith.constant 64 : index
      %get3A_1052 = tpu.vector_load %arg15[%get3A_1051] {strides = array<i32>} : memref<80xi32, #tpu.memory_space<vmem>>, vector<16xi32>,
      %get3A_1053 = arith.constant 64 : index
      %get3A_1054 = tpu.vector_load %arg16[%get3A_1053] {strides = array<i32>} : memref<80xi32, #tpu.memory_space<vmem>>, vector<16xi32>,
      %get3A_1055 = arith.constant 64 : index
      %get3A_1056 = tpu.vector_load %arg17[%get3A_1055] {strides = array<i32>} : memref<80xi32, #tpu.memory_space<vmem>>, vector<16xi32>,
      %get3A_1057 = arith.constant 64 : index
      %get3A_1058 = tpu.vector_load %arg18[%get3A_1057] {strides = array<i32>} : memref<80xi32, #tpu.memory_space<vmem>>, vector<16xi32>,
      %get3A_1059 = arith.constant 0 : i32
      %get3A_1060 = arith.index_cast %get3A_1059 : i32 to index
      %get3A_1061 = arith.constant 64 : index
      %get3A_1062 = tpu.vector_load %arg25[%get3A_1060, %get3A_1061] {strides = array<i32>} : memref<4x80xf32, #tpu.memory_space<vmem>>, vector<16xf32>,
      %get3A_1063 = arith.constant 1 : i32
      %get3A_1064 = arith.index_cast %get3A_1063 : i32 to index
      %get3A_1065 = arith.constant 64 : index
      %get3A_1066 = tpu.vector_load %arg25[%get3A_1064, %get3A_1065] {strides = array<i32>} : memref<4x80xf32, #tpu.memory_space<vmem>>, vector<16xf32>,
      %get3A_1067 = arith.constant 2 : i32
      %get3A_1068 = arith.index_cast %get3A_1067 : i32 to index
      %get3A_1069 = arith.constant 64 : index
      %get3A_1070 = tpu.vector_load %arg25[%get3A_1068, %get3A_1069] {strides = array<i32>} : memref<4x80xf32, #tpu.memory_space<vmem>>, vector<16xf32>,
      %get3A_1071 = arith.constant 3 : i32
      %get3A_1072 = arith.index_cast %get3A_1071 : i32 to index
      %get3A_1073 = arith.constant 64 : index
      %get3A_1074 = tpu.vector_load %arg25[%get3A_1072, %get3A_1073] {strides = array<i32>} : memref<4x80xf32, #tpu.memory_space<vmem>>, vector<16xf32>,
      %parallel_loop3A_1075 = arith.constant 0 : i32
      %parallel_loop3A_1076 = arith.constant 64 : i32
      %parallel_loop3A_1077 = arith.constant 1 : i32
      scf.for %parallel_loop3A_1091 = %parallel_loop3A_1075 to %parallel_loop3A_1076 step %parallel_loop3A_1077  : i32 {
        %parallel_loop3A_1092 = vector.broadcast %parallel_loop3A_1091 : i32 to vector<16xi32>
        %parallel_loop3A_1093 = tpu.vector_load_idx %arg23[%get3A_1052, %parallel_loop3A_1092] : memref<1000x64xi32, #tpu.memory_space<vmem>>[vector<16xi32>, vector<16xi32>], vector<16xi32>,
        %parallel_loop3A_1094 = arith.constant 16 : i32
        %parallel_loop3A_1095 = vector.broadcast %parallel_loop3A_1094 : i32 to vector<16xi32>
        %parallel_loop3A_1096 = arith.shli %parallel_loop3A_1093, %parallel_loop3A_1095 : vector<16xi32>
        %parallel_loop3A_1097 = vector.bitcast %parallel_loop3A_1096 : vector<16xi32> to vector<16xf32>
        %parallel_loop3A_1098 = arith.constant -65536 : i32
        %parallel_loop3A_1099 = vector.broadcast %parallel_loop3A_1098 : i32 to vector<16xi32>
        %parallel_loop3A_1100 = arith.andi %parallel_loop3A_1093, %parallel_loop3A_1099 : vector<16xi32>
        %parallel_loop3A_1101 = vector.bitcast %parallel_loop3A_1100 : vector<16xi32> to vector<16xf32>
        %parallel_loop3A_1102 = tpu.vector_load_idx %arg23[%get3A_1054, %parallel_loop3A_1092] : memref<1000x64xi32, #tpu.memory_space<vmem>>[vector<16xi32>, vector<16xi32>], vector<16xi32>,
        %parallel_loop3A_1103 = arith.constant 16 : i32
        %parallel_loop3A_1104 = vector.broadcast %parallel_loop3A_1103 : i32 to vector<16xi32>
        %parallel_loop3A_1105 = arith.shli %parallel_loop3A_1102, %parallel_loop3A_1104 : vector<16xi32>
        %parallel_loop3A_1106 = vector.bitcast %parallel_loop3A_1105 : vector<16xi32> to vector<16xf32>
        %parallel_loop3A_1107 = arith.constant -65536 : i32
        %parallel_loop3A_1108 = vector.broadcast %parallel_loop3A_1107 : i32 to vector<16xi32>
        %parallel_loop3A_1109 = arith.andi %parallel_loop3A_1102, %parallel_loop3A_1108 : vector<16xi32>
        %parallel_loop3A_1110 = vector.bitcast %parallel_loop3A_1109 : vector<16xi32> to vector<16xf32>
        %parallel_loop3A_1111 = tpu.vector_load_idx %arg23[%get3A_1056, %parallel_loop3A_1092] : memref<1000x64xi32, #tpu.memory_space<vmem>>[vector<16xi32>, vector<16xi32>], vector<16xi32>,
        %parallel_loop3A_1112 = arith.constant 16 : i32
        %parallel_loop3A_1113 = vector.broadcast %parallel_loop3A_1112 : i32 to vector<16xi32>
        %parallel_loop3A_1114 = arith.shli %parallel_loop3A_1111, %parallel_loop3A_1113 : vector<16xi32>
        %parallel_loop3A_1115 = vector.bitcast %parallel_loop3A_1114 : vector<16xi32> to vector<16xf32>
        %parallel_loop3A_1116 = arith.constant -65536 : i32
        %parallel_loop3A_1117 = vector.broadcast %parallel_loop3A_1116 : i32 to vector<16xi32>
        %parallel_loop3A_1118 = arith.andi %parallel_loop3A_1111, %parallel_loop3A_1117 : vector<16xi32>
        %parallel_loop3A_1119 = vector.bitcast %parallel_loop3A_1118 : vector<16xi32> to vector<16xf32>
        %parallel_loop3A_1120 = tpu.vector_load_idx %arg23[%get3A_1058, %parallel_loop3A_1092] : memref<1000x64xi32, #tpu.memory_space<vmem>>[vector<16xi32>, vector<16xi32>], vector<16xi32>,
        %parallel_loop3A_1121 = arith.constant 16 : i32
        %parallel_loop3A_1122 = vector.broadcast %parallel_loop3A_1121 : i32 to vector<16xi32>
        %parallel_loop3A_1123 = arith.shli %parallel_loop3A_1120, %parallel_loop3A_1122 : vector<16xi32>
        %parallel_loop3A_1124 = vector.bitcast %parallel_loop3A_1123 : vector<16xi32> to vector<16xf32>
        %parallel_loop3A_1125 = arith.constant -65536 : i32
        %parallel_loop3A_1126 = vector.broadcast %parallel_loop3A_1125 : i32 to vector<16xi32>
        %parallel_loop3A_1127 = arith.andi %parallel_loop3A_1120, %parallel_loop3A_1126 : vector<16xi32>
        %parallel_loop3A_1128 = vector.bitcast %parallel_loop3A_1127 : vector<16xi32> to vector<16xf32>
        %parallel_loop3A_1129 = arith.mulf %parallel_loop3A_1097, %get3A_1062 : vector<16xf32>
        %parallel_loop3A_1130 = arith.mulf %parallel_loop3A_1106, %get3A_1066 : vector<16xf32>
        %parallel_loop3A_1131 = arith.addf %parallel_loop3A_1129, %parallel_loop3A_1130 : vector<16xf32>
        %parallel_loop3A_1132 = arith.mulf %parallel_loop3A_1115, %get3A_1070 : vector<16xf32>
        %parallel_loop3A_1133 = arith.addf %parallel_loop3A_1131, %parallel_loop3A_1132 : vector<16xf32>
        %parallel_loop3A_1134 = arith.mulf %parallel_loop3A_1124, %get3A_1074 : vector<16xf32>
        %parallel_loop3A_1135 = arith.addf %parallel_loop3A_1133, %parallel_loop3A_1134 : vector<16xf32>
        %parallel_loop3A_1136 = arith.mulf %parallel_loop3A_1101, %get3A_1062 : vector<16xf32>
        %parallel_loop3A_1137 = arith.mulf %parallel_loop3A_1110, %get3A_1066 : vector<16xf32>
        %parallel_loop3A_1138 = arith.addf %parallel_loop3A_1136, %parallel_loop3A_1137 : vector<16xf32>
        %parallel_loop3A_1139 = arith.mulf %parallel_loop3A_1119, %get3A_1070 : vector<16xf32>
        %parallel_loop3A_1140 = arith.addf %parallel_loop3A_1138, %parallel_loop3A_1139 : vector<16xf32>
        %parallel_loop3A_1141 = arith.mulf %parallel_loop3A_1128, %get3A_1074 : vector<16xf32>
        %parallel_loop3A_1142 = arith.addf %parallel_loop3A_1140, %parallel_loop3A_1141 : vector<16xf32>
        %parallel_loop3A_1143 = arith.constant 2 : i32
        %parallel_loop3A_1144 = vector.broadcast %parallel_loop3A_1143 : i32 to vector<16xi32>
        %parallel_loop3A_1145 = arith.muli %parallel_loop3A_1144, %parallel_loop3A_1092 : vector<16xi32>
        tpu.vector_store_idx %arg22[%add3A_1050, %parallel_loop3A_1145], %parallel_loop3A_1135 : memref<80x128xf32, #tpu.memory_space<vmem>>[vector<16xi32>, vector<16xi32>], vector<16xf32>,
        %parallel_loop3A_1146 = arith.constant 2 : i32
        %parallel_loop3A_1147 = vector.broadcast %parallel_loop3A_1146 : i32 to vector<16xi32>
        %parallel_loop3A_1148 = arith.muli %parallel_loop3A_1147, %parallel_loop3A_1092 : vector<16xi32>
        %parallel_loop3A_1149 = arith.constant 1 : i32
        %parallel_loop3A_1150 = vector.broadcast %parallel_loop3A_1149 : i32 to vector<16xi32>
        %parallel_loop3A_1151 = arith.addi %parallel_loop3A_1148, %parallel_loop3A_1150 : vector<16xi32>
        tpu.vector_store_idx %arg22[%add3A_1050, %parallel_loop3A_1151], %parallel_loop3A_1142 : memref<80x128xf32, #tpu.memory_space<vmem>>[vector<16xi32>, vector<16xi32>], vector<16xf32>,
      } {sc.loop_unroll_factor = 4 : i64, sc.parallel_access}
      %mul3A_1078 = arith.constant 1600 : i32
      %mul3A_1079 = arith.muli %add3A, %mul3A_1078 : i32
      %mul3A_1080 = arith.constant 80 : i32
      %mul3A_1081 = arith.muli %add3A_890, %mul3A_1080 : i32
      %add3A_1082 = arith.addi %mul3A_1079, %mul3A_1081 : i32
      %dma_start3A_1083 = arith.constant 0 : i32
      %dma_start3A_1084 = tpu.memref_slice %arg6[%add3A_1082, %dma_start3A_1083] : memref<51200x256xf32, #tpu.memory_space<hbm>> -> memref<80x128xf32, #tpu.memory_space<hbm>>
      %dma_start3A_1085 = arith.constant 0 : i32
      %dma_start3A_1086 = tpu.memref_slice %arg6[%add3A_1082, %dma_start3A_1085] : memref<51200x256xf32, #tpu.memory_space<hbm>> -> memref<80x128xf32, #tpu.memory_space<hbm>>
      tpu.enqueue_dma source(%arg22 : memref<80x128xf32, #tpu.memory_space<vmem>>) target(%dma_start3A_1086 : memref<80x128xf32, #tpu.memory_space<hbm>>) target_semaphore(%arg31 : memref<!tpu.dma_semaphore, #tpu.memory_space<semaphore_mem>>)
      %dma_start3A_1087 = arith.constant 128 : i32
      %dma_start3A_1088 = tpu.memref_slice %arg6[%add3A_1082, %dma_start3A_1087] : memref<51200x256xf32, #tpu.memory_space<hbm>> -> memref<80x128xf32, #tpu.memory_space<hbm>>
      %dma_start3A_1089 = arith.constant 128 : i32
      %dma_start3A_1090 = tpu.memref_slice %arg6[%add3A_1082, %dma_start3A_1089] : memref<51200x256xf32, #tpu.memory_space<hbm>> -> memref<80x128xf32, #tpu.memory_space<hbm>>
      tpu.enqueue_dma source(%arg20 : memref<80x128xf32, #tpu.memory_space<vmem>>) target(%dma_start3A_1090 : memref<80x128xf32, #tpu.memory_space<hbm>>) target_semaphore(%arg31 : memref<!tpu.dma_semaphore, #tpu.memory_space<semaphore_mem>>)
    }
    %scan3A_352 = arith.constant 10 : i32
    %mul3A_353 = arith.constant 1600 : i32
    %mul3A_354 = arith.muli %add3A, %mul3A_353 : i32
    %add3A_355 = arith.constant 1520 : i32
    %add3A_356 = arith.addi %mul3A_354, %add3A_355 : i32
    %dma_wait3A_357 = arith.constant 0 : i32
    %dma_wait3A_358 = tpu.memref_slice %arg6[%add3A_356, %dma_wait3A_357] : memref<51200x256xf32, #tpu.memory_space<hbm>> -> memref<80x128xf32, #tpu.memory_space<hbm>>
    %dma_wait3A_359 = arith.constant 0 : i32
    %dma_wait3A_360 = tpu.memref_slice %arg6[%add3A_356, %dma_wait3A_359] : memref<51200x256xf32, #tpu.memory_space<hbm>> -> memref<80x128xf32, #tpu.memory_space<hbm>>
    tpu.wait_dma2 semaphore(%arg31 : memref<!tpu.dma_semaphore, #tpu.memory_space<semaphore_mem>>) src(%arg22 : memref<80x128xf32, #tpu.memory_space<vmem>>) dst(%dma_wait3A_360 : memref<80x128xf32, #tpu.memory_space<hbm>>)
    %dma_wait3A_361 = arith.constant 128 : i32
    %dma_wait3A_362 = tpu.memref_slice %arg6[%add3A_356, %dma_wait3A_361] : memref<51200x256xf32, #tpu.memory_space<hbm>> -> memref<80x128xf32, #tpu.memory_space<hbm>>
    %dma_wait3A_363 = arith.constant 128 : i32
    %dma_wait3A_364 = tpu.memref_slice %arg6[%add3A_356, %dma_wait3A_363] : memref<51200x256xf32, #tpu.memory_space<hbm>> -> memref<80x128xf32, #tpu.memory_space<hbm>>
    tpu.wait_dma2 semaphore(%arg31 : memref<!tpu.dma_semaphore, #tpu.memory_space<semaphore_mem>>) src(%arg20 : memref<80x128xf32, #tpu.memory_space<vmem>>) dst(%dma_wait3A_364 : memref<80x128xf32, #tpu.memory_space<hbm>>)
    return
  }
}

</mosaic_0001>

<sc_bundles>
// kernel: kernel.3.cloned.1.call-start
scs
__scs_entry_jumppad:
0x0: {  	(pc) =	sbr.rel $0x88, $3  }
0x1: {  	(tag) =	ssettag $0x0;
	lr =	simm.s32 $0x1  }
0x2: {  	[smem:$0x3F9C] =	sst lr;
	_ =	strace $0xD0000000  }
0x3: {  	_ = 	snop  }
0x4: {  	_ = 	snop  }
0x5: {  	_ = 	snop  }
0x6: {  	_ = 	snop  }
0x7: {  	_ = 	snop  }
__scs_overlays_trampoline_lowered:
0x8: {  	[smem:$0x3FAB] =	sst s0  }
0x9: {  	[smem:$0x3FAC] =	sst s1  }
0xa: {  	[smem:$0x3FAD] =	sst s2  }
0xb: {  	[smem:$0x3FAE] =	sst s3  }
0xc: {  	[smem:$0x3FAF] =	sst s4  }
0xd: {  	[smem:$0x3FB0] =	sst s5  }
0xe: {  	[smem:$0x3FB1] =	sst s6  }
0xf: {  	[smem:$0x3FB2] =	sst s7  }
0x10: {  	[smem:$0x3FB3] =	sst s8  }
0x11: {  	[smem:$0x3FB4] =	sst s9;
	s0 =	simm.s32 @!p0 $0x0  }
0x12: {  	s1 =	sld [smem:$0x3F9A];
	s0 =	simm.s32 @p0 $0x1  }
0x13: {  	[smem:$0x3FB5] =	sst s0;
	s0 =	simm.s32 @!p1 $0x0  }
0x14: {  	s2 =	sld [smem:$0x3F99];
	s0 =	simm.s32 @p1 $0x1  }
0x15: {  	[smem:$0x3FB6] =	sst s0;
	s0 =	simm.s32 @!p2 $0x0  }
0x16: {  	s3 =	sld [smem:$0x3FDB];
	s0 =	simm.s32 @p2 $0x1  }
0x17: {  	s4 =	simm.s32 $0x1BF5;
	[smem:$0x3FB8] =	sst s0  }
0x18: {  	s0 =	sld [smem:$0x3F9B];
	_ =	swait.ge [sflag:s4], $0x0  }
0x19: {  	s7 =	sld [smem:$0x3F9C]  }
0x1a: {  	s8 =	sadd.s32 $0xFFFFE003, lr  }
0x1b: {  	s9 =	sadd.s32 $0xFFFFFEF7, lr;
	s5 =	simm.s32 $0xFFFFFFFF;
	p2 =	slt.u32 s8, $0xFFFFF086  }
0x1c: {  	p1 =	slt.u32 s9, $0xF7A;
	s5 =	simm.s32 @!p2 $0x0  }
0x1d: {  	s5 =	simm.s32 @p1 $0x1;
	p0 =	seq.s32 s7, s2  }
0x1e: {  	s7 =	smul.u32 @!p0 $0xF7A, s2;
	p2 =	seq.s32 @!p0 s5, $0x0  }
0x1f: {  	s9 =	smul.u32 $0xF7A, s1;
	s8 =	simm.s32 @!p0 $0x1BF5;
	p2 =	por !p2, p0  }
0x20: {  	[sflag:s8] =	ssyncset.s32 @!p0 $0xFFFFF086;
	s6 =	sadd.s32 @!p0 s3, s7;
	s7 =	simm.s32 @!p0 $0x108  }
0x21: {  	s3 =	sadd.s32 s3, s9;
	s6 =	sadd.s32 @!p0 $0x88, s6;
	s7 =	simm.s32 @p2 $0x1082  }
0x22: {  	[simem:s7], [sflag:s8] =	dma.local @!p0 [hbm:s6], $0xF7A  }
0x23: {  	s9 =	sor.u32 $0xD0000000, s2;
	s6 =	simm.s32 $0x108;
	_ =	swait.ge @!p0 [sflag:s8], $0x0  }
0x24: {  	s3 =	sadd.s32 $0x88, s3;
	s6 =	simm.s32 @!p1 $0x1082;
	[sflag:s4] =	ssyncset.s32 $0xFFFFF086  }
0x25: {  	[simem:s6], [sflag:s4] =	dma.local [hbm:s3], $0xF7A  }
0x26: {  	[smem:$0x3F9C] =	sst s1;
	(tag) =	ssettag s2;
	_ =	strace s9  }
0x27: {  	s1 =	sld [smem:$0x3FAC]  }
0x28: {  	s2 =	sld [smem:$0x3FAD]  }
0x29: {  	s4 =	sld [smem:$0x3FAF]  }
0x2a: {  	p0 =	seq.s32 s5, $0x0;
	s5 =	sld [smem:$0x3FB0]  }
0x2b: {  	s6 =	sld [smem:$0x3FB1]  }
0x2c: {  	s7 =	sld [smem:$0x3FB2]  }
0x2d: {  	s3 =	simm.s32 $0x108;
	s8 =	sld [smem:$0x3FB3]  }
0x2e: {  	s3 =	simm.s32 @!p0 $0x1082;
	s9 =	sld [smem:$0x3FB4]  }
0x2f: {  	lr =	sadd.s32 s0, s3;
	s0 =	sld [smem:$0x3FAB]  }
0x30: {  	s3 =	sld [smem:$0x3FAE]  }
0x31: {  	[smem:$0x3FB7] =	sst s10  }
0x32: {  	s10 =	sld [smem:$0x3FB5];
	_ =	sdelay $0x3  }
0x33: {  	p0 =	seq.s32 s10, $0x1;
	s10 =	sld [smem:$0x3FB7];
	_ =	sdelay $0x3  }
0x34: {  	[smem:$0x3FB7] =	sst s10  }
0x35: {  	s10 =	sld [smem:$0x3FB6];
	_ =	sdelay $0x3  }
0x36: {  	p1 =	seq.s32 s10, $0x1;
	s10 =	sld [smem:$0x3FB7];
	_ =	sdelay $0x3  }
0x37: {  	[smem:$0x3FB7] =	sst s10  }
0x38: {  	s10 =	sld [smem:$0x3FB8]  }
0x39: {  	_ = 	snop;
	(pc) =	sbr.ind lr, $3  }
0x3a: {  	_ = 	snop  }
0x3b: {  	_ = 	snop  }
0x3c: {  	p2 =	seq.s32 s10, $0x1;
	s10 =	sld [smem:$0x3FB7]  }
0x3d: {  	_ =	shalt  }
0x3e: {  	_ =	shalt  }
0x3f: {  	_ =	shalt  }
0x40: {  	_ =	shalt  }
0x41: {  	_ =	shalt  }
0x42: {  	_ =	shalt  }
0x43: {  	_ =	shalt  }
0x44: {  	_ =	shalt  }
0x45: {  	_ =	shalt  }
0x46: {  	_ =	shalt  }
0x47: {  	_ =	shalt  }
0x48: {  	_ =	shalt  }
0x49: {  	_ =	shalt  }
0x4a: {  	_ =	shalt  }
0x4b: {  	_ =	shalt  }
0x4c: {  	_ =	shalt  }
0x4d: {  	_ =	shalt  }
0x4e: {  	_ =	shalt  }
0x4f: {  	_ =	shalt  }
0x50: {  	_ =	shalt  }
0x51: {  	_ =	shalt  }
0x52: {  	_ =	shalt  }
0x53: {  	_ =	shalt  }
0x54: {  	_ =	shalt  }
0x55: {  	_ =	shalt  }
0x56: {  	_ =	shalt  }
0x57: {  	_ =	shalt  }
0x58: {  	_ =	shalt  }
0x59: {  	_ =	shalt  }
0x5a: {  	_ =	shalt  }
0x5b: {  	_ =	shalt  }
0x5c: {  	_ =	shalt  }
0x5d: {  	_ =	shalt  }
0x5e: {  	_ =	shalt  }
0x5f: {  	_ =	shalt  }
0x60: {  	_ =	shalt  }
0x61: {  	_ =	shalt  }
0x62: {  	_ =	shalt  }
0x63: {  	_ =	shalt  }
0x64: {  	_ =	shalt  }
0x65: {  	_ =	shalt  }
0x66: {  	_ =	shalt  }
0x67: {  	_ =	shalt  }
0x68: {  	_ =	shalt  }
0x69: {  	_ =	shalt  }
0x6a: {  	_ =	shalt  }
0x6b: {  	_ =	shalt  }
0x6c: {  	_ =	shalt  }
0x6d: {  	_ =	shalt  }
0x6e: {  	_ =	shalt  }
0x6f: {  	_ =	shalt  }
0x70: {  	_ =	shalt  }
0x71: {  	_ =	shalt  }
0x72: {  	_ =	shalt  }
0x73: {  	_ =	shalt  }
0x74: {  	_ =	shalt  }
0x75: {  	_ =	shalt  }
0x76: {  	_ =	shalt  }
0x77: {  	_ =	shalt  }
0x78: {  	_ =	shalt  }
0x79: {  	_ =	shalt  }
0x7a: {  	_ =	shalt  }
0x7b: {  	_ =	shalt  }
0x7c: {  	_ =	shalt  }
0x7d: {  	_ =	shalt  }
0x7e: {  	_ =	shalt  }
0x7f: {  	_ =	shalt  }
0x80: {  	_ =	shalt  }
0x81: {  	_ =	shalt  }
0x82: {  	_ =	shalt  }
0x83: {  	_ =	shalt  }
0x84: {  	_ =	shalt  }
0x85: {  	_ =	shalt  }
0x86: {  	_ =	shalt  }
0x87: {  	_ =	shalt  }
.Lfunc_end0:
.L_simem_size_0:
called_computation.1_lowered:
.L_overlay_start_0:
0x88: {  	s2 =	sld [smem:$0x3FD9]  }
0x89: {  	s3 =	sld [smem:$0x3FFE];
	_ =	sdelay $0x1  }
0x8a: {  	s1 =	srdreg.scid  }
0x8b: {  	s0 =	sand.u32 $0x1, s1  }
0x8c: {  	s17 =	sshll.u32 s0, $0xA;
	s2 =	sadd.s32 s3, s2  }
0x8d: {  	s2 =	sadd.s32 s2, s17  }
0x8e: {  	[smem:$0x3FC3] =	sst s2  }
0x8f: {  	_ = 	snop  }
0x90: {  	s2 =	sld [smem:$0x3FC8]  }
0x91: {  	s18 =	sld [smem:$0x3FD0];
	(tm) =	ssettm $0x1  }
0x92: {  	s4 =	sld [smem:$0x3FFB];
	_ =	sdelay $0x3  }
0x93: {  	_ =	strace s4  }
0x94: {  	s4 =	sld [smem:$0x3FFC];
	_ =	sdelay $0x3  }
0x95: {  	_ =	strace s4  }
0x96: {  	s4 =	sld [smem:$0x3FFD];
	_ =	sdelay $0x3  }
0x97: {  	_ =	strace s4  }
0x98: {  	_ =	strace $0x8FFFFFFF  }
0x99: {  	s19 =	sld [smem:$0x3FDB];
	_ =	sdelay $0x1  }
0x9a: {  	s5 =	simm.s32 $_scs_section_size  }
0x9b: {  	s6 =	simm.s32 $_size__tile_overlayer_lowered;
	s7 =	simm.s32 $_tile_overlayer_lowered  }
0x9c: {  	s22 =	simm.s32 $0x1BFF;
	s21 =	sshll.u32 s7, $0x1;
	s4 =	sadd.s32 s5, s19  }
0x9d: {  	s8 =	simm.s32 $0x0;
	s20 =	sshll.u32 s6, $0x1;
	s6 =	sadd.s32 s21, s4  }
0x9e: {  	[timem:s8], [sflag:s22] =	dma.local [hbm:s6], s20  }
0x9f: {  	_ =	swait.ge [sflag:s22], s20  }
0xa0: {  	s5 =	ssub.s32 $0x0, s20;
	[sflag:s22] =	ssyncset.done $0x0  }
0xa1: {  	[sflag:s22] =	ssyncadd.s32 s5;
	_ =	sdelay $0x1  }
0xa2: {  	s23 =	simm.s32 $0x1B8B  }
0xa3: {  	_ =	swait.ge [sflag:s23], $0x1  }
0xa4: {  	[sflag:s23] =	ssyncset.done $0x0  }
0xa5: {  	s25 =	simm.s32 $0x1B8E;
	s24 =	sld [smem:$0x3FFE];
	[sflag:s23] =	ssyncadd.s32 $0xFFFFFFFF  }
0xa6: {  	s26 =	simm.s32 $execute0_lowered;
	[smem:$0x3FD2] =	sst s25  }
0xa7: {  	s6 =	sshll.u32 s26, $0x1;
	_ =	strace $0x80000046;
	[dreg:$0x1] =	wrdreg $0xFFFFFFFF  }
0xa8: {  	s28 =	simm.s32 $_size_execute0_lowered;
	s4 =	sadd.s32 s4, s6;
	[dreg:$0x0] =	wrdreg $0x0  }
0xa9: {  	s6 =	sshll.u32 s28, $0x1;
	[dreg:$0x2] =	wrdreg s4  }
0xaa: {  	[dreg:$0x3] =	wrdreg s6  }
0xab: {  	[dreg:$0x4] =	wrdreg $0xC0  }
0xac: {  	_ =	task [dreg:s8], $0x5FFFF  }
0xad: {  	[dreg:$0x1] =	wrdreg $0xFFFFFFFF  }
0xae: {  	[dreg:$0x0] =	wrdreg $0x60  }
0xaf: {  	[dreg:$0x2] =	wrdreg s24  }
0xb0: {  	[dreg:$0x3] =	wrdreg s2  }
0xb1: {  	[dreg:$0x4] =	wrdreg s18  }
0xb2: {  	[dreg:$0x5] =	wrdreg $0x9  }
0xb3: {  	_ =	task.clear_ibuf [dreg:s8], $0x6FFFF;
	_ =	strace $0x90000046  }
0xb4: {  	s29 =	simm.s32 $0x9;
	_ =	strace $0x80000048  }
0xb5: {  	_ =	swait.ge [sflag:s29], $0x1  }
0xb6: {  	[sflag:s29] =	ssyncadd.s32 $0xFFFFFFFF  }
0xb7: {  	_ =	strace $0x90000048  }
0xb8: {  	_ =	sfence  }
0xb9: {  	s30 =	sld [smem:$0x0];
	_ =	sdelay $0x2  }
0xba: {  	s31 =	sshll.u32 s1, $0xD;
	s1 =	sshrl.u32 s1, $0x2  }
0xbb: {  	s3 =	sand.u32 $0x4000, s31;
	s1 =	sadd.s32 s1, s30  }
0xbc: {  	s0 =	sor.u32 s3, s0;
	s1 =	sshll.u32 s1, $0x11  }
0xbd: {  	s0 =	sor.u32 s1, s0  }
0xbe: {  	s0 =	sadd.s32 $0x8F2B, s0  }
0xbf: {  	[sflag:s0] =	ssyncadd.remote.s32 $0x1  }
0xc0: {  	_ =	sfence.sel $0xFFFF  }
0xc1: {  	[dreg:$0x0] =	wrdreg $0xFFFFFFFF;
	(pc) =	sbr.abs _section_cstart, $3  }
0xc2: {  	[dreg:$0x1] =	wrdreg $0xFFFFFFFF  }
0xc3: {  	_ =	task.clear_ibuf [dreg:s8], $0x2FFFF;
	_ =	strace $0x9FFFFFFF  }
0xc4: {  	(tm) =	ssettm $0x7FFFFFFF  }
0xc5: {  	_ =	shalt  }
tec
execute0_lowered:
.L_overlay_start_1:
0x0: {  	(tag) =	ssettag $0x1  }
0x1: {  	v0 =	vlaneseq.u32  }
0x2: {  	v1 =	vmul.u32 $0x10, v0;
	_ =	sdelay $0x1  }
0x3: {  	v2 =	vor.u32 $0x4, v1  }
0x4: {  	v25 =	vor.u32 $0x1, v1;
	[tilespmem:$0x1FD30] =	vst v2  }
0x5: {  	v26 =	vor.u32 $0x5, v1;
	[tilespmem:$0x1FD40] =	vst v25  }
0x6: {  	v27 =	vor.u32 $0x2, v1;
	[tilespmem:$0x1FD50] =	vst v26  }
0x7: {  	v28 =	vor.u32 $0x6, v1;
	[tilespmem:$0x1FD60] =	vst v27  }
0x8: {  	v29 =	vor.u32 $0x3, v1;
	[tilespmem:$0x1FD70] =	vst v28  }
0x9: {  	s0 =	rddreg [dreg:$0x0];
	v30 =	vor.u32 $0x7, v1;
	[tilespmem:$0x1FD80] =	vst v29  }
0xa: {  	s1 =	rddreg [dreg:$0x1];
	s6 =	simm.s32 $0x0;
	v31 =	vor.u32 $0x100, v1;
	[tilespmem:$0x1FD90] =	vst v30  }
0xb: {  	[smem:$0x7FF] =	sst s6;
	v32 =	vor.u32 $0x104, v1;
	[tilespmem:$0x1FDA0] =	vst v31  }
0xc: {  	s3 =	rddreg [dreg:$0x2];
	v33 =	vor.u32 $0x101, v1;
	_ =	strace $0x80000047;
	[tilespmem:$0x1FDB0] =	vst v32  }
0xd: {  	v34 =	vor.u32 $0x105, v1;
	[tilespmem:$0x1FDC0] =	vst v33  }
0xe: {  	v35 =	vor.u32 $0x102, v1;
	[tilespmem:$0x1FDD0] =	vst v34  }
0xf: {  	v36 =	vor.u32 $0x106, v1;
	[tilespmem:$0x1FDE0] =	vst v35  }
0x10: {  	v37 =	vor.u32 $0x103, v1;
	[tilespmem:$0x1FDF0] =	vst v36  }
0x11: {  	v38 =	vor.u32 $0x107, v1;
	[tilespmem:$0x1FE00] =	vst v37  }
0x12: {  	v39 =	vor.u32 $0x200, v1;
	[tilespmem:$0x1FE10] =	vst v38  }
0x13: {  	v40 =	vor.u32 $0x204, v1;
	[tilespmem:$0x1FE20] =	vst v39  }
0x14: {  	v41 =	vor.u32 $0x201, v1;
	[tilespmem:$0x1FE30] =	vst v40  }
0x15: {  	v42 =	vor.u32 $0x205, v1;
	[tilespmem:$0x1FE40] =	vst v41  }
0x16: {  	v43 =	vor.u32 $0x202, v1;
	[tilespmem:$0x1FE50] =	vst v42  }
0x17: {  	v44 =	vor.u32 $0x206, v1;
	[tilespmem:$0x1FE60] =	vst v43  }
0x18: {  	v45 =	vor.u32 $0x203, v1;
	[tilespmem:$0x1FE70] =	vst v44  }
0x19: {  	v46 =	vor.u32 $0x207, v1;
	[tilespmem:$0x1FE80] =	vst v45  }
0x1a: {  	v47 =	vor.u32 $0x300, v1;
	[tilespmem:$0x1FE90] =	vst v46  }
0x1b: {  	v48 =	vor.u32 $0x304, v1;
	[tilespmem:$0x1FEA0] =	vst v47  }
0x1c: {  	v49 =	vor.u32 $0x301, v1;
	[tilespmem:$0x1FEB0] =	vst v48  }
0x1d: {  	v50 =	vor.u32 $0x305, v1;
	[tilespmem:$0x1FEC0] =	vst v49  }
0x1e: {  	v51 =	vor.u32 $0x302, v1;
	[tilespmem:$0x1FED0] =	vst v50  }
0x1f: {  	v52 =	vor.u32 $0x306, v1;
	[tilespmem:$0x1FEE0] =	vst v51  }
0x20: {  	v53 =	vor.u32 $0x303, v1;
	[tilespmem:$0x1FEF0] =	vst v52  }
0x21: {  	v54 =	vor.u32 $0x307, v1;
	[tilespmem:$0x1FF00] =	vst v53  }
0x22: {  	s2 =	srdreg.scid;
	s4 =	stileid.u32;
	v55 =	vor.u32 $0x400, v1;
	[tilespmem:$0x1FF10] =	vst v54  }
0x23: {  	s16 =	simm.s32 $0xAD20;
	s17 =	simm.s32 $0x7;
	s18 =	simm.s32 $0x50;
	v56 =	vor.u32 $0x404, v1;
	[tilespmem:$0x1FF20] =	vst v55  }
0x24: {  	s19 =	simm.s32 $0xA0;
	s20 =	simm.s32 $0x3;
	s21 =	simm.s32 $0x5A0;
	v57 =	vor.u32 $0x401, v1;
	[tilespmem:$0x1FF30] =	vst v56  }
0x25: {  	s28 =	simm.s32 $0x80;
	s29 =	simm.s32 $0x100;
	s30 =	simm.s32 $0x2;
	v58 =	vor.u32 $0x405, v1;
	[tilespmem:$0x1FF40] =	vst v57  }
0x26: {  	s31 =	simm.s32 $0x5;
	s2 =	sand.u32 $0x1, s2;
	s5 =	sshll.u32 s4, $0x1;
	v60 =	vor.u32 $0x402, v1;
	[tilespmem:$0x1FF50] =	vst v58  }
0x27: {  	s6 =	sadd.s32 $0x2800, s0;
	s5 =	sor.u32 s2, s5;
	s2 =	ssub.s32 $0x2, s2;
	v61 =	vor.u32 $0x406, v1;
	[tilespmem:$0x1FF60] =	vst v60  }
0x28: {  	s22 =	sadd.s32 $0x800, s0;
	s5 =	smul.u32 $0x640, s5;
	s23 =	sshrl.u32 s2, $0x1;
	v62 =	vor.u32 $0x403, v1;
	[tilespmem:$0x1FF70] =	vst v61  }
0x29: {  	s8 =	sadd.s32 $0x4200, s0;
	s13 =	sadd.s32 $0x10, s3;
	s0 =	ssub.s32 s2, s23;
	[tilespmem:$0x1FF80] =	vst v62  }
0x2a: {  	v59 =	vmul.u32 $0x80, v0;
	v63 =	vor.u32 $0x407, v1;
	s23 =	simm.s32 $0x1;
	[dreg:$0x4] =	wrdreg s22;
	s9 =	sadd.s32 $0x50, s5;
	[tilespmem:$0x1FF90] =	vst v1  }
0x2b: {  	s24 =	sshrl.u32 s5, $0x3;
	s12 =	sadd.s32 $0xA0, s5;
	s26 =	sadd.s32 $0xF0, s5;
	[tilespmem:$0x1FFA0] =	vst v63  }
0x2c: {  	s0 =	smax.u32 s0, $0x1;
	s22 =	simm.s32 $0xD20;
	v60 =	vor.u32 $0x1, v59;
	[tilespmem:$0x1FFB0] =	vst v59;
	[dreg:$0x7] =	wrdreg s26  }
0x2d: {  	v61 =	vor.u32 $0x2, v59;
	s7 =	sshrl.u32 s9, $0x3;
	s2 =	sadd.s32 s6, s24;
	[dreg:$0x8] =	wrdreg s0;
	[tilespmem:$0x1FFC0] =	vst v60  }
0x2e: {  	v62 =	vor.u32 $0x3, v59;
	s24 =	simm.s32 $0x4;
	s26 =	simm.s32 $0x5D20;
	s0 =	simm.s32 $0x8520;
	[tilespmem:$0x1FFD0] =	vst v61  }
0x2f: {  	v63 =	vor.u32 $0x4, v59;
	[tilespmem:$0x1FFE0] =	vst v62;
	[dreg:$0x5] =	wrdreg s2;
	s25 =	sadd.s32 s6, s7;
	s2 =	simm.s32 $0x6  }
0x30: {  	[tilespmem:$0x1FFF0] =	vst v63;
	s7 =	simm.s32 $0x0;
	[dreg:$0x6] =	wrdreg s25;
	s25 =	simm.s32 $0x3520  }
.LBB2_1:
0x31: {  	[dreg:$0x9] =	wrdreg s7  }
0x32: {  	s4 =	simm.s32 $0x0;
	s11 =	rddreg [dreg:$0x4]  }
0x33: {  	[tilespmem:s16], [sflag:$0x7] =	stream.linear.gather [hbm4b:s11+s4], $0xFA00, $0x38;
	[tilespmem:$0x1A9A0] =	vst v63  }
0x34: {  	_ =	swait.ge [sflag:s17], $0xFA00  }
0x35: {  	[sflag:s17] =	ssyncset.done $0x0  }
0x36: {  	s14 =	rddreg [dreg:$0x5];
	[sflag:s17] =	ssyncadd.s32 $0xFFFF0600  }
0x37: {  	[tilespmem:s4], [sflag:$0x7] =	stream.linear.gather [hbm4b:s14+s4], $0x50, $0x38;
	[tilespmem:$0x1A9A0] =	vst v63  }
0x38: {  	_ =	swait.ge [sflag:s17], $0x50  }
0x39: {  	[sflag:s17] =	ssyncset.done $0x0  }
0x3a: {  	[sflag:s17] =	ssyncadd.s32 $0xFFFFFFB0  }
0x3b: {  	[tilespmem:s19], [sflag:$0x3] =	stream.indirect.gather [hbm4b:s8+s18], $0x10, s4, s18, $0xb8;
	[tilespmem:$0x1A9A0] =	vst v63  }
0x3c: {  	_ =	swait.ge [sflag:s20], $0x500  }
0x3d: {  	v0 =	vld [tilespmem:$0x1FF90];
	_ =	sdelay $0x4  }
0x3e: {  	v1 =	vld [tilespmem:$0x1FD30]  }
0x3f: {  	[sflag:s20] =	ssyncset.done $0x0;
	v10 =	vld [tilespmem:$0x1FD40]  }
0x40: {  	[sflag:s20] =	ssyncadd.s32 $0xFFFFFB00  }
0x41: {  	v0 =	vld.idx.msk [tilespmem:v0+s19+$0x0], $0xffff;
	_ =	sdelay $0x2  }
0x42: {  	v2 =	vld [tilespmem:$0x1FD50]  }
0x43: {  	v11 =	vld [tilespmem:$0x1FD60]  }
0x44: {  	v1 =	vld.idx.msk [tilespmem:v1+s19+$0x0], $0xffff;
	[tilespmem:$0xAA0] =	vst v0  }
0x45: {  	v0 =	vld.idx.msk [tilespmem:v10+s19+$0x0], $0xffff;
	_ =	sdelay $0x2  }
0x46: {  	v3 =	vld [tilespmem:$0x1FD70]  }
0x47: {  	v12 =	vld [tilespmem:$0x1FD90]  }
0x48: {  	v2 =	vld.idx.msk [tilespmem:v2+s19+$0x0], $0xffff;
	[tilespmem:$0xAF0] =	vst v0  }
0x49: {  	v0 =	vld.idx.msk [tilespmem:v11+s19+$0x0], $0xffff;
	_ =	sdelay $0x4  }
0x4a: {  	v3 =	vld.idx.msk [tilespmem:v3+s19+$0x0], $0xffff;
	[tilespmem:$0xB40] =	vst v0  }
0x4b: {  	v0 =	vld.idx.msk [tilespmem:v12+s19+$0x0], $0xffff;
	_ =	sdelay $0x2  }
0x4c: {  	v4 =	vadd.s32 v1, v2  }
0x4d: {  	v4 =	vadd.s32 v3, v4  }
0x4e: {  	v4 =	vadd.s32 v0, v4  }
0x4f: {  	v13 =	vld [tilespmem:$0x1FD80];
	v4 =	vcvt.s32.f32 v4;
	_ =	sdelay $0x1  }
0x50: {  	(erf) = vrcp.f32 v4;
	_ =	sdelay $0x5  }
0x51: {  	v4 =	vld.idx.msk [tilespmem:v13+s19+$0x0], $0xffff;
	_ =	sdelay $0x1  }
0x52: {  	v15 =	vld [tilespmem:$0x1FDA0];
	v1 =	vcvt.s32.f32 v1  }
0x53: {  	v2 =	vcvt.s32.f32 v2;
	v5 =	vpop (erf)  }
0x54: {  	v3 =	vcvt.s32.f32 v3;
	v1 =	vmul.f32 v1, v5  }
0x55: {  	v0 =	vcvt.s32.f32 v0;
	[tilespmem:$0xB90] =	vst v4;
	v2 =	vmul.f32 v2, v5  }
0x56: {  	v14 =	vmul.f32 v3, v5;
	[tilespmem:$0x1A720] =	vst v1  }
0x57: {  	v16 =	vld [tilespmem:$0x1FDB0];
	v0 =	vmul.f32 v0, v5;
	[tilespmem:$0x1A770] =	vst v2  }
0x58: {  	v17 =	vld [tilespmem:$0x1FDC0];
	[tilespmem:$0x1A7C0] =	vst v14  }
0x59: {  	[tilespmem:$0x1A810] =	vst v0  }
0x5a: {  	v0 =	vld.idx.msk [tilespmem:v15+s19+$0x0], $0xffff;
	_ =	sdelay $0x2  }
0x5b: {  	v18 =	vld [tilespmem:$0x1FDD0]  }
0x5c: {  	v19 =	vld [tilespmem:$0x1FDE0]  }
0x5d: {  	v1 =	vld.idx.msk [tilespmem:v16+s19+$0x0], $0xffff;
	[tilespmem:$0xAB0] =	vst v0  }
0x5e: {  	v0 =	vld.idx.msk [tilespmem:v17+s19+$0x0], $0xffff;
	_ =	sdelay $0x2  }
0x5f: {  	v20 =	vld [tilespmem:$0x1FDF0]  }
0x60: {  	v21 =	vld [tilespmem:$0x1FE10]  }
0x61: {  	v2 =	vld.idx.msk [tilespmem:v18+s19+$0x0], $0xffff;
	[tilespmem:$0xB00] =	vst v0  }
0x62: {  	v0 =	vld.idx.msk [tilespmem:v19+s19+$0x0], $0xffff;
	_ =	sdelay $0x4  }
0x63: {  	v3 =	vld.idx.msk [tilespmem:v20+s19+$0x0], $0xffff;
	[tilespmem:$0xB50] =	vst v0  }
0x64: {  	v0 =	vld.idx.msk [tilespmem:v21+s19+$0x0], $0xffff;
	_ =	sdelay $0x2  }
0x65: {  	v22 =	vadd.s32 v1, v2  }
0x66: {  	v4 =	vadd.s32 v3, v22  }
0x67: {  	v4 =	vadd.s32 v0, v4  }
0x68: {  	v23 =	vld [tilespmem:$0x1FE00];
	v4 =	vcvt.s32.f32 v4;
	_ =	sdelay $0x1  }
0x69: {  	(erf) = vrcp.f32 v4;
	_ =	sdelay $0x5  }
0x6a: {  	v4 =	vld.idx.msk [tilespmem:v23+s19+$0x0], $0xffff;
	_ =	sdelay $0x1  }
0x6b: {  	v26 =	vld [tilespmem:$0x1FE20];
	v1 =	vcvt.s32.f32 v1  }
0x6c: {  	v2 =	vcvt.s32.f32 v2;
	v24 =	vpop (erf)  }
0x6d: {  	v3 =	vcvt.s32.f32 v3;
	v1 =	vmul.f32 v1, v24  }
0x6e: {  	v0 =	vcvt.s32.f32 v0;
	[tilespmem:$0xBA0] =	vst v4;
	v2 =	vmul.f32 v2, v24  }
0x6f: {  	v25 =	vmul.f32 v3, v24;
	[tilespmem:$0x1A730] =	vst v1  }
0x70: {  	v27 =	vld [tilespmem:$0x1FE30];
	v0 =	vmul.f32 v0, v24;
	[tilespmem:$0x1A780] =	vst v2  }
0x71: {  	v28 =	vld [tilespmem:$0x1FE40];
	[tilespmem:$0x1A7D0] =	vst v25  }
0x72: {  	[tilespmem:$0x1A820] =	vst v0  }
0x73: {  	v0 =	vld.idx.msk [tilespmem:v26+s19+$0x0], $0xffff;
	_ =	sdelay $0x2  }
0x74: {  	v29 =	vld [tilespmem:$0x1FE50]  }
0x75: {  	v30 =	vld [tilespmem:$0x1FE60]  }
0x76: {  	v1 =	vld.idx.msk [tilespmem:v27+s19+$0x0], $0xffff;
	[tilespmem:$0xAC0] =	vst v0  }
0x77: {  	v0 =	vld.idx.msk [tilespmem:v28+s19+$0x0], $0xffff;
	_ =	sdelay $0x2  }
0x78: {  	v31 =	vld [tilespmem:$0x1FE70]  }
0x79: {  	v32 =	vld [tilespmem:$0x1FE90]  }
0x7a: {  	v2 =	vld.idx.msk [tilespmem:v29+s19+$0x0], $0xffff;
	[tilespmem:$0xB10] =	vst v0  }
0x7b: {  	v0 =	vld.idx.msk [tilespmem:v30+s19+$0x0], $0xffff;
	_ =	sdelay $0x4  }
0x7c: {  	v3 =	vld.idx.msk [tilespmem:v31+s19+$0x0], $0xffff;
	[tilespmem:$0xB60] =	vst v0  }
0x7d: {  	v0 =	vld.idx.msk [tilespmem:v32+s19+$0x0], $0xffff;
	_ =	sdelay $0x2  }
0x7e: {  	v33 =	vadd.s32 v1, v2  }
0x7f: {  	v4 =	vadd.s32 v3, v33  }
0x80: {  	v4 =	vadd.s32 v0, v4  }
0x81: {  	v34 =	vld [tilespmem:$0x1FE80];
	v4 =	vcvt.s32.f32 v4;
	_ =	sdelay $0x1  }
0x82: {  	(erf) = vrcp.f32 v4;
	_ =	sdelay $0x5  }
0x83: {  	v4 =	vld.idx.msk [tilespmem:v34+s19+$0x0], $0xffff;
	_ =	sdelay $0x1  }
0x84: {  	v37 =	vld [tilespmem:$0x1FEA0];
	v1 =	vcvt.s32.f32 v1  }
0x85: {  	v2 =	vcvt.s32.f32 v2;
	v35 =	vpop (erf)  }
0x86: {  	v3 =	vcvt.s32.f32 v3;
	v1 =	vmul.f32 v1, v35  }
0x87: {  	v0 =	vcvt.s32.f32 v0;
	[tilespmem:$0xBB0] =	vst v4;
	v2 =	vmul.f32 v2, v35  }
0x88: {  	v36 =	vmul.f32 v3, v35;
	[tilespmem:$0x1A740] =	vst v1  }
0x89: {  	v38 =	vld [tilespmem:$0x1FEB0];
	v0 =	vmul.f32 v0, v35;
	[tilespmem:$0x1A790] =	vst v2  }
0x8a: {  	v39 =	vld [tilespmem:$0x1FEC0];
	[tilespmem:$0x1A7E0] =	vst v36  }
0x8b: {  	[tilespmem:$0x1A830] =	vst v0  }
0x8c: {  	v0 =	vld.idx.msk [tilespmem:v37+s19+$0x0], $0xffff;
	_ =	sdelay $0x2  }
0x8d: {  	v40 =	vld [tilespmem:$0x1FED0]  }
0x8e: {  	v41 =	vld [tilespmem:$0x1FEE0]  }
0x8f: {  	v1 =	vld.idx.msk [tilespmem:v38+s19+$0x0], $0xffff;
	[tilespmem:$0xAD0] =	vst v0  }
0x90: {  	v0 =	vld.idx.msk [tilespmem:v39+s19+$0x0], $0xffff;
	_ =	sdelay $0x2  }
0x91: {  	v42 =	vld [tilespmem:$0x1FEF0]  }
0x92: {  	v43 =	vld [tilespmem:$0x1FF10]  }
0x93: {  	v2 =	vld.idx.msk [tilespmem:v40+s19+$0x0], $0xffff;
	[tilespmem:$0xB20] =	vst v0  }
0x94: {  	v0 =	vld.idx.msk [tilespmem:v41+s19+$0x0], $0xffff;
	_ =	sdelay $0x4  }
0x95: {  	v3 =	vld.idx.msk [tilespmem:v42+s19+$0x0], $0xffff;
	[tilespmem:$0xB70] =	vst v0  }
0x96: {  	v0 =	vld.idx.msk [tilespmem:v43+s19+$0x0], $0xffff;
	_ =	sdelay $0x2  }
0x97: {  	v44 =	vadd.s32 v1, v2  }
0x98: {  	v4 =	vadd.s32 v3, v44  }
0x99: {  	v4 =	vadd.s32 v0, v4  }
0x9a: {  	v45 =	vld [tilespmem:$0x1FF00];
	v4 =	vcvt.s32.f32 v4;
	_ =	sdelay $0x1  }
0x9b: {  	(erf) = vrcp.f32 v4;
	_ =	sdelay $0x5  }
0x9c: {  	v4 =	vld.idx.msk [tilespmem:v45+s19+$0x0], $0xffff;
	_ =	sdelay $0x1  }
0x9d: {  	v48 =	vld [tilespmem:$0x1FF20];
	v1 =	vcvt.s32.f32 v1  }
0x9e: {  	v2 =	vcvt.s32.f32 v2;
	v46 =	vpop (erf)  }
0x9f: {  	v3 =	vcvt.s32.f32 v3;
	v1 =	vmul.f32 v1, v46  }
0xa0: {  	v0 =	vcvt.s32.f32 v0;
	[tilespmem:$0xBC0] =	vst v4;
	v2 =	vmul.f32 v2, v46  }
0xa1: {  	v47 =	vmul.f32 v3, v46;
	[tilespmem:$0x1A750] =	vst v1  }
0xa2: {  	v49 =	vld [tilespmem:$0x1FF30];
	v0 =	vmul.f32 v0, v46;
	[tilespmem:$0x1A7A0] =	vst v2  }
0xa3: {  	v50 =	vld [tilespmem:$0x1FF40];
	[tilespmem:$0x1A7F0] =	vst v47  }
0xa4: {  	[tilespmem:$0x1A840] =	vst v0  }
0xa5: {  	v0 =	vld.idx.msk [tilespmem:v48+s19+$0x0], $0xffff;
	_ =	sdelay $0x2  }
0xa6: {  	v51 =	vld [tilespmem:$0x1FF50]  }
0xa7: {  	v52 =	vld [tilespmem:$0x1FF60]  }
0xa8: {  	v1 =	vld.idx.msk [tilespmem:v49+s19+$0x0], $0xffff;
	[tilespmem:$0xAE0] =	vst v0  }
0xa9: {  	v0 =	vld.idx.msk [tilespmem:v50+s19+$0x0], $0xffff;
	_ =	sdelay $0x2  }
0xaa: {  	v53 =	vld [tilespmem:$0x1FF70]  }
0xab: {  	v54 =	vld [tilespmem:$0x1FFA0]  }
0xac: {  	v2 =	vld.idx.msk [tilespmem:v51+s19+$0x0], $0xffff;
	[tilespmem:$0xB30] =	vst v0  }
0xad: {  	v0 =	vld.idx.msk [tilespmem:v52+s19+$0x0], $0xffff;
	_ =	sdelay $0x4  }
0xae: {  	v3 =	vld.idx.msk [tilespmem:v53+s19+$0x0], $0xffff;
	[tilespmem:$0xB80] =	vst v0  }
0xaf: {  	v0 =	vld.idx.msk [tilespmem:v54+s19+$0x0], $0xffff;
	_ =	sdelay $0x2  }
0xb0: {  	v55 =	vadd.s32 v1, v2  }
0xb1: {  	v4 =	vadd.s32 v3, v55  }
0xb2: {  	v4 =	vadd.s32 v0, v4  }
0xb3: {  	v56 =	vld [tilespmem:$0x1FF80];
	v4 =	vcvt.s32.f32 v4;
	_ =	sdelay $0x1  }
0xb4: {  	(erf) = vrcp.f32 v4;
	_ =	sdelay $0x5  }
0xb5: {  	v4 =	vld.idx.msk [tilespmem:v56+s19+$0x0], $0xffff;
	_ =	sdelay $0x1  }
0xb6: {  	v1 =	vcvt.s32.f32 v1  }
0xb7: {  	v2 =	vcvt.s32.f32 v2;
	v57 =	vpop (erf)  }
0xb8: {  	v3 =	vcvt.s32.f32 v3;
	v1 =	vmul.f32 v1, v57  }
0xb9: {  	v0 =	vcvt.s32.f32 v0;
	[tilespmem:$0xBD0] =	vst v4;
	v2 =	vmul.f32 v2, v57  }
0xba: {  	v58 =	vmul.f32 v3, v57;
	[tilespmem:$0x1A760] =	vst v1  }
0xbb: {  	v0 =	vmul.f32 v0, v57;
	[tilespmem:$0x1A7B0] =	vst v2  }
0xbc: {  	[tilespmem:$0x1A800] =	vst v58  }
0xbd: {  	s15 =	rddreg [dreg:$0x6];
	[tilespmem:$0x1A850] =	vst v0  }
0xbe: {  	[tilespmem:s18], [sflag:$0x7] =	stream.linear.gather [hbm4b:s15+s4], $0x50, $0x38;
	[tilespmem:$0x1A9A0] =	vst v63  }
0xbf: {  	_ =	swait.ge [sflag:s17], $0x50  }
0xc0: {  	[sflag:s17] =	ssyncset.done $0x0  }
0xc1: {  	[sflag:s17] =	ssyncadd.s32 $0xFFFFFFB0  }
0xc2: {  	[tilespmem:s21], [sflag:$0x4] =	stream.indirect.gather [hbm4b:s8+s18], $0x10, s18, s18, $0xb8;
	[tilespmem:$0x1A9A0] =	vst v63  }
0xc3: {  	s10 =	simm.s32 $0x0  }
0xc4: {  	[tilespmem:s22], [sflag:$0x1] =	stream.indirect.gather [hbm4b:s1+s18], $0x80, s4, s18, $0xb8;
	[tilespmem:$0x1A9A0] =	vst v63  }
.LBB2_2:
0xc5: {  	_ =	swait.ge [sflag:s23], $0x2800  }
0xc6: {  	[sflag:s23] =	ssyncset.done $0x0  }
0xc7: {  	[sflag:s23] =	ssyncadd.s32 $0xFFFFD800  }
0xc8: {  	_ =	swait.ge [sflag:s24], $0x500  }
0xc9: {  	v0 =	vld [tilespmem:$0x1FF90];
	_ =	sdelay $0x3  }
0xca: {  	v1 =	vld [tilespmem:$0x1FD30];
	_ =	sdelay $0x1  }
0xcb: {  	[sflag:s24] =	ssyncset.done $0x0  }
0xcc: {  	[sflag:s24] =	ssyncadd.s32 $0xFFFFFB00  }
0xcd: {  	v0 =	vld.idx.msk [tilespmem:v0+s21+$0x0], $0xffff;
	_ =	sdelay $0x3  }
0xce: {  	v1 =	vld.idx.msk [tilespmem:v1+s21+$0x0], $0xffff  }
0xcf: {  	[tilespmem:$0xBE0] =	vst v0;
	v0 =	vld [tilespmem:$0x1FD40];
	_ =	sdelay $0x3  }
0xd0: {  	v2 =	vld [tilespmem:$0x1FD50];
	_ =	sdelay $0x3  }
0xd1: {  	v0 =	vld.idx.msk [tilespmem:v0+s21+$0x0], $0xffff;
	_ =	sdelay $0x3  }
0xd2: {  	v2 =	vld.idx.msk [tilespmem:v2+s21+$0x0], $0xffff  }
0xd3: {  	[tilespmem:$0xC30] =	vst v0;
	v0 =	vld [tilespmem:$0x1FD60];
	_ =	sdelay $0x3  }
0xd4: {  	v3 =	vld [tilespmem:$0x1FD70];
	_ =	sdelay $0x3  }
0xd5: {  	v0 =	vld.idx.msk [tilespmem:v0+s21+$0x0], $0xffff;
	_ =	sdelay $0x3  }
0xd6: {  	v3 =	vld.idx.msk [tilespmem:v3+s21+$0x0], $0xffff  }
0xd7: {  	[tilespmem:$0xC80] =	vst v0;
	v0 =	vld [tilespmem:$0x1FD90];
	_ =	sdelay $0x7  }
0xd8: {  	v0 =	vld.idx.msk [tilespmem:v0+s21+$0x0], $0xffff;
	_ =	sdelay $0x2  }
0xd9: {  	v4 =	vadd.s32 v1, v2  }
0xda: {  	v4 =	vadd.s32 v3, v4  }
0xdb: {  	v4 =	vadd.s32 v0, v4  }
0xdc: {  	v4 =	vcvt.s32.f32 v4;
	_ =	sdelay $0x1  }
0xdd: {  	(erf) = vrcp.f32 v4;
	_ =	sdelay $0x2  }
0xde: {  	v4 =	vld [tilespmem:$0x1FD80];
	_ =	sdelay $0x4  }
0xdf: {  	v0 =	vcvt.s32.f32 v0  }
0xe0: {  	v5 =	vpop (erf)  }
0xe1: {  	v1 =	vcvt.s32.f32 v1;
	v0 =	vmul.f32 v0, v5  }
0xe2: {  	v4 =	vld.idx.msk [tilespmem:v4+s21+$0x0], $0xffff  }
0xe3: {  	v3 =	vcvt.s32.f32 v3;
	v1 =	vmul.f32 v1, v5;
	[tilespmem:$0x1A950] =	vst v0;
	v0 =	vld [tilespmem:$0x1FDA0];
	_ =	sdelay $0x1  }
0xe4: {  	v2 =	vcvt.s32.f32 v2;
	[tilespmem:$0x1A860] =	vst v1;
	v1 =	vmul.f32 v3, v5;
	_ =	sdelay $0x1  }
0xe5: {  	v2 =	vmul.f32 v2, v5;
	[tilespmem:$0x1A900] =	vst v1;
	v1 =	vld [tilespmem:$0x1FDB0];
	_ =	sdelay $0x1  }
0xe6: {  	[tilespmem:$0x1A8B0] =	vst v2  }
0xe7: {  	[tilespmem:$0xCD0] =	vst v4  }
0xe8: {  	v0 =	vld.idx.msk [tilespmem:v0+s21+$0x0], $0xffff;
	_ =	sdelay $0x3  }
0xe9: {  	v1 =	vld.idx.msk [tilespmem:v1+s21+$0x0], $0xffff  }
0xea: {  	[tilespmem:$0xBF0] =	vst v0;
	v0 =	vld [tilespmem:$0x1FDC0];
	_ =	sdelay $0x3  }
0xeb: {  	v2 =	vld [tilespmem:$0x1FDD0];
	_ =	sdelay $0x3  }
0xec: {  	v0 =	vld.idx.msk [tilespmem:v0+s21+$0x0], $0xffff;
	_ =	sdelay $0x3  }
0xed: {  	v2 =	vld.idx.msk [tilespmem:v2+s21+$0x0], $0xffff  }
0xee: {  	[tilespmem:$0xC40] =	vst v0;
	v0 =	vld [tilespmem:$0x1FDE0];
	_ =	sdelay $0x3  }
0xef: {  	v3 =	vld [tilespmem:$0x1FDF0];
	_ =	sdelay $0x3  }
0xf0: {  	v0 =	vld.idx.msk [tilespmem:v0+s21+$0x0], $0xffff;
	_ =	sdelay $0x3  }
0xf1: {  	v3 =	vld.idx.msk [tilespmem:v3+s21+$0x0], $0xffff  }
0xf2: {  	[tilespmem:$0xC90] =	vst v0;
	v0 =	vld [tilespmem:$0x1FE10];
	_ =	sdelay $0x7  }
0xf3: {  	v0 =	vld.idx.msk [tilespmem:v0+s21+$0x0], $0xffff;
	_ =	sdelay $0x2  }
0xf4: {  	v4 =	vadd.s32 v1, v2  }
0xf5: {  	v4 =	vadd.s32 v3, v4  }
0xf6: {  	v4 =	vadd.s32 v0, v4  }
0xf7: {  	v4 =	vcvt.s32.f32 v4;
	_ =	sdelay $0x1  }
0xf8: {  	(erf) = vrcp.f32 v4;
	_ =	sdelay $0x2  }
0xf9: {  	v4 =	vld [tilespmem:$0x1FE00];
	_ =	sdelay $0x4  }
0xfa: {  	v0 =	vcvt.s32.f32 v0  }
0xfb: {  	v5 =	vpop (erf)  }
0xfc: {  	v1 =	vcvt.s32.f32 v1;
	v0 =	vmul.f32 v0, v5  }
0xfd: {  	v4 =	vld.idx.msk [tilespmem:v4+s21+$0x0], $0xffff  }
0xfe: {  	v3 =	vcvt.s32.f32 v3;
	v1 =	vmul.f32 v1, v5;
	[tilespmem:$0x1A960] =	vst v0;
	v0 =	vld [tilespmem:$0x1FE20];
	_ =	sdelay $0x1  }
0xff: {  	v2 =	vcvt.s32.f32 v2;
	[tilespmem:$0x1A870] =	vst v1;
	v1 =	vmul.f32 v3, v5;
	_ =	sdelay $0x1  }
0x100: {  	v2 =	vmul.f32 v2, v5;
	[tilespmem:$0x1A910] =	vst v1;
	v1 =	vld [tilespmem:$0x1FE30];
	_ =	sdelay $0x1  }
0x101: {  	[tilespmem:$0x1A8C0] =	vst v2  }
0x102: {  	[tilespmem:$0xCE0] =	vst v4  }
0x103: {  	v0 =	vld.idx.msk [tilespmem:v0+s21+$0x0], $0xffff;
	_ =	sdelay $0x3  }
0x104: {  	v1 =	vld.idx.msk [tilespmem:v1+s21+$0x0], $0xffff  }
0x105: {  	[tilespmem:$0xC00] =	vst v0;
	v0 =	vld [tilespmem:$0x1FE40];
	_ =	sdelay $0x3  }
0x106: {  	v2 =	vld [tilespmem:$0x1FE50];
	_ =	sdelay $0x3  }
0x107: {  	v0 =	vld.idx.msk [tilespmem:v0+s21+$0x0], $0xffff;
	_ =	sdelay $0x3  }
0x108: {  	v2 =	vld.idx.msk [tilespmem:v2+s21+$0x0], $0xffff  }
0x109: {  	[tilespmem:$0xC50] =	vst v0;
	v0 =	vld [tilespmem:$0x1FE60];
	_ =	sdelay $0x3  }
0x10a: {  	v3 =	vld [tilespmem:$0x1FE70];
	_ =	sdelay $0x3  }
0x10b: {  	v0 =	vld.idx.msk [tilespmem:v0+s21+$0x0], $0xffff;
	_ =	sdelay $0x3  }
0x10c: {  	v3 =	vld.idx.msk [tilespmem:v3+s21+$0x0], $0xffff  }
0x10d: {  	[tilespmem:$0xCA0] =	vst v0;
	v0 =	vld [tilespmem:$0x1FE90];
	_ =	sdelay $0x7  }
0x10e: {  	v0 =	vld.idx.msk [tilespmem:v0+s21+$0x0], $0xffff;
	_ =	sdelay $0x2  }
0x10f: {  	v4 =	vadd.s32 v1, v2  }
0x110: {  	v4 =	vadd.s32 v3, v4  }
0x111: {  	v4 =	vadd.s32 v0, v4  }
0x112: {  	v4 =	vcvt.s32.f32 v4;
	_ =	sdelay $0x1  }
0x113: {  	(erf) = vrcp.f32 v4;
	_ =	sdelay $0x2  }
0x114: {  	v4 =	vld [tilespmem:$0x1FE80];
	_ =	sdelay $0x4  }
0x115: {  	v0 =	vcvt.s32.f32 v0  }
0x116: {  	v5 =	vpop (erf)  }
0x117: {  	v1 =	vcvt.s32.f32 v1;
	v0 =	vmul.f32 v0, v5  }
0x118: {  	v4 =	vld.idx.msk [tilespmem:v4+s21+$0x0], $0xffff  }
0x119: {  	v3 =	vcvt.s32.f32 v3;
	v1 =	vmul.f32 v1, v5;
	[tilespmem:$0x1A970] =	vst v0;
	v0 =	vld [tilespmem:$0x1FEA0];
	_ =	sdelay $0x1  }
0x11a: {  	v2 =	vcvt.s32.f32 v2;
	[tilespmem:$0x1A880] =	vst v1;
	v1 =	vmul.f32 v3, v5;
	_ =	sdelay $0x1  }
0x11b: {  	v2 =	vmul.f32 v2, v5;
	[tilespmem:$0x1A920] =	vst v1;
	v1 =	vld [tilespmem:$0x1FEB0];
	_ =	sdelay $0x1  }
0x11c: {  	[tilespmem:$0x1A8D0] =	vst v2  }
0x11d: {  	[tilespmem:$0xCF0] =	vst v4  }
0x11e: {  	v0 =	vld.idx.msk [tilespmem:v0+s21+$0x0], $0xffff;
	_ =	sdelay $0x3  }
0x11f: {  	v1 =	vld.idx.msk [tilespmem:v1+s21+$0x0], $0xffff  }
0x120: {  	[tilespmem:$0xC10] =	vst v0;
	v0 =	vld [tilespmem:$0x1FEC0];
	_ =	sdelay $0x3  }
0x121: {  	v2 =	vld [tilespmem:$0x1FED0];
	_ =	sdelay $0x3  }
0x122: {  	v0 =	vld.idx.msk [tilespmem:v0+s21+$0x0], $0xffff;
	_ =	sdelay $0x3  }
0x123: {  	v2 =	vld.idx.msk [tilespmem:v2+s21+$0x0], $0xffff  }
0x124: {  	[tilespmem:$0xC60] =	vst v0;
	v0 =	vld [tilespmem:$0x1FEE0];
	_ =	sdelay $0x3  }
0x125: {  	v3 =	vld [tilespmem:$0x1FEF0];
	_ =	sdelay $0x3  }
0x126: {  	v0 =	vld.idx.msk [tilespmem:v0+s21+$0x0], $0xffff;
	_ =	sdelay $0x3  }
0x127: {  	v3 =	vld.idx.msk [tilespmem:v3+s21+$0x0], $0xffff  }
0x128: {  	[tilespmem:$0xCB0] =	vst v0;
	v0 =	vld [tilespmem:$0x1FF10];
	_ =	sdelay $0x7  }
0x129: {  	v0 =	vld.idx.msk [tilespmem:v0+s21+$0x0], $0xffff;
	_ =	sdelay $0x2  }
0x12a: {  	v4 =	vadd.s32 v1, v2  }
0x12b: {  	v4 =	vadd.s32 v3, v4  }
0x12c: {  	v4 =	vadd.s32 v0, v4  }
0x12d: {  	v4 =	vcvt.s32.f32 v4;
	_ =	sdelay $0x1  }
0x12e: {  	(erf) = vrcp.f32 v4;
	_ =	sdelay $0x2  }
0x12f: {  	v4 =	vld [tilespmem:$0x1FF00];
	_ =	sdelay $0x4  }
0x130: {  	v0 =	vcvt.s32.f32 v0  }
0x131: {  	v5 =	vpop (erf)  }
0x132: {  	v1 =	vcvt.s32.f32 v1;
	v0 =	vmul.f32 v0, v5  }
0x133: {  	v4 =	vld.idx.msk [tilespmem:v4+s21+$0x0], $0xffff  }
0x134: {  	v3 =	vcvt.s32.f32 v3;
	v1 =	vmul.f32 v1, v5;
	[tilespmem:$0x1A980] =	vst v0;
	v0 =	vld [tilespmem:$0x1FF20];
	_ =	sdelay $0x1  }
0x135: {  	v2 =	vcvt.s32.f32 v2;
	[tilespmem:$0x1A890] =	vst v1;
	v1 =	vmul.f32 v3, v5;
	_ =	sdelay $0x1  }
0x136: {  	v2 =	vmul.f32 v2, v5;
	[tilespmem:$0x1A930] =	vst v1;
	v1 =	vld [tilespmem:$0x1FF30];
	_ =	sdelay $0x1  }
0x137: {  	[tilespmem:$0x1A8E0] =	vst v2  }
0x138: {  	[tilespmem:$0xD00] =	vst v4  }
0x139: {  	v0 =	vld.idx.msk [tilespmem:v0+s21+$0x0], $0xffff;
	_ =	sdelay $0x3  }
0x13a: {  	v1 =	vld.idx.msk [tilespmem:v1+s21+$0x0], $0xffff  }
0x13b: {  	[tilespmem:$0xC20] =	vst v0;
	v0 =	vld [tilespmem:$0x1FF40];
	_ =	sdelay $0x3  }
0x13c: {  	v2 =	vld [tilespmem:$0x1FF50];
	_ =	sdelay $0x3  }
0x13d: {  	v0 =	vld.idx.msk [tilespmem:v0+s21+$0x0], $0xffff;
	_ =	sdelay $0x3  }
0x13e: {  	v2 =	vld.idx.msk [tilespmem:v2+s21+$0x0], $0xffff  }
0x13f: {  	[tilespmem:$0xC70] =	vst v0;
	v0 =	vld [tilespmem:$0x1FF60];
	_ =	sdelay $0x3  }
0x140: {  	v3 =	vld [tilespmem:$0x1FF70];
	_ =	sdelay $0x3  }
0x141: {  	v0 =	vld.idx.msk [tilespmem:v0+s21+$0x0], $0xffff;
	_ =	sdelay $0x3  }
0x142: {  	v3 =	vld.idx.msk [tilespmem:v3+s21+$0x0], $0xffff  }
0x143: {  	[tilespmem:$0xCC0] =	vst v0;
	v0 =	vld [tilespmem:$0x1FFA0];
	_ =	sdelay $0x7  }
0x144: {  	v0 =	vld.idx.msk [tilespmem:v0+s21+$0x0], $0xffff;
	_ =	sdelay $0x2  }
0x145: {  	v4 =	vadd.s32 v1, v2  }
0x146: {  	v4 =	vadd.s32 v3, v4  }
0x147: {  	v4 =	vadd.s32 v0, v4  }
0x148: {  	v4 =	vcvt.s32.f32 v4;
	_ =	sdelay $0x1  }
0x149: {  	(erf) = vrcp.f32 v4;
	_ =	sdelay $0x1  }
0x14a: {  	v4 =	vld [tilespmem:$0x1FF80];
	_ =	sdelay $0x5  }
0x14b: {  	v1 =	vcvt.s32.f32 v1  }
0x14c: {  	v2 =	vcvt.s32.f32 v2;
	v5 =	vpop (erf)  }
0x14d: {  	v0 =	vcvt.s32.f32 v0;
	v4 =	vld.idx.msk [tilespmem:v4+s21+$0x0], $0xffff;
	v1 =	vmul.f32 v1, v5  }
0x14e: {  	p0 =	seq.s32 s10, $0x9;
	v2 =	vmul.f32 v2, v5  }
0x14f: {  	s7 =	smul.u32 @!p0 $0xA0, s10;
	v3 =	vcvt.s32.f32 v3;
	v0 =	vmul.f32 v0, v5;
	[tilespmem:$0x1A8A0] =	vst v1  }
0x150: {  	[tilespmem:$0x1A8F0] =	vst v2  }
0x151: {  	s7 =	sadd.s32 @!p0 s7, s12;
	v1 =	vmul.f32 v3, v5;
	[tilespmem:$0x1A990] =	vst v0  }
0x152: {  	s7 =	sshrl.u32 @!p0 s7, $0x3;
	[tilespmem:$0xD10] =	vst v4  }
0x153: {  	s11 =	simm.s32 @!p0 $0x0;
	s7 =	sadd.s32 @!p0 s6, s7;
	[tilespmem:$0x1A940] =	vst v1  }
0x154: {  	[tilespmem:s11], [sflag:$0x7] =	stream.linear.gather @!p0 [hbm4b:s7+s11], $0x50, $0x38;
	[tilespmem:$0x1A9A0] =	vst v63  }
0x155: {  	s7 =	simm.s32 @!p0 $0x7  }
0x156: {  	_ =	swait.ge @!p0 [sflag:s7], $0x50  }
0x157: {  	s15 =	simm.s32 @!p0 $0xA0;
	p1 =	seq.s32 @!p0 s10, $0x0;
	[sflag:s7] =	ssyncset.done @!p0 $0x0  }
0x158: {  	p1 =	por p0, !p1;
	[sflag:s7] =	ssyncadd.s32 @!p0 $0xFFFFFFB0;
	s7 =	simm.s32 @!p0 $0x50  }
0x159: {  	[tilespmem:s15], [sflag:$0x3] =	stream.indirect.gather @!p0 [hbm4b:s8+s7], $0x10, s11, s7, $0xb8;
	[tilespmem:$0x1A9A0] =	vst v63  }
0x15a: {  	_ =	swait.ge @p1 [sflag:s2], $0x2800  }
0x15b: {  	[sflag:s2] =	ssyncset.done @p1 $0x0  }
0x15c: {  	[sflag:s2] =	ssyncadd.s32 @p1 $0xFFFFD800  }
0x15d: {  	_ =	swait.ge @p1 [sflag:s2], $0x2800  }
0x15e: {  	[sflag:s2] =	ssyncset.done @p1 $0x0  }
0x15f: {  	[sflag:s2] =	ssyncadd.s32 @p1 $0xFFFFD800  }
0x160: {  	[tilespmem:s25], [sflag:$0x2] =	stream.indirect.gather [hbm4b:s1+s18], $0x80, s18, s18, $0xb8;
	[tilespmem:$0x1A9A0] =	vst v63  }
0x161: {  	v0 =	vld [tilespmem:$0xAF0]  }
0x162: {  	v2 =	vld [tilespmem:$0xAA0]  }
0x163: {  	v5 =	vld [tilespmem:$0xB40]  }
0x164: {  	s15 =	simm.s32 $0x1  }
0x165: {  	s14 =	simm.s32 $0x3;
	v8 =	vmov s15;
	v7 =	vld [tilespmem:$0xB90]  }
0x166: {  	v11 =	vmov s14;
	v9 =	vand.u32 $0x3D, v8;
	v1 =	vshll.u32 v0, $0x6  }
0x167: {  	v14 =	vand.u32 $0x3F, v11;
	v3 =	vshll.u32 v2, $0x6;
	v12 =	vor.u32 v1, v9  }
0x168: {  	v5 =	vshll.u32 v5, $0x6;
	v15 =	vor.u32 v3, v14  }
0x169: {  	s4 =	simm.s32 $0x2;
	v19 =	vor.u32 v5, v9  }
0x16a: {  	v4 =	vld [tilespmem:$0x1A720];
	v0 =	vmov s4;
	v7 =	vshll.u32 v7, $0x6;
	v18 =	vor.u32 v3, v9  }
0x16b: {  	v6 =	vld [tilespmem:$0x1A7C0];
	v10 =	vand.u32 $0x3E, v0;
	v22 =	vor.u32 v7, v9  }
0x16c: {  	v13 =	vor.u32 v1, v10;
	v21 =	vld.idx.msk [tilespmem:v12+s16+$0x0], $0xffff  }
0x16d: {  	v48 =	vor.u32 $0x7, v59;
	v16 =	vor.u32 v5, v10;
	v15 =	vld.idx.msk [tilespmem:v15+s16+$0x0], $0xffff  }
0x16e: {  	v49 =	vor.u32 $0x6, v59;
	v50 =	vor.u32 $0x5, v59;
	v9 =	vor.u32 v7, v10;
	v19 =	vld.idx.msk [tilespmem:v19+s16+$0x0], $0xffff  }
0x16f: {  	v11 =	vshll.u32 v11, $0x1;
	v31 =	vshll.u32 v8, $0x1;
	v17 =	vor.u32 v3, v10;
	v38 =	vld.idx.msk [tilespmem:v18+s16+$0x0], $0xffff  }
0x170: {  	v24 =	vor.u32 v49, v11;
	s15 =	simm.s32 $0x0;
	v8 =	vor.u32 v61, v31;
	v20 =	vor.u32 v1, v14;
	v22 =	vld.idx.msk [tilespmem:v22+s16+$0x0], $0xffff  }
0x171: {  	v0 =	vshll.u32 v0, $0x1;
	v10 =	vor.u32 v48, v11;
	v11 =	vmov s15;
	v23 =	vld.idx.msk [tilespmem:v13+s16+$0x0], $0xffff  }
0x172: {  	v12 =	vor.u32 v5, v14;
	v14 =	vor.u32 v7, v14;
	v32 =	vld.idx.msk [tilespmem:v16+s16+$0x0], $0xffff;
	v13 =	vor.u32 v63, v0  }
0x173: {  	v25 =	vld.idx.msk [tilespmem:v9+s16+$0x0], $0xffff;
	v9 =	vor.u32 v50, v0;
	v0 =	vand.u32 $0x3C, v11;
	v11 =	vshll.u32 v11, $0x1  }
0x174: {  	v16 =	vld.idx.msk [tilespmem:v17+s16+$0x0], $0xffff;
	v27 =	vor.u32 v1, v0;
	v28 =	vor.u32 v7, v0;
	v29 =	vor.u32 v3, v0  }
0x175: {  	v17 =	vld.idx.msk [tilespmem:v20+s16+$0x0], $0xffff;
	v0 =	vor.u32 v5, v0;
	v33 =	vor.u32 v59, v11;
	v11 =	vor.u32 v60, v11  }
0x176: {  	v2 =	vld [tilespmem:$0x1A770];
	v26 =	vshll.u32 v21, $0x10;
	v21 =	vand.u32 $0xFFFF0000, v21;
	v37 =	vshll.u32 v15, $0x10  }
0x177: {  	v40 =	vshll.u32 v19, $0x10;
	v19 =	vand.u32 $0xFFFF0000, v19;
	v52 =	vand.u32 $0xFFFF0000, v38  }
0x178: {  	v45 =	vand.u32 $0xFFFF0000, v22;
	v22 =	vshll.u32 v22, $0x10;
	v56 =	vshll.u32 v38, $0x10  }
0x179: {  	v30 =	vshll.u32 v16, $0x10;
	v35 =	vshll.u32 v23, $0x10;
	v36 =	vand.u32 $0xFFFF0000, v32  }
0x17a: {  	v20 =	vld.idx.msk [tilespmem:v12+s16+$0x0], $0xffff;
	v18 =	vshll.u32 v17, $0x10;
	v37 =	vmul.f32 v37, v4;
	v17 =	vand.u32 $0xFFFF0000, v17  }
0x17b: {  	v34 =	vld.idx.msk [tilespmem:v14+s16+$0x0], $0xffff;
	v23 =	vand.u32 $0xFFFF0000, v23;
	v51 =	vmul.f32 v21, v2;
	v41 =	vmul.f32 v19, v6  }
0x17c: {  	v12 =	vld [tilespmem:$0x1A810];
	v19 =	vand.u32 $0xFFFF0000, v15;
	v18 =	vmul.f32 v18, v2;
	v17 =	vmul.f32 v17, v2  }
0x17d: {  	v46 =	vand.u32 $0xFFFF0000, v16;
	v28 =	vld.idx.msk [tilespmem:v28+s16+$0x0], $0xffff;
	v36 =	vmul.f32 v36, v6;
	v23 =	vmul.f32 v23, v2  }
0x17e: {  	v14 =	vshll.u32 v25, $0x10;
	v29 =	vld.idx.msk [tilespmem:v29+s16+$0x0], $0xffff;
	v19 =	vmul.f32 v19, v4;
	v57 =	vmul.f32 v46, v4  }
0x17f: {  	v27 =	vld.idx.msk [tilespmem:v27+s16+$0x0], $0xffff;
	v30 =	vmul.f32 v30, v4;
	v18 =	vadd.f32 v18, v37;
	v39 =	vshll.u32 v20, $0x10  }
0x180: {  	v21 =	vshll.u32 v34, $0x10;
	v15 =	vand.u32 $0xFFFF0000, v20;
	v20 =	vmul.f32 v35, v2  }
0x181: {  	v0 =	vld.idx.msk [tilespmem:v0+s16+$0x0], $0xffff;
	v23 =	vadd.f32 v23, v57;
	v39 =	vmul.f32 v39, v6;
	v42 =	vmul.f32 v21, v12  }
0x182: {  	v17 =	vadd.f32 v17, v19;
	v44 =	vmul.f32 v15, v6;
	v15 =	vmul.f32 v40, v6  }
0x183: {  	v58 =	vadd.f32 v36, v23;
	v23 =	vor.u32 v62, v31;
	v21 =	vshll.u32 v29, $0x10  }
0x184: {  	v43 =	vshll.u32 v28, $0x10;
	v16 =	vshll.u32 v27, $0x10;
	v54 =	vmul.f32 v21, v4  }
0x185: {  	v18 =	vadd.f32 v39, v18;
	v21 =	vmul.f32 v26, v2;
	v26 =	vmul.f32 v16, v2  }
0x186: {  	v28 =	vand.u32 $0xFFFF0000, v28;
	v53 =	vand.u32 $0xFFFF0000, v0;
	v0 =	vshll.u32 v0, $0x10  }
0x187: {  	v0 =	vmul.f32 v0, v6;
	v26 =	vadd.f32 v26, v54;
	v55 =	vadd.f32 v42, v18  }
0x188: {  	v29 =	vand.u32 $0xFFFF0000, v29;
	v16 =	vmul.f32 v22, v12;
	v22 =	vand.u32 $0xFFFF0000, v25  }
0x189: {  	v25 =	vand.u32 $0xFFFF0000, v27;
	[tilespmem:v24+s26+$0x0] =	vst.idx.msk $0xffff, v55;
	v0 =	vadd.f32 v0, v26;
	v24 =	vmul.f32 v43, v12  }
0x18a: {  	v27 =	vmul.f32 v52, v4;
	v19 =	vmul.f32 v28, v12;
	v28 =	vadd.f32 v44, v17  }
0x18b: {  	v17 =	vand.u32 $0xFFFF0000, v34;
	v22 =	vmul.f32 v22, v12;
	v0 =	vadd.f32 v24, v0  }
0x18c: {  	v37 =	vadd.f32 v51, v27;
	v18 =	vmul.f32 v53, v6;
	v27 =	vmul.f32 v29, v4  }
0x18d: {  	v29 =	vmul.f32 v56, v4;
	v22 =	vadd.f32 v22, v58;
	[tilespmem:v33+s26+$0x0] =	vst.idx.msk $0xffff, v0;
	v0 =	vshll.u32 v32, $0x10  }
0x18e: {  	s11 =	simm.s32 $0x4;
	v26 =	vadd.f32 v41, v37;
	v24 =	vmul.f32 v45, v12;
	v0 =	vmul.f32 v0, v6  }
.LBB2_3:
0x18f: {  	s7 =	sadd.s32 $0x1, s11;
	s15 =	sadd.s32 $0x2, s11;
	s14 =	sadd.s32 $0x3, s11;
	v20 =	vadd.f32 v20, v30;
	v14 =	vmul.f32 v14, v12;
	v17 =	vmul.f32 v17, v12  }
0x190: {  	p1 =	slt.u32 s11, $0x3C;
	v25 =	vmul.f32 v25, v2;
	v30 =	vmov s7;
	v31 =	vmov s15;
	s7 =	smov.u32 s11;
	s11 =	sadd.s32 $0x4, s11  }
0x191: {  	v34 =	vmov s14;
	v32 =	vand.u32 $0x3D, v30;
	v33 =	vand.u32 $0x3E, v31  }
0x192: {  	v21 =	vadd.f32 v21, v29;
	v35 =	vor.u32 v3, v32;
	v36 =	vor.u32 v1, v32  }
0x193: {  	v37 =	vand.u32 $0x3F, v34;
	v0 =	vadd.f32 v0, v20;
	v29 =	vor.u32 v1, v33  }
0x194: {  	v25 =	vadd.f32 v25, v27;
	v20 =	vor.u32 v5, v32;
	v38 =	vor.u32 v3, v37  }
0x195: {  	v27 =	vor.u32 v7, v32;
	v32 =	vor.u32 v5, v33;
	v0 =	vadd.f32 v14, v0  }
0x196: {  	v15 =	vadd.f32 v15, v21;
	v39 =	vor.u32 v1, v37;
	v14 =	vor.u32 v3, v33  }
0x197: {  	v21 =	vld.idx.msk [tilespmem:v36+s16+$0x0], $0xffff;
	v36 =	vor.u32 v5, v37;
	[tilespmem:v13+s26+$0x0] =	vst.idx.msk $0xffff, v0;
	v0 =	vadd.f32 v17, v28  }
0x198: {  	v15 =	vadd.f32 v16, v15;
	v13 =	vor.u32 v7, v33;
	v28 =	vld.idx.msk [tilespmem:v29+s16+$0x0], $0xffff;
	v29 =	vor.u32 v7, v37  }
0x199: {  	v16 =	vshll.u32 v31, $0x1;
	v18 =	vadd.f32 v18, v25;
	v31 =	vld.idx.msk [tilespmem:v38+s16+$0x0], $0xffff;
	[tilespmem:v10+s26+$0x0] =	vst.idx.msk $0xffff, v0  }
0x19a: {  	v24 =	vadd.f32 v24, v26;
	v25 =	vshll.u32 v34, $0x1;
	v0 =	vshll.u32 v30, $0x1;
	v17 =	vld.idx.msk [tilespmem:v32+s16+$0x0], $0xffff;
	[tilespmem:v8+s26+$0x0] =	vst.idx.msk $0xffff, v15  }
0x19b: {  	v10 =	vor.u32 v48, v25;
	v8 =	vor.u32 v61, v0;
	v26 =	vld.idx.msk [tilespmem:v14+s16+$0x0], $0xffff  }
0x19c: {  	v30 =	vor.u32 v49, v25;
	v14 =	vadd.f32 v19, v18;
	v15 =	vld.idx.msk [tilespmem:v39+s16+$0x0], $0xffff  }
0x19d: {  	v18 =	vmov s7;
	v19 =	vld.idx.msk [tilespmem:v13+s16+$0x0], $0xffff;
	v13 =	vor.u32 v63, v16;
	v16 =	vor.u32 v50, v16;
	[tilespmem:v23+s26+$0x0] =	vst.idx.msk $0xffff, v24  }
0x19e: {  	v23 =	vand.u32 $0x3C, v18;
	v18 =	vshll.u32 v18, $0x1;
	v24 =	vshll.u32 v21, $0x10;
	v25 =	vld.idx.msk [tilespmem:v36+s16+$0x0], $0xffff;
	[tilespmem:v9+s26+$0x0] =	vst.idx.msk $0xffff, v22;
	v9 =	vmovc v16  }
0x19f: {  	v16 =	vor.u32 v1, v23;
	v22 =	vor.u32 v7, v23;
	v32 =	vld.idx.msk [tilespmem:v35+s16+$0x0], $0xffff;
	[tilespmem:v11+s26+$0x0] =	vst.idx.msk $0xffff, v14  }
0x1a0: {  	v33 =	vor.u32 v3, v23;
	v23 =	vor.u32 v5, v23;
	v34 =	vor.u32 v59, v18;
	v20 =	vld.idx.msk [tilespmem:v20+s16+$0x0], $0xffff  }
0x1a1: {  	v11 =	vor.u32 v60, v18;
	v18 =	vand.u32 $0xFFFF0000, v21;
	v35 =	vshll.u32 v26, $0x10;
	v36 =	vld.idx.msk [tilespmem:v29+s16+$0x0], $0xffff  }
0x1a2: {  	v37 =	vshll.u32 v31, $0x10;
	v21 =	vshll.u32 v28, $0x10;
	v29 =	vand.u32 $0xFFFF0000, v17  }
0x1a3: {  	v37 =	vmul.f32 v37, v4;
	v38 =	vshll.u32 v15, $0x10;
	v14 =	vshll.u32 v19, $0x10;
	v27 =	vld.idx.msk [tilespmem:v27+s16+$0x0], $0xffff  }
0x1a4: {  	v15 =	vand.u32 $0xFFFF0000, v15;
	v38 =	vmul.f32 v38, v2;
	v39 =	vshll.u32 v25, $0x10;
	v22 =	vld.idx.msk [tilespmem:v22+s16+$0x0], $0xffff  }
0x1a5: {  	v28 =	vand.u32 $0xFFFF0000, v28;
	v40 =	vmul.f32 v15, v2;
	v39 =	vmul.f32 v39, v6;
	v23 =	vld.idx.msk [tilespmem:v23+s16+$0x0], $0xffff  }
0x1a6: {  	v41 =	vmul.f32 v29, v6;
	v29 =	vadd.f32 v38, v37;
	v15 =	vshll.u32 v20, $0x10;
	v33 =	vld.idx.msk [tilespmem:v33+s16+$0x0], $0xffff  }
0x1a7: {  	v18 =	vmul.f32 v18, v2;
	v20 =	vand.u32 $0xFFFF0000, v20;
	v37 =	vshll.u32 v36, $0x10  }
0x1a8: {  	v31 =	vand.u32 $0xFFFF0000, v31;
	v42 =	vmul.f32 v20, v6;
	v29 =	vadd.f32 v39, v29;
	v38 =	vld.idx.msk [tilespmem:v16+s16+$0x0], $0xffff  }
0x1a9: {  	v39 =	vand.u32 $0xFFFF0000, v32;
	v37 =	vmul.f32 v37, v12;
	v16 =	vand.u32 $0xFFFF0000, v25  }
0x1aa: {  	v43 =	vshll.u32 v22, $0x10;
	v22 =	vand.u32 $0xFFFF0000, v22;
	v44 =	vmul.f32 v16, v6  }
0x1ab: {  	v15 =	vmul.f32 v15, v6;
	v20 =	vmul.f32 v21, v2;
	v45 =	vand.u32 $0xFFFF0000, v27  }
0x1ac: {  	v28 =	vmul.f32 v28, v2;
	v46 =	vand.u32 $0xFFFF0000, v23;
	v16 =	vshll.u32 v33, $0x10  }
0x1ad: {  	v26 =	vand.u32 $0xFFFF0000, v26;
	v47 =	vmul.f32 v16, v4;
	v16 =	vshll.u32 v27, $0x10  }
0x1ae: {  	v21 =	vmul.f32 v24, v2;
	v27 =	vand.u32 $0xFFFF0000, v33;
	v25 =	vshll.u32 v38, $0x10  }
0x1af: {  	v19 =	vand.u32 $0xFFFF0000, v19;
	v16 =	vmul.f32 v16, v12;
	v24 =	vmul.f32 v25, v2  }
0x1b0: {  	v23 =	vshll.u32 v23, $0x10;
	v33 =	vmul.f32 v39, v4;
	v25 =	vand.u32 $0xFFFF0000, v38  }
0x1b1: {  	v31 =	vmul.f32 v31, v4;
	v29 =	vadd.f32 v37, v29;
	v24 =	vadd.f32 v24, v47  }
0x1b2: {  	v37 =	vmul.f32 v19, v12;
	v23 =	vmul.f32 v23, v6;
	v33 =	vadd.f32 v18, v33  }
0x1b3: {  	v26 =	vmul.f32 v26, v4;
	v19 =	vshll.u32 v32, $0x10;
	v18 =	vmul.f32 v46, v6;
	[tilespmem:v30+s26+$0x0] =	vst.idx.msk $0xffff, v29  }
0x1b4: {  	v31 =	vadd.f32 v40, v31;
	v23 =	vadd.f32 v23, v24;
	v24 =	vmul.f32 v43, v12  }
.Ltmp0:
0x1b5: {  	v26 =	vadd.f32 v28, v26;
	v27 =	vmul.f32 v27, v4;
	v29 =	vmul.f32 v19, v4;
	(pc) =	sbr.rel @p1 .LBB2_3-.Ltmp0, $4  }
0x1b6: {  	v19 =	vmul.f32 v22, v12;
	v30 =	vmul.f32 v35, v4;
	v23 =	vadd.f32 v24, v23  }
0x1b7: {  	v28 =	vadd.f32 v44, v31;
	v22 =	vadd.f32 v41, v26;
	v24 =	vmul.f32 v45, v12  }
0x1b8: {  	v31 =	vshll.u32 v17, $0x10;
	v17 =	vand.u32 $0xFFFF0000, v36;
	v26 =	vadd.f32 v42, v33;
	[tilespmem:v34+s26+$0x0] =	vst.idx.msk $0xffff, v23  }
0x1b9: {  	v22 =	vadd.f32 v37, v22;
	v23 =	vor.u32 v62, v0;
	v0 =	vmul.f32 v31, v6  }
0x1ba: {  	v1 =	vadd.f32 v20, v30;
	_ =	sdelay $0x1  }
0x1bb: {  	v3 =	vmul.f32 v14, v12;
	v2 =	vmul.f32 v25, v2;
	v0 =	vadd.f32 v0, v1  }
0x1bc: {  	v4 =	vadd.f32 v21, v29;
	v1 =	vmul.f32 v17, v12  }
0x1bd: {  	v2 =	vadd.f32 v2, v27;
	v0 =	vadd.f32 v3, v0  }
0x1be: {  	[tilespmem:$0x1FD20] =	vst v48;
	v3 =	vadd.f32 v15, v4;
	v1 =	vadd.f32 v1, v28  }
0x1bf: {  	[tilespmem:v13+s26+$0x0] =	vst.idx.msk $0xffff, v0  }
0x1c0: {  	v2 =	vadd.f32 v18, v2;
	v0 =	vadd.f32 v16, v3;
	[tilespmem:v10+s26+$0x0] =	vst.idx.msk $0xffff, v1  }
0x1c1: {  	v1 =	vadd.f32 v24, v26;
	[tilespmem:v9+s26+$0x0] =	vst.idx.msk $0xffff, v22  }
0x1c2: {  	[tilespmem:v8+s26+$0x0] =	vst.idx.msk $0xffff, v0;
	v0 =	vadd.f32 v19, v2  }
0x1c3: {  	[tilespmem:v23+s26+$0x0] =	vst.idx.msk $0xffff, v1  }
0x1c4: {  	[tilespmem:v11+s26+$0x0] =	vst.idx.msk $0xffff, v0  }
0x1c5: {  	v0 =	vld [tilespmem:$0xBA0]  }
0x1c6: {  	v5 =	vld [tilespmem:$0xB50]  }
0x1c7: {  	v3 =	vld [tilespmem:$0xB00]  }
0x1c8: {  	s7 =	simm.s32 $0x2;
	v2 =	vld [tilespmem:$0xAB0]  }
0x1c9: {  	v12 =	vmov s7  }
0x1ca: {  	v6 =	vand.u32 $0x3E, v12;
	v1 =	vshll.u32 v0, $0x6  }
0x1cb: {  	s11 =	simm.s32 $0x1;
	v7 =	vshll.u32 v5, $0x6;
	v10 =	vor.u32 v1, v6  }
0x1cc: {  	v0 =	vmov s11;
	v4 =	vshll.u32 v3, $0x6;
	v17 =	vor.u32 v7, v6  }
0x1cd: {  	v2 =	vshll.u32 v2, $0x6;
	v9 =	vand.u32 $0x3D, v0;
	v15 =	vor.u32 v4, v6  }
0x1ce: {  	v5 =	vld [tilespmem:$0x1A7D0];
	v3 =	vor.u32 v2, v9  }
0x1cf: {  	v11 =	vor.u32 v4, v9;
	v13 =	vor.u32 v7, v9;
	v18 =	vor.u32 v1, v9;
	v9 =	vld [tilespmem:$0x1A820]  }
0x1d0: {  	s14 =	simm.s32 $0x3;
	v46 =	vor.u32 $0x803, v59;
	v47 =	vor.u32 $0x802, v59;
	v48 =	vor.u32 $0x806, v59;
	v19 =	vld.idx.msk [tilespmem:v10+s16+$0x0], $0xffff  }
0x1d1: {  	v51 =	vor.u32 $0x801, v59;
	v52 =	vor.u32 $0x804, v59;
	v14 =	vmov s14;
	v28 =	vld.idx.msk [tilespmem:v17+s16+$0x0], $0xffff  }
0x1d2: {  	v53 =	vor.u32 $0x805, v59;
	v16 =	vor.u32 v2, v6;
	v6 =	vand.u32 $0x3F, v14;
	v32 =	vld.idx.msk [tilespmem:v15+s16+$0x0], $0xffff  }
0x1d3: {  	v0 =	vshll.u32 v0, $0x1;
	v20 =	vor.u32 v2, v6;
	v21 =	vor.u32 v4, v6;
	v15 =	vld [tilespmem:$0x1A780]  }
0x1d4: {  	v23 =	vor.u32 v7, v6;
	v22 =	vld.idx.msk [tilespmem:v3+s16+$0x0], $0xffff;
	v3 =	vor.u32 v1, v6;
	v6 =	vshll.u32 v14, $0x1  }
0x1d5: {  	v27 =	vor.u32 $0x800, v59;
	v26 =	vor.u32 $0x807, v59;
	v24 =	vld.idx.msk [tilespmem:v13+s16+$0x0], $0xffff;
	v13 =	vor.u32 v46, v0  }
0x1d6: {  	v25 =	vld.idx.msk [tilespmem:v11+s16+$0x0], $0xffff;
	v14 =	vor.u32 v47, v0;
	v10 =	vor.u32 v26, v6;
	v11 =	vor.u32 v48, v6  }
0x1d7: {  	s15 =	simm.s32 $0x0;
	v0 =	vld.idx.msk [tilespmem:v16+s16+$0x0], $0xffff;
	v6 =	vmovc v27;
	v27 =	vshll.u32 v12, $0x1;
	v16 =	vshll.u32 v19, $0x10;
	v29 =	vand.u32 $0xFFFF0000, v19  }
0x1d8: {  	v21 =	vld.idx.msk [tilespmem:v21+s16+$0x0], $0xffff;
	v12 =	vor.u32 v53, v27;
	v33 =	vor.u32 v52, v27;
	v27 =	vmov s15  }
0x1d9: {  	v20 =	vld.idx.msk [tilespmem:v20+s16+$0x0], $0xffff;
	v39 =	vshll.u32 v28, $0x10;
	v41 =	vshll.u32 v32, $0x10;
	v28 =	vand.u32 $0xFFFF0000, v28  }
0x1da: {  	v32 =	vand.u32 $0xFFFF0000, v32;
	v19 =	vld.idx.msk [tilespmem:v3+s16+$0x0], $0xffff;
	v3 =	vmovc v26;
	v26 =	vshll.u32 v22, $0x10;
	v22 =	vand.u32 $0xFFFF0000, v22  }
0x1db: {  	v8 =	vld [tilespmem:$0x1A730];
	v17 =	vshll.u32 v24, $0x10;
	v24 =	vand.u32 $0xFFFF0000, v24;
	v30 =	vshll.u32 v25, $0x10  }
0x1dc: {  	v25 =	vand.u32 $0xFFFF0000, v25;
	v31 =	vmul.f32 v16, v9;
	v16 =	vshll.u32 v0, $0x10  }
0x1dd: {  	v35 =	vand.u32 $0x3C, v27;
	v36 =	vshll.u32 v27, $0x1;
	v40 =	vshll.u32 v21, $0x10  }
0x1de: {  	v18 =	vld.idx.msk [tilespmem:v18+s16+$0x0], $0xffff;
	v0 =	vand.u32 $0xFFFF0000, v0;
	v43 =	vand.u32 $0xFFFF0000, v20;
	v39 =	vmul.f32 v39, v5  }
0x1df: {  	v21 =	vand.u32 $0xFFFF0000, v21;
	v41 =	vmul.f32 v41, v15;
	v57 =	vmul.f32 v29, v9  }
0x1e0: {  	v20 =	vshll.u32 v20, $0x10;
	v26 =	vmul.f32 v26, v8;
	v17 =	vmul.f32 v17, v5  }
0x1e1: {  	v34 =	vmul.f32 v16, v8;
	v27 =	vor.u32 v2, v35;
	v37 =	vor.u32 v4, v35  }
0x1e2: {  	v38 =	vor.u32 v1, v35;
	v22 =	vmul.f32 v22, v8;
	v25 =	vmul.f32 v25, v15  }
0x1e3: {  	v42 =	vmul.f32 v0, v8;
	v24 =	vmul.f32 v24, v5;
	v0 =	vand.u32 $0xFFFF0000, v18  }
0x1e4: {  	v45 =	vld.idx.msk [tilespmem:v23+s16+$0x0], $0xffff;
	v35 =	vor.u32 v7, v35;
	v54 =	vmul.f32 v21, v15;
	v44 =	vmul.f32 v0, v9  }
0x1e5: {  	v0 =	vshll.u32 v18, $0x10;
	v18 =	vmul.f32 v30, v15;
	v30 =	vmul.f32 v32, v15  }
0x1e6: {  	v0 =	vmul.f32 v0, v9;
	v22 =	vadd.f32 v25, v22;
	v25 =	vadd.f32 v41, v34  }
0x1e7: {  	v23 =	vadd.f32 v18, v26;
	v18 =	vadd.f32 v30, v42;
	v26 =	vmul.f32 v28, v5;
	v27 =	vld.idx.msk [tilespmem:v27+s16+$0x0], $0xffff  }
0x1e8: {  	v16 =	vand.u32 $0xFFFF0000, v19;
	v30 =	vadd.f32 v39, v25;
	v21 =	vadd.f32 v24, v22;
	v58 =	vld.idx.msk [tilespmem:v37+s16+$0x0], $0xffff  }
0x1e9: {  	v22 =	vshll.u32 v45, $0x10;
	v24 =	vand.u32 $0xFFFF0000, v45;
	v16 =	vmul.f32 v16, v9;
	v38 =	vld.idx.msk [tilespmem:v38+s16+$0x0], $0xffff  }
0x1ea: {  	v55 =	vadd.f32 v26, v18;
	v18 =	vmul.f32 v40, v15;
	v26 =	vmul.f32 v20, v8  }
0x1eb: {  	v19 =	vshll.u32 v19, $0x10;
	v24 =	vmul.f32 v24, v5;
	v29 =	vmul.f32 v22, v5  }
0x1ec: {  	v20 =	vadd.f32 v44, v21;
	v30 =	vadd.f32 v31, v30;
	v25 =	vshll.u32 v27, $0x10  }
0x1ed: {  	v27 =	vand.u32 $0xFFFF0000, v27;
	v21 =	vshll.u32 v58, $0x10;
	v28 =	vmul.f32 v25, v8;
	v25 =	vld.idx.msk [tilespmem:v35+s16+$0x0], $0xffff  }
0x1ee: {  	[tilespmem:v33+s26+$0x0] =	vst.idx.msk $0xffff, v30;
	v32 =	vand.u32 $0xFFFF0000, v58;
	v58 =	vmul.f32 v43, v8;
	v33 =	vand.u32 $0xFFFF0000, v38  }
0x1ef: {  	v56 =	vmul.f32 v27, v8;
	v31 =	vmul.f32 v32, v15;
	v27 =	vadd.f32 v18, v26  }
0x1f0: {  	v26 =	vmul.f32 v19, v9;
	v19 =	vor.u32 v6, v36;
	v18 =	vor.u32 v51, v36  }
0x1f1: {  	v34 =	vmul.f32 v21, v15;
	v21 =	vadd.f32 v57, v55;
	v30 =	vadd.f32 v54, v58  }
0x1f2: {  	s11 =	simm.s32 $0x4;
	v22 =	vadd.f32 v31, v56;
	v31 =	vshll.u32 v38, $0x10;
	v32 =	vshll.u32 v25, $0x10  }
.LBB2_5:
0x1f3: {  	s7 =	sadd.s32 $0x1, s11;
	s14 =	sadd.s32 $0x2, s11;
	s4 =	sadd.s32 $0x3, s11;
	v28 =	vadd.f32 v34, v28;
	v33 =	vmul.f32 v33, v9;
	v17 =	vadd.f32 v17, v23  }
0x1f4: {  	p1 =	slt.u32 s11, $0x3C;
	s15 =	smov.u32 s11;
	s11 =	sadd.s32 $0x4, s11;
	v23 =	vmov s7;
	v34 =	vmov s14  }
0x1f5: {  	v32 =	vmul.f32 v32, v5;
	v35 =	vand.u32 $0x3D, v23;
	v36 =	vand.u32 $0x3E, v34  }
0x1f6: {  	v31 =	vmul.f32 v31, v9;
	v37 =	vor.u32 v2, v35;
	v38 =	vor.u32 v4, v35  }
0x1f7: {  	v27 =	vadd.f32 v29, v27;
	v39 =	vor.u32 v4, v36;
	v40 =	vor.u32 v1, v36  }
0x1f8: {  	v0 =	vadd.f32 v0, v17;
	v29 =	vor.u32 v2, v36;
	v36 =	vor.u32 v7, v36  }
0x1f9: {  	v25 =	vand.u32 $0xFFFF0000, v25;
	v17 =	vor.u32 v7, v35;
	v35 =	vor.u32 v1, v35  }
0x1fa: {  	v41 =	vmov s4;
	v25 =	vmul.f32 v25, v5;
	[tilespmem:v14+s26+$0x0] =	vst.idx.msk $0xffff, v0;
	v0 =	vadd.f32 v24, v30  }
0x1fb: {  	v14 =	vand.u32 $0x3F, v41;
	v24 =	vld.idx.msk [tilespmem:v38+s16+$0x0], $0xffff;
	[tilespmem:v13+s26+$0x0] =	vst.idx.msk $0xffff, v20;
	v13 =	vadd.f32 v26, v27  }
0x1fc: {  	v28 =	vadd.f32 v32, v28;
	v26 =	vor.u32 v2, v14;
	v27 =	vor.u32 v4, v14;
	v20 =	vld.idx.msk [tilespmem:v40+s16+$0x0], $0xffff  }
0x1fd: {  	v32 =	vor.u32 v7, v14;
	v0 =	vadd.f32 v16, v0;
	v30 =	vld.idx.msk [tilespmem:v37+s16+$0x0], $0xffff;
	v37 =	vor.u32 v1, v14  }
0x1fe: {  	v14 =	vshll.u32 v23, $0x1;
	v23 =	vadd.f32 v31, v28;
	v16 =	vld.idx.msk [tilespmem:v17+s16+$0x0], $0xffff;
	v17 =	vshll.u32 v41, $0x1;
	[tilespmem:v11+s26+$0x0] =	vst.idx.msk $0xffff, v13  }
0x1ff: {  	v22 =	vadd.f32 v25, v22;
	[tilespmem:v10+s26+$0x0] =	vst.idx.msk $0xffff, v0;
	v10 =	vor.u32 v3, v17  }
0x200: {  	v13 =	vor.u32 v46, v14;
	v0 =	vld.idx.msk [tilespmem:v39+s16+$0x0], $0xffff;
	[tilespmem:v19+s26+$0x0] =	vst.idx.msk $0xffff, v23  }
0x201: {  	v14 =	vor.u32 v47, v14;
	v11 =	vor.u32 v48, v17;
	v17 =	vadd.f32 v33, v22;
	v19 =	vld.idx.msk [tilespmem:v29+s16+$0x0], $0xffff  }
0x202: {  	v22 =	vshll.u32 v20, $0x10;
	v29 =	vand.u32 $0xFFFF0000, v20;
	v20 =	vld.idx.msk [tilespmem:v37+s16+$0x0], $0xffff;
	[tilespmem:v12+s26+$0x0] =	vst.idx.msk $0xffff, v21  }
0x203: {  	v12 =	vshll.u32 v30, $0x10;
	v21 =	vld.idx.msk [tilespmem:v36+s16+$0x0], $0xffff;
	[tilespmem:v18+s26+$0x0] =	vst.idx.msk $0xffff, v17  }
0x204: {  	v25 =	vshll.u32 v34, $0x1;
	v18 =	vand.u32 $0xFFFF0000, v30;
	v23 =	vmul.f32 v12, v8;
	v27 =	vld.idx.msk [tilespmem:v27+s16+$0x0], $0xffff  }
0x205: {  	v17 =	vshll.u32 v16, $0x10;
	v28 =	vand.u32 $0xFFFF0000, v16;
	v12 =	vor.u32 v53, v25;
	v26 =	vld.idx.msk [tilespmem:v26+s16+$0x0], $0xffff  }
0x206: {  	v22 =	vmul.f32 v22, v9;
	v30 =	vshll.u32 v24, $0x10;
	v24 =	vand.u32 $0xFFFF0000, v24  }
0x207: {  	v33 =	vor.u32 v52, v25;
	v17 =	vmul.f32 v17, v5;
	v16 =	vshll.u32 v19, $0x10  }
0x208: {  	v25 =	vmov s15;
	v31 =	vmul.f32 v16, v8;
	v16 =	vand.u32 $0xFFFF0000, v20  }
0x209: {  	v34 =	vand.u32 $0x3C, v25;
	v36 =	vshll.u32 v25, $0x1;
	v16 =	vmul.f32 v16, v9;
	v25 =	vld.idx.msk [tilespmem:v35+s16+$0x0], $0xffff  }
0x20a: {  	v37 =	vor.u32 v4, v34;
	v38 =	vshll.u32 v20, $0x10;
	v35 =	vor.u32 v2, v34  }
0x20b: {  	v20 =	vor.u32 v1, v34;
	v39 =	vshll.u32 v21, $0x10;
	v40 =	vshll.u32 v27, $0x10  }
0x20c: {  	v18 =	vmul.f32 v18, v8;
	v41 =	vshll.u32 v0, $0x10;
	v19 =	vand.u32 $0xFFFF0000, v19  }
0x20d: {  	v24 =	vmul.f32 v24, v15;
	v19 =	vmul.f32 v19, v8;
	v21 =	vand.u32 $0xFFFF0000, v21  }
0x20e: {  	v28 =	vmul.f32 v28, v5;
	v27 =	vand.u32 $0xFFFF0000, v27;
	v42 =	vand.u32 $0xFFFF0000, v26  }
0x20f: {  	v0 =	vand.u32 $0xFFFF0000, v0;
	v39 =	vmul.f32 v39, v5;
	v43 =	vand.u32 $0xFFFF0000, v25;
	v35 =	vld.idx.msk [tilespmem:v35+s16+$0x0], $0xffff  }
0x210: {  	v41 =	vmul.f32 v41, v15;
	v34 =	vor.u32 v7, v34;
	v43 =	vmul.f32 v43, v9;
	v32 =	vld.idx.msk [tilespmem:v32+s16+$0x0], $0xffff  }
0x211: {  	v44 =	vld.idx.msk [tilespmem:v20+s16+$0x0], $0xffff;
	v20 =	vshll.u32 v25, $0x10;
	v25 =	vmul.f32 v30, v15;
	v30 =	vmul.f32 v0, v15  }
0x212: {  	v18 =	vadd.f32 v24, v18;
	v37 =	vld.idx.msk [tilespmem:v37+s16+$0x0], $0xffff;
	v0 =	vmul.f32 v20, v9;
	v20 =	vadd.f32 v41, v31  }
0x213: {  	v21 =	vmul.f32 v21, v5;
	v23 =	vadd.f32 v25, v23;
	v19 =	vadd.f32 v30, v19  }
0x214: {  	v30 =	vadd.f32 v39, v20;
	v20 =	vshll.u32 v26, $0x10;
	v39 =	vmul.f32 v27, v15  }
0x215: {  	v18 =	vadd.f32 v28, v18;
	v21 =	vadd.f32 v21, v19;
	v19 =	vmul.f32 v40, v15  }
0x216: {  	v31 =	vshll.u32 v32, $0x10;
	v24 =	vand.u32 $0xFFFF0000, v32;
	v26 =	vmul.f32 v20, v8  }
0x217: {  	v27 =	vshll.u32 v35, $0x10;
	v32 =	vand.u32 $0xFFFF0000, v35;
	v20 =	vadd.f32 v43, v18  }
0x218: {  	v28 =	vmul.f32 v27, v8;
	v24 =	vmul.f32 v24, v5;
	v35 =	vshll.u32 v37, $0x10;
	v25 =	vld.idx.msk [tilespmem:v34+s16+$0x0], $0xffff  }
0x219: {  	v32 =	vmul.f32 v32, v8;
	v30 =	vadd.f32 v22, v30;
	v18 =	vand.u32 $0xFFFF0000, v37  }
.Ltmp1:
0x21a: {  	v27 =	vadd.f32 v19, v26;
	v26 =	vmul.f32 v38, v9;
	v18 =	vmul.f32 v18, v15;
	(pc) =	sbr.rel @p1 .LBB2_5-.Ltmp1, $4  }
0x21b: {  	v19 =	vor.u32 v6, v36;
	v37 =	vmul.f32 v29, v9;
	v29 =	vmul.f32 v31, v5  }
0x21c: {  	v22 =	vadd.f32 v18, v32;
	v18 =	vor.u32 v51, v36;
	v36 =	vmul.f32 v42, v8  }
0x21d: {  	v31 =	vshll.u32 v44, $0x10;
	v34 =	vmul.f32 v35, v15;
	v21 =	vadd.f32 v37, v21;
	[tilespmem:v33+s26+$0x0] =	vst.idx.msk $0xffff, v30  }
0x21e: {  	v32 =	vshll.u32 v25, $0x10;
	v33 =	vand.u32 $0xFFFF0000, v44;
	v30 =	vadd.f32 v39, v36  }
0x21f: {  	[tilespmem:$0x1FC90] =	vst v53  }
0x220: {  	[tilespmem:$0x1FCA0] =	vst v52  }
0x221: {  	[tilespmem:$0x1FCB0] =	vst v51  }
0x222: {  	[tilespmem:$0x1FCC0] =	vst v50  }
0x223: {  	[tilespmem:$0x1FCD0] =	vst v49  }
0x224: {  	[tilespmem:$0x1FCE0] =	vst v48;
	v1 =	vadd.f32 v17, v23  }
0x225: {  	[tilespmem:$0x1FCF0] =	vst v47;
	v2 =	vadd.f32 v34, v28;
	v4 =	vmul.f32 v32, v5  }
0x226: {  	[tilespmem:$0x1FD00] =	vst v46;
	v7 =	vadd.f32 v29, v27;
	v0 =	vadd.f32 v0, v1  }
0x227: {  	[tilespmem:$0x1FD10] =	vst v6;
	v8 =	vmul.f32 v31, v9;
	v1 =	vand.u32 $0xFFFF0000, v25;
	v2 =	vadd.f32 v4, v2  }
0x228: {  	v1 =	vmul.f32 v1, v5;
	[tilespmem:v14+s26+$0x0] =	vst.idx.msk $0xffff, v0;
	v0 =	vadd.f32 v26, v7  }
0x229: {  	[tilespmem:v12+s26+$0x0] =	vst.idx.msk $0xffff, v21;
	v4 =	vmul.f32 v33, v9;
	v5 =	vadd.f32 v24, v30  }
0x22a: {  	v2 =	vadd.f32 v8, v2;
	[tilespmem:v11+s26+$0x0] =	vst.idx.msk $0xffff, v0;
	v0 =	vadd.f32 v1, v22  }
0x22b: {  	[tilespmem:v13+s26+$0x0] =	vst.idx.msk $0xffff, v20;
	v5 =	vadd.f32 v16, v5  }
0x22c: {  	[tilespmem:v19+s26+$0x0] =	vst.idx.msk $0xffff, v2;
	v0 =	vadd.f32 v4, v0  }
0x22d: {  	[tilespmem:v10+s26+$0x0] =	vst.idx.msk $0xffff, v5  }
0x22e: {  	[tilespmem:v18+s26+$0x0] =	vst.idx.msk $0xffff, v0  }
0x22f: {  	v0 =	vld [tilespmem:$0xBB0];
	_ =	sdelay $0x1  }
0x230: {  	v7 =	vld [tilespmem:$0xB60]  }
0x231: {  	s4 =	simm.s32 $0x2;
	v4 =	vld [tilespmem:$0xB10]  }
0x232: {  	v15 =	vmov s4;
	v2 =	vld [tilespmem:$0xAC0]  }
0x233: {  	v9 =	vand.u32 $0x3E, v15;
	v1 =	vshll.u32 v0, $0x6  }
0x234: {  	v12 =	vor.u32 v1, v9  }
0x235: {  	s7 =	simm.s32 $0x1;
	v8 =	vshll.u32 v7, $0x6  }
0x236: {  	v0 =	vmov s7;
	v5 =	vshll.u32 v4, $0x6;
	v20 =	vor.u32 v8, v9  }
0x237: {  	s14 =	simm.s32 $0x3;
	v2 =	vshll.u32 v2, $0x6;
	v11 =	vand.u32 $0x3D, v0;
	v18 =	vor.u32 v5, v9  }
0x238: {  	v16 =	vmov s14;
	v7 =	vld [tilespmem:$0x1A7E0];
	v4 =	vor.u32 v2, v11  }
0x239: {  	v14 =	vor.u32 v5, v11;
	v13 =	vor.u32 v8, v11;
	v21 =	vor.u32 v1, v11;
	v11 =	vld.idx.msk [tilespmem:v12+s16+$0x0], $0xffff  }
0x23a: {  	v19 =	vor.u32 v2, v9;
	v9 =	vand.u32 $0x3F, v16;
	v12 =	vld [tilespmem:$0x1A830]  }
0x23b: {  	v22 =	vor.u32 v2, v9;
	v31 =	vld.idx.msk [tilespmem:v20+s16+$0x0], $0xffff  }
0x23c: {  	v23 =	vor.u32 v5, v9;
	v25 =	vor.u32 v8, v9;
	v9 =	vor.u32 v1, v9;
	v35 =	vld.idx.msk [tilespmem:v18+s16+$0x0], $0xffff  }
0x23d: {  	v6 =	vor.u32 $0x1007, v59;
	v48 =	vor.u32 $0x1000, v59;
	v24 =	vld.idx.msk [tilespmem:v4+s16+$0x0], $0xffff  }
0x23e: {  	v49 =	vor.u32 $0x1003, v59;
	v29 =	vor.u32 $0x1002, v59;
	v50 =	vor.u32 $0x1006, v59;
	v26 =	vld.idx.msk [tilespmem:v13+s16+$0x0], $0xffff  }
0x23f: {  	v51 =	vor.u32 $0x1004, v59;
	v0 =	vshll.u32 v0, $0x1;
	v4 =	vshll.u32 v16, $0x1;
	v27 =	vld.idx.msk [tilespmem:v14+s16+$0x0], $0xffff  }
0x240: {  	v30 =	vshll.u32 v15, $0x1;
	v17 =	vor.u32 v29, v0;
	v16 =	vor.u32 v49, v0;
	v0 =	vld.idx.msk [tilespmem:v19+s16+$0x0], $0xffff  }
0x241: {  	v36 =	vor.u32 v51, v30;
	v28 =	vld.idx.msk [tilespmem:v9+s16+$0x0], $0xffff;
	v13 =	vor.u32 v6, v4;
	v14 =	vor.u32 v50, v4  }
0x242: {  	v23 =	vld.idx.msk [tilespmem:v23+s16+$0x0], $0xffff;
	v4 =	vmovc v6;
	v6 =	vor.u32 $0x1001, v59;
	v19 =	vshll.u32 v11, $0x10;
	v32 =	vand.u32 $0xFFFF0000, v11  }
0x243: {  	v22 =	vld.idx.msk [tilespmem:v22+s16+$0x0], $0xffff;
	v11 =	vor.u32 $0x1005, v59;
	v42 =	vshll.u32 v31, $0x10;
	v44 =	vshll.u32 v35, $0x10  }
0x244: {  	v18 =	vld [tilespmem:$0x1A790];
	v9 =	vmovc v29;
	v31 =	vand.u32 $0xFFFF0000, v31;
	v29 =	vshll.u32 v24, $0x10;
	v24 =	vand.u32 $0xFFFF0000, v24  }
0x245: {  	v10 =	vld [tilespmem:$0x1A740];
	v20 =	vshll.u32 v26, $0x10;
	v26 =	vand.u32 $0xFFFF0000, v26;
	v15 =	vor.u32 v11, v30  }
0x246: {  	s15 =	simm.s32 $0x0;
	v53 =	vshll.u32 v27, $0x10;
	v27 =	vand.u32 $0xFFFF0000, v27;
	v34 =	vmul.f32 v19, v12  }
0x247: {  	v19 =	vshll.u32 v0, $0x10;
	v30 =	vmov s15;
	v41 =	vshll.u32 v28, $0x10  }
0x248: {  	v43 =	vshll.u32 v23, $0x10;
	v0 =	vand.u32 $0xFFFF0000, v0;
	v47 =	vand.u32 $0xFFFF0000, v22  }
0x249: {  	v21 =	vld.idx.msk [tilespmem:v21+s16+$0x0], $0xffff;
	v23 =	vand.u32 $0xFFFF0000, v23;
	v55 =	vmul.f32 v42, v7;
	v44 =	vmul.f32 v44, v18  }
0x24a: {  	v22 =	vshll.u32 v22, $0x10;
	v29 =	vmul.f32 v29, v10;
	v20 =	vmul.f32 v20, v7  }
0x24b: {  	v37 =	vmul.f32 v19, v10;
	v19 =	vand.u32 $0xFFFF0000, v28;
	v38 =	vand.u32 $0x3C, v30  }
0x24c: {  	v39 =	vshll.u32 v30, $0x1;
	v24 =	vmul.f32 v24, v10;
	v27 =	vmul.f32 v27, v18  }
0x24d: {  	v25 =	vld.idx.msk [tilespmem:v25+s16+$0x0], $0xffff;
	v45 =	vmul.f32 v0, v10;
	v54 =	vmul.f32 v26, v7;
	v30 =	vor.u32 v2, v38  }
0x24e: {  	v0 =	vand.u32 $0xFFFF0000, v21;
	v52 =	vmul.f32 v23, v18;
	v40 =	vor.u32 v5, v38  }
0x24f: {  	v26 =	vand.u32 $0xFFFF0000, v35;
	v22 =	vmul.f32 v22, v10;
	v19 =	vmul.f32 v19, v12  }
0x250: {  	v28 =	vor.u32 v1, v38;
	v38 =	vor.u32 v8, v38;
	v56 =	vmul.f32 v0, v12  }
0x251: {  	v0 =	vshll.u32 v21, $0x10;
	v21 =	vmul.f32 v53, v18;
	v57 =	vmul.f32 v26, v18  }
0x252: {  	v53 =	vshll.u32 v25, $0x10;
	v24 =	vadd.f32 v27, v24;
	v27 =	vadd.f32 v44, v37;
	v30 =	vld.idx.msk [tilespmem:v30+s16+$0x0], $0xffff  }
0x253: {  	v26 =	vadd.f32 v21, v29;
	v21 =	vadd.f32 v57, v45;
	v29 =	vmul.f32 v31, v7;
	v58 =	vld.idx.msk [tilespmem:v40+s16+$0x0], $0xffff  }
0x254: {  	v25 =	vand.u32 $0xFFFF0000, v25;
	v0 =	vmul.f32 v0, v12;
	v23 =	vadd.f32 v54, v24  }
0x255: {  	v57 =	vmul.f32 v32, v12;
	v45 =	vadd.f32 v55, v27;
	v24 =	vadd.f32 v29, v21  }
0x256: {  	v32 =	vmul.f32 v53, v7;
	v21 =	vmul.f32 v43, v18;
	v23 =	vadd.f32 v56, v23;
	v54 =	vld.idx.msk [tilespmem:v28+s16+$0x0], $0xffff  }
0x257: {  	v28 =	vld.idx.msk [tilespmem:v38+s16+$0x0], $0xffff;
	v33 =	vadd.f32 v34, v45;
	v24 =	vadd.f32 v57, v24;
	v27 =	vshll.u32 v30, $0x10  }
0x258: {  	v29 =	vand.u32 $0xFFFF0000, v30;
	v55 =	vshll.u32 v58, $0x10;
	v30 =	vadd.f32 v21, v22  }
0x259: {  	v22 =	vor.u32 v48, v39;
	v21 =	vor.u32 v6, v39;
	v31 =	vmul.f32 v27, v10  }
0x25a: {  	v27 =	vmul.f32 v25, v7;
	v25 =	vand.u32 $0xFFFF0000, v58;
	v56 =	vmul.f32 v29, v10  }
0x25b: {  	v34 =	vshll.u32 v54, $0x10;
	v58 =	vmul.f32 v47, v10;
	v25 =	vmul.f32 v25, v18  }
0x25c: {  	[tilespmem:v36+s26+$0x0] =	vst.idx.msk $0xffff, v33;
	v35 =	vshll.u32 v28, $0x10;
	v36 =	vand.u32 $0xFFFF0000, v54;
	v37 =	vmul.f32 v55, v18  }
0x25d: {  	s11 =	simm.s32 $0x4;
	v29 =	vmul.f32 v41, v12;
	v33 =	vadd.f32 v52, v58;
	v25 =	vadd.f32 v25, v56  }
.LBB2_7:
0x25e: {  	s4 =	sadd.s32 $0x1, s11;
	s7 =	sadd.s32 $0x2, s11;
	s14 =	sadd.s32 $0x3, s11;
	v31 =	vadd.f32 v37, v31;
	v36 =	vmul.f32 v36, v12;
	v20 =	vadd.f32 v20, v26  }
0x25f: {  	p1 =	slt.u32 s11, $0x3C;
	s15 =	smov.u32 s11;
	s11 =	sadd.s32 $0x4, s11;
	v26 =	vmov s4;
	v37 =	vmov s7  }
0x260: {  	v35 =	vmul.f32 v35, v7;
	v38 =	vand.u32 $0x3D, v26;
	v39 =	vand.u32 $0x3E, v37  }
0x261: {  	v34 =	vmul.f32 v34, v12;
	v40 =	vor.u32 v2, v38;
	v41 =	vor.u32 v5, v38  }
0x262: {  	v30 =	vadd.f32 v32, v30;
	v42 =	vor.u32 v5, v39;
	v43 =	vor.u32 v1, v39  }
0x263: {  	v0 =	vadd.f32 v0, v20;
	v32 =	vor.u32 v2, v39;
	v39 =	vor.u32 v8, v39  }
0x264: {  	v28 =	vand.u32 $0xFFFF0000, v28;
	v20 =	vor.u32 v8, v38;
	v38 =	vor.u32 v1, v38  }
0x265: {  	v44 =	vmov s14;
	v28 =	vmul.f32 v28, v7;
	[tilespmem:v17+s26+$0x0] =	vst.idx.msk $0xffff, v0;
	v0 =	vadd.f32 v27, v33  }
0x266: {  	v17 =	vand.u32 $0x3F, v44;
	v27 =	vld.idx.msk [tilespmem:v41+s16+$0x0], $0xffff;
	[tilespmem:v16+s26+$0x0] =	vst.idx.msk $0xffff, v23;
	v16 =	vadd.f32 v29, v30  }
0x267: {  	v31 =	vadd.f32 v35, v31;
	v29 =	vor.u32 v2, v17;
	v30 =	vor.u32 v5, v17;
	v23 =	vld.idx.msk [tilespmem:v43+s16+$0x0], $0xffff  }
0x268: {  	v35 =	vor.u32 v8, v17;
	v0 =	vadd.f32 v19, v0;
	v33 =	vld.idx.msk [tilespmem:v40+s16+$0x0], $0xffff;
	v40 =	vor.u32 v1, v17  }
0x269: {  	v17 =	vshll.u32 v26, $0x1;
	v26 =	vadd.f32 v34, v31;
	v19 =	vld.idx.msk [tilespmem:v20+s16+$0x0], $0xffff;
	v20 =	vshll.u32 v44, $0x1;
	[tilespmem:v14+s26+$0x0] =	vst.idx.msk $0xffff, v16  }
0x26a: {  	v25 =	vadd.f32 v28, v25;
	[tilespmem:v13+s26+$0x0] =	vst.idx.msk $0xffff, v0;
	v13 =	vor.u32 v4, v20  }
0x26b: {  	v16 =	vor.u32 v49, v17;
	v0 =	vld.idx.msk [tilespmem:v42+s16+$0x0], $0xffff;
	[tilespmem:v22+s26+$0x0] =	vst.idx.msk $0xffff, v26  }
0x26c: {  	v17 =	vor.u32 v9, v17;
	v14 =	vor.u32 v50, v20;
	v20 =	vadd.f32 v36, v25;
	v22 =	vld.idx.msk [tilespmem:v32+s16+$0x0], $0xffff  }
0x26d: {  	v25 =	vshll.u32 v23, $0x10;
	v32 =	vand.u32 $0xFFFF0000, v23;
	v23 =	vld.idx.msk [tilespmem:v40+s16+$0x0], $0xffff;
	[tilespmem:v15+s26+$0x0] =	vst.idx.msk $0xffff, v24  }
0x26e: {  	v15 =	vshll.u32 v33, $0x10;
	v24 =	vld.idx.msk [tilespmem:v39+s16+$0x0], $0xffff;
	[tilespmem:v21+s26+$0x0] =	vst.idx.msk $0xffff, v20  }
0x26f: {  	v28 =	vshll.u32 v37, $0x1;
	v21 =	vand.u32 $0xFFFF0000, v33;
	v26 =	vmul.f32 v15, v10;
	v30 =	vld.idx.msk [tilespmem:v30+s16+$0x0], $0xffff  }
0x270: {  	v20 =	vshll.u32 v19, $0x10;
	v31 =	vand.u32 $0xFFFF0000, v19;
	v15 =	vor.u32 v11, v28;
	v29 =	vld.idx.msk [tilespmem:v29+s16+$0x0], $0xffff  }
0x271: {  	v25 =	vmul.f32 v25, v12;
	v33 =	vshll.u32 v27, $0x10;
	v27 =	vand.u32 $0xFFFF0000, v27  }
0x272: {  	v36 =	vor.u32 v51, v28;
	v20 =	vmul.f32 v20, v7;
	v19 =	vshll.u32 v22, $0x10  }
0x273: {  	v28 =	vmov s15;
	v34 =	vmul.f32 v19, v10;
	v19 =	vand.u32 $0xFFFF0000, v23  }
0x274: {  	v37 =	vand.u32 $0x3C, v28;
	v39 =	vshll.u32 v28, $0x1;
	v19 =	vmul.f32 v19, v12;
	v28 =	vld.idx.msk [tilespmem:v38+s16+$0x0], $0xffff  }
0x275: {  	v40 =	vor.u32 v5, v37;
	v41 =	vshll.u32 v23, $0x10;
	v38 =	vor.u32 v2, v37  }
0x276: {  	v23 =	vor.u32 v1, v37;
	v42 =	vshll.u32 v24, $0x10;
	v43 =	vshll.u32 v30, $0x10  }
0x277: {  	v21 =	vmul.f32 v21, v10;
	v44 =	vshll.u32 v0, $0x10;
	v22 =	vand.u32 $0xFFFF0000, v22  }
0x278: {  	v27 =	vmul.f32 v27, v18;
	v22 =	vmul.f32 v22, v10;
	v24 =	vand.u32 $0xFFFF0000, v24  }
0x279: {  	v31 =	vmul.f32 v31, v7;
	v30 =	vand.u32 $0xFFFF0000, v30;
	v45 =	vand.u32 $0xFFFF0000, v29  }
0x27a: {  	v0 =	vand.u32 $0xFFFF0000, v0;
	v42 =	vmul.f32 v42, v7;
	v46 =	vand.u32 $0xFFFF0000, v28;
	v38 =	vld.idx.msk [tilespmem:v38+s16+$0x0], $0xffff  }
0x27b: {  	v44 =	vmul.f32 v44, v18;
	v37 =	vor.u32 v8, v37;
	v46 =	vmul.f32 v46, v12;
	v35 =	vld.idx.msk [tilespmem:v35+s16+$0x0], $0xffff  }
0x27c: {  	v47 =	vld.idx.msk [tilespmem:v23+s16+$0x0], $0xffff;
	v23 =	vshll.u32 v28, $0x10;
	v28 =	vmul.f32 v33, v18;
	v33 =	vmul.f32 v0, v18  }
0x27d: {  	v21 =	vadd.f32 v27, v21;
	v40 =	vld.idx.msk [tilespmem:v40+s16+$0x0], $0xffff;
	v0 =	vmul.f32 v23, v12;
	v23 =	vadd.f32 v44, v34  }
0x27e: {  	v24 =	vmul.f32 v24, v7;
	v26 =	vadd.f32 v28, v26;
	v22 =	vadd.f32 v33, v22  }
0x27f: {  	v33 =	vadd.f32 v42, v23;
	v23 =	vshll.u32 v29, $0x10;
	v42 =	vmul.f32 v30, v18  }
0x280: {  	v21 =	vadd.f32 v31, v21;
	v24 =	vadd.f32 v24, v22;
	v22 =	vmul.f32 v43, v18  }
0x281: {  	v34 =	vshll.u32 v35, $0x10;
	v27 =	vand.u32 $0xFFFF0000, v35;
	v29 =	vmul.f32 v23, v10  }
0x282: {  	v30 =	vshll.u32 v38, $0x10;
	v35 =	vand.u32 $0xFFFF0000, v38;
	v23 =	vadd.f32 v46, v21  }
0x283: {  	v31 =	vmul.f32 v30, v10;
	v27 =	vmul.f32 v27, v7;
	v38 =	vshll.u32 v40, $0x10;
	v28 =	vld.idx.msk [tilespmem:v37+s16+$0x0], $0xffff  }
0x284: {  	v35 =	vmul.f32 v35, v10;
	v33 =	vadd.f32 v25, v33;
	v21 =	vand.u32 $0xFFFF0000, v40  }
.Ltmp2:
0x285: {  	v30 =	vadd.f32 v22, v29;
	v29 =	vmul.f32 v41, v12;
	v21 =	vmul.f32 v21, v18;
	(pc) =	sbr.rel @p1 .LBB2_7-.Ltmp2, $4  }
0x286: {  	v22 =	vor.u32 v48, v39;
	v40 =	vmul.f32 v32, v12;
	v32 =	vmul.f32 v34, v7  }
0x287: {  	v25 =	vadd.f32 v21, v35;
	v21 =	vor.u32 v6, v39;
	v39 =	vmul.f32 v45, v10  }
0x288: {  	v34 =	vshll.u32 v47, $0x10;
	v37 =	vmul.f32 v38, v18;
	v24 =	vadd.f32 v40, v24;
	[tilespmem:v36+s26+$0x0] =	vst.idx.msk $0xffff, v33  }
0x289: {  	v35 =	vshll.u32 v28, $0x10;
	v36 =	vand.u32 $0xFFFF0000, v47;
	v33 =	vadd.f32 v42, v39  }
0x28a: {  	[tilespmem:$0x1FC40] =	vst v51  }
0x28b: {  	[tilespmem:$0x1FC50] =	vst v6;
	v1 =	vadd.f32 v20, v26  }
0x28c: {  	[tilespmem:$0x1FC60] =	vst v50;
	v2 =	vadd.f32 v37, v31;
	v5 =	vmul.f32 v35, v7  }
0x28d: {  	[tilespmem:$0x1FC70] =	vst v49;
	v8 =	vadd.f32 v32, v30;
	v0 =	vadd.f32 v0, v1  }
0x28e: {  	[tilespmem:$0x1FC80] =	vst v48;
	v10 =	vmul.f32 v34, v12;
	v1 =	vand.u32 $0xFFFF0000, v28;
	v2 =	vadd.f32 v5, v2  }
0x28f: {  	v1 =	vmul.f32 v1, v7;
	[tilespmem:v17+s26+$0x0] =	vst.idx.msk $0xffff, v0;
	v0 =	vadd.f32 v29, v8  }
0x290: {  	[tilespmem:v15+s26+$0x0] =	vst.idx.msk $0xffff, v24;
	v5 =	vmul.f32 v36, v12;
	v7 =	vadd.f32 v27, v33  }
0x291: {  	v2 =	vadd.f32 v10, v2;
	[tilespmem:v14+s26+$0x0] =	vst.idx.msk $0xffff, v0;
	v0 =	vadd.f32 v1, v25  }
0x292: {  	[tilespmem:v16+s26+$0x0] =	vst.idx.msk $0xffff, v23;
	v7 =	vadd.f32 v19, v7  }
0x293: {  	[tilespmem:v22+s26+$0x0] =	vst.idx.msk $0xffff, v2;
	v0 =	vadd.f32 v5, v0  }
0x294: {  	[tilespmem:v13+s26+$0x0] =	vst.idx.msk $0xffff, v7  }
0x295: {  	[tilespmem:v21+s26+$0x0] =	vst.idx.msk $0xffff, v0  }
0x296: {  	v0 =	vld [tilespmem:$0xBC0]  }
0x297: {  	v10 =	vld [tilespmem:$0xB70]  }
0x298: {  	v2 =	vld [tilespmem:$0xB20]  }
0x299: {  	s4 =	simm.s32 $0x2  }
0x29a: {  	v20 =	vmov s4;
	v1 =	vld [tilespmem:$0xAD0]  }
0x29b: {  	v12 =	vand.u32 $0x3E, v20;
	v5 =	vshll.u32 v0, $0x6  }
0x29c: {  	v15 =	vshll.u32 v10, $0x6;
	v14 =	vor.u32 v5, v12  }
0x29d: {  	s7 =	simm.s32 $0x1;
	v8 =	vshll.u32 v2, $0x6;
	v25 =	vor.u32 v15, v12  }
0x29e: {  	v6 =	vor.u32 $0x1807, v59;
	v0 =	vmov s7;
	v23 =	vor.u32 v8, v12  }
0x29f: {  	s14 =	simm.s32 $0x3;
	v53 =	vor.u32 $0x1800, v59;
	v13 =	vld [tilespmem:$0x1A7F0];
	v7 =	vshll.u32 v1, $0x6;
	v1 =	vand.u32 $0x3D, v0  }
0x2a0: {  	v54 =	vor.u32 $0x1806, v59;
	v19 =	vmov s14;
	v17 =	vld [tilespmem:$0x1A840];
	v2 =	vor.u32 v7, v1  }
0x2a1: {  	s15 =	simm.s32 $0x0;
	v24 =	vor.u32 v7, v12;
	v12 =	vand.u32 $0x3F, v19;
	v18 =	vor.u32 v15, v1;
	v14 =	vld.idx.msk [tilespmem:v14+s16+$0x0], $0xffff  }
0x2a2: {  	v57 =	vmov s15;
	v10 =	vor.u32 v8, v1;
	v27 =	vor.u32 v7, v12;
	v56 =	vld.idx.msk [tilespmem:v25+s16+$0x0], $0xffff  }
0x2a3: {  	v28 =	vor.u32 v8, v12;
	v30 =	vor.u32 v15, v12;
	v12 =	vor.u32 v5, v12;
	v40 =	vld.idx.msk [tilespmem:v23+s16+$0x0], $0xffff  }
0x2a4: {  	v55 =	vshll.u32 v20, $0x1;
	v43 =	vand.u32 $0x3C, v57;
	v44 =	vshll.u32 v57, $0x1;
	v23 =	vld [tilespmem:$0x1A7A0]  }
0x2a5: {  	v0 =	vshll.u32 v0, $0x1;
	v19 =	vshll.u32 v19, $0x1;
	v35 =	vor.u32 v7, v43;
	v29 =	vld.idx.msk [tilespmem:v2+s16+$0x0], $0xffff  }
0x2a6: {  	v45 =	vor.u32 v8, v43;
	v33 =	vor.u32 v5, v43;
	v43 =	vor.u32 v15, v43;
	v31 =	vld.idx.msk [tilespmem:v18+s16+$0x0], $0xffff  }
0x2a7: {  	v26 =	vor.u32 v5, v1;
	v2 =	vor.u32 $0x1803, v59;
	v18 =	vor.u32 v6, v19;
	v50 =	vld.idx.msk [tilespmem:v10+s16+$0x0], $0xffff  }
0x2a8: {  	v1 =	vmovc v6;
	v6 =	vor.u32 $0x1802, v59;
	v19 =	vor.u32 v54, v19;
	v51 =	vld.idx.msk [tilespmem:v12+s16+$0x0], $0xffff;
	v12 =	vor.u32 $0x1804, v59  }
0x2a9: {  	v28 =	vld.idx.msk [tilespmem:v28+s16+$0x0], $0xffff;
	v21 =	vor.u32 v2, v0;
	v22 =	vor.u32 v6, v0;
	v41 =	vor.u32 v12, v55  }
0x2aa: {  	v0 =	vld.idx.msk [tilespmem:v24+s16+$0x0], $0xffff;
	v24 =	vshll.u32 v14, $0x10;
	v37 =	vand.u32 $0xFFFF0000, v14;
	v14 =	vor.u32 $0x1805, v59  }
0x2ab: {  	v16 =	vld [tilespmem:$0x1A750];
	v47 =	vshll.u32 v56, $0x10;
	v58 =	vshll.u32 v40, $0x10;
	v36 =	vand.u32 $0xFFFF0000, v56  }
0x2ac: {  	v52 =	vshll.u32 v29, $0x10;
	v29 =	vand.u32 $0xFFFF0000, v29;
	v25 =	vshll.u32 v31, $0x10  }
0x2ad: {  	v27 =	vld.idx.msk [tilespmem:v27+s16+$0x0], $0xffff;
	v31 =	vand.u32 $0xFFFF0000, v31;
	v20 =	vor.u32 v14, v55;
	v38 =	vshll.u32 v50, $0x10  }
0x2ae: {  	v32 =	vand.u32 $0xFFFF0000, v50;
	v39 =	vmul.f32 v24, v17;
	v46 =	vshll.u32 v51, $0x10  }
0x2af: {  	v26 =	vld.idx.msk [tilespmem:v26+s16+$0x0], $0xffff;
	v48 =	vshll.u32 v28, $0x10;
	v57 =	vmul.f32 v47, v13;
	v49 =	vmul.f32 v58, v23  }
0x2b0: {  	v30 =	vld.idx.msk [tilespmem:v30+s16+$0x0], $0xffff;
	v28 =	vand.u32 $0xFFFF0000, v28;
	v34 =	vmul.f32 v52, v16;
	v25 =	vmul.f32 v25, v13  }
0x2b1: {  	v24 =	vshll.u32 v0, $0x10;
	v29 =	vmul.f32 v29, v16;
	v0 =	vand.u32 $0xFFFF0000, v0  }
0x2b2: {  	v32 =	vmul.f32 v32, v23;
	v52 =	vand.u32 $0xFFFF0000, v27;
	v27 =	vshll.u32 v27, $0x10  }
0x2b3: {  	v42 =	vmul.f32 v24, v16;
	v24 =	vand.u32 $0xFFFF0000, v51;
	v56 =	vmul.f32 v0, v16  }
0x2b4: {  	v51 =	vmul.f32 v31, v13;
	v0 =	vand.u32 $0xFFFF0000, v26;
	v31 =	vand.u32 $0xFFFF0000, v40  }
0x2b5: {  	v35 =	vld.idx.msk [tilespmem:v35+s16+$0x0], $0xffff;
	v40 =	vshll.u32 v30, $0x10;
	v30 =	vand.u32 $0xFFFF0000, v30;
	v27 =	vmul.f32 v27, v16  }
0x2b6: {  	v24 =	vmul.f32 v24, v17;
	v47 =	vmul.f32 v0, v17;
	v0 =	vshll.u32 v26, $0x10  }
0x2b7: {  	v26 =	vmul.f32 v38, v23;
	v58 =	vmul.f32 v31, v23;
	v29 =	vadd.f32 v32, v29  }
0x2b8: {  	v32 =	vmul.f32 v30, v13;
	v0 =	vmul.f32 v0, v17;
	v55 =	vadd.f32 v49, v42  }
0x2b9: {  	v42 =	vld.idx.msk [tilespmem:v45+s16+$0x0], $0xffff;
	v45 =	vmul.f32 v28, v23;
	v31 =	vadd.f32 v26, v34;
	v26 =	vadd.f32 v58, v56  }
0x2ba: {  	v56 =	vmul.f32 v36, v13;
	v28 =	vadd.f32 v51, v29;
	v58 =	vand.u32 $0xFFFF0000, v35  }
0x2bb: {  	v34 =	vmul.f32 v46, v17;
	v38 =	vadd.f32 v57, v55;
	v57 =	vshll.u32 v35, $0x10  }
0x2bc: {  	v29 =	vadd.f32 v56, v26;
	v26 =	vmul.f32 v48, v23;
	v36 =	vmul.f32 v57, v16  }
0x2bd: {  	v28 =	vadd.f32 v47, v28;
	v47 =	vld.idx.msk [tilespmem:v33+s16+$0x0], $0xffff;
	v56 =	vmul.f32 v58, v16;
	v57 =	vmul.f32 v37, v17  }
0x2be: {  	v10 =	vor.u32 $0x1801, v59;
	v33 =	vld.idx.msk [tilespmem:v43+s16+$0x0], $0xffff;
	v37 =	vmul.f32 v40, v13;
	v58 =	vmul.f32 v52, v16  }
0x2bf: {  	v38 =	vadd.f32 v39, v38;
	v55 =	vshll.u32 v42, $0x10;
	v30 =	vand.u32 $0xFFFF0000, v42  }
0x2c0: {  	v35 =	vadd.f32 v26, v27;
	v27 =	vor.u32 v53, v44;
	v30 =	vmul.f32 v30, v23  }
0x2c1: {  	v26 =	vor.u32 v10, v44;
	v29 =	vadd.f32 v57, v29;
	v42 =	vmul.f32 v55, v23  }
0x2c2: {  	[tilespmem:v41+s26+$0x0] =	vst.idx.msk $0xffff, v38;
	v38 =	vadd.f32 v45, v58;
	v30 =	vadd.f32 v30, v56  }
0x2c3: {  	s11 =	simm.s32 $0x4;
	v39 =	vshll.u32 v47, $0x10;
	v40 =	vshll.u32 v33, $0x10;
	v41 =	vand.u32 $0xFFFF0000, v47  }
.LBB2_9:
0x2c4: {  	s4 =	sadd.s32 $0x1, s11;
	s7 =	sadd.s32 $0x2, s11;
	s14 =	sadd.s32 $0x3, s11;
	v36 =	vadd.f32 v42, v36;
	v41 =	vmul.f32 v41, v17;
	v25 =	vadd.f32 v25, v31  }
0x2c5: {  	p1 =	slt.u32 s11, $0x3C;
	s15 =	smov.u32 s11;
	s11 =	sadd.s32 $0x4, s11;
	v31 =	vmov s4;
	v42 =	vmov s7  }
0x2c6: {  	v40 =	vmul.f32 v40, v13;
	v43 =	vand.u32 $0x3D, v31;
	v44 =	vand.u32 $0x3E, v42  }
0x2c7: {  	v39 =	vmul.f32 v39, v17;
	v45 =	vor.u32 v7, v43;
	v46 =	vor.u32 v8, v43  }
0x2c8: {  	v35 =	vadd.f32 v37, v35;
	v47 =	vor.u32 v8, v44;
	v48 =	vor.u32 v5, v44  }
0x2c9: {  	v0 =	vadd.f32 v0, v25;
	v37 =	vor.u32 v7, v44;
	v44 =	vor.u32 v15, v44  }
0x2ca: {  	v33 =	vand.u32 $0xFFFF0000, v33;
	v25 =	vor.u32 v15, v43;
	v43 =	vor.u32 v5, v43  }
0x2cb: {  	v49 =	vmov s14;
	v33 =	vmul.f32 v33, v13;
	[tilespmem:v22+s26+$0x0] =	vst.idx.msk $0xffff, v0;
	v0 =	vadd.f32 v32, v38  }
0x2cc: {  	v22 =	vand.u32 $0x3F, v49;
	v32 =	vld.idx.msk [tilespmem:v46+s16+$0x0], $0xffff;
	[tilespmem:v21+s26+$0x0] =	vst.idx.msk $0xffff, v28;
	v21 =	vadd.f32 v34, v35  }
0x2cd: {  	v36 =	vadd.f32 v40, v36;
	v34 =	vor.u32 v7, v22;
	v35 =	vor.u32 v8, v22;
	v28 =	vld.idx.msk [tilespmem:v48+s16+$0x0], $0xffff  }
0x2ce: {  	v40 =	vor.u32 v15, v22;
	v0 =	vadd.f32 v24, v0;
	v38 =	vld.idx.msk [tilespmem:v45+s16+$0x0], $0xffff;
	v45 =	vor.u32 v5, v22  }
0x2cf: {  	v22 =	vshll.u32 v31, $0x1;
	v31 =	vadd.f32 v39, v36;
	v24 =	vld.idx.msk [tilespmem:v25+s16+$0x0], $0xffff;
	v25 =	vshll.u32 v49, $0x1;
	[tilespmem:v19+s26+$0x0] =	vst.idx.msk $0xffff, v21  }
0x2d0: {  	v30 =	vadd.f32 v33, v30;
	[tilespmem:v18+s26+$0x0] =	vst.idx.msk $0xffff, v0;
	v18 =	vor.u32 v1, v25  }
0x2d1: {  	v21 =	vor.u32 v2, v22;
	v0 =	vld.idx.msk [tilespmem:v47+s16+$0x0], $0xffff;
	[tilespmem:v27+s26+$0x0] =	vst.idx.msk $0xffff, v31  }
0x2d2: {  	v22 =	vor.u32 v6, v22;
	v19 =	vor.u32 v54, v25;
	v25 =	vadd.f32 v41, v30;
	v27 =	vld.idx.msk [tilespmem:v37+s16+$0x0], $0xffff  }
0x2d3: {  	v30 =	vshll.u32 v28, $0x10;
	v37 =	vand.u32 $0xFFFF0000, v28;
	v28 =	vld.idx.msk [tilespmem:v45+s16+$0x0], $0xffff;
	[tilespmem:v20+s26+$0x0] =	vst.idx.msk $0xffff, v29  }
0x2d4: {  	v20 =	vshll.u32 v38, $0x10;
	v29 =	vld.idx.msk [tilespmem:v44+s16+$0x0], $0xffff;
	[tilespmem:v26+s26+$0x0] =	vst.idx.msk $0xffff, v25  }
0x2d5: {  	v33 =	vshll.u32 v42, $0x1;
	v26 =	vand.u32 $0xFFFF0000, v38;
	v31 =	vmul.f32 v20, v16;
	v35 =	vld.idx.msk [tilespmem:v35+s16+$0x0], $0xffff  }
0x2d6: {  	v25 =	vshll.u32 v24, $0x10;
	v36 =	vand.u32 $0xFFFF0000, v24;
	v20 =	vor.u32 v14, v33;
	v34 =	vld.idx.msk [tilespmem:v34+s16+$0x0], $0xffff  }
0x2d7: {  	v30 =	vmul.f32 v30, v17;
	v38 =	vshll.u32 v32, $0x10;
	v32 =	vand.u32 $0xFFFF0000, v32  }
0x2d8: {  	v41 =	vor.u32 v12, v33;
	v25 =	vmul.f32 v25, v13;
	v24 =	vshll.u32 v27, $0x10  }
0x2d9: {  	v33 =	vmov s15;
	v39 =	vmul.f32 v24, v16;
	v24 =	vand.u32 $0xFFFF0000, v28  }
0x2da: {  	v42 =	vand.u32 $0x3C, v33;
	v44 =	vshll.u32 v33, $0x1;
	v24 =	vmul.f32 v24, v17;
	v33 =	vld.idx.msk [tilespmem:v43+s16+$0x0], $0xffff  }
0x2db: {  	v45 =	vor.u32 v8, v42;
	v46 =	vshll.u32 v28, $0x10;
	v43 =	vor.u32 v7, v42  }
0x2dc: {  	v28 =	vor.u32 v5, v42;
	v47 =	vshll.u32 v29, $0x10;
	v48 =	vshll.u32 v35, $0x10  }
0x2dd: {  	v26 =	vmul.f32 v26, v16;
	v49 =	vshll.u32 v0, $0x10;
	v27 =	vand.u32 $0xFFFF0000, v27  }
0x2de: {  	v32 =	vmul.f32 v32, v23;
	v27 =	vmul.f32 v27, v16;
	v29 =	vand.u32 $0xFFFF0000, v29  }
0x2df: {  	v36 =	vmul.f32 v36, v13;
	v35 =	vand.u32 $0xFFFF0000, v35;
	v50 =	vand.u32 $0xFFFF0000, v34  }
0x2e0: {  	v0 =	vand.u32 $0xFFFF0000, v0;
	v47 =	vmul.f32 v47, v13;
	v51 =	vand.u32 $0xFFFF0000, v33;
	v43 =	vld.idx.msk [tilespmem:v43+s16+$0x0], $0xffff  }
0x2e1: {  	v49 =	vmul.f32 v49, v23;
	v42 =	vor.u32 v15, v42;
	v51 =	vmul.f32 v51, v17;
	v40 =	vld.idx.msk [tilespmem:v40+s16+$0x0], $0xffff  }
0x2e2: {  	v52 =	vld.idx.msk [tilespmem:v28+s16+$0x0], $0xffff;
	v28 =	vshll.u32 v33, $0x10;
	v33 =	vmul.f32 v38, v23;
	v38 =	vmul.f32 v0, v23  }
0x2e3: {  	v26 =	vadd.f32 v32, v26;
	v45 =	vld.idx.msk [tilespmem:v45+s16+$0x0], $0xffff;
	v0 =	vmul.f32 v28, v17;
	v28 =	vadd.f32 v49, v39  }
0x2e4: {  	v29 =	vmul.f32 v29, v13;
	v31 =	vadd.f32 v33, v31;
	v27 =	vadd.f32 v38, v27  }
0x2e5: {  	v38 =	vadd.f32 v47, v28;
	v28 =	vshll.u32 v34, $0x10;
	v47 =	vmul.f32 v35, v23  }
0x2e6: {  	v26 =	vadd.f32 v36, v26;
	v29 =	vadd.f32 v29, v27;
	v27 =	vmul.f32 v48, v23  }
0x2e7: {  	v39 =	vshll.u32 v40, $0x10;
	v32 =	vand.u32 $0xFFFF0000, v40;
	v34 =	vmul.f32 v28, v16  }
0x2e8: {  	v35 =	vshll.u32 v43, $0x10;
	v40 =	vand.u32 $0xFFFF0000, v43;
	v28 =	vadd.f32 v51, v26  }
0x2e9: {  	v36 =	vmul.f32 v35, v16;
	v32 =	vmul.f32 v32, v13;
	v43 =	vshll.u32 v45, $0x10;
	v33 =	vld.idx.msk [tilespmem:v42+s16+$0x0], $0xffff  }
0x2ea: {  	v40 =	vmul.f32 v40, v16;
	v38 =	vadd.f32 v30, v38;
	v26 =	vand.u32 $0xFFFF0000, v45  }
.Ltmp3:
0x2eb: {  	v35 =	vadd.f32 v27, v34;
	v34 =	vmul.f32 v46, v17;
	v26 =	vmul.f32 v26, v23;
	(pc) =	sbr.rel @p1 .LBB2_9-.Ltmp3, $4  }
0x2ec: {  	v27 =	vor.u32 v53, v44;
	v45 =	vmul.f32 v37, v17;
	v37 =	vmul.f32 v39, v13  }
0x2ed: {  	v30 =	vadd.f32 v26, v40;
	v26 =	vor.u32 v10, v44;
	v44 =	vmul.f32 v50, v16  }
0x2ee: {  	v39 =	vshll.u32 v52, $0x10;
	v42 =	vmul.f32 v43, v23;
	v29 =	vadd.f32 v45, v29;
	[tilespmem:v41+s26+$0x0] =	vst.idx.msk $0xffff, v38  }
0x2ef: {  	v40 =	vshll.u32 v33, $0x10;
	v41 =	vand.u32 $0xFFFF0000, v52;
	v38 =	vadd.f32 v47, v44  }
0x2f0: {  	[tilespmem:$0x1FBF0] =	vst v54;
	v5 =	vadd.f32 v25, v31  }
0x2f1: {  	[tilespmem:$0x1FC00] =	vst v6;
	v7 =	vadd.f32 v42, v36;
	v8 =	vmul.f32 v40, v13  }
0x2f2: {  	[tilespmem:$0x1FC10] =	vst v2;
	v15 =	vadd.f32 v37, v35;
	v0 =	vadd.f32 v0, v5  }
0x2f3: {  	[tilespmem:$0x1FC20] =	vst v53;
	v16 =	vmul.f32 v39, v17;
	v5 =	vand.u32 $0xFFFF0000, v33;
	v7 =	vadd.f32 v8, v7  }
0x2f4: {  	v5 =	vmul.f32 v5, v13;
	[tilespmem:v22+s26+$0x0] =	vst.idx.msk $0xffff, v0;
	v0 =	vadd.f32 v34, v15  }
0x2f5: {  	[tilespmem:v20+s26+$0x0] =	vst.idx.msk $0xffff, v29;
	v8 =	vmul.f32 v41, v17;
	v13 =	vadd.f32 v32, v38  }
0x2f6: {  	v7 =	vadd.f32 v16, v7;
	[tilespmem:v19+s26+$0x0] =	vst.idx.msk $0xffff, v0;
	v0 =	vadd.f32 v5, v30  }
0x2f7: {  	[tilespmem:v21+s26+$0x0] =	vst.idx.msk $0xffff, v28;
	v13 =	vadd.f32 v24, v13  }
0x2f8: {  	[tilespmem:v27+s26+$0x0] =	vst.idx.msk $0xffff, v7;
	v0 =	vadd.f32 v8, v0  }
0x2f9: {  	[tilespmem:v18+s26+$0x0] =	vst.idx.msk $0xffff, v13  }
0x2fa: {  	[tilespmem:v26+s26+$0x0] =	vst.idx.msk $0xffff, v0  }
0x2fb: {  	v0 =	vld [tilespmem:$0xBD0]  }
0x2fc: {  	v5 =	vld [tilespmem:$0xAE0]  }
0x2fd: {  	v7 =	vld [tilespmem:$0xB30]  }
0x2fe: {  	s4 =	simm.s32 $0x2;
	v8 =	vld [tilespmem:$0xB80]  }
0x2ff: {  	v26 =	vmov s4  }
0x300: {  	s7 =	simm.s32 $0x1;
	v13 =	vand.u32 $0x3E, v26;
	v17 =	vshll.u32 v0, $0x6  }
0x301: {  	v0 =	vmov s7;
	v15 =	vor.u32 v17, v13  }
0x302: {  	v18 =	vshll.u32 v5, $0x6;
	v5 =	vand.u32 $0x3D, v0  }
0x303: {  	v19 =	vshll.u32 v7, $0x6;
	v21 =	vshll.u32 v8, $0x6;
	v7 =	vor.u32 v18, v5  }
0x304: {  	s14 =	simm.s32 $0x3;
	v2 =	vor.u32 $0x2007, v59;
	v8 =	vor.u32 v21, v5  }
0x305: {  	v6 =	vor.u32 $0x2003, v59;
	v23 =	vmov s14;
	v22 =	vld [tilespmem:$0x1A760];
	v16 =	vor.u32 v19, v5  }
0x306: {  	v57 =	vshll.u32 v26, $0x1;
	v29 =	vor.u32 v19, v13;
	v30 =	vor.u32 v18, v13;
	v15 =	vld.idx.msk [tilespmem:v15+s16+$0x0], $0xffff  }
0x307: {  	v24 =	vld [tilespmem:$0x1A850];
	v31 =	vor.u32 v21, v13;
	v13 =	vand.u32 $0x3F, v23;
	v0 =	vshll.u32 v0, $0x1  }
0x308: {  	v32 =	vor.u32 v17, v5;
	v5 =	vor.u32 $0x2000, v59;
	v53 =	vor.u32 v17, v13;
	v52 =	vld.idx.msk [tilespmem:v7+s16+$0x0], $0xffff  }
0x309: {  	v33 =	vor.u32 v18, v13;
	v51 =	vor.u32 v19, v13;
	v43 =	vor.u32 v21, v13;
	v54 =	vld.idx.msk [tilespmem:v8+s16+$0x0], $0xffff  }
0x30a: {  	v13 =	vshll.u32 v23, $0x1;
	v27 =	vor.u32 v6, v0;
	v7 =	vor.u32 $0x2002, v59;
	v55 =	vld.idx.msk [tilespmem:v16+s16+$0x0], $0xffff  }
0x30b: {  	v28 =	vor.u32 v7, v0;
	v0 =	vld.idx.msk [tilespmem:v30+s16+$0x0], $0xffff;
	v30 =	vshll.u32 v15, $0x10;
	v15 =	vand.u32 $0xFFFF0000, v15  }
0x30c: {  	v20 =	vld [tilespmem:$0x1A800];
	v23 =	vor.u32 v2, v13;
	v8 =	vor.u32 $0x2006, v59;
	v16 =	vor.u32 $0x2005, v59;
	[tilespmem:$0x1FC30] =	vst v15  }
0x30d: {  	v25 =	vor.u32 v8, v13;
	v13 =	vor.u32 $0x2001, v59;
	v26 =	vor.u32 v16, v57;
	v37 =	vld.idx.msk [tilespmem:v53+s16+$0x0], $0xffff  }
0x30e: {  	v56 =	vshll.u32 v52, $0x10;
	v15 =	vor.u32 $0x2004, v59;
	v35 =	vand.u32 $0xFFFF0000, v52;
	v58 =	vld.idx.msk [tilespmem:v31+s16+$0x0], $0xffff  }
0x30f: {  	v38 =	vand.u32 $0xFFFF0000, v54;
	v44 =	vshll.u32 v55, $0x10;
	v39 =	vand.u32 $0xFFFF0000, v55;
	v34 =	vld.idx.msk [tilespmem:v51+s16+$0x0], $0xffff  }
0x310: {  	s15 =	simm.s32 $0x0;
	v45 =	vmul.f32 v30, v24;
	v40 =	vmul.f32 v56, v22;
	v31 =	vshll.u32 v54, $0x10;
	v46 =	vld.idx.msk [tilespmem:v29+s16+$0x0], $0xffff  }
0x311: {  	v30 =	vshll.u32 v0, $0x10;
	v47 =	vor.u32 v15, v57;
	v29 =	vld [tilespmem:$0x1A7B0];
	v54 =	vmov s15  }
0x312: {  	v33 =	vld.idx.msk [tilespmem:v33+s16+$0x0], $0xffff;
	v35 =	vmul.f32 v35, v22;
	v0 =	vand.u32 $0xFFFF0000, v0;
	v38 =	vmul.f32 v38, v20  }
0x313: {  	v32 =	vld.idx.msk [tilespmem:v32+s16+$0x0], $0xffff;
	v31 =	vmul.f32 v31, v20;
	v48 =	vmul.f32 v30, v22;
	v49 =	vand.u32 $0x3C, v54  }
0x314: {  	v50 =	vshll.u32 v54, $0x1;
	v56 =	vmul.f32 v0, v22;
	v41 =	vor.u32 v18, v49  }
0x315: {  	v51 =	vor.u32 v19, v49;
	v53 =	vor.u32 v17, v49;
	v49 =	vor.u32 v21, v49  }
0x316: {  	v30 =	vand.u32 $0xFFFF0000, v37;
	v52 =	vshll.u32 v37, $0x10;
	v37 =	vshll.u32 v58, $0x10  }
0x317: {  	v54 =	vshll.u32 v34, $0x10;
	v55 =	vshll.u32 v46, $0x10;
	v39 =	vmul.f32 v39, v29  }
0x318: {  	v42 =	vand.u32 $0xFFFF0000, v58;
	v57 =	vand.u32 $0xFFFF0000, v33;
	v0 =	vand.u32 $0xFFFF0000, v32  }
0x319: {  	v46 =	vand.u32 $0xFFFF0000, v46;
	v30 =	vmul.f32 v30, v24;
	v58 =	vmul.f32 v37, v20  }
0x31a: {  	v43 =	vld.idx.msk [tilespmem:v43+s16+$0x0], $0xffff;
	v33 =	vshll.u32 v33, $0x10;
	v36 =	vmul.f32 v0, v24;
	v37 =	vmul.f32 v55, v29  }
0x31b: {  	v0 =	vshll.u32 v32, $0x10;
	v32 =	vmul.f32 v44, v29;
	v55 =	vmul.f32 v46, v29  }
0x31c: {  	v34 =	vand.u32 $0xFFFF0000, v34;
	v33 =	vmul.f32 v33, v22;
	v41 =	vld.idx.msk [tilespmem:v41+s16+$0x0], $0xffff;
	v0 =	vmul.f32 v0, v24  }
0x31d: {  	v35 =	vadd.f32 v39, v35;
	v46 =	vld.idx.msk [tilespmem:v51+s16+$0x0], $0xffff;
	v51 =	vmul.f32 v34, v29;
	v48 =	vadd.f32 v37, v48  }
0x31e: {  	v37 =	vadd.f32 v32, v40;
	v32 =	vadd.f32 v55, v56;
	v55 =	vmul.f32 v42, v20  }
0x31f: {  	v40 =	vmul.f32 v52, v24;
	v56 =	vadd.f32 v38, v35;
	v38 =	vand.u32 $0xFFFF0000, v43  }
0x320: {  	v44 =	vadd.f32 v58, v48;
	v35 =	vadd.f32 v55, v32;
	v32 =	vmul.f32 v54, v29  }
0x321: {  	v48 =	vshll.u32 v43, $0x10;
	v38 =	vmul.f32 v38, v20;
	v55 =	vld [tilespmem:$0x1FC30];
	v34 =	vadd.f32 v36, v56  }
0x322: {  	v53 =	vld.idx.msk [tilespmem:v53+s16+$0x0], $0xffff;
	v43 =	vmul.f32 v48, v20;
	v39 =	vshll.u32 v41, $0x10;
	v58 =	vand.u32 $0xFFFF0000, v41  }
0x323: {  	v54 =	vshll.u32 v46, $0x10;
	v56 =	vand.u32 $0xFFFF0000, v46;
	v42 =	vmul.f32 v39, v22;
	v39 =	vld.idx.msk [tilespmem:v49+s16+$0x0], $0xffff  }
0x324: {  	v44 =	vadd.f32 v45, v44;
	v58 =	vmul.f32 v58, v22;
	v36 =	vmul.f32 v56, v29  }
0x325: {  	v41 =	vadd.f32 v32, v33;
	v33 =	vor.u32 v5, v50;
	v32 =	vor.u32 v13, v50  }
0x326: {  	v56 =	vmul.f32 v55, v24;
	v36 =	vadd.f32 v36, v58;
	v58 =	vmul.f32 v57, v22  }
0x327: {  	v45 =	vshll.u32 v53, $0x10;
	v48 =	vmul.f32 v54, v29;
	[tilespmem:v47+s26+$0x0] =	vst.idx.msk $0xffff, v44;
	v47 =	vand.u32 $0xFFFF0000, v53  }
0x328: {  	s11 =	simm.s32 $0x4;
	v35 =	vadd.f32 v56, v35;
	v44 =	vadd.f32 v51, v58;
	v46 =	vshll.u32 v39, $0x10  }
.LBB2_11:
0x329: {  	s4 =	sadd.s32 $0x1, s11;
	s7 =	sadd.s32 $0x2, s11;
	s14 =	sadd.s32 $0x3, s11;
	v42 =	vadd.f32 v48, v42;
	v47 =	vmul.f32 v47, v24;
	v31 =	vadd.f32 v31, v37  }
0x32a: {  	p1 =	slt.u32 s11, $0x3C;
	s15 =	smov.u32 s11;
	s11 =	sadd.s32 $0x4, s11;
	v37 =	vmov s4;
	v48 =	vmov s7  }
0x32b: {  	v46 =	vmul.f32 v46, v20;
	v49 =	vand.u32 $0x3D, v37;
	v50 =	vand.u32 $0x3E, v48  }
0x32c: {  	v45 =	vmul.f32 v45, v24;
	v51 =	vor.u32 v18, v49;
	v52 =	vor.u32 v19, v49  }
0x32d: {  	v41 =	vadd.f32 v43, v41;
	v53 =	vor.u32 v19, v50;
	v54 =	vor.u32 v17, v50  }
0x32e: {  	v0 =	vadd.f32 v0, v31;
	v43 =	vor.u32 v18, v50;
	v50 =	vor.u32 v21, v50  }
0x32f: {  	v39 =	vand.u32 $0xFFFF0000, v39;
	v31 =	vor.u32 v21, v49;
	v49 =	vor.u32 v17, v49  }
0x330: {  	v55 =	vmov s14;
	v39 =	vmul.f32 v39, v20;
	[tilespmem:v28+s26+$0x0] =	vst.idx.msk $0xffff, v0;
	v0 =	vadd.f32 v38, v44  }
0x331: {  	v28 =	vand.u32 $0x3F, v55;
	v38 =	vld.idx.msk [tilespmem:v52+s16+$0x0], $0xffff;
	[tilespmem:v27+s26+$0x0] =	vst.idx.msk $0xffff, v34;
	v27 =	vadd.f32 v40, v41  }
0x332: {  	v42 =	vadd.f32 v46, v42;
	v40 =	vor.u32 v18, v28;
	v41 =	vor.u32 v19, v28;
	v34 =	vld.idx.msk [tilespmem:v54+s16+$0x0], $0xffff  }
0x333: {  	v46 =	vor.u32 v21, v28;
	v0 =	vadd.f32 v30, v0;
	v44 =	vld.idx.msk [tilespmem:v51+s16+$0x0], $0xffff;
	v51 =	vor.u32 v17, v28  }
0x334: {  	v28 =	vshll.u32 v37, $0x1;
	v37 =	vadd.f32 v45, v42;
	v30 =	vld.idx.msk [tilespmem:v31+s16+$0x0], $0xffff;
	v31 =	vshll.u32 v55, $0x1;
	[tilespmem:v25+s26+$0x0] =	vst.idx.msk $0xffff, v27  }
0x335: {  	v36 =	vadd.f32 v39, v36;
	[tilespmem:v23+s26+$0x0] =	vst.idx.msk $0xffff, v0;
	v23 =	vor.u32 v2, v31  }
0x336: {  	v27 =	vor.u32 v6, v28;
	v0 =	vld.idx.msk [tilespmem:v53+s16+$0x0], $0xffff;
	[tilespmem:v33+s26+$0x0] =	vst.idx.msk $0xffff, v37  }
0x337: {  	v28 =	vor.u32 v7, v28;
	v25 =	vor.u32 v8, v31;
	v31 =	vadd.f32 v47, v36;
	v33 =	vld.idx.msk [tilespmem:v43+s16+$0x0], $0xffff  }
0x338: {  	v36 =	vshll.u32 v34, $0x10;
	v43 =	vand.u32 $0xFFFF0000, v34;
	v34 =	vld.idx.msk [tilespmem:v51+s16+$0x0], $0xffff;
	[tilespmem:v26+s26+$0x0] =	vst.idx.msk $0xffff, v35  }
0x339: {  	v26 =	vshll.u32 v44, $0x10;
	v35 =	vld.idx.msk [tilespmem:v50+s16+$0x0], $0xffff;
	[tilespmem:v32+s26+$0x0] =	vst.idx.msk $0xffff, v31  }
0x33a: {  	v39 =	vshll.u32 v48, $0x1;
	v32 =	vand.u32 $0xFFFF0000, v44;
	v37 =	vmul.f32 v26, v22;
	v41 =	vld.idx.msk [tilespmem:v41+s16+$0x0], $0xffff  }
0x33b: {  	v31 =	vshll.u32 v30, $0x10;
	v42 =	vand.u32 $0xFFFF0000, v30;
	v26 =	vor.u32 v16, v39;
	v40 =	vld.idx.msk [tilespmem:v40+s16+$0x0], $0xffff  }
0x33c: {  	v36 =	vmul.f32 v36, v24;
	v44 =	vshll.u32 v38, $0x10;
	v38 =	vand.u32 $0xFFFF0000, v38  }
0x33d: {  	v47 =	vor.u32 v15, v39;
	v31 =	vmul.f32 v31, v20;
	v30 =	vshll.u32 v33, $0x10  }
0x33e: {  	v39 =	vmov s15;
	v45 =	vmul.f32 v30, v22;
	v30 =	vand.u32 $0xFFFF0000, v34  }
0x33f: {  	v48 =	vand.u32 $0x3C, v39;
	v50 =	vshll.u32 v39, $0x1;
	v30 =	vmul.f32 v30, v24;
	v39 =	vld.idx.msk [tilespmem:v49+s16+$0x0], $0xffff  }
0x340: {  	v51 =	vor.u32 v19, v48;
	v52 =	vshll.u32 v34, $0x10;
	v49 =	vor.u32 v18, v48  }
0x341: {  	v34 =	vor.u32 v17, v48;
	v53 =	vshll.u32 v35, $0x10;
	v54 =	vshll.u32 v41, $0x10  }
0x342: {  	v32 =	vmul.f32 v32, v22;
	v55 =	vshll.u32 v0, $0x10;
	v33 =	vand.u32 $0xFFFF0000, v33  }
0x343: {  	v38 =	vmul.f32 v38, v29;
	v33 =	vmul.f32 v33, v22;
	v35 =	vand.u32 $0xFFFF0000, v35  }
0x344: {  	v42 =	vmul.f32 v42, v20;
	v41 =	vand.u32 $0xFFFF0000, v41;
	v56 =	vand.u32 $0xFFFF0000, v40  }
0x345: {  	v0 =	vand.u32 $0xFFFF0000, v0;
	v53 =	vmul.f32 v53, v20;
	v57 =	vand.u32 $0xFFFF0000, v39;
	v49 =	vld.idx.msk [tilespmem:v49+s16+$0x0], $0xffff  }
0x346: {  	v55 =	vmul.f32 v55, v29;
	v48 =	vor.u32 v21, v48;
	v57 =	vmul.f32 v57, v24;
	v46 =	vld.idx.msk [tilespmem:v46+s16+$0x0], $0xffff  }
0x347: {  	v58 =	vld.idx.msk [tilespmem:v34+s16+$0x0], $0xffff;
	v34 =	vshll.u32 v39, $0x10;
	v39 =	vmul.f32 v44, v29;
	v44 =	vmul.f32 v0, v29  }
0x348: {  	v32 =	vadd.f32 v38, v32;
	v51 =	vld.idx.msk [tilespmem:v51+s16+$0x0], $0xffff;
	v0 =	vmul.f32 v34, v24;
	v34 =	vadd.f32 v55, v45  }
0x349: {  	v35 =	vmul.f32 v35, v20;
	v37 =	vadd.f32 v39, v37;
	v33 =	vadd.f32 v44, v33  }
0x34a: {  	v44 =	vadd.f32 v53, v34;
	v34 =	vshll.u32 v40, $0x10;
	v53 =	vmul.f32 v41, v29  }
0x34b: {  	v32 =	vadd.f32 v42, v32;
	v35 =	vadd.f32 v35, v33;
	v33 =	vmul.f32 v54, v29  }
0x34c: {  	v45 =	vshll.u32 v46, $0x10;
	v38 =	vand.u32 $0xFFFF0000, v46;
	v40 =	vmul.f32 v34, v22  }
0x34d: {  	v41 =	vshll.u32 v49, $0x10;
	v46 =	vand.u32 $0xFFFF0000, v49;
	v34 =	vadd.f32 v57, v32  }
0x34e: {  	v42 =	vmul.f32 v41, v22;
	v38 =	vmul.f32 v38, v20;
	v49 =	vshll.u32 v51, $0x10;
	v39 =	vld.idx.msk [tilespmem:v48+s16+$0x0], $0xffff  }
0x34f: {  	v46 =	vmul.f32 v46, v22;
	v44 =	vadd.f32 v36, v44;
	v32 =	vand.u32 $0xFFFF0000, v51  }
.Ltmp4:
0x350: {  	v41 =	vadd.f32 v33, v40;
	v40 =	vmul.f32 v52, v24;
	v32 =	vmul.f32 v32, v29;
	(pc) =	sbr.rel @p1 .LBB2_11-.Ltmp4, $4  }
0x351: {  	v33 =	vor.u32 v5, v50;
	v51 =	vmul.f32 v43, v24;
	v43 =	vmul.f32 v45, v20  }
0x352: {  	v36 =	vadd.f32 v32, v46;
	v32 =	vor.u32 v13, v50;
	v50 =	vmul.f32 v56, v22  }
0x353: {  	v45 =	vshll.u32 v58, $0x10;
	v48 =	vmul.f32 v49, v29;
	v35 =	vadd.f32 v51, v35;
	[tilespmem:v47+s26+$0x0] =	vst.idx.msk $0xffff, v44  }
0x354: {  	v46 =	vshll.u32 v39, $0x10;
	v47 =	vand.u32 $0xFFFF0000, v58;
	v44 =	vadd.f32 v53, v50  }
0x355: {  	[tilespmem:$0x1FB60] =	vst v8  }
0x356: {  	[tilespmem:$0x1FB70] =	vst v7  }
0x357: {  	[tilespmem:$0x1FB80] =	vst v6;
	v17 =	vadd.f32 v31, v37;
	v18 =	vadd.f32 v48, v42  }
0x358: {  	[tilespmem:$0x1FB90] =	vst v9;
	v19 =	vmul.f32 v46, v20;
	v21 =	vadd.f32 v43, v41;
	v22 =	vmul.f32 v45, v24  }
0x359: {  	[tilespmem:$0x1FBA0] =	vst v5;
	v56 =	vadd.f32 v38, v44;
	v0 =	vadd.f32 v0, v17;
	v17 =	vand.u32 $0xFFFF0000, v39  }
0x35a: {  	[tilespmem:v26+s26+$0x0] =	vst.idx.msk $0xffff, v35;
	v57 =	vadd.f32 v40, v21;
	v17 =	vmul.f32 v17, v20  }
0x35b: {  	v18 =	vadd.f32 v19, v18;
	v19 =	vmul.f32 v47, v24;
	[tilespmem:v28+s26+$0x0] =	vst.idx.msk $0xffff, v0  }
0x35c: {  	s11 =	smul.u32 $0xA0, s10;
	v20 =	vadd.f32 v30, v56;
	[tilespmem:v25+s26+$0x0] =	vst.idx.msk $0xffff, v57;
	v58 =	vadd.f32 v17, v36  }
0x35d: {  	v18 =	vadd.f32 v22, v18;
	[tilespmem:v27+s26+$0x0] =	vst.idx.msk $0xffff, v34  }
0x35e: {  	s4 =	sadd.s32 s5, s11;
	[tilespmem:v23+s26+$0x0] =	vst.idx.msk $0xffff, v20;
	v0 =	vadd.f32 v19, v58  }
0x35f: {  	s4 =	sshll.u32 s4, $0x5;
	[tilespmem:v33+s26+$0x0] =	vst.idx.msk $0xffff, v18  }
0x360: {  	s7 =	sadd.s32 s3, s4;
	[tilespmem:v32+s26+$0x0] =	vst.idx.msk $0xffff, v0  }
0x361: {  	[hbm4b:s7+s28] =	stream.strided.scatter [tilespmem:s26], [sflag:$0x5], $0x2800, s29, s28, $0x38;
	[tilespmem:$0x1A9A0] =	vst v63  }
0x362: {  	s4 =	sadd.s32 s4, s13  }
0x363: {  	[hbm4b:s4+s28] =	stream.strided.scatter [tilespmem:s22], [sflag:$0x5], $0x2800, s29, s28, $0x38;
	[tilespmem:$0x1A9A0] =	vst v63  }
.Ltmp5:
0x364: {  	_ =	swait.ge [sflag:s30], $0x2800;
	(pc) =	sbr.rel @!p0 .LBB2_13-.Ltmp5, $4  }
0x365: {  	[tilespmem:$0x1FBB0] =	vst v3  }
0x366: {  	[tilespmem:$0x1FBC0] =	vst v4  }
0x367: {  	[sflag:s30] =	ssyncset.done $0x0;
	[tilespmem:$0x1FBD0] =	vst v1  }
0x368: {  	[tilespmem:$0x1FBE0] =	vst v2;
	[sflag:s30] =	ssyncadd.s32 $0xFFFFD800  }
0x369: {  	_ =	swait.ge [sflag:s31], $0x2800  }
0x36a: {  	[sflag:s31] =	ssyncset.done $0x0  }
.Ltmp6:
0x36b: {  	[sflag:s31] =	ssyncadd.s32 $0xFFFFD800;
	(pc) =	sbr.rel .LBB2_15-.Ltmp6, $4  }
0x36c: {  	_ =	swait.ge [sflag:s31], $0x2800  }
0x36d: {  	v7 =	vld [tilespmem:$0x1FD20]  }
0x36e: {  	[sflag:s31] =	ssyncset.done $0x0;
	v8 =	vld [tilespmem:$0x1FCD0]  }
0x36f: {  	v9 =	vld [tilespmem:$0x1FCC0];
	[sflag:s31] =	ssyncadd.s32 $0xFFFFD800  }
.LBB2_13:
0x370: {  	_ =	swait.ge [sflag:s20], $0x500  }
0x371: {  	v0 =	vld [tilespmem:$0x1FF90];
	_ =	sdelay $0x4  }
0x372: {  	v1 =	vld [tilespmem:$0x1FD30]  }
0x373: {  	[sflag:s20] =	ssyncset.done $0x0;
	v45 =	vld [tilespmem:$0x1FD40]  }
0x374: {  	[sflag:s20] =	ssyncadd.s32 $0xFFFFFB00  }
0x375: {  	v0 =	vld.idx.msk [tilespmem:v0+s19+$0x0], $0xffff;
	_ =	sdelay $0x2  }
0x376: {  	v46 =	vld [tilespmem:$0x1FD50]  }
0x377: {  	v47 =	vld [tilespmem:$0x1FD60]  }
0x378: {  	v17 =	vld.idx.msk [tilespmem:v1+s19+$0x0], $0xffff;
	[tilespmem:$0xAA0] =	vst v0  }
0x379: {  	v0 =	vld.idx.msk [tilespmem:v45+s19+$0x0], $0xffff;
	_ =	sdelay $0x2  }
0x37a: {  	v48 =	vld [tilespmem:$0x1FD70]  }
0x37b: {  	v49 =	vld [tilespmem:$0x1FD90]  }
0x37c: {  	v18 =	vld.idx.msk [tilespmem:v46+s19+$0x0], $0xffff;
	[tilespmem:$0xAF0] =	vst v0  }
0x37d: {  	v0 =	vld.idx.msk [tilespmem:v47+s19+$0x0], $0xffff;
	_ =	sdelay $0x4  }
0x37e: {  	v19 =	vld.idx.msk [tilespmem:v48+s19+$0x0], $0xffff;
	[tilespmem:$0xB40] =	vst v0  }
0x37f: {  	v0 =	vld.idx.msk [tilespmem:v49+s19+$0x0], $0xffff;
	_ =	sdelay $0x2  }
0x380: {  	v20 =	vadd.s32 v17, v18  }
0x381: {  	v20 =	vadd.s32 v19, v20  }
0x382: {  	v20 =	vadd.s32 v0, v20  }
0x383: {  	v50 =	vld [tilespmem:$0x1FD80];
	v20 =	vcvt.s32.f32 v20;
	_ =	sdelay $0x1  }
0x384: {  	(erf) = vrcp.f32 v20;
	_ =	sdelay $0x5  }
0x385: {  	v51 =	vld.idx.msk [tilespmem:v50+s19+$0x0], $0xffff;
	_ =	sdelay $0x1  }
0x386: {  	v52 =	vld [tilespmem:$0x1FDA0];
	v17 =	vcvt.s32.f32 v17  }
0x387: {  	v18 =	vcvt.s32.f32 v18;
	v21 =	vpop (erf)  }
0x388: {  	v0 =	vcvt.s32.f32 v0;
	v17 =	vmul.f32 v17, v21  }
0x389: {  	v19 =	vcvt.s32.f32 v19;
	[tilespmem:$0xB90] =	vst v51;
	v18 =	vmul.f32 v18, v21  }
0x38a: {  	v0 =	vmul.f32 v0, v21;
	[tilespmem:$0x1A720] =	vst v17  }
0x38b: {  	v53 =	vld [tilespmem:$0x1FDB0];
	v17 =	vmul.f32 v19, v21;
	[tilespmem:$0x1A770] =	vst v18  }
0x38c: {  	v54 =	vld [tilespmem:$0x1FDC0];
	[tilespmem:$0x1A810] =	vst v0  }
0x38d: {  	[tilespmem:$0x1A7C0] =	vst v17  }
0x38e: {  	v0 =	vld.idx.msk [tilespmem:v52+s19+$0x0], $0xffff;
	_ =	sdelay $0x2  }
0x38f: {  	v55 =	vld [tilespmem:$0x1FDD0]  }
0x390: {  	v56 =	vld [tilespmem:$0x1FDE0]  }
0x391: {  	v17 =	vld.idx.msk [tilespmem:v53+s19+$0x0], $0xffff;
	[tilespmem:$0xAB0] =	vst v0  }
0x392: {  	v0 =	vld.idx.msk [tilespmem:v54+s19+$0x0], $0xffff;
	_ =	sdelay $0x2  }
0x393: {  	v57 =	vld [tilespmem:$0x1FDF0]  }
0x394: {  	v58 =	vld [tilespmem:$0x1FE10]  }
0x395: {  	v18 =	vld.idx.msk [tilespmem:v55+s19+$0x0], $0xffff;
	[tilespmem:$0xB00] =	vst v0  }
0x396: {  	v0 =	vld.idx.msk [tilespmem:v56+s19+$0x0], $0xffff;
	_ =	sdelay $0x4  }
0x397: {  	v19 =	vld.idx.msk [tilespmem:v57+s19+$0x0], $0xffff;
	[tilespmem:$0xB50] =	vst v0  }
0x398: {  	v0 =	vld.idx.msk [tilespmem:v58+s19+$0x0], $0xffff;
	_ =	sdelay $0x2  }
0x399: {  	v3 =	vadd.s32 v17, v18  }
0x39a: {  	v20 =	vadd.s32 v19, v3  }
0x39b: {  	v20 =	vadd.s32 v0, v20  }
0x39c: {  	v23 =	vld [tilespmem:$0x1FE00];
	v20 =	vcvt.s32.f32 v20;
	_ =	sdelay $0x1  }
0x39d: {  	(erf) = vrcp.f32 v20;
	_ =	sdelay $0x5  }
0x39e: {  	v24 =	vld.idx.msk [tilespmem:v23+s19+$0x0], $0xffff;
	_ =	sdelay $0x1  }
0x39f: {  	v26 =	vld [tilespmem:$0x1FE20];
	v17 =	vcvt.s32.f32 v17  }
0x3a0: {  	v18 =	vcvt.s32.f32 v18;
	v25 =	vpop (erf)  }
0x3a1: {  	v0 =	vcvt.s32.f32 v0;
	v17 =	vmul.f32 v17, v25  }
0x3a2: {  	v19 =	vcvt.s32.f32 v19;
	[tilespmem:$0xBA0] =	vst v24;
	v18 =	vmul.f32 v18, v25  }
0x3a3: {  	v0 =	vmul.f32 v0, v25;
	[tilespmem:$0x1A730] =	vst v17  }
0x3a4: {  	v27 =	vld [tilespmem:$0x1FE30];
	v17 =	vmul.f32 v19, v25;
	[tilespmem:$0x1A780] =	vst v18  }
0x3a5: {  	v28 =	vld [tilespmem:$0x1FE40];
	[tilespmem:$0x1A820] =	vst v0  }
0x3a6: {  	[tilespmem:$0x1A7D0] =	vst v17  }
0x3a7: {  	v0 =	vld.idx.msk [tilespmem:v26+s19+$0x0], $0xffff;
	_ =	sdelay $0x2  }
0x3a8: {  	v29 =	vld [tilespmem:$0x1FE50]  }
0x3a9: {  	v30 =	vld [tilespmem:$0x1FE60]  }
0x3aa: {  	v17 =	vld.idx.msk [tilespmem:v27+s19+$0x0], $0xffff;
	[tilespmem:$0xAC0] =	vst v0  }
0x3ab: {  	v0 =	vld.idx.msk [tilespmem:v28+s19+$0x0], $0xffff;
	_ =	sdelay $0x2  }
0x3ac: {  	v31 =	vld [tilespmem:$0x1FE70]  }
0x3ad: {  	v32 =	vld [tilespmem:$0x1FE90]  }
0x3ae: {  	v18 =	vld.idx.msk [tilespmem:v29+s19+$0x0], $0xffff;
	[tilespmem:$0xB10] =	vst v0  }
0x3af: {  	v0 =	vld.idx.msk [tilespmem:v30+s19+$0x0], $0xffff;
	_ =	sdelay $0x4  }
0x3b0: {  	v19 =	vld.idx.msk [tilespmem:v31+s19+$0x0], $0xffff;
	[tilespmem:$0xB60] =	vst v0  }
0x3b1: {  	v0 =	vld.idx.msk [tilespmem:v32+s19+$0x0], $0xffff;
	_ =	sdelay $0x2  }
0x3b2: {  	v33 =	vadd.s32 v17, v18  }
0x3b3: {  	v20 =	vadd.s32 v19, v33  }
0x3b4: {  	v20 =	vadd.s32 v0, v20  }
0x3b5: {  	v34 =	vld [tilespmem:$0x1FE80];
	v20 =	vcvt.s32.f32 v20;
	_ =	sdelay $0x1  }
0x3b6: {  	(erf) = vrcp.f32 v20;
	_ =	sdelay $0x5  }
0x3b7: {  	v35 =	vld.idx.msk [tilespmem:v34+s19+$0x0], $0xffff;
	_ =	sdelay $0x1  }
0x3b8: {  	v37 =	vld [tilespmem:$0x1FEA0];
	v17 =	vcvt.s32.f32 v17  }
0x3b9: {  	v18 =	vcvt.s32.f32 v18;
	v36 =	vpop (erf)  }
0x3ba: {  	v0 =	vcvt.s32.f32 v0;
	v17 =	vmul.f32 v17, v36  }
0x3bb: {  	v19 =	vcvt.s32.f32 v19;
	[tilespmem:$0xBB0] =	vst v35;
	v18 =	vmul.f32 v18, v36  }
0x3bc: {  	v0 =	vmul.f32 v0, v36;
	[tilespmem:$0x1A740] =	vst v17  }
0x3bd: {  	v38 =	vld [tilespmem:$0x1FEB0];
	v17 =	vmul.f32 v19, v36;
	[tilespmem:$0x1A790] =	vst v18  }
0x3be: {  	v39 =	vld [tilespmem:$0x1FEC0];
	[tilespmem:$0x1A830] =	vst v0  }
0x3bf: {  	[tilespmem:$0x1A7E0] =	vst v17  }
0x3c0: {  	v0 =	vld.idx.msk [tilespmem:v37+s19+$0x0], $0xffff;
	_ =	sdelay $0x2  }
0x3c1: {  	v40 =	vld [tilespmem:$0x1FED0]  }
0x3c2: {  	v41 =	vld [tilespmem:$0x1FEE0]  }
0x3c3: {  	v17 =	vld.idx.msk [tilespmem:v38+s19+$0x0], $0xffff;
	[tilespmem:$0xAD0] =	vst v0  }
0x3c4: {  	v0 =	vld.idx.msk [tilespmem:v39+s19+$0x0], $0xffff;
	_ =	sdelay $0x2  }
0x3c5: {  	v42 =	vld [tilespmem:$0x1FEF0]  }
0x3c6: {  	v43 =	vld [tilespmem:$0x1FF10]  }
0x3c7: {  	v18 =	vld.idx.msk [tilespmem:v40+s19+$0x0], $0xffff;
	[tilespmem:$0xB20] =	vst v0  }
0x3c8: {  	v0 =	vld.idx.msk [tilespmem:v41+s19+$0x0], $0xffff;
	_ =	sdelay $0x4  }
0x3c9: {  	v19 =	vld.idx.msk [tilespmem:v42+s19+$0x0], $0xffff;
	[tilespmem:$0xB70] =	vst v0  }
0x3ca: {  	v0 =	vld.idx.msk [tilespmem:v43+s19+$0x0], $0xffff;
	_ =	sdelay $0x2  }
0x3cb: {  	v44 =	vadd.s32 v17, v18  }
0x3cc: {  	v20 =	vadd.s32 v19, v44  }
0x3cd: {  	v20 =	vadd.s32 v0, v20  }
0x3ce: {  	v45 =	vld [tilespmem:$0x1FF00];
	v20 =	vcvt.s32.f32 v20;
	_ =	sdelay $0x1  }
0x3cf: {  	(erf) = vrcp.f32 v20;
	_ =	sdelay $0x5  }
0x3d0: {  	v46 =	vld.idx.msk [tilespmem:v45+s19+$0x0], $0xffff;
	_ =	sdelay $0x1  }
0x3d1: {  	v48 =	vld [tilespmem:$0x1FF20];
	v17 =	vcvt.s32.f32 v17  }
0x3d2: {  	v18 =	vcvt.s32.f32 v18;
	v47 =	vpop (erf)  }
0x3d3: {  	v0 =	vcvt.s32.f32 v0;
	v17 =	vmul.f32 v17, v47  }
0x3d4: {  	v19 =	vcvt.s32.f32 v19;
	[tilespmem:$0xBC0] =	vst v46;
	v18 =	vmul.f32 v18, v47  }
0x3d5: {  	v0 =	vmul.f32 v0, v47;
	[tilespmem:$0x1A750] =	vst v17  }
0x3d6: {  	v49 =	vld [tilespmem:$0x1FF30];
	v17 =	vmul.f32 v19, v47;
	[tilespmem:$0x1A7A0] =	vst v18  }
0x3d7: {  	v50 =	vld [tilespmem:$0x1FF40];
	[tilespmem:$0x1A840] =	vst v0  }
0x3d8: {  	[tilespmem:$0x1A7F0] =	vst v17  }
0x3d9: {  	v0 =	vld.idx.msk [tilespmem:v48+s19+$0x0], $0xffff;
	_ =	sdelay $0x2  }
0x3da: {  	v51 =	vld [tilespmem:$0x1FF50]  }
0x3db: {  	v52 =	vld [tilespmem:$0x1FF60]  }
0x3dc: {  	v17 =	vld.idx.msk [tilespmem:v49+s19+$0x0], $0xffff;
	[tilespmem:$0xAE0] =	vst v0  }
0x3dd: {  	v0 =	vld.idx.msk [tilespmem:v50+s19+$0x0], $0xffff;
	_ =	sdelay $0x2  }
0x3de: {  	v53 =	vld [tilespmem:$0x1FF70]  }
0x3df: {  	v54 =	vld [tilespmem:$0x1FFA0]  }
0x3e0: {  	v18 =	vld.idx.msk [tilespmem:v51+s19+$0x0], $0xffff;
	[tilespmem:$0xB30] =	vst v0  }
0x3e1: {  	v0 =	vld.idx.msk [tilespmem:v52+s19+$0x0], $0xffff;
	_ =	sdelay $0x4  }
0x3e2: {  	v19 =	vld.idx.msk [tilespmem:v53+s19+$0x0], $0xffff;
	[tilespmem:$0xB80] =	vst v0  }
0x3e3: {  	v0 =	vld.idx.msk [tilespmem:v54+s19+$0x0], $0xffff;
	_ =	sdelay $0x2  }
0x3e4: {  	v55 =	vadd.s32 v17, v18  }
0x3e5: {  	v20 =	vadd.s32 v19, v55  }
0x3e6: {  	v20 =	vadd.s32 v0, v20  }
0x3e7: {  	v56 =	vld [tilespmem:$0x1FF80];
	v20 =	vcvt.s32.f32 v20;
	_ =	sdelay $0x1  }
0x3e8: {  	(erf) = vrcp.f32 v20;
	_ =	sdelay $0x5  }
0x3e9: {  	v57 =	vld.idx.msk [tilespmem:v56+s19+$0x0], $0xffff;
	_ =	sdelay $0x1  }
0x3ea: {  	v17 =	vcvt.s32.f32 v17  }
0x3eb: {  	v18 =	vcvt.s32.f32 v18;
	v58 =	vpop (erf)  }
0x3ec: {  	v0 =	vcvt.s32.f32 v0;
	v17 =	vmul.f32 v17, v58  }
0x3ed: {  	v19 =	vcvt.s32.f32 v19;
	[tilespmem:$0xBD0] =	vst v57;
	v18 =	vmul.f32 v18, v58  }
0x3ee: {  	s4 =	rddreg [dreg:$0x7];
	v0 =	vmul.f32 v0, v58;
	[tilespmem:$0x1A760] =	vst v17  }
0x3ef: {  	s4 =	sadd.s32 s11, s4;
	v17 =	vmul.f32 v19, v58;
	[tilespmem:$0x1A7B0] =	vst v18  }
0x3f0: {  	s4 =	sshrl.u32 s4, $0x3;
	[tilespmem:$0x1A850] =	vst v0  }
0x3f1: {  	s7 =	simm.s32 $0x0;
	s4 =	sadd.s32 s6, s4;
	[tilespmem:$0x1A800] =	vst v17  }
0x3f2: {  	[tilespmem:s18], [sflag:$0x7] =	stream.linear.gather [hbm4b:s4+s7], $0x50, $0x38;
	[tilespmem:$0x1A9A0] =	vst v63  }
0x3f3: {  	_ =	swait.ge [sflag:s17], $0x50  }
0x3f4: {  	[sflag:s17] =	ssyncset.done $0x0  }
0x3f5: {  	[sflag:s17] =	ssyncadd.s32 $0xFFFFFFB0  }
0x3f6: {  	[tilespmem:s21], [sflag:$0x4] =	stream.indirect.gather [hbm4b:s8+s18], $0x10, s18, s18, $0xb8;
	[tilespmem:$0x1A9A0] =	vst v63  }
0x3f7: {  	_ =	swait.ge [sflag:s31], $0x2800  }
0x3f8: {  	[sflag:s31] =	ssyncset.done $0x0  }
0x3f9: {  	[sflag:s31] =	ssyncadd.s32 $0xFFFFD800  }
0x3fa: {  	_ =	swait.ge [sflag:s31], $0x2800  }
0x3fb: {  	[sflag:s31] =	ssyncset.done $0x0;
	v7 =	vld [tilespmem:$0x1FD20]  }
0x3fc: {  	v8 =	vld [tilespmem:$0x1FCD0];
	[sflag:s31] =	ssyncadd.s32 $0xFFFFD800  }
0x3fd: {  	v9 =	vld [tilespmem:$0x1FCC0];
	[tilespmem:s22], [sflag:$0x1] =	stream.indirect.gather [hbm4b:s1+s18], $0x80, s7, s18, $0xb8  }
.LBB2_15:
0x3fe: {  	v0 =	vld [tilespmem:$0xBE0]  }
0x3ff: {  	v23 =	vld [tilespmem:$0xC30]  }
0x400: {  	v19 =	vld [tilespmem:$0xCD0]  }
0x401: {  	v18 =	vld [tilespmem:$0xC80];
	s4 =	simm.s32 $0x1  }
0x402: {  	s14 =	simm.s32 $0x3;
	v21 =	vmov s4  }
0x403: {  	v28 =	vmov s14;
	v24 =	vand.u32 $0x3D, v21;
	v17 =	vshll.u32 v0, $0x6  }
0x404: {  	s7 =	simm.s32 $0x2;
	v30 =	vand.u32 $0x3F, v28;
	v23 =	vshll.u32 v23, $0x6;
	v26 =	vor.u32 v17, v24  }
0x405: {  	v0 =	vmov s7;
	v20 =	vshll.u32 v19, $0x6;
	v34 =	vor.u32 v23, v30  }
0x406: {  	v18 =	vshll.u32 v18, $0x6;
	v25 =	vand.u32 $0x3E, v0;
	v39 =	vor.u32 v20, v30  }
0x407: {  	v19 =	vor.u32 v18, v25  }
0x408: {  	v22 =	vld [tilespmem:$0x1A860];
	v27 =	vor.u32 v20, v25  }
0x409: {  	v29 =	vor.u32 v17, v25;
	v31 =	vld.idx.msk [tilespmem:v26+s16+$0x0], $0xffff  }
0x40a: {  	v32 =	vor.u32 v17, v30;
	v34 =	vld.idx.msk [tilespmem:v34+s16+$0x0], $0xffff  }
0x40b: {  	v25 =	vor.u32 v23, v25;
	v45 =	vld.idx.msk [tilespmem:v39+s16+$0x0], $0xffff  }
0x40c: {  	v21 =	vshll.u32 v21, $0x1;
	v40 =	vor.u32 v18, v24;
	v33 =	vld.idx.msk [tilespmem:v19+s16+$0x0], $0xffff  }
0x40d: {  	v28 =	vshll.u32 v28, $0x1;
	v35 =	vor.u32 v23, v24;
	v37 =	vor.u32 v20, v24;
	v36 =	vld.idx.msk [tilespmem:v27+s16+$0x0], $0xffff  }
0x40e: {  	v38 =	vor.u32 v18, v30;
	v0 =	vshll.u32 v0, $0x1;
	v24 =	vor.u32 v8, v28;
	v29 =	vld.idx.msk [tilespmem:v29+s16+$0x0], $0xffff  }
0x40f: {  	v30 =	vor.u32 v63, v0;
	v26 =	vor.u32 v61, v21;
	v32 =	vld.idx.msk [tilespmem:v32+s16+$0x0], $0xffff;
	v21 =	vor.u32 v62, v21  }
0x410: {  	v19 =	vor.u32 v7, v28;
	v43 =	vld.idx.msk [tilespmem:v25+s16+$0x0], $0xffff;
	v25 =	vor.u32 v9, v0;
	v41 =	vand.u32 $0xFFFF0000, v31  }
0x411: {  	v40 =	vld.idx.msk [tilespmem:v40+s16+$0x0], $0xffff;
	v0 =	vshll.u32 v31, $0x10;
	v1 =	vshll.u32 v34, $0x10;
	v3 =	vand.u32 $0xFFFF0000, v34  }
0x412: {  	v27 =	vld [tilespmem:$0x1A8B0];
	v55 =	vand.u32 $0xFFFF0000, v45;
	v56 =	vshll.u32 v45, $0x10;
	v42 =	vand.u32 $0xFFFF0000, v33  }
0x413: {  	s15 =	simm.s32 $0x0;
	v28 =	vld [tilespmem:$0x1A950];
	v31 =	vmul.f32 v41, v22;
	v57 =	vshll.u32 v36, $0x10;
	v46 =	vshll.u32 v29, $0x10  }
0x414: {  	v2 =	vand.u32 $0xFFFF0000, v29;
	v47 =	vshll.u32 v33, $0x10;
	v29 =	vmov s15  }
0x415: {  	v35 =	vld.idx.msk [tilespmem:v35+s16+$0x0], $0xffff;
	v5 =	vand.u32 $0xFFFF0000, v36;
	v36 =	vshll.u32 v32, $0x10;
	v44 =	vand.u32 $0x3C, v29  }
0x416: {  	v52 =	vshll.u32 v43, $0x10;
	v58 =	vand.u32 $0xFFFF0000, v43;
	v50 =	vor.u32 v17, v44  }
0x417: {  	v37 =	vld.idx.msk [tilespmem:v37+s16+$0x0], $0xffff;
	v43 =	vand.u32 $0xFFFF0000, v40;
	v0 =	vmul.f32 v0, v22;
	v49 =	vor.u32 v23, v44  }
0x418: {  	v41 =	vshll.u32 v40, $0x10;
	v33 =	vmul.f32 v55, v28;
	v39 =	vmul.f32 v58, v27  }
0x419: {  	v4 =	vshll.u32 v29, $0x1;
	v29 =	vld [tilespmem:$0x1A900];
	v51 =	vmul.f32 v52, v27;
	v48 =	vmul.f32 v46, v22  }
0x41a: {  	v58 =	vld.idx.msk [tilespmem:v38+s16+$0x0], $0xffff;
	v38 =	vmul.f32 v56, v28;
	v56 =	vshll.u32 v35, $0x10;
	v53 =	vor.u32 v18, v44  }
0x41b: {  	v55 =	vmul.f32 v57, v28;
	v35 =	vand.u32 $0xFFFF0000, v35;
	v54 =	vor.u32 v20, v44;
	v45 =	vld.idx.msk [tilespmem:v50+s16+$0x0], $0xffff  }
0x41c: {  	v44 =	vshll.u32 v37, $0x10;
	v46 =	vmul.f32 v35, v27;
	v35 =	vmul.f32 v5, v28;
	v40 =	vld.idx.msk [tilespmem:v49+s16+$0x0], $0xffff  }
0x41d: {  	v37 =	vand.u32 $0xFFFF0000, v37;
	v56 =	vmul.f32 v56, v27;
	v34 =	vmul.f32 v44, v28  }
0x41e: {  	v6 =	vand.u32 $0xFFFF0000, v32;
	v44 =	vmul.f32 v36, v22;
	v36 =	vmul.f32 v37, v28  }
0x41f: {  	v47 =	vmul.f32 v47, v29;
	v37 =	vmul.f32 v43, v29;
	v57 =	vshll.u32 v58, $0x10;
	v53 =	vld.idx.msk [tilespmem:v53+s16+$0x0], $0xffff;
	[tilespmem:$0x1FB50] =	vst v55  }
0x420: {  	v52 =	vand.u32 $0xFFFF0000, v58;
	v43 =	vmul.f32 v57, v29;
	v57 =	vld.idx.msk [tilespmem:v54+s16+$0x0], $0xffff;
	v54 =	vadd.f32 v51, v48  }
0x421: {  	v58 =	vshll.u32 v45, $0x10;
	v45 =	vand.u32 $0xFFFF0000, v45;
	v51 =	vshll.u32 v40, $0x10  }
0x422: {  	v40 =	vand.u32 $0xFFFF0000, v40;
	v48 =	vmul.f32 v58, v22;
	v55 =	vmul.f32 v45, v22  }
0x423: {  	v58 =	vadd.f32 v47, v54;
	v54 =	vmul.f32 v2, v22;
	v45 =	vmul.f32 v40, v27;
	v2 =	vld [tilespmem:$0x1FB50]  }
0x424: {  	v32 =	vor.u32 v60, v4;
	v42 =	vmul.f32 v42, v29;
	v41 =	vmul.f32 v41, v29  }
0x425: {  	v50 =	vshll.u32 v53, $0x10;
	v40 =	vor.u32 v59, v4;
	v4 =	vadd.f32 v45, v55  }
0x426: {  	v53 =	vand.u32 $0xFFFF0000, v53;
	v47 =	vmul.f32 v52, v29;
	v49 =	vshll.u32 v57, $0x10  }
0x427: {  	v5 =	vmovc v62;
	v52 =	vmul.f32 v6, v22;
	v57 =	vand.u32 $0xFFFF0000, v57;
	v55 =	vmul.f32 v53, v29  }
0x428: {  	v6 =	vmovc v63;
	v45 =	vmul.f32 v49, v28;
	v53 =	vadd.f32 v2, v58;
	v58 =	vmul.f32 v1, v27  }
0x429: {  	s15 =	simm.s32 $0x4;
	v49 =	vadd.f32 v55, v4;
	v55 =	vmul.f32 v3, v27;
	v3 =	vmovc v60;
	v2 =	vmovc v59;
	v4 =	vmov v61  }
.LBB2_16:
0x42a: {  	s4 =	sadd.s32 $0x1, s15;
	s7 =	sadd.s32 $0x2, s15;
	s14 =	sadd.s32 $0x3, s15;
	v57 =	vmul.f32 v57, v28;
	v39 =	vadd.f32 v39, v54;
	v44 =	vadd.f32 v58, v44  }
0x42b: {  	p0 =	slt.u32 s15, $0x3C;
	v0 =	vadd.f32 v56, v0;
	v54 =	vmov s4;
	v58 =	vmov s7;
	s7 =	smov.u32 s15;
	s15 =	sadd.s32 $0x4, s15  }
0x42c: {  	v50 =	vmul.f32 v50, v29;
	v56 =	vand.u32 $0x3D, v54;
	v59 =	vand.u32 $0x3E, v58  }
0x42d: {  	v51 =	vmul.f32 v51, v27;
	v60 =	vor.u32 v17, v56;
	v61 =	vor.u32 v23, v56  }
0x42e: {  	v54 =	vshll.u32 v54, $0x1;
	v62 =	vor.u32 v23, v59;
	v63 =	vor.u32 v18, v59  }
0x42f: {  	v1 =	vmov s14;
	v39 =	vadd.f32 v42, v39;
	v42 =	vadd.f32 v55, v52  }
0x430: {  	v31 =	vadd.f32 v46, v31;
	v52 =	vor.u32 v20, v56;
	v55 =	vor.u32 v20, v59  }
0x431: {  	v46 =	vor.u32 v17, v59;
	v59 =	vand.u32 $0x3F, v1;
	[tilespmem:v30+s0+$0x0] =	vst.idx.msk $0xffff, v53;
	v30 =	vadd.f32 v43, v44  }
0x432: {  	v48 =	vadd.f32 v51, v48;
	v42 =	vadd.f32 v47, v42;
	v44 =	vor.u32 v17, v59;
	v43 =	vld.idx.msk [tilespmem:v60+s16+$0x0], $0xffff  }
0x433: {  	v51 =	vor.u32 v23, v59;
	v35 =	vadd.f32 v35, v39;
	v47 =	vld.idx.msk [tilespmem:v63+s16+$0x0], $0xffff;
	v38 =	vadd.f32 v38, v30  }
0x434: {  	v39 =	vor.u32 v18, v59;
	v33 =	vadd.f32 v33, v42;
	v53 =	vor.u32 v20, v59  }
0x435: {  	v1 =	vshll.u32 v1, $0x1;
	v30 =	vadd.f32 v50, v48;
	v48 =	vadd.f32 v57, v49;
	v42 =	vld.idx.msk [tilespmem:v55+s16+$0x0], $0xffff  }
0x436: {  	v0 =	vadd.f32 v41, v0;
	v49 =	vor.u32 v18, v56;
	v50 =	vshll.u32 v58, $0x1;
	v46 =	vld.idx.msk [tilespmem:v46+s16+$0x0], $0xffff  }
0x437: {  	v31 =	vadd.f32 v37, v31;
	v41 =	vor.u32 v4, v54;
	v55 =	vor.u32 v7, v1;
	v44 =	vld.idx.msk [tilespmem:v44+s16+$0x0], $0xffff  }
0x438: {  	v54 =	vor.u32 v5, v54;
	v0 =	vadd.f32 v34, v0;
	v37 =	vand.u32 $0xFFFF0000, v43;
	v51 =	vld.idx.msk [tilespmem:v51+s16+$0x0], $0xffff  }
0x439: {  	v1 =	vor.u32 v8, v1;
	v45 =	vadd.f32 v45, v30;
	v56 =	vand.u32 $0xFFFF0000, v47;
	v34 =	vld.idx.msk [tilespmem:v62+s16+$0x0], $0xffff  }
0x43a: {  	v36 =	vadd.f32 v36, v31;
	v30 =	vor.u32 v6, v50;
	v50 =	vor.u32 v9, v50;
	v53 =	vld.idx.msk [tilespmem:v53+s16+$0x0], $0xffff  }
0x43b: {  	v43 =	vshll.u32 v43, $0x10;
	v31 =	vmul.f32 v37, v22;
	v57 =	vshll.u32 v42, $0x10;
	v58 =	vld.idx.msk [tilespmem:v39+s16+$0x0], $0xffff;
	[tilespmem:v26+s0+$0x0] =	vst.idx.msk $0xffff, v0  }
0x43c: {  	v59 =	vand.u32 $0xFFFF0000, v46;
	v26 =	vmovc v41;
	v37 =	vld.idx.msk [tilespmem:v49+s16+$0x0], $0xffff;
	v49 =	vshll.u32 v46, $0x10;
	v46 =	vshll.u32 v47, $0x10;
	[tilespmem:v40+s0+$0x0] =	vst.idx.msk $0xffff, v45  }
0x43d: {  	v0 =	vmov s7;
	v45 =	vand.u32 $0xFFFF0000, v42;
	v41 =	vshll.u32 v44, $0x10;
	v40 =	vld.idx.msk [tilespmem:v52+s16+$0x0], $0xffff;
	[tilespmem:v25+s0+$0x0] =	vst.idx.msk $0xffff, v35;
	v25 =	vmovc v50  }
0x43e: {  	v35 =	vand.u32 $0x3C, v0;
	v52 =	vshll.u32 v0, $0x1;
	v60 =	vshll.u32 v51, $0x10;
	[tilespmem:v21+s0+$0x0] =	vst.idx.msk $0xffff, v36;
	v21 =	vmovc v54  }
0x43f: {  	v36 =	vor.u32 v17, v35;
	v47 =	vor.u32 v23, v35;
	v50 =	vld.idx.msk [tilespmem:v61+s16+$0x0], $0xffff;
	[tilespmem:v24+s0+$0x0] =	vst.idx.msk $0xffff, v38  }
0x440: {  	v38 =	vor.u32 v18, v35;
	v35 =	vor.u32 v20, v35;
	v24 =	vmov v1;
	[tilespmem:v32+s0+$0x0] =	vst.idx.msk $0xffff, v48  }
0x441: {  	v0 =	vand.u32 $0xFFFF0000, v34;
	v1 =	vshll.u32 v34, $0x10;
	v61 =	vand.u32 $0xFFFF0000, v51;
	[tilespmem:v19+s0+$0x0] =	vst.idx.msk $0xffff, v33;
	v19 =	vmovc v55  }
0x442: {  	v39 =	vmul.f32 v0, v27;
	v48 =	vand.u32 $0xFFFF0000, v37;
	v55 =	vand.u32 $0xFFFF0000, v44  }
0x443: {  	v0 =	vmul.f32 v43, v22;
	v33 =	vand.u32 $0xFFFF0000, v53;
	v32 =	vshll.u32 v40, $0x10  }
0x444: {  	v1 =	vmul.f32 v1, v27;
	v43 =	vshll.u32 v37, $0x10;
	v33 =	vmul.f32 v33, v28;
	v51 =	vld.idx.msk [tilespmem:v36+s16+$0x0], $0xffff  }
0x445: {  	v44 =	vmul.f32 v41, v22;
	v34 =	vmul.f32 v32, v28;
	v36 =	vand.u32 $0xFFFF0000, v40;
	v62 =	vld.idx.msk [tilespmem:v38+s16+$0x0], $0xffff  }
0x446: {  	v42 =	vmul.f32 v56, v29;
	v38 =	vshll.u32 v53, $0x10;
	v63 =	vld.idx.msk [tilespmem:v35+s16+$0x0], $0xffff;
	v35 =	vmul.f32 v49, v22  }
0x447: {  	v32 =	vor.u32 v3, v52;
	v36 =	vmul.f32 v36, v28;
	v40 =	vld.idx.msk [tilespmem:v47+s16+$0x0], $0xffff;
	v47 =	vmul.f32 v46, v29  }
0x448: {  	v37 =	vmul.f32 v48, v29;
	v49 =	vand.u32 $0xFFFF0000, v58;
	v38 =	vmul.f32 v38, v28  }
0x449: {  	v57 =	vmul.f32 v57, v28;
	v53 =	vshll.u32 v50, $0x10;
	v46 =	vshll.u32 v58, $0x10  }
0x44a: {  	v41 =	vmul.f32 v43, v29;
	v48 =	vand.u32 $0xFFFF0000, v50;
	v43 =	vmul.f32 v46, v29  }
0x44b: {  	v46 =	vmul.f32 v48, v27;
	v1 =	vadd.f32 v1, v35;
	v50 =	vshll.u32 v62, $0x10  }
0x44c: {  	v35 =	vmul.f32 v45, v28;
	v48 =	vshll.u32 v51, $0x10;
	v54 =	vand.u32 $0xFFFF0000, v51  }
0x44d: {  	v48 =	vmul.f32 v48, v22;
	v1 =	vadd.f32 v47, v1;
	v51 =	vshll.u32 v40, $0x10  }
0x44e: {  	v45 =	vmul.f32 v54, v22;
	v54 =	vmul.f32 v59, v22;
	v40 =	vand.u32 $0xFFFF0000, v40  }
.Ltmp7:
0x44f: {  	v56 =	vand.u32 $0xFFFF0000, v62;
	v47 =	vmul.f32 v49, v29;
	v58 =	vmul.f32 v40, v27;
	(pc) =	sbr.rel @p0 .LBB2_16-.Ltmp7, $4  }
0x450: {  	v49 =	vshll.u32 v63, $0x10;
	v40 =	vor.u32 v2, v52;
	v52 =	vmul.f32 v55, v22  }
0x451: {  	v59 =	vmul.f32 v56, v29;
	v56 =	vmul.f32 v53, v27;
	v55 =	vadd.f32 v58, v45  }
0x452: {  	v53 =	vadd.f32 v57, v1;
	v45 =	vmul.f32 v49, v28;
	v58 =	vmul.f32 v60, v27  }
0x453: {  	v57 =	vand.u32 $0xFFFF0000, v63;
	v49 =	vadd.f32 v59, v55;
	v55 =	vmul.f32 v61, v27  }
0x454: {  	v1 =	vmul.f32 v51, v27;
	v17 =	vadd.f32 v39, v54;
	v0 =	vadd.f32 v56, v0  }
0x455: {  	v18 =	vadd.f32 v58, v44;
	v22 =	vadd.f32 v46, v31  }
0x456: {  	v20 =	vmul.f32 v50, v29;
	v1 =	vadd.f32 v1, v48;
	v0 =	vadd.f32 v41, v0  }
0x457: {  	v17 =	vadd.f32 v42, v17;
	v22 =	vadd.f32 v37, v22  }
0x458: {  	[tilespmem:$0x1FB40] =	vst v10;
	v1 =	vadd.f32 v20, v1;
	v0 =	vadd.f32 v34, v0  }
0x459: {  	[tilespmem:v30+s0+$0x0] =	vst.idx.msk $0xffff, v53;
	v18 =	vadd.f32 v43, v18;
	v17 =	vadd.f32 v35, v17  }
0x45a: {  	v20 =	vadd.f32 v55, v52;
	v1 =	vadd.f32 v45, v1;
	[tilespmem:v26+s0+$0x0] =	vst.idx.msk $0xffff, v0  }
0x45b: {  	v18 =	vadd.f32 v38, v18;
	v0 =	vmul.f32 v57, v28;
	[tilespmem:v25+s0+$0x0] =	vst.idx.msk $0xffff, v17  }
0x45c: {  	v22 =	vadd.f32 v36, v22;
	[tilespmem:v40+s0+$0x0] =	vst.idx.msk $0xffff, v1;
	v1 =	vadd.f32 v47, v20  }
0x45d: {  	[tilespmem:v24+s0+$0x0] =	vst.idx.msk $0xffff, v18;
	v0 =	vadd.f32 v0, v49  }
0x45e: {  	[tilespmem:v21+s0+$0x0] =	vst.idx.msk $0xffff, v22;
	v1 =	vadd.f32 v33, v1  }
0x45f: {  	[tilespmem:v32+s0+$0x0] =	vst.idx.msk $0xffff, v0  }
0x460: {  	[tilespmem:v19+s0+$0x0] =	vst.idx.msk $0xffff, v1  }
0x461: {  	v0 =	vld [tilespmem:$0xBF0]  }
0x462: {  	v23 =	vld [tilespmem:$0xC40]  }
0x463: {  	v1 =	vld [tilespmem:$0xC90]  }
0x464: {  	s4 =	simm.s32 $0x1;
	v19 =	vld [tilespmem:$0xCE0]  }
0x465: {  	s14 =	simm.s32 $0x3;
	v21 =	vmov s4;
	v22 =	vld [tilespmem:$0x1A870]  }
0x466: {  	v28 =	vmov s14;
	v24 =	vand.u32 $0x3D, v21;
	v5 =	vld [tilespmem:$0x1FCF0];
	v17 =	vshll.u32 v0, $0x6  }
0x467: {  	v29 =	vand.u32 $0x3F, v28;
	v2 =	vld [tilespmem:$0x1FBB0];
	v23 =	vshll.u32 v23, $0x6;
	v25 =	vor.u32 v17, v24  }
0x468: {  	s7 =	simm.s32 $0x2;
	v4 =	vld [tilespmem:$0x1FD00];
	v18 =	vshll.u32 v1, $0x6;
	v30 =	vor.u32 v23, v29  }
0x469: {  	v6 =	vld [tilespmem:$0x1FCE0];
	v0 =	vmov s7;
	v20 =	vshll.u32 v19, $0x6;
	v60 =	vor.u32 v18, v24  }
0x46a: {  	v8 =	vld [tilespmem:$0x1FCA0];
	v1 =	vand.u32 $0x3E, v0;
	v58 =	vor.u32 v20, v24  }
0x46b: {  	v9 =	vld [tilespmem:$0x1FC90];
	v19 =	vor.u32 v18, v1  }
0x46c: {  	v26 =	vor.u32 v20, v1;
	v31 =	vld.idx.msk [tilespmem:v25+s16+$0x0], $0xffff  }
0x46d: {  	v27 =	vor.u32 v17, v1;
	v62 =	vld.idx.msk [tilespmem:v30+s16+$0x0], $0xffff  }
0x46e: {  	v1 =	vor.u32 v23, v1;
	v38 =	vld.idx.msk [tilespmem:v60+s16+$0x0], $0xffff  }
0x46f: {  	v25 =	vor.u32 v17, v29;
	v63 =	vld.idx.msk [tilespmem:v58+s16+$0x0], $0xffff  }
0x470: {  	v36 =	vor.u32 v18, v29;
	v29 =	vor.u32 v20, v29;
	v32 =	vld.idx.msk [tilespmem:v19+s16+$0x0], $0xffff  }
0x471: {  	v28 =	vshll.u32 v28, $0x1;
	v57 =	vld.idx.msk [tilespmem:v26+s16+$0x0], $0xffff  }
0x472: {  	v21 =	vshll.u32 v21, $0x1;
	v33 =	vor.u32 v23, v24;
	v0 =	vshll.u32 v0, $0x1;
	v59 =	vld.idx.msk [tilespmem:v27+s16+$0x0], $0xffff  }
0x473: {  	v24 =	vor.u32 v6, v28;
	v30 =	vor.u32 v8, v0;
	v26 =	vor.u32 v5, v21;
	v1 =	vld.idx.msk [tilespmem:v1+s16+$0x0], $0xffff  }
0x474: {  	s15 =	simm.s32 $0x0;
	v19 =	vor.u32 v2, v28;
	v21 =	vor.u32 v4, v21;
	v40 =	vld.idx.msk [tilespmem:v25+s16+$0x0], $0xffff;
	v61 =	vand.u32 $0xFFFF0000, v31  }
0x475: {  	v25 =	vor.u32 v9, v0;
	v0 =	vshll.u32 v31, $0x10;
	v43 =	vld.idx.msk [tilespmem:v29+s16+$0x0], $0xffff;
	v29 =	vmov s15  }
0x476: {  	v10 =	vshll.u32 v62, $0x10;
	v41 =	vand.u32 $0xFFFF0000, v38;
	v56 =	vshll.u32 v38, $0x10  }
0x477: {  	v27 =	vld [tilespmem:$0x1A8C0];
	v42 =	vand.u32 $0xFFFF0000, v32;
	v31 =	vmul.f32 v61, v22;
	v45 =	vshll.u32 v57, $0x10  }
0x478: {  	v28 =	vld [tilespmem:$0x1A960];
	v46 =	vshll.u32 v59, $0x10;
	v47 =	vand.u32 $0xFFFF0000, v59;
	v35 =	vand.u32 $0xFFFF0000, v57  }
0x479: {  	v59 =	vand.u32 $0x3C, v29;
	v49 =	vshll.u32 v29, $0x1;
	v60 =	vshll.u32 v1, $0x10  }
0x47a: {  	v1 =	vand.u32 $0xFFFF0000, v1;
	v61 =	vshll.u32 v63, $0x10;
	v0 =	vmul.f32 v0, v22  }
0x47b: {  	v63 =	vand.u32 $0xFFFF0000, v63;
	v48 =	vor.u32 v17, v59;
	v51 =	vor.u32 v18, v59  }
0x47c: {  	v29 =	vld [tilespmem:$0x1A910];
	v50 =	vor.u32 v23, v59;
	v52 =	vor.u32 v20, v59;
	v39 =	vmul.f32 v1, v27  }
0x47d: {  	v54 =	vld.idx.msk [tilespmem:v33+s16+$0x0], $0xffff;
	v59 =	vand.u32 $0xFFFF0000, v62;
	v57 =	vmul.f32 v60, v27;
	v34 =	vmul.f32 v61, v28  }
0x47e: {  	v35 =	vmul.f32 v35, v28;
	v44 =	vshll.u32 v40, $0x10;
	v55 =	vand.u32 $0xFFFF0000, v40  }
0x47f: {  	v40 =	vld.idx.msk [tilespmem:v36+s16+$0x0], $0xffff;
	v62 =	vand.u32 $0xFFFF0000, v43;
	v36 =	vmul.f32 v63, v28;
	v63 =	vmul.f32 v45, v28  }
0x480: {  	v37 =	vshll.u32 v32, $0x10;
	v33 =	vmul.f32 v62, v28;
	v44 =	vmul.f32 v44, v22;
	v53 =	vld.idx.msk [tilespmem:v51+s16+$0x0], $0xffff  }
0x481: {  	v43 =	vshll.u32 v43, $0x10;
	v42 =	vmul.f32 v42, v29;
	v58 =	vmul.f32 v37, v29;
	v48 =	vld.idx.msk [tilespmem:v48+s16+$0x0], $0xffff  }
0x482: {  	v37 =	vmul.f32 v41, v29;
	v38 =	vmul.f32 v43, v28;
	v62 =	vshll.u32 v54, $0x10;
	v60 =	vld.idx.msk [tilespmem:v50+s16+$0x0], $0xffff  }
0x483: {  	v54 =	vand.u32 $0xFFFF0000, v54;
	v41 =	vmul.f32 v56, v29;
	v51 =	vmul.f32 v46, v22  }
0x484: {  	v46 =	vmul.f32 v54, v27;
	v61 =	vand.u32 $0xFFFF0000, v40;
	v40 =	vshll.u32 v40, $0x10  }
0x485: {  	v7 =	vld [tilespmem:$0x1FCB0];
	v54 =	vmul.f32 v47, v22;
	v56 =	vadd.f32 v57, v51;
	v43 =	vmul.f32 v40, v29  }
0x486: {  	v1 =	vld.idx.msk [tilespmem:v52+s16+$0x0], $0xffff;
	v47 =	vmul.f32 v61, v29;
	v50 =	vshll.u32 v53, $0x10;
	v57 =	vshll.u32 v48, $0x10  }
0x487: {  	v3 =	vld [tilespmem:$0x1FD10];
	v52 =	vand.u32 $0xFFFF0000, v48;
	v51 =	vshll.u32 v60, $0x10;
	v48 =	vmul.f32 v57, v22  }
0x488: {  	v57 =	vadd.f32 v58, v56;
	v58 =	vand.u32 $0xFFFF0000, v60;
	v45 =	vmul.f32 v52, v22  }
0x489: {  	v53 =	vand.u32 $0xFFFF0000, v53;
	v52 =	vmul.f32 v55, v22;
	v60 =	vmul.f32 v58, v27  }
0x48a: {  	v32 =	vor.u32 v7, v49;
	v61 =	vmul.f32 v53, v29;
	v56 =	vmul.f32 v62, v27  }
0x48b: {  	v55 =	vmul.f32 v59, v27;
	v58 =	vshll.u32 v1, $0x10;
	v60 =	vadd.f32 v60, v45  }
0x48c: {  	v40 =	vor.u32 v3, v49;
	v45 =	vmul.f32 v58, v28;
	v58 =	vmul.f32 v10, v27  }
0x48d: {  	s15 =	simm.s32 $0x4;
	v53 =	vadd.f32 v63, v57;
	v57 =	vand.u32 $0xFFFF0000, v1;
	v49 =	vadd.f32 v61, v60  }
.LBB2_18:
0x48e: {  	s4 =	sadd.s32 $0x1, s15;
	s7 =	sadd.s32 $0x2, s15;
	s14 =	sadd.s32 $0x3, s15;
	v1 =	vmul.f32 v57, v28;
	v39 =	vadd.f32 v39, v54;
	v44 =	vadd.f32 v58, v44  }
0x48f: {  	p0 =	slt.u32 s15, $0x3C;
	v0 =	vadd.f32 v56, v0;
	v54 =	vmov s4;
	v57 =	vmov s7;
	s7 =	smov.u32 s15;
	s15 =	sadd.s32 $0x4, s15  }
0x490: {  	v50 =	vmul.f32 v50, v29;
	v56 =	vand.u32 $0x3D, v54;
	v58 =	vand.u32 $0x3E, v57  }
0x491: {  	v51 =	vmul.f32 v51, v27;
	v59 =	vor.u32 v17, v56;
	v60 =	vor.u32 v23, v56  }
0x492: {  	v54 =	vshll.u32 v54, $0x1;
	v61 =	vor.u32 v23, v58;
	v62 =	vor.u32 v18, v58  }
0x493: {  	v63 =	vmov s14;
	v39 =	vadd.f32 v42, v39;
	v42 =	vadd.f32 v55, v52  }
0x494: {  	v31 =	vadd.f32 v46, v31;
	v52 =	vor.u32 v20, v56;
	v55 =	vor.u32 v20, v58  }
0x495: {  	v46 =	vor.u32 v17, v58;
	v58 =	vand.u32 $0x3F, v63;
	[tilespmem:v30+s0+$0x0] =	vst.idx.msk $0xffff, v53;
	v30 =	vadd.f32 v43, v44  }
0x496: {  	v48 =	vadd.f32 v51, v48;
	v42 =	vadd.f32 v47, v42;
	v44 =	vor.u32 v17, v58;
	v43 =	vld.idx.msk [tilespmem:v59+s16+$0x0], $0xffff  }
0x497: {  	v51 =	vor.u32 v23, v58;
	v35 =	vadd.f32 v35, v39;
	v47 =	vld.idx.msk [tilespmem:v62+s16+$0x0], $0xffff;
	v38 =	vadd.f32 v38, v30  }
0x498: {  	v39 =	vor.u32 v18, v58;
	v33 =	vadd.f32 v33, v42;
	v53 =	vor.u32 v20, v58  }
0x499: {  	v1 =	vadd.f32 v1, v49;
	v48 =	vadd.f32 v50, v48;
	v30 =	vshll.u32 v63, $0x1;
	v42 =	vld.idx.msk [tilespmem:v55+s16+$0x0], $0xffff  }
0x49a: {  	v0 =	vadd.f32 v41, v0;
	v49 =	vor.u32 v18, v56;
	v50 =	vshll.u32 v57, $0x1;
	v46 =	vld.idx.msk [tilespmem:v46+s16+$0x0], $0xffff  }
0x49b: {  	v31 =	vadd.f32 v37, v31;
	v41 =	vor.u32 v5, v54;
	v55 =	vor.u32 v2, v30;
	v44 =	vld.idx.msk [tilespmem:v44+s16+$0x0], $0xffff  }
0x49c: {  	v54 =	vor.u32 v4, v54;
	v0 =	vadd.f32 v34, v0;
	v37 =	vand.u32 $0xFFFF0000, v43;
	v51 =	vld.idx.msk [tilespmem:v51+s16+$0x0], $0xffff  }
0x49d: {  	v45 =	vadd.f32 v45, v48;
	v57 =	vor.u32 v6, v30;
	v56 =	vand.u32 $0xFFFF0000, v47;
	v34 =	vld.idx.msk [tilespmem:v61+s16+$0x0], $0xffff  }
0x49e: {  	v36 =	vadd.f32 v36, v31;
	v48 =	vor.u32 v9, v50;
	v30 =	vor.u32 v8, v50;
	v50 =	vld.idx.msk [tilespmem:v53+s16+$0x0], $0xffff  }
0x49f: {  	v43 =	vshll.u32 v43, $0x10;
	v31 =	vmul.f32 v37, v22;
	v53 =	vshll.u32 v42, $0x10;
	v58 =	vld.idx.msk [tilespmem:v39+s16+$0x0], $0xffff;
	[tilespmem:v26+s0+$0x0] =	vst.idx.msk $0xffff, v0  }
0x4a0: {  	v59 =	vand.u32 $0xFFFF0000, v46;
	v26 =	vmovc v41;
	v37 =	vld.idx.msk [tilespmem:v49+s16+$0x0], $0xffff;
	v49 =	vshll.u32 v46, $0x10;
	v46 =	vshll.u32 v47, $0x10;
	[tilespmem:v40+s0+$0x0] =	vst.idx.msk $0xffff, v45  }
0x4a1: {  	v0 =	vmov s7;
	v45 =	vand.u32 $0xFFFF0000, v42;
	v41 =	vshll.u32 v44, $0x10;
	v40 =	vld.idx.msk [tilespmem:v52+s16+$0x0], $0xffff;
	[tilespmem:v25+s0+$0x0] =	vst.idx.msk $0xffff, v35;
	v25 =	vmovc v48  }
0x4a2: {  	v35 =	vand.u32 $0x3C, v0;
	v52 =	vshll.u32 v0, $0x1;
	v61 =	vshll.u32 v51, $0x10;
	[tilespmem:v21+s0+$0x0] =	vst.idx.msk $0xffff, v36;
	v21 =	vmovc v54  }
0x4a3: {  	v36 =	vor.u32 v17, v35;
	v47 =	vor.u32 v23, v35;
	v48 =	vld.idx.msk [tilespmem:v60+s16+$0x0], $0xffff;
	[tilespmem:v24+s0+$0x0] =	vst.idx.msk $0xffff, v38  }
0x4a4: {  	v38 =	vor.u32 v18, v35;
	v35 =	vor.u32 v20, v35;
	v24 =	vmov v57;
	[tilespmem:v32+s0+$0x0] =	vst.idx.msk $0xffff, v1  }
0x4a5: {  	v0 =	vand.u32 $0xFFFF0000, v34;
	v60 =	vand.u32 $0xFFFF0000, v51;
	v1 =	vshll.u32 v34, $0x10;
	[tilespmem:v19+s0+$0x0] =	vst.idx.msk $0xffff, v33;
	v19 =	vmovc v55  }
0x4a6: {  	v39 =	vmul.f32 v0, v27;
	v51 =	vand.u32 $0xFFFF0000, v37;
	v55 =	vand.u32 $0xFFFF0000, v44  }
0x4a7: {  	v0 =	vmul.f32 v43, v22;
	v33 =	vand.u32 $0xFFFF0000, v50;
	v32 =	vshll.u32 v40, $0x10  }
0x4a8: {  	v43 =	vshll.u32 v37, $0x10;
	v1 =	vmul.f32 v1, v27;
	v33 =	vmul.f32 v33, v28;
	v54 =	vld.idx.msk [tilespmem:v36+s16+$0x0], $0xffff  }
0x4a9: {  	v44 =	vmul.f32 v41, v22;
	v34 =	vmul.f32 v32, v28;
	v36 =	vand.u32 $0xFFFF0000, v40;
	v57 =	vld.idx.msk [tilespmem:v38+s16+$0x0], $0xffff  }
0x4aa: {  	v42 =	vmul.f32 v56, v29;
	v38 =	vshll.u32 v50, $0x10;
	v62 =	vld.idx.msk [tilespmem:v35+s16+$0x0], $0xffff;
	v35 =	vmul.f32 v49, v22  }
0x4ab: {  	v32 =	vor.u32 v7, v52;
	v36 =	vmul.f32 v36, v28;
	v40 =	vld.idx.msk [tilespmem:v47+s16+$0x0], $0xffff;
	v47 =	vmul.f32 v46, v29  }
0x4ac: {  	v37 =	vmul.f32 v51, v29;
	v49 =	vand.u32 $0xFFFF0000, v58;
	v38 =	vmul.f32 v38, v28  }
0x4ad: {  	v53 =	vmul.f32 v53, v28;
	v56 =	vshll.u32 v48, $0x10;
	v46 =	vshll.u32 v58, $0x10  }
0x4ae: {  	v41 =	vmul.f32 v43, v29;
	v48 =	vand.u32 $0xFFFF0000, v48;
	v43 =	vmul.f32 v46, v29  }
0x4af: {  	v46 =	vmul.f32 v48, v27;
	v1 =	vadd.f32 v1, v35;
	v50 =	vshll.u32 v57, $0x10  }
0x4b0: {  	v35 =	vmul.f32 v45, v28;
	v48 =	vshll.u32 v54, $0x10;
	v54 =	vand.u32 $0xFFFF0000, v54  }
0x4b1: {  	v48 =	vmul.f32 v48, v22;
	v1 =	vadd.f32 v47, v1;
	v51 =	vshll.u32 v40, $0x10  }
0x4b2: {  	v45 =	vmul.f32 v54, v22;
	v54 =	vmul.f32 v59, v22;
	v40 =	vand.u32 $0xFFFF0000, v40  }
.Ltmp8:
0x4b3: {  	v57 =	vand.u32 $0xFFFF0000, v57;
	v47 =	vmul.f32 v49, v29;
	v58 =	vmul.f32 v40, v27;
	(pc) =	sbr.rel @p0 .LBB2_18-.Ltmp8, $4  }
0x4b4: {  	v49 =	vshll.u32 v62, $0x10;
	v40 =	vor.u32 v3, v52;
	v52 =	vmul.f32 v55, v22  }
0x4b5: {  	v56 =	vmul.f32 v56, v27;
	v59 =	vmul.f32 v57, v29;
	v55 =	vadd.f32 v58, v45  }
0x4b6: {  	v53 =	vadd.f32 v53, v1;
	v45 =	vmul.f32 v49, v28;
	v58 =	vmul.f32 v61, v27  }
0x4b7: {  	v57 =	vand.u32 $0xFFFF0000, v62;
	v49 =	vadd.f32 v59, v55;
	v55 =	vmul.f32 v60, v27  }
0x4b8: {  	v1 =	vmul.f32 v51, v27;
	v3 =	vadd.f32 v39, v54;
	v0 =	vadd.f32 v56, v0  }
0x4b9: {  	v6 =	vadd.f32 v58, v44;
	v18 =	vadd.f32 v46, v31  }
0x4ba: {  	v17 =	vmul.f32 v50, v29;
	v1 =	vadd.f32 v1, v48;
	v0 =	vadd.f32 v41, v0  }
0x4bb: {  	v3 =	vadd.f32 v42, v3;
	v18 =	vadd.f32 v37, v18  }
0x4bc: {  	v1 =	vadd.f32 v17, v1;
	v0 =	vadd.f32 v34, v0  }
0x4bd: {  	[tilespmem:v30+s0+$0x0] =	vst.idx.msk $0xffff, v53;
	v6 =	vadd.f32 v43, v6;
	v3 =	vadd.f32 v35, v3  }
0x4be: {  	v17 =	vadd.f32 v55, v52;
	v1 =	vadd.f32 v45, v1;
	[tilespmem:v26+s0+$0x0] =	vst.idx.msk $0xffff, v0  }
0x4bf: {  	v6 =	vadd.f32 v38, v6;
	v0 =	vmul.f32 v57, v28;
	[tilespmem:v25+s0+$0x0] =	vst.idx.msk $0xffff, v3  }
0x4c0: {  	v18 =	vadd.f32 v36, v18;
	[tilespmem:v40+s0+$0x0] =	vst.idx.msk $0xffff, v1;
	v1 =	vadd.f32 v47, v17  }
0x4c1: {  	[tilespmem:v24+s0+$0x0] =	vst.idx.msk $0xffff, v6;
	v0 =	vadd.f32 v0, v49  }
0x4c2: {  	[tilespmem:v21+s0+$0x0] =	vst.idx.msk $0xffff, v18;
	v1 =	vadd.f32 v33, v1  }
0x4c3: {  	[tilespmem:v32+s0+$0x0] =	vst.idx.msk $0xffff, v0  }
0x4c4: {  	[tilespmem:v19+s0+$0x0] =	vst.idx.msk $0xffff, v1  }
0x4c5: {  	v0 =	vld [tilespmem:$0xC00]  }
0x4c6: {  	v21 =	vld [tilespmem:$0xC50]  }
0x4c7: {  	v1 =	vld [tilespmem:$0xCA0]  }
0x4c8: {  	s4 =	simm.s32 $0x1  }
0x4c9: {  	s14 =	simm.s32 $0x3;
	v19 =	vmov s4;
	v17 =	vld [tilespmem:$0xCF0]  }
0x4ca: {  	v26 =	vmov s14;
	v22 =	vand.u32 $0x3D, v19;
	v20 =	vld [tilespmem:$0x1A880];
	v3 =	vshll.u32 v0, $0x6  }
0x4cb: {  	s7 =	simm.s32 $0x2;
	v27 =	vand.u32 $0x3F, v26;
	v9 =	vld [tilespmem:$0x1FB90];
	v21 =	vshll.u32 v21, $0x6;
	v23 =	vor.u32 v3, v22  }
0x4cc: {  	v2 =	vld [tilespmem:$0x1FBC0];
	v0 =	vmov s7;
	v6 =	vshll.u32 v1, $0x6;
	v28 =	vor.u32 v21, v27  }
0x4cd: {  	v8 =	vld [tilespmem:$0x1FC70];
	v1 =	vand.u32 $0x3E, v0;
	v54 =	vor.u32 v6, v22  }
0x4ce: {  	v63 =	vld [tilespmem:$0x1FC60];
	v18 =	vshll.u32 v17, $0x6;
	v17 =	vor.u32 v6, v1  }
0x4cf: {  	v10 =	vld [tilespmem:$0x1FC40];
	v24 =	vor.u32 v18, v1  }
0x4d0: {  	v25 =	vor.u32 v3, v1;
	v29 =	vld.idx.msk [tilespmem:v23+s16+$0x0], $0xffff  }
0x4d1: {  	v1 =	vor.u32 v21, v1;
	v58 =	vld.idx.msk [tilespmem:v28+s16+$0x0], $0xffff  }
0x4d2: {  	v23 =	vor.u32 v3, v27;
	v36 =	vld.idx.msk [tilespmem:v54+s16+$0x0], $0xffff  }
0x4d3: {  	v34 =	vor.u32 v6, v27;
	v27 =	vor.u32 v18, v27;
	v30 =	vld.idx.msk [tilespmem:v17+s16+$0x0], $0xffff  }
0x4d4: {  	v26 =	vshll.u32 v26, $0x1;
	v19 =	vshll.u32 v19, $0x1;
	v32 =	vld.idx.msk [tilespmem:v24+s16+$0x0], $0xffff  }
0x4d5: {  	v31 =	vor.u32 v21, v22;
	v52 =	vor.u32 v18, v22;
	v0 =	vshll.u32 v0, $0x1;
	v53 =	vld.idx.msk [tilespmem:v25+s16+$0x0], $0xffff  }
0x4d6: {  	v22 =	vor.u32 v63, v26;
	v28 =	vor.u32 v10, v0;
	v24 =	vor.u32 v9, v19;
	v1 =	vld.idx.msk [tilespmem:v1+s16+$0x0], $0xffff  }
0x4d7: {  	s15 =	simm.s32 $0x0;
	v17 =	vor.u32 v2, v26;
	v19 =	vor.u32 v8, v19;
	v55 =	vld.idx.msk [tilespmem:v23+s16+$0x0], $0xffff;
	v57 =	vand.u32 $0xFFFF0000, v29  }
0x4d8: {  	v23 =	vor.u32 v11, v0;
	v0 =	vshll.u32 v29, $0x10;
	v41 =	vld.idx.msk [tilespmem:v27+s16+$0x0], $0xffff;
	v27 =	vmov s15  }
0x4d9: {  	v4 =	vshll.u32 v58, $0x10;
	v39 =	vand.u32 $0xFFFF0000, v36;
	v54 =	vshll.u32 v36, $0x10  }
0x4da: {  	v25 =	vld [tilespmem:$0x1A8D0];
	v40 =	vand.u32 $0xFFFF0000, v30;
	v29 =	vmul.f32 v57, v20;
	v43 =	vshll.u32 v32, $0x10  }
0x4db: {  	v26 =	vld [tilespmem:$0x1A970];
	v44 =	vshll.u32 v53, $0x10;
	v45 =	vand.u32 $0xFFFF0000, v53;
	v35 =	vshll.u32 v30, $0x10  }
0x4dc: {  	v46 =	vand.u32 $0xFFFF0000, v32;
	v59 =	vand.u32 $0x3C, v27;
	v47 =	vshll.u32 v27, $0x1  }
0x4dd: {  	v27 =	vld [tilespmem:$0x1A920];
	v60 =	vshll.u32 v1, $0x10;
	v1 =	vand.u32 $0xFFFF0000, v1;
	v57 =	vand.u32 $0xFFFF0000, v58  }
0x4de: {  	v30 =	vld.idx.msk [tilespmem:v52+s16+$0x0], $0xffff;
	v0 =	vmul.f32 v0, v20;
	v48 =	vor.u32 v3, v59;
	v49 =	vor.u32 v21, v59  }
0x4df: {  	[tilespmem:$0x1FB30] =	vst v4;
	v50 =	vor.u32 v6, v59;
	v37 =	vmul.f32 v1, v25;
	v56 =	vmul.f32 v44, v20  }
0x4e0: {  	v38 =	vld.idx.msk [tilespmem:v34+s16+$0x0], $0xffff;
	v5 =	vmul.f32 v43, v26;
	v33 =	vshll.u32 v55, $0x10;
	v62 =	vand.u32 $0xFFFF0000, v41  }
0x4e1: {  	v52 =	vld.idx.msk [tilespmem:v31+s16+$0x0], $0xffff;
	v53 =	vand.u32 $0xFFFF0000, v55;
	v55 =	vmul.f32 v60, v25;
	v31 =	vmul.f32 v62, v26  }
0x4e2: {  	v51 =	vor.u32 v18, v59;
	v42 =	vmul.f32 v33, v20;
	v40 =	vmul.f32 v40, v27  }
0x4e3: {  	v4 =	vld [tilespmem:$0x1FC80];
	v61 =	vshll.u32 v30, $0x10;
	v59 =	vmul.f32 v35, v27;
	v34 =	vmul.f32 v39, v27  }
0x4e4: {  	v36 =	vand.u32 $0xFFFF0000, v30;
	v39 =	vmul.f32 v54, v27;
	v35 =	vmul.f32 v46, v26;
	v50 =	vld.idx.msk [tilespmem:v50+s16+$0x0], $0xffff  }
0x4e5: {  	v41 =	vshll.u32 v41, $0x10;
	v32 =	vmul.f32 v61, v26;
	v58 =	vld.idx.msk [tilespmem:v48+s16+$0x0], $0xffff;
	v33 =	vmul.f32 v36, v26  }
0x4e6: {  	v60 =	vld.idx.msk [tilespmem:v49+s16+$0x0], $0xffff;
	v61 =	vand.u32 $0xFFFF0000, v38;
	v36 =	vmul.f32 v41, v26;
	v55 =	vadd.f32 v55, v56  }
0x4e7: {  	v7 =	vshll.u32 v52, $0x10;
	v49 =	vshll.u32 v38, $0x10;
	v52 =	vand.u32 $0xFFFF0000, v52  }
0x4e8: {  	v62 =	vld [tilespmem:$0x1FC50];
	v38 =	vor.u32 v4, v47;
	v41 =	vmul.f32 v49, v27;
	v55 =	vadd.f32 v59, v55  }
0x4e9: {  	v1 =	vld.idx.msk [tilespmem:v51+s16+$0x0], $0xffff;
	v44 =	vmul.f32 v52, v25;
	v52 =	vmul.f32 v45, v20;
	v51 =	vand.u32 $0xFFFF0000, v50  }
0x4ea: {  	v45 =	vmul.f32 v61, v27;
	v61 =	vmul.f32 v51, v27;
	v51 =	vadd.f32 v5, v55;
	v5 =	vld [tilespmem:$0x1FB30]  }
0x4eb: {  	v56 =	vshll.u32 v58, $0x10;
	v58 =	vand.u32 $0xFFFF0000, v58;
	v59 =	vand.u32 $0xFFFF0000, v60  }
0x4ec: {  	v49 =	vshll.u32 v60, $0x10;
	v43 =	vmul.f32 v58, v20;
	v60 =	vmul.f32 v59, v25  }
0x4ed: {  	v54 =	vmul.f32 v7, v25;
	v48 =	vshll.u32 v50, $0x10;
	v50 =	vmul.f32 v53, v20  }
0x4ee: {  	v46 =	vmul.f32 v56, v20;
	v56 =	vshll.u32 v1, $0x10;
	v60 =	vadd.f32 v60, v43  }
0x4ef: {  	v7 =	vld [tilespmem:$0x1FC20];
	v30 =	vor.u32 v62, v47;
	v43 =	vmul.f32 v56, v26;
	v56 =	vmul.f32 v5, v25  }
0x4f0: {  	s15 =	simm.s32 $0x4;
	v53 =	vmul.f32 v57, v25;
	v55 =	vand.u32 $0xFFFF0000, v1;
	v47 =	vadd.f32 v61, v60;
	v5 =	vld [tilespmem:$0x1FBE0]  }
.LBB2_20:
0x4f1: {  	s4 =	sadd.s32 $0x1, s15;
	s7 =	sadd.s32 $0x2, s15;
	s14 =	sadd.s32 $0x3, s15;
	v1 =	vmul.f32 v55, v26;
	v37 =	vadd.f32 v37, v52;
	v42 =	vadd.f32 v56, v42  }
0x4f2: {  	p0 =	slt.u32 s15, $0x3C;
	v0 =	vadd.f32 v54, v0;
	v52 =	vmov s4;
	v55 =	vmov s7;
	s7 =	smov.u32 s15;
	s15 =	sadd.s32 $0x4, s15  }
0x4f3: {  	v48 =	vmul.f32 v48, v27;
	v54 =	vand.u32 $0x3D, v52;
	v56 =	vand.u32 $0x3E, v55  }
0x4f4: {  	v49 =	vmul.f32 v49, v25;
	v57 =	vor.u32 v3, v54;
	v58 =	vor.u32 v21, v54  }
0x4f5: {  	v52 =	vshll.u32 v52, $0x1;
	v59 =	vor.u32 v21, v56;
	v60 =	vor.u32 v6, v56  }
0x4f6: {  	v61 =	vmov s14;
	v37 =	vadd.f32 v40, v37;
	v40 =	vadd.f32 v53, v50  }
0x4f7: {  	v29 =	vadd.f32 v44, v29;
	v50 =	vor.u32 v18, v54;
	v53 =	vor.u32 v18, v56  }
0x4f8: {  	v44 =	vor.u32 v3, v56;
	v56 =	vand.u32 $0x3F, v61;
	[tilespmem:v28+s0+$0x0] =	vst.idx.msk $0xffff, v51;
	v28 =	vadd.f32 v41, v42  }
0x4f9: {  	v46 =	vadd.f32 v49, v46;
	v40 =	vadd.f32 v45, v40;
	v42 =	vor.u32 v3, v56;
	v41 =	vld.idx.msk [tilespmem:v57+s16+$0x0], $0xffff  }
0x4fa: {  	v49 =	vor.u32 v21, v56;
	v35 =	vadd.f32 v35, v37;
	v45 =	vld.idx.msk [tilespmem:v60+s16+$0x0], $0xffff;
	v36 =	vadd.f32 v36, v28  }
0x4fb: {  	v37 =	vor.u32 v6, v56;
	v31 =	vadd.f32 v31, v40;
	v51 =	vor.u32 v18, v56  }
0x4fc: {  	v1 =	vadd.f32 v1, v47;
	v46 =	vadd.f32 v48, v46;
	v28 =	vshll.u32 v61, $0x1;
	v40 =	vld.idx.msk [tilespmem:v53+s16+$0x0], $0xffff  }
0x4fd: {  	v0 =	vadd.f32 v39, v0;
	v47 =	vor.u32 v6, v54;
	v48 =	vshll.u32 v55, $0x1;
	v44 =	vld.idx.msk [tilespmem:v44+s16+$0x0], $0xffff  }
0x4fe: {  	v29 =	vadd.f32 v34, v29;
	v39 =	vor.u32 v9, v52;
	v53 =	vor.u32 v2, v28;
	v42 =	vld.idx.msk [tilespmem:v42+s16+$0x0], $0xffff  }
0x4ff: {  	v52 =	vor.u32 v8, v52;
	v0 =	vadd.f32 v32, v0;
	v34 =	vand.u32 $0xFFFF0000, v41;
	v49 =	vld.idx.msk [tilespmem:v49+s16+$0x0], $0xffff  }
0x500: {  	v43 =	vadd.f32 v43, v46;
	v55 =	vor.u32 v63, v28;
	v54 =	vand.u32 $0xFFFF0000, v45;
	v32 =	vld.idx.msk [tilespmem:v59+s16+$0x0], $0xffff  }
0x501: {  	v33 =	vadd.f32 v33, v29;
	v46 =	vor.u32 v11, v48;
	v28 =	vor.u32 v10, v48;
	v48 =	vld.idx.msk [tilespmem:v51+s16+$0x0], $0xffff  }
0x502: {  	v41 =	vshll.u32 v41, $0x10;
	v29 =	vmul.f32 v34, v20;
	v51 =	vshll.u32 v40, $0x10;
	v56 =	vld.idx.msk [tilespmem:v37+s16+$0x0], $0xffff;
	[tilespmem:v24+s0+$0x0] =	vst.idx.msk $0xffff, v0  }
0x503: {  	v57 =	vand.u32 $0xFFFF0000, v44;
	v24 =	vmovc v39;
	v34 =	vld.idx.msk [tilespmem:v47+s16+$0x0], $0xffff;
	v47 =	vshll.u32 v44, $0x10;
	v44 =	vshll.u32 v45, $0x10;
	[tilespmem:v38+s0+$0x0] =	vst.idx.msk $0xffff, v43  }
0x504: {  	v0 =	vmov s7;
	v43 =	vand.u32 $0xFFFF0000, v40;
	v39 =	vshll.u32 v42, $0x10;
	v38 =	vld.idx.msk [tilespmem:v50+s16+$0x0], $0xffff;
	[tilespmem:v23+s0+$0x0] =	vst.idx.msk $0xffff, v35;
	v23 =	vmovc v46  }
0x505: {  	v35 =	vand.u32 $0x3C, v0;
	v50 =	vshll.u32 v0, $0x1;
	v59 =	vshll.u32 v49, $0x10;
	[tilespmem:v19+s0+$0x0] =	vst.idx.msk $0xffff, v33;
	v19 =	vmovc v52  }
0x506: {  	v33 =	vor.u32 v3, v35;
	v45 =	vor.u32 v21, v35;
	v46 =	vld.idx.msk [tilespmem:v58+s16+$0x0], $0xffff;
	[tilespmem:v22+s0+$0x0] =	vst.idx.msk $0xffff, v36  }
0x507: {  	v36 =	vor.u32 v6, v35;
	v35 =	vor.u32 v18, v35;
	v22 =	vmov v55;
	[tilespmem:v30+s0+$0x0] =	vst.idx.msk $0xffff, v1  }
0x508: {  	v0 =	vand.u32 $0xFFFF0000, v32;
	v58 =	vand.u32 $0xFFFF0000, v49;
	v1 =	vshll.u32 v32, $0x10;
	[tilespmem:v17+s0+$0x0] =	vst.idx.msk $0xffff, v31;
	v17 =	vmovc v53  }
0x509: {  	v37 =	vmul.f32 v0, v25;
	v49 =	vand.u32 $0xFFFF0000, v34;
	v53 =	vand.u32 $0xFFFF0000, v42  }
0x50a: {  	v0 =	vmul.f32 v41, v20;
	v31 =	vand.u32 $0xFFFF0000, v48;
	v30 =	vshll.u32 v38, $0x10  }
0x50b: {  	v41 =	vshll.u32 v34, $0x10;
	v1 =	vmul.f32 v1, v25;
	v31 =	vmul.f32 v31, v26;
	v52 =	vld.idx.msk [tilespmem:v33+s16+$0x0], $0xffff  }
0x50c: {  	v42 =	vmul.f32 v39, v20;
	v32 =	vmul.f32 v30, v26;
	v33 =	vand.u32 $0xFFFF0000, v38;
	v55 =	vld.idx.msk [tilespmem:v36+s16+$0x0], $0xffff  }
0x50d: {  	v40 =	vmul.f32 v54, v27;
	v36 =	vshll.u32 v48, $0x10;
	v60 =	vld.idx.msk [tilespmem:v35+s16+$0x0], $0xffff;
	v35 =	vmul.f32 v47, v20  }
0x50e: {  	v30 =	vor.u32 v62, v50;
	v33 =	vmul.f32 v33, v26;
	v38 =	vld.idx.msk [tilespmem:v45+s16+$0x0], $0xffff;
	v45 =	vmul.f32 v44, v27  }
0x50f: {  	v34 =	vmul.f32 v49, v27;
	v47 =	vand.u32 $0xFFFF0000, v56;
	v36 =	vmul.f32 v36, v26  }
0x510: {  	v51 =	vmul.f32 v51, v26;
	v54 =	vshll.u32 v46, $0x10;
	v44 =	vshll.u32 v56, $0x10  }
0x511: {  	v39 =	vmul.f32 v41, v27;
	v46 =	vand.u32 $0xFFFF0000, v46;
	v41 =	vmul.f32 v44, v27  }
0x512: {  	v44 =	vmul.f32 v46, v25;
	v1 =	vadd.f32 v1, v35;
	v48 =	vshll.u32 v55, $0x10  }
0x513: {  	v35 =	vmul.f32 v43, v26;
	v46 =	vshll.u32 v52, $0x10;
	v52 =	vand.u32 $0xFFFF0000, v52  }
0x514: {  	v46 =	vmul.f32 v46, v20;
	v1 =	vadd.f32 v45, v1;
	v49 =	vshll.u32 v38, $0x10  }
0x515: {  	v43 =	vmul.f32 v52, v20;
	v52 =	vmul.f32 v57, v20;
	v38 =	vand.u32 $0xFFFF0000, v38  }
.Ltmp9:
0x516: {  	v55 =	vand.u32 $0xFFFF0000, v55;
	v45 =	vmul.f32 v47, v27;
	v56 =	vmul.f32 v38, v25;
	(pc) =	sbr.rel @p0 .LBB2_20-.Ltmp9, $4  }
0x517: {  	v47 =	vshll.u32 v60, $0x10;
	v38 =	vor.u32 v4, v50;
	v50 =	vmul.f32 v53, v20  }
0x518: {  	v54 =	vmul.f32 v54, v25;
	v57 =	vmul.f32 v55, v27;
	v53 =	vadd.f32 v56, v43  }
0x519: {  	v51 =	vadd.f32 v51, v1;
	v43 =	vmul.f32 v47, v26;
	v56 =	vmul.f32 v59, v25  }
0x51a: {  	v55 =	vand.u32 $0xFFFF0000, v60;
	v47 =	vadd.f32 v57, v53;
	v53 =	vmul.f32 v58, v25  }
0x51b: {  	v1 =	vmul.f32 v49, v25;
	v3 =	vadd.f32 v37, v52;
	v0 =	vadd.f32 v54, v0  }
0x51c: {  	v4 =	vadd.f32 v56, v42;
	v9 =	vadd.f32 v44, v29  }
0x51d: {  	v6 =	vmul.f32 v48, v27;
	v1 =	vadd.f32 v1, v46;
	v0 =	vadd.f32 v39, v0  }
0x51e: {  	v3 =	vadd.f32 v40, v3;
	v9 =	vadd.f32 v34, v9  }
0x51f: {  	v1 =	vadd.f32 v6, v1;
	v0 =	vadd.f32 v32, v0  }
0x520: {  	[tilespmem:v28+s0+$0x0] =	vst.idx.msk $0xffff, v51;
	v4 =	vadd.f32 v41, v4;
	v3 =	vadd.f32 v35, v3  }
0x521: {  	v6 =	vadd.f32 v53, v50;
	v1 =	vadd.f32 v43, v1;
	[tilespmem:v24+s0+$0x0] =	vst.idx.msk $0xffff, v0  }
0x522: {  	v4 =	vadd.f32 v36, v4;
	v0 =	vmul.f32 v55, v26;
	[tilespmem:v23+s0+$0x0] =	vst.idx.msk $0xffff, v3  }
0x523: {  	v9 =	vadd.f32 v33, v9;
	[tilespmem:v38+s0+$0x0] =	vst.idx.msk $0xffff, v1;
	v1 =	vadd.f32 v45, v6  }
0x524: {  	[tilespmem:v22+s0+$0x0] =	vst.idx.msk $0xffff, v4;
	v0 =	vadd.f32 v0, v47  }
0x525: {  	[tilespmem:v19+s0+$0x0] =	vst.idx.msk $0xffff, v9;
	v1 =	vadd.f32 v31, v1  }
0x526: {  	[tilespmem:v30+s0+$0x0] =	vst.idx.msk $0xffff, v0  }
0x527: {  	[tilespmem:v17+s0+$0x0] =	vst.idx.msk $0xffff, v1  }
0x528: {  	v0 =	vld [tilespmem:$0xC10]  }
0x529: {  	v18 =	vld [tilespmem:$0xC60]  }
0x52a: {  	v1 =	vld [tilespmem:$0xCB0]  }
0x52b: {  	s4 =	simm.s32 $0x1  }
0x52c: {  	s14 =	simm.s32 $0x3;
	v11 =	vmov s4  }
0x52d: {  	v23 =	vmov s14;
	v19 =	vand.u32 $0x3D, v11;
	v6 =	vld [tilespmem:$0xD00];
	v3 =	vshll.u32 v0, $0x6  }
0x52e: {  	v24 =	vand.u32 $0x3F, v23;
	v17 =	vld [tilespmem:$0x1A890];
	v18 =	vshll.u32 v18, $0x6;
	v20 =	vor.u32 v3, v19  }
0x52f: {  	s7 =	simm.s32 $0x2;
	v60 =	vld [tilespmem:$0x1FC00];
	v4 =	vshll.u32 v1, $0x6;
	v25 =	vor.u32 v18, v24  }
0x530: {  	v2 =	vld [tilespmem:$0x1FBD0];
	v0 =	vmov s7;
	v56 =	vor.u32 v4, v19  }
0x531: {  	v8 =	vld [tilespmem:$0x1FC10];
	v1 =	vand.u32 $0x3E, v0;
	v28 =	vor.u32 v18, v19  }
0x532: {  	v61 =	vld [tilespmem:$0x1FBF0];
	v9 =	vshll.u32 v6, $0x6;
	v6 =	vor.u32 v4, v1  }
0x533: {  	v21 =	vor.u32 v9, v1;
	v26 =	vld.idx.msk [tilespmem:v20+s16+$0x0], $0xffff  }
0x534: {  	v22 =	vor.u32 v3, v1;
	v58 =	vld.idx.msk [tilespmem:v25+s16+$0x0], $0xffff  }
0x535: {  	v59 =	vld.idx.msk [tilespmem:v56+s16+$0x0], $0xffff  }
0x536: {  	v20 =	vor.u32 v3, v24;
	v49 =	vld.idx.msk [tilespmem:v28+s16+$0x0], $0xffff  }
0x537: {  	v31 =	vor.u32 v4, v24;
	v24 =	vor.u32 v9, v24;
	v27 =	vld.idx.msk [tilespmem:v6+s16+$0x0], $0xffff  }
0x538: {  	v11 =	vshll.u32 v11, $0x1;
	v23 =	vshll.u32 v23, $0x1;
	v29 =	vld.idx.msk [tilespmem:v21+s16+$0x0], $0xffff  }
0x539: {  	v30 =	vor.u32 v9, v19;
	v0 =	vshll.u32 v0, $0x1;
	v1 =	vor.u32 v18, v1;
	v55 =	vld.idx.msk [tilespmem:v22+s16+$0x0], $0xffff  }
0x53a: {  	v19 =	vor.u32 v61, v23;
	v25 =	vor.u32 v12, v0;
	v22 =	vld [tilespmem:$0x1A8E0];
	v21 =	vor.u32 v60, v11  }
0x53b: {  	s15 =	simm.s32 $0x0;
	v6 =	vor.u32 v2, v23;
	v11 =	vor.u32 v8, v11;
	v34 =	vld.idx.msk [tilespmem:v20+s16+$0x0], $0xffff;
	v57 =	vand.u32 $0xFFFF0000, v26  }
0x53c: {  	v20 =	vor.u32 v14, v0;
	v0 =	vshll.u32 v26, $0x10;
	v38 =	vld.idx.msk [tilespmem:v24+s16+$0x0], $0xffff;
	v24 =	vmov s15  }
0x53d: {  	v50 =	vshll.u32 v58, $0x10;
	v54 =	vand.u32 $0xFFFF0000, v58;
	v51 =	vshll.u32 v59, $0x10  }
0x53e: {  	v1 =	vld.idx.msk [tilespmem:v1+s16+$0x0], $0xffff;
	v41 =	vand.u32 $0xFFFF0000, v49;
	v37 =	vand.u32 $0xFFFF0000, v27;
	v26 =	vmul.f32 v57, v17  }
0x53f: {  	v35 =	vshll.u32 v29, $0x10;
	v40 =	vshll.u32 v55, $0x10;
	v32 =	vshll.u32 v27, $0x10  }
0x540: {  	v23 =	vld [tilespmem:$0x1A980];
	v43 =	vand.u32 $0xFFFF0000, v29;
	v29 =	vand.u32 $0x3C, v24;
	v44 =	vshll.u32 v24, $0x1  }
0x541: {  	v24 =	vld [tilespmem:$0x1A930];
	v57 =	vand.u32 $0xFFFF0000, v59;
	v0 =	vmul.f32 v0, v17;
	v41 =	vmul.f32 v41, v22  }
0x542: {  	v27 =	vld.idx.msk [tilespmem:v30+s16+$0x0], $0xffff;
	v62 =	vor.u32 v3, v29;
	v45 =	vor.u32 v18, v29;
	v63 =	vor.u32 v4, v29  }
0x543: {  	v47 =	vor.u32 v9, v29;
	v29 =	vshll.u32 v1, $0x10;
	v1 =	vand.u32 $0xFFFF0000, v1  }
0x544: {  	v40 =	vmul.f32 v40, v17;
	v33 =	vmul.f32 v1, v22;
	v58 =	vand.u32 $0xFFFF0000, v38  }
0x545: {  	v52 =	vmul.f32 v29, v22;
	v30 =	vshll.u32 v34, $0x10;
	v28 =	vmul.f32 v58, v23  }
0x546: {  	v10 =	vld [tilespmem:$0x1FB40];
	v1 =	vand.u32 $0xFFFF0000, v34;
	v39 =	vmul.f32 v30, v17;
	v37 =	vmul.f32 v37, v24  }
0x547: {  	v34 =	vld.idx.msk [tilespmem:v31+s16+$0x0], $0xffff;
	v31 =	vshll.u32 v27, $0x10;
	v58 =	vmul.f32 v35, v23;
	v36 =	vmul.f32 v51, v24  }
0x548: {  	v59 =	vand.u32 $0xFFFF0000, v27;
	v35 =	vmul.f32 v43, v23;
	v29 =	vmul.f32 v31, v23;
	v53 =	vld.idx.msk [tilespmem:v63+s16+$0x0], $0xffff  }
0x549: {  	v38 =	vshll.u32 v38, $0x10;
	v46 =	vld.idx.msk [tilespmem:v62+s16+$0x0], $0xffff;
	v30 =	vmul.f32 v59, v23;
	v62 =	vmul.f32 v32, v24  }
0x54a: {  	v63 =	vld.idx.msk [tilespmem:v45+s16+$0x0], $0xffff;
	v31 =	vmul.f32 v57, v24;
	v57 =	vshll.u32 v49, $0x10;
	v49 =	vadd.f32 v52, v40  }
0x54b: {  	v42 =	vand.u32 $0xFFFF0000, v55;
	v32 =	vmul.f32 v38, v23;
	v59 =	vld.idx.msk [tilespmem:v47+s16+$0x0], $0xffff;
	v47 =	vmul.f32 v1, v17  }
0x54c: {  	v48 =	vadd.f32 v62, v49;
	v56 =	vand.u32 $0xFFFF0000, v34;
	v34 =	vshll.u32 v34, $0x10  }
0x54d: {  	v27 =	vor.u32 v10, v44;
	v49 =	vmul.f32 v42, v17;
	v38 =	vmul.f32 v34, v24  }
0x54e: {  	v42 =	vmul.f32 v56, v24;
	v34 =	vor.u32 v7, v44;
	v48 =	vadd.f32 v58, v48  }
0x54f: {  	v51 =	vshll.u32 v46, $0x10;
	v52 =	vand.u32 $0xFFFF0000, v46;
	v62 =	vand.u32 $0xFFFF0000, v63  }
0x550: {  	v46 =	vshll.u32 v63, $0x10;
	v40 =	vmul.f32 v52, v17;
	v63 =	vmul.f32 v62, v22  }
0x551: {  	v45 =	vshll.u32 v53, $0x10;
	v43 =	vmul.f32 v51, v17;
	v51 =	vand.u32 $0xFFFF0000, v53  }
0x552: {  	v62 =	vshll.u32 v59, $0x10;
	v1 =	vadd.f32 v63, v40;
	v63 =	vmul.f32 v51, v24  }
0x553: {  	v53 =	vmul.f32 v50, v22;
	v52 =	vand.u32 $0xFFFF0000, v59;
	v40 =	vmul.f32 v62, v23;
	v62 =	vld [tilespmem:$0x1FFE0]  }
0x554: {  	s15 =	simm.s32 $0x4;
	v50 =	vmul.f32 v54, v22;
	v51 =	vmul.f32 v57, v22;
	v44 =	vadd.f32 v63, v1;
	v63 =	vld [tilespmem:$0x1FFF0]  }
.LBB2_22:
0x555: {  	s4 =	sadd.s32 $0x1, s15;
	s7 =	sadd.s32 $0x2, s15;
	s14 =	sadd.s32 $0x3, s15;
	v1 =	vmul.f32 v52, v23;
	v33 =	vadd.f32 v33, v49;
	v39 =	vadd.f32 v53, v39  }
0x556: {  	p0 =	slt.u32 s15, $0x3C;
	v0 =	vadd.f32 v51, v0;
	v49 =	vmov s4;
	v52 =	vmov s7;
	s7 =	smov.u32 s15;
	s15 =	sadd.s32 $0x4, s15  }
0x557: {  	v45 =	vmul.f32 v45, v24;
	v51 =	vand.u32 $0x3D, v49;
	v53 =	vand.u32 $0x3E, v52  }
0x558: {  	v46 =	vmul.f32 v46, v22;
	v54 =	vor.u32 v3, v51;
	v55 =	vor.u32 v18, v51  }
0x559: {  	v49 =	vshll.u32 v49, $0x1;
	v56 =	vor.u32 v18, v53;
	v57 =	vor.u32 v4, v53  }
0x55a: {  	v58 =	vmov s14;
	v33 =	vadd.f32 v37, v33;
	v37 =	vadd.f32 v50, v47  }
0x55b: {  	v26 =	vadd.f32 v41, v26;
	v47 =	vor.u32 v9, v51;
	v50 =	vor.u32 v9, v53  }
0x55c: {  	v41 =	vor.u32 v3, v53;
	v53 =	vand.u32 $0x3F, v58;
	[tilespmem:v25+s0+$0x0] =	vst.idx.msk $0xffff, v48;
	v25 =	vadd.f32 v38, v39  }
0x55d: {  	v43 =	vadd.f32 v46, v43;
	v37 =	vadd.f32 v42, v37;
	v39 =	vor.u32 v3, v53;
	v38 =	vld.idx.msk [tilespmem:v54+s16+$0x0], $0xffff  }
0x55e: {  	v46 =	vor.u32 v18, v53;
	v33 =	vadd.f32 v35, v33;
	v42 =	vld.idx.msk [tilespmem:v57+s16+$0x0], $0xffff;
	v32 =	vadd.f32 v32, v25  }
0x55f: {  	v35 =	vor.u32 v4, v53;
	v28 =	vadd.f32 v28, v37;
	v48 =	vor.u32 v9, v53  }
0x560: {  	v1 =	vadd.f32 v1, v44;
	v43 =	vadd.f32 v45, v43;
	v25 =	vshll.u32 v58, $0x1;
	v37 =	vld.idx.msk [tilespmem:v50+s16+$0x0], $0xffff  }
0x561: {  	v0 =	vadd.f32 v36, v0;
	v44 =	vor.u32 v4, v51;
	v45 =	vshll.u32 v52, $0x1;
	v41 =	vld.idx.msk [tilespmem:v41+s16+$0x0], $0xffff  }
0x562: {  	v26 =	vadd.f32 v31, v26;
	v36 =	vor.u32 v60, v49;
	v50 =	vor.u32 v2, v25;
	v39 =	vld.idx.msk [tilespmem:v39+s16+$0x0], $0xffff  }
0x563: {  	v49 =	vor.u32 v8, v49;
	v0 =	vadd.f32 v29, v0;
	v31 =	vand.u32 $0xFFFF0000, v38;
	v46 =	vld.idx.msk [tilespmem:v46+s16+$0x0], $0xffff  }
0x564: {  	v40 =	vadd.f32 v40, v43;
	v52 =	vor.u32 v61, v25;
	v51 =	vand.u32 $0xFFFF0000, v42;
	v29 =	vld.idx.msk [tilespmem:v56+s16+$0x0], $0xffff  }
0x565: {  	v30 =	vadd.f32 v30, v26;
	v43 =	vor.u32 v14, v45;
	v25 =	vor.u32 v12, v45;
	v45 =	vld.idx.msk [tilespmem:v48+s16+$0x0], $0xffff  }
0x566: {  	v38 =	vshll.u32 v38, $0x10;
	v26 =	vmul.f32 v31, v17;
	v48 =	vshll.u32 v37, $0x10;
	v35 =	vld.idx.msk [tilespmem:v35+s16+$0x0], $0xffff;
	[tilespmem:v21+s0+$0x0] =	vst.idx.msk $0xffff, v0  }
0x567: {  	v53 =	vand.u32 $0xFFFF0000, v41;
	v21 =	vmovc v36;
	v31 =	vld.idx.msk [tilespmem:v44+s16+$0x0], $0xffff;
	v44 =	vshll.u32 v41, $0x10;
	v41 =	vshll.u32 v42, $0x10;
	[tilespmem:v34+s0+$0x0] =	vst.idx.msk $0xffff, v40  }
0x568: {  	v0 =	vmov s7;
	v40 =	vand.u32 $0xFFFF0000, v37;
	v36 =	vshll.u32 v39, $0x10;
	v34 =	vld.idx.msk [tilespmem:v47+s16+$0x0], $0xffff;
	[tilespmem:v20+s0+$0x0] =	vst.idx.msk $0xffff, v33;
	v20 =	vmovc v43  }
0x569: {  	v33 =	vand.u32 $0x3C, v0;
	v47 =	vshll.u32 v0, $0x1;
	v54 =	vshll.u32 v46, $0x10;
	[tilespmem:v11+s0+$0x0] =	vst.idx.msk $0xffff, v30;
	v11 =	vmovc v49  }
0x56a: {  	v30 =	vor.u32 v3, v33;
	v42 =	vor.u32 v18, v33;
	v43 =	vld.idx.msk [tilespmem:v55+s16+$0x0], $0xffff;
	[tilespmem:v19+s0+$0x0] =	vst.idx.msk $0xffff, v32  }
0x56b: {  	v37 =	vor.u32 v9, v33;
	v32 =	vor.u32 v4, v33;
	v19 =	vmov v52;
	[tilespmem:v27+s0+$0x0] =	vst.idx.msk $0xffff, v1  }
0x56c: {  	v0 =	vand.u32 $0xFFFF0000, v29;
	v55 =	vand.u32 $0xFFFF0000, v46;
	v1 =	vshll.u32 v29, $0x10;
	[tilespmem:v6+s0+$0x0] =	vst.idx.msk $0xffff, v28;
	v6 =	vmovc v50  }
0x56d: {  	v33 =	vmul.f32 v0, v22;
	v46 =	vand.u32 $0xFFFF0000, v31;
	v50 =	vand.u32 $0xFFFF0000, v39  }
0x56e: {  	v0 =	vmul.f32 v38, v17;
	v28 =	vand.u32 $0xFFFF0000, v45;
	v27 =	vshll.u32 v34, $0x10  }
0x56f: {  	v38 =	vshll.u32 v31, $0x10;
	v1 =	vmul.f32 v1, v22;
	v28 =	vmul.f32 v28, v23;
	v49 =	vld.idx.msk [tilespmem:v30+s16+$0x0], $0xffff  }
0x570: {  	v39 =	vmul.f32 v36, v17;
	v29 =	vmul.f32 v27, v23;
	v30 =	vand.u32 $0xFFFF0000, v34;
	v52 =	vld.idx.msk [tilespmem:v32+s16+$0x0], $0xffff  }
0x571: {  	v34 =	vmul.f32 v44, v17;
	v32 =	vshll.u32 v45, $0x10;
	v56 =	vld.idx.msk [tilespmem:v37+s16+$0x0], $0xffff;
	v37 =	vmul.f32 v51, v24  }
0x572: {  	v27 =	vor.u32 v10, v47;
	v44 =	vmul.f32 v41, v24;
	v30 =	vmul.f32 v30, v23;
	v42 =	vld.idx.msk [tilespmem:v42+s16+$0x0], $0xffff  }
0x573: {  	v31 =	vmul.f32 v46, v24;
	v51 =	vand.u32 $0xFFFF0000, v35;
	v32 =	vmul.f32 v32, v23  }
0x574: {  	v48 =	vmul.f32 v48, v23;
	v57 =	vshll.u32 v43, $0x10;
	v35 =	vshll.u32 v35, $0x10  }
0x575: {  	v36 =	vmul.f32 v38, v24;
	v41 =	vand.u32 $0xFFFF0000, v43;
	v38 =	vmul.f32 v35, v24  }
0x576: {  	v41 =	vmul.f32 v41, v22;
	v1 =	vadd.f32 v1, v34;
	v45 =	vshll.u32 v52, $0x10  }
0x577: {  	v35 =	vmul.f32 v40, v23;
	v34 =	vshll.u32 v49, $0x10;
	v49 =	vand.u32 $0xFFFF0000, v49  }
0x578: {  	v1 =	vadd.f32 v44, v1;
	v43 =	vmul.f32 v34, v17;
	v46 =	vshll.u32 v42, $0x10  }
0x579: {  	v40 =	vmul.f32 v49, v17;
	v49 =	vmul.f32 v53, v17;
	v34 =	vand.u32 $0xFFFF0000, v42  }
.Ltmp10:
0x57a: {  	v44 =	vand.u32 $0xFFFF0000, v52;
	v42 =	vmul.f32 v51, v24;
	v52 =	vmul.f32 v34, v22;
	(pc) =	sbr.rel @p0 .LBB2_22-.Ltmp10, $4  }
0x57b: {  	v53 =	vshll.u32 v56, $0x10;
	v34 =	vor.u32 v7, v47;
	v47 =	vmul.f32 v50, v17  }
0x57c: {  	v44 =	vmul.f32 v44, v24;
	v51 =	vmul.f32 v57, v22;
	v50 =	vadd.f32 v52, v40  }
0x57d: {  	v48 =	vadd.f32 v48, v1;
	v40 =	vmul.f32 v53, v23;
	v53 =	vmul.f32 v54, v22  }
0x57e: {  	v52 =	vand.u32 $0xFFFF0000, v56;
	v44 =	vadd.f32 v44, v50;
	v50 =	vmul.f32 v55, v22  }
0x57f: {  	v1 =	vmul.f32 v46, v22;
	v2 =	vadd.f32 v33, v49;
	v0 =	vadd.f32 v51, v0  }
0x580: {  	v3 =	vadd.f32 v53, v39;
	v9 =	vadd.f32 v41, v26  }
0x581: {  	v4 =	vmul.f32 v45, v24;
	v1 =	vadd.f32 v1, v43;
	v0 =	vadd.f32 v36, v0  }
0x582: {  	v2 =	vadd.f32 v37, v2;
	v9 =	vadd.f32 v31, v9  }
0x583: {  	v1 =	vadd.f32 v4, v1;
	v0 =	vadd.f32 v29, v0  }
0x584: {  	[tilespmem:v25+s0+$0x0] =	vst.idx.msk $0xffff, v48;
	v3 =	vadd.f32 v38, v3;
	v2 =	vadd.f32 v35, v2  }
0x585: {  	v4 =	vadd.f32 v50, v47;
	v1 =	vadd.f32 v40, v1;
	[tilespmem:v21+s0+$0x0] =	vst.idx.msk $0xffff, v0  }
0x586: {  	v3 =	vadd.f32 v32, v3;
	v0 =	vmul.f32 v52, v23;
	[tilespmem:v20+s0+$0x0] =	vst.idx.msk $0xffff, v2  }
0x587: {  	v9 =	vadd.f32 v30, v9;
	[tilespmem:v34+s0+$0x0] =	vst.idx.msk $0xffff, v1;
	v1 =	vadd.f32 v42, v4  }
0x588: {  	[tilespmem:v19+s0+$0x0] =	vst.idx.msk $0xffff, v3;
	v0 =	vadd.f32 v0, v44  }
0x589: {  	[tilespmem:v11+s0+$0x0] =	vst.idx.msk $0xffff, v9;
	v1 =	vadd.f32 v28, v1  }
0x58a: {  	[tilespmem:v27+s0+$0x0] =	vst.idx.msk $0xffff, v0  }
0x58b: {  	[tilespmem:v6+s0+$0x0] =	vst.idx.msk $0xffff, v1  }
0x58c: {  	v0 =	vld [tilespmem:$0xC20]  }
0x58d: {  	v10 =	vld [tilespmem:$0xC70]  }
0x58e: {  	v4 =	vld [tilespmem:$0xD10]  }
0x58f: {  	s4 =	simm.s32 $0x1;
	v2 =	vld [tilespmem:$0xCC0]  }
0x590: {  	s14 =	simm.s32 $0x3;
	v6 =	vmov s4  }
0x591: {  	v18 =	vmov s14;
	v11 =	vand.u32 $0x3D, v6;
	v1 =	vshll.u32 v0, $0x6  }
0x592: {  	v20 =	vand.u32 $0x3F, v18;
	v10 =	vshll.u32 v10, $0x6;
	v12 =	vor.u32 v1, v11  }
0x593: {  	s7 =	simm.s32 $0x2;
	v4 =	vshll.u32 v4, $0x6;
	v23 =	vor.u32 v10, v20  }
0x594: {  	v0 =	vmov s7;
	v3 =	vshll.u32 v2, $0x6;
	v28 =	vor.u32 v4, v20  }
0x595: {  	v9 =	vld [tilespmem:$0x1A8A0];
	v2 =	vand.u32 $0x3E, v0;
	v30 =	vor.u32 v3, v11  }
0x596: {  	v58 =	vld [tilespmem:$0x1FB60];
	v14 =	vor.u32 v3, v2  }
0x597: {  	v17 =	vor.u32 v4, v2;
	v21 =	vld.idx.msk [tilespmem:v12+s16+$0x0], $0xffff  }
0x598: {  	v19 =	vor.u32 v1, v2;
	v23 =	vld.idx.msk [tilespmem:v23+s16+$0x0], $0xffff  }
0x599: {  	v59 =	vld.idx.msk [tilespmem:v28+s16+$0x0], $0xffff  }
0x59a: {  	v12 =	vor.u32 v1, v20;
	v30 =	vld.idx.msk [tilespmem:v30+s16+$0x0], $0xffff  }
0x59b: {  	v18 =	vshll.u32 v18, $0x1;
	v22 =	vld.idx.msk [tilespmem:v14+s16+$0x0], $0xffff  }
0x59c: {  	v6 =	vshll.u32 v6, $0x1;
	v24 =	vor.u32 v10, v11;
	v27 =	vor.u32 v4, v11;
	v26 =	vld.idx.msk [tilespmem:v17+s16+$0x0], $0xffff  }
0x59d: {  	v29 =	vor.u32 v3, v20;
	v0 =	vshll.u32 v0, $0x1;
	v25 =	vor.u32 v10, v2;
	v19 =	vld.idx.msk [tilespmem:v19+s16+$0x0], $0xffff  }
0x59e: {  	v11 =	vor.u32 v58, v18;
	v2 =	vor.u32 v5, v18;
	v18 =	vld [tilespmem:$0x1A990];
	v20 =	vor.u32 v15, v0  }
0x59f: {  	v31 =	vld.idx.msk [tilespmem:v12+s16+$0x0], $0xffff;
	v55 =	vand.u32 $0xFFFF0000, v21;
	v12 =	vor.u32 v16, v0;
	v0 =	vshll.u32 v21, $0x10  }
0x5a0: {  	v45 =	vshll.u32 v23, $0x10;
	v49 =	vand.u32 $0xFFFF0000, v23;
	v56 =	vand.u32 $0xFFFF0000, v30  }
0x5a1: {  	v23 =	vand.u32 $0xFFFF0000, v59;
	v30 =	vshll.u32 v30, $0x10;
	v34 =	vand.u32 $0xFFFF0000, v22  }
0x5a2: {  	s15 =	simm.s32 $0x0;
	v25 =	vld.idx.msk [tilespmem:v25+s16+$0x0], $0xffff;
	v21 =	vmul.f32 v55, v9;
	v32 =	vshll.u32 v26, $0x10;
	v53 =	vshll.u32 v19, $0x10  }
0x5a3: {  	v17 =	vld [tilespmem:$0x1A8F0];
	v37 =	vand.u32 $0xFFFF0000, v19;
	v54 =	vshll.u32 v22, $0x10;
	v19 =	vmov s15  }
0x5a4: {  	v22 =	vld.idx.msk [tilespmem:v27+s16+$0x0], $0xffff;
	v39 =	vand.u32 $0xFFFF0000, v26;
	v0 =	vmul.f32 v0, v9;
	v23 =	vmul.f32 v23, v18  }
0x5a5: {  	v27 =	vand.u32 $0x3C, v19;
	v42 =	vshll.u32 v19, $0x1;
	v19 =	vld [tilespmem:$0x1A940];
	v51 =	vmul.f32 v53, v9  }
0x5a6: {  	v60 =	vor.u32 v1, v27;
	v61 =	vor.u32 v10, v27;
	v55 =	vor.u32 v3, v27  }
0x5a7: {  	v48 =	vld.idx.msk [tilespmem:v24+s16+$0x0], $0xffff;
	v44 =	vor.u32 v4, v27;
	v27 =	vshll.u32 v25, $0x10;
	v25 =	vand.u32 $0xFFFF0000, v25  }
0x5a8: {  	v28 =	vmul.f32 v25, v17;
	v50 =	vmul.f32 v27, v17;
	v26 =	vshll.u32 v31, $0x10  }
0x5a9: {  	v29 =	vld.idx.msk [tilespmem:v29+s16+$0x0], $0xffff;
	v47 =	vand.u32 $0xFFFF0000, v31;
	v25 =	vshll.u32 v22, $0x10;
	v33 =	vmul.f32 v26, v9  }
0x5aa: {  	v57 =	vld [tilespmem:$0x1FB70];
	v27 =	vand.u32 $0xFFFF0000, v22;
	v24 =	vmul.f32 v25, v18;
	v31 =	vmul.f32 v34, v19  }
0x5ab: {  	v8 =	vld [tilespmem:$0x1FB80];
	v59 =	vshll.u32 v59, $0x10;
	v25 =	vmul.f32 v27, v18;
	v52 =	vmul.f32 v54, v19  }
0x5ac: {  	v26 =	vmul.f32 v56, v19;
	v27 =	vmul.f32 v59, v18;
	v54 =	vshll.u32 v48, $0x10;
	v35 =	vld.idx.msk [tilespmem:v60+s16+$0x0], $0xffff  }
0x5ad: {  	v48 =	vand.u32 $0xFFFF0000, v48;
	v30 =	vmul.f32 v30, v19;
	v34 =	vmul.f32 v39, v18;
	v60 =	vld.idx.msk [tilespmem:v61+s16+$0x0], $0xffff  }
0x5ae: {  	v43 =	vld.idx.msk [tilespmem:v55+s16+$0x0], $0xffff;
	v61 =	vand.u32 $0xFFFF0000, v29;
	v55 =	vmul.f32 v32, v18;
	v29 =	vshll.u32 v29, $0x10  }
0x5af: {  	v36 =	vmul.f32 v48, v17;
	v32 =	vmul.f32 v29, v19;
	v29 =	vadd.f32 v50, v51  }
0x5b0: {  	v14 =	vor.u32 v57, v6;
	v56 =	vld.idx.msk [tilespmem:v44+s16+$0x0], $0xffff;
	v44 =	vmul.f32 v37, v9;
	v46 =	vmul.f32 v54, v17  }
0x5b1: {  	v48 =	vmul.f32 v45, v17;
	v37 =	vmul.f32 v61, v19;
	v39 =	vadd.f32 v52, v29  }
0x5b2: {  	v51 =	vshll.u32 v35, $0x10;
	v35 =	vand.u32 $0xFFFF0000, v35;
	v29 =	vand.u32 $0xFFFF0000, v60  }
0x5b3: {  	v7 =	vld [tilespmem:$0x1FBA0];
	v6 =	vor.u32 v8, v6;
	v35 =	vmul.f32 v35, v9;
	v53 =	vmul.f32 v29, v17  }
0x5b4: {  	v40 =	vshll.u32 v43, $0x10;
	v41 =	vshll.u32 v60, $0x10;
	v43 =	vand.u32 $0xFFFF0000, v43  }
0x5b5: {  	v59 =	vshll.u32 v56, $0x10;
	v61 =	vmul.f32 v43, v19;
	v60 =	vadd.f32 v53, v35  }
0x5b6: {  	v22 =	vor.u32 v13, v42;
	v45 =	vmul.f32 v49, v17;
	v35 =	vmul.f32 v59, v18;
	v59 =	vld [tilespmem:$0x1FFB0]  }
0x5b7: {  	v38 =	vmul.f32 v51, v9;
	v43 =	vadd.f32 v55, v39;
	v39 =	vadd.f32 v61, v60;
	v60 =	vld [tilespmem:$0x1FFC0]  }
0x5b8: {  	s15 =	simm.s32 $0x4;
	v29 =	vor.u32 v7, v42;
	v42 =	vmul.f32 v47, v9;
	v47 =	vand.u32 $0xFFFF0000, v56;
	v61 =	vld [tilespmem:$0x1FFD0]  }
.LBB2_24:
0x5b9: {  	s4 =	sadd.s32 $0x1, s15;
	s7 =	sadd.s32 $0x2, s15;
	s14 =	sadd.s32 $0x3, s15;
	v47 =	vmul.f32 v47, v18;
	v28 =	vadd.f32 v28, v44;
	v33 =	vadd.f32 v48, v33  }
0x5ba: {  	p0 =	slt.u32 s15, $0x3C;
	v0 =	vadd.f32 v46, v0;
	v44 =	vmov s4;
	v48 =	vmov s7;
	s7 =	smov.u32 s15;
	s15 =	sadd.s32 $0x4, s15  }
0x5bb: {  	v40 =	vmul.f32 v40, v19;
	v46 =	vand.u32 $0x3D, v44;
	v49 =	vand.u32 $0x3E, v48  }
0x5bc: {  	v41 =	vmul.f32 v41, v17;
	v50 =	vor.u32 v1, v46;
	v51 =	vor.u32 v10, v46  }
0x5bd: {  	v44 =	vshll.u32 v44, $0x1;
	v52 =	vor.u32 v10, v49;
	v53 =	vor.u32 v3, v49  }
0x5be: {  	v54 =	vmov s14;
	v28 =	vadd.f32 v31, v28;
	v31 =	vadd.f32 v45, v42  }
0x5bf: {  	v21 =	vadd.f32 v36, v21;
	v42 =	vor.u32 v4, v46;
	v45 =	vor.u32 v4, v49  }
0x5c0: {  	v36 =	vor.u32 v1, v49;
	v49 =	vand.u32 $0x3F, v54;
	[tilespmem:v20+s0+$0x0] =	vst.idx.msk $0xffff, v43;
	v20 =	vadd.f32 v32, v33  }
0x5c1: {  	v38 =	vadd.f32 v41, v38;
	v31 =	vadd.f32 v37, v31;
	v33 =	vor.u32 v1, v49;
	v32 =	vld.idx.msk [tilespmem:v50+s16+$0x0], $0xffff  }
0x5c2: {  	v41 =	vor.u32 v10, v49;
	v28 =	vadd.f32 v34, v28;
	v37 =	vld.idx.msk [tilespmem:v53+s16+$0x0], $0xffff;
	v27 =	vadd.f32 v27, v20  }
0x5c3: {  	v34 =	vor.u32 v3, v49;
	v23 =	vadd.f32 v23, v31;
	v43 =	vor.u32 v4, v49  }
0x5c4: {  	v39 =	vadd.f32 v47, v39;
	v38 =	vadd.f32 v40, v38;
	v20 =	vshll.u32 v54, $0x1;
	v31 =	vld.idx.msk [tilespmem:v45+s16+$0x0], $0xffff  }
0x5c5: {  	v0 =	vadd.f32 v30, v0;
	v40 =	vor.u32 v3, v46;
	v45 =	vshll.u32 v48, $0x1;
	v36 =	vld.idx.msk [tilespmem:v36+s16+$0x0], $0xffff  }
0x5c6: {  	v21 =	vadd.f32 v26, v21;
	v30 =	vor.u32 v57, v44;
	v46 =	vor.u32 v5, v20;
	v33 =	vld.idx.msk [tilespmem:v33+s16+$0x0], $0xffff  }
0x5c7: {  	v44 =	vor.u32 v8, v44;
	v0 =	vadd.f32 v24, v0;
	v26 =	vand.u32 $0xFFFF0000, v32;
	v41 =	vld.idx.msk [tilespmem:v41+s16+$0x0], $0xffff  }
0x5c8: {  	v35 =	vadd.f32 v35, v38;
	v48 =	vor.u32 v58, v20;
	v47 =	vand.u32 $0xFFFF0000, v37;
	v24 =	vld.idx.msk [tilespmem:v52+s16+$0x0], $0xffff  }
0x5c9: {  	v25 =	vadd.f32 v25, v21;
	v20 =	vor.u32 v15, v45;
	v38 =	vor.u32 v16, v45;
	v43 =	vld.idx.msk [tilespmem:v43+s16+$0x0], $0xffff  }
0x5ca: {  	v32 =	vshll.u32 v32, $0x10;
	v21 =	vmul.f32 v26, v9;
	v45 =	vshll.u32 v31, $0x10;
	v34 =	vld.idx.msk [tilespmem:v34+s16+$0x0], $0xffff;
	[tilespmem:v14+s0+$0x0] =	vst.idx.msk $0xffff, v0  }
0x5cb: {  	v49 =	vand.u32 $0xFFFF0000, v36;
	v14 =	vmovc v30;
	v26 =	vld.idx.msk [tilespmem:v40+s16+$0x0], $0xffff;
	v40 =	vshll.u32 v36, $0x10;
	v36 =	vshll.u32 v37, $0x10;
	[tilespmem:v29+s0+$0x0] =	vst.idx.msk $0xffff, v35  }
0x5cc: {  	v0 =	vmov s7;
	v35 =	vand.u32 $0xFFFF0000, v31;
	v30 =	vshll.u32 v33, $0x10;
	v29 =	vld.idx.msk [tilespmem:v42+s16+$0x0], $0xffff;
	[tilespmem:v12+s0+$0x0] =	vst.idx.msk $0xffff, v28;
	v12 =	vmovc v38  }
0x5cd: {  	v28 =	vand.u32 $0x3C, v0;
	v42 =	vshll.u32 v0, $0x1;
	v50 =	vshll.u32 v41, $0x10;
	[tilespmem:v6+s0+$0x0] =	vst.idx.msk $0xffff, v25;
	v6 =	vmovc v44  }
0x5ce: {  	v25 =	vor.u32 v1, v28;
	v37 =	vor.u32 v10, v28;
	v38 =	vld.idx.msk [tilespmem:v51+s16+$0x0], $0xffff;
	[tilespmem:v11+s0+$0x0] =	vst.idx.msk $0xffff, v27  }
0x5cf: {  	v31 =	vor.u32 v4, v28;
	v27 =	vor.u32 v3, v28;
	v11 =	vmov v48;
	[tilespmem:v22+s0+$0x0] =	vst.idx.msk $0xffff, v39  }
0x5d0: {  	v0 =	vand.u32 $0xFFFF0000, v24;
	v51 =	vand.u32 $0xFFFF0000, v41;
	v22 =	vshll.u32 v24, $0x10;
	[tilespmem:v2+s0+$0x0] =	vst.idx.msk $0xffff, v23;
	v2 =	vmovc v46  }
0x5d1: {  	v28 =	vmul.f32 v0, v17;
	v39 =	vand.u32 $0xFFFF0000, v26;
	v46 =	vand.u32 $0xFFFF0000, v33  }
0x5d2: {  	v0 =	vmul.f32 v32, v9;
	v23 =	vand.u32 $0xFFFF0000, v43;
	v24 =	vshll.u32 v29, $0x10  }
0x5d3: {  	v32 =	vshll.u32 v26, $0x10;
	v44 =	vmul.f32 v22, v17;
	v23 =	vmul.f32 v23, v18;
	v41 =	vld.idx.msk [tilespmem:v25+s16+$0x0], $0xffff  }
0x5d4: {  	v33 =	vmul.f32 v30, v9;
	v24 =	vmul.f32 v24, v18;
	v25 =	vand.u32 $0xFFFF0000, v29;
	v48 =	vld.idx.msk [tilespmem:v27+s16+$0x0], $0xffff  }
0x5d5: {  	v29 =	vmul.f32 v40, v9;
	v27 =	vshll.u32 v43, $0x10;
	v52 =	vld.idx.msk [tilespmem:v31+s16+$0x0], $0xffff;
	v31 =	vmul.f32 v47, v19  }
0x5d6: {  	v22 =	vor.u32 v13, v42;
	v25 =	vmul.f32 v25, v18;
	v43 =	vmul.f32 v36, v19;
	v37 =	vld.idx.msk [tilespmem:v37+s16+$0x0], $0xffff  }
0x5d7: {  	v26 =	vmul.f32 v39, v19;
	v39 =	vand.u32 $0xFFFF0000, v34;
	v27 =	vmul.f32 v27, v18  }
0x5d8: {  	v45 =	vmul.f32 v45, v18;
	v34 =	vshll.u32 v34, $0x10;
	v47 =	vshll.u32 v38, $0x10  }
0x5d9: {  	v30 =	vmul.f32 v32, v19;
	v32 =	vmul.f32 v34, v19;
	v36 =	vand.u32 $0xFFFF0000, v38  }
0x5da: {  	v36 =	vmul.f32 v36, v17;
	v29 =	vadd.f32 v44, v29;
	v40 =	vshll.u32 v48, $0x10  }
0x5db: {  	v34 =	vmul.f32 v35, v18;
	v38 =	vshll.u32 v41, $0x10;
	v44 =	vand.u32 $0xFFFF0000, v41  }
0x5dc: {  	v43 =	vadd.f32 v43, v29;
	v38 =	vmul.f32 v38, v9;
	v41 =	vshll.u32 v37, $0x10  }
0x5dd: {  	v35 =	vmul.f32 v44, v9;
	v44 =	vmul.f32 v49, v9;
	v29 =	vand.u32 $0xFFFF0000, v37  }
.Ltmp11:
0x5de: {  	v48 =	vand.u32 $0xFFFF0000, v48;
	v37 =	vmul.f32 v39, v19;
	v49 =	vmul.f32 v29, v17;
	(pc) =	sbr.rel @p0 .LBB2_24-.Ltmp11, $4  }
0x5df: {  	v39 =	vshll.u32 v52, $0x10;
	v29 =	vor.u32 v7, v42;
	v42 =	vmul.f32 v46, v9  }
0x5e0: {  	v53 =	vmul.f32 v48, v19;
	v46 =	vmul.f32 v47, v17;
	v49 =	vadd.f32 v49, v35  }
0x5e1: {  	v43 =	vadd.f32 v45, v43;
	v48 =	vmul.f32 v50, v17;
	v35 =	vmul.f32 v39, v18  }
0x5e2: {  	v45 =	vmul.f32 v51, v17;
	v47 =	vand.u32 $0xFFFF0000, v52;
	v39 =	vadd.f32 v53, v49  }
0x5e3: {  	v3 =	vadd.f32 v28, v44;
	v0 =	vadd.f32 v46, v0  }
0x5e4: {  	v1 =	vmul.f32 v41, v17;
	v4 =	vadd.f32 v48, v33;
	v7 =	vadd.f32 v36, v21  }
0x5e5: {  	v56 =	vadd.f32 v45, v42;
	v0 =	vadd.f32 v30, v0  }
0x5e6: {  	v1 =	vadd.f32 v1, v38;
	v3 =	vadd.f32 v31, v3  }
0x5e7: {  	v5 =	vmul.f32 v40, v19;
	v4 =	vadd.f32 v32, v4;
	v0 =	vadd.f32 v24, v0  }
0x5e8: {  	[tilespmem:v20+s0+$0x0] =	vst.idx.msk $0xffff, v43;
	v7 =	vadd.f32 v26, v7;
	v3 =	vadd.f32 v34, v3  }
0x5e9: {  	v1 =	vadd.f32 v5, v1;
	v4 =	vadd.f32 v27, v4;
	[tilespmem:v14+s0+$0x0] =	vst.idx.msk $0xffff, v0  }
0x5ea: {  	v57 =	vmul.f32 v47, v18;
	v7 =	vadd.f32 v25, v7;
	[tilespmem:v12+s0+$0x0] =	vst.idx.msk $0xffff, v3  }
0x5eb: {  	v58 =	vadd.f32 v37, v56;
	v1 =	vadd.f32 v35, v1;
	[tilespmem:v11+s0+$0x0] =	vst.idx.msk $0xffff, v4  }
0x5ec: {  	s10 =	sadd.s32 $0x1, s10;
	v0 =	vadd.f32 v57, v39;
	[tilespmem:v6+s0+$0x0] =	vst.idx.msk $0xffff, v7  }
0x5ed: {  	s4 =	sadd.s32 s11, s9;
	p0 =	sne.s32 s10, $0xA;
	[tilespmem:v29+s0+$0x0] =	vst.idx.msk $0xffff, v1;
	v1 =	vadd.f32 v23, v58  }
.Ltmp12:
0x5ee: {  	s4 =	sshll.u32 s4, $0x5;
	[tilespmem:v22+s0+$0x0] =	vst.idx.msk $0xffff, v0;
	(pc) =	sbr.rel @p0 .LBB2_2-.Ltmp12, $4  }
0x5ef: {  	s7 =	sadd.s32 s3, s4;
	[tilespmem:v2+s0+$0x0] =	vst.idx.msk $0xffff, v1  }
0x5f0: {  	[hbm4b:s7+s28] =	stream.strided.scatter [tilespmem:s0], [sflag:$0x6], $0x2800, s29, s28, $0x38;
	[tilespmem:$0x1A9A0] =	vst v63  }
0x5f1: {  	s4 =	sadd.s32 s4, s13  }
0x5f2: {  	[hbm4b:s4+s28] =	stream.strided.scatter [tilespmem:s25], [sflag:$0x6], $0x2800, s29, s28, $0x38;
	[tilespmem:$0x1A9A0] =	vst v63  }
0x5f3: {  	_ =	swait.ge [sflag:s2], $0x2800  }
0x5f4: {  	[sflag:s2] =	ssyncset.done $0x0  }
0x5f5: {  	[sflag:s2] =	ssyncadd.s32 $0xFFFFD800  }
0x5f6: {  	_ =	swait.ge [sflag:s2], $0x2800  }
0x5f7: {  	s7 =	rddreg [dreg:$0x9]  }
0x5f8: {  	s4 =	rddreg [dreg:$0x8];
	s7 =	sadd.s32 $0x1, s7  }
0x5f9: {  	p0 =	sne.s32 s7, s4  }
.Ltmp13:
0x5fa: {  	_ = 	snop;
	(pc) =	sbr.rel @p0 .LBB2_1-.Ltmp13, $3  }
0x5fb: {  	_ =	sdelay $0x1  }
0x5fc: {  	[sflag:s2] =	ssyncset.done $0x0  }
0x5fd: {  	[sflag:s2] =	ssyncadd.s32 $0xFFFFD800  }
0x5fe: {  	_ =	sfence.sel $0x180000  }
0x5ff: {  	[bflag:$0x0] =	sbarrier.arrive $0xFFFF  }
0x600: {  	_ =	strace $0x90000047  }
0x601: {  	s0 =	stileid.u32;
	[bflag:$0x2] =	sbarrier.arrive $0xFFFF  }
0x602: {  	p0 =	sne.s32 s0, $0x0;
	s0 =	rddreg [dreg:$0x3]  }
0x603: {  	s0 =	sadd.s32 @!p0 $0x100000, s0  }
0x604: {  	[sflag:s0] =	ssyncadd.tile.s32 @!p0 $0x1;
	_ =	shalt  }
.Lfunc_end2:
_tile_overlayer_lowered:
.L_overlay_start_2:
0x605: {  	(tag) =	ssettag $0x2  }
0x606: {  	s0 =	rddreg [dreg:$0x0];
	s2 =	stileid.u32  }
0x607: {  	s1 =	rddreg [dreg:$0x1];
	p0 =	sne.s32 s2, $0x0  }
0x608: {  	s3 =	rddreg [dreg:$0x2];
	[bflag:$0x3] =	sbarrier.arrive $0xFFFF;
	s2 =	simm.s32 @!p0 $0x1C07  }
0x609: {  	[timem:s3], [sflag:s2] =	dma.local @!p0 [hbm:s0], s1  }
0x60a: {  	s0 =	simm.s32 @!p0 $0x7  }
0x60b: {  	_ =	swait.ge @!p0 [sflag:s0], s1  }
0x60c: {  	s1 =	ssub.s32 @!p0 $0x0, s1;
	[sflag:s0] =	ssyncset.done @!p0 $0x0  }
0x60d: {  	[sflag:s0] =	ssyncadd.s32 @!p0 s1  }
0x60e: {  	[bflag:$0x3] =	sbarrier.arrive $0xFFFF  }
0x60f: {  	_ =	shalt  }

// kernel: sparse-core-data-format-call.cloned.1.call-start
scs
called_computation_lowered:
.L_overlay_start_0:
0x0: {  	s2 =	sld [smem:$0x3FD9]  }
0x1: {  	s3 =	sld [smem:$0x3FFE];
	_ =	sdelay $0x1  }
0x2: {  	s1 =	srdreg.scid  }
0x3: {  	s0 =	sand.u32 $0x1, s1  }
0x4: {  	s18 =	sshll.u32 s0, $0xA;
	s2 =	sadd.s32 s3, s2  }
0x5: {  	s2 =	sadd.s32 s2, s18  }
0x6: {  	[smem:$0x3FC3] =	sst s2  }
0x7: {  	_ = 	snop  }
0x8: {  	s2 =	sld [smem:$0x3FD0];
	(tm) =	ssettm $0x1  }
0x9: {  	s19 =	sld [smem:$0x3FFB];
	_ =	sdelay $0x3  }
0xa: {  	_ =	strace s19  }
0xb: {  	s3 =	sld [smem:$0x3FFC];
	_ =	sdelay $0x3  }
0xc: {  	_ =	strace s3  }
0xd: {  	s3 =	sld [smem:$0x3FFD];
	_ =	sdelay $0x3  }
0xe: {  	_ =	strace s3  }
0xf: {  	_ =	strace $0x8FFFFFFF  }
0x10: {  	s20 =	sld [smem:$0x3FDB];
	_ =	sdelay $0x1  }
0x11: {  	s4 =	simm.s32 $_scs_section_size  }
0x12: {  	s5 =	simm.s32 $_size__tile_overlayer_lowered;
	s6 =	simm.s32 $_tile_overlayer_lowered  }
0x13: {  	s23 =	simm.s32 $0x1BFF;
	s22 =	sshll.u32 s6, $0x1;
	s3 =	sadd.s32 s4, s20  }
0x14: {  	s7 =	simm.s32 $0x0;
	s21 =	sshll.u32 s5, $0x1;
	s5 =	sadd.s32 s22, s3  }
0x15: {  	[timem:s7], [sflag:s23] =	dma.local [hbm:s5], s21  }
0x16: {  	_ =	swait.ge [sflag:s23], s21  }
0x17: {  	s4 =	ssub.s32 $0x0, s21;
	[sflag:s23] =	ssyncset.done $0x0  }
0x18: {  	[sflag:s23] =	ssyncadd.s32 s4;
	_ =	sdelay $0x1  }
0x19: {  	s24 =	simm.s32 $0x1B8B  }
0x1a: {  	_ =	swait.ge [sflag:s24], $0x1  }
0x1b: {  	[sflag:s24] =	ssyncset.done $0x0  }
0x1c: {  	s26 =	simm.s32 $0x1B8E;
	s25 =	sld [smem:$0x3FFE];
	[sflag:s24] =	ssyncadd.s32 $0xFFFFFFFF  }
0x1d: {  	s27 =	simm.s32 $execute0_lowered;
	[smem:$0x3FD2] =	sst s26  }
0x1e: {  	s5 =	sshll.u32 s27, $0x1;
	_ =	strace $0x80000049;
	[dreg:$0x1] =	wrdreg $0xFFFFFFFF  }
0x1f: {  	s28 =	simm.s32 $_size_execute0_lowered;
	s3 =	sadd.s32 s3, s5;
	[dreg:$0x0] =	wrdreg $0x0  }
0x20: {  	s5 =	sshll.u32 s28, $0x1;
	[dreg:$0x2] =	wrdreg s3  }
0x21: {  	[dreg:$0x3] =	wrdreg s5  }
0x22: {  	[dreg:$0x4] =	wrdreg $0xC0  }
0x23: {  	_ =	task [dreg:s7], $0x5FFFF  }
0x24: {  	[dreg:$0x1] =	wrdreg $0xFFFFFFFF  }
0x25: {  	[dreg:$0x0] =	wrdreg $0x60  }
0x26: {  	[dreg:$0x2] =	wrdreg s25  }
0x27: {  	[dreg:$0x3] =	wrdreg s2  }
0x28: {  	[dreg:$0x4] =	wrdreg $0x9  }
0x29: {  	_ =	task.clear_ibuf [dreg:s7], $0x5FFFF;
	_ =	strace $0x90000049  }
0x2a: {  	s29 =	simm.s32 $0x9;
	_ =	strace $0x8000004B  }
0x2b: {  	_ =	swait.ge [sflag:s29], $0x1  }
0x2c: {  	[sflag:s29] =	ssyncadd.s32 $0xFFFFFFFF  }
0x2d: {  	_ =	strace $0x9000004B  }
0x2e: {  	_ =	sfence  }
0x2f: {  	s30 =	sld [smem:$0x0];
	_ =	sdelay $0x2  }
0x30: {  	s31 =	sshll.u32 s1, $0xD;
	s1 =	sshrl.u32 s1, $0x2  }
0x31: {  	s3 =	sand.u32 $0x4000, s31;
	s1 =	sadd.s32 s1, s30  }
0x32: {  	s0 =	sor.u32 s3, s0;
	s1 =	sshll.u32 s1, $0x11  }
0x33: {  	s0 =	sor.u32 s1, s0  }
0x34: {  	s0 =	sadd.s32 $0x8F2B, s0  }
0x35: {  	[sflag:s0] =	ssyncadd.remote.s32 $0x1  }
0x36: {  	_ =	sfence.sel $0xFFFF  }
0x37: {  	[dreg:$0x0] =	wrdreg $0xFFFFFFFF;
	(pc) =	sbr.abs _section_cstart, $3  }
0x38: {  	[dreg:$0x1] =	wrdreg $0xFFFFFFFF  }
0x39: {  	_ =	task.clear_ibuf [dreg:s7], $0x2FFFF;
	_ =	strace $0x9FFFFFFF  }
0x3a: {  	(tm) =	ssettm $0x7FFFFFFF  }
0x3b: {  	_ =	shalt  }
tec
execute0_lowered:
.L_overlay_start_1:
0x0: {  	(tag) =	ssettag $0x1  }
0x1: {  	s0 =	stileid.u32;
	s8 =	rddreg [dreg:$0x0]  }
0x2: {  	s2 =	rddreg [dreg:$0x1];
	s5 =	srdreg.scid  }
0x3: {  	s31 =	simm.s32 $0x2;
	s19 =	simm.s32 $0x0;
	s12 =	simm.s32 $0x800  }
0x4: {  	s13 =	simm.s32 $0x0;
	s17 =	simm.s32 $0x0;
	s1 =	sshll.u32 s0, $0x7  }
0x5: {  	s18 =	simm.s32 $0x0;
	s16 =	simm.s32 $0x0;
	s3 =	sand.u32 $0x380, s1  }
0x6: {  	s4 =	sshrl.u32 s0, $0x3;
	s5 =	sshll.u32 s5, $0x7;
	s6 =	ssub.s32 $0x400, s3  }
0x7: {  	s5 =	sand.u32 $0x80, s5;
	s9 =	ssub.s32 $0x32, s4;
	s7 =	sand.u32 $0x380, s6  }
0x8: {  	s10 =	sshrl.u32 s9, $0x1;
	p0 =	sne.s32 s7, $0x0;
	s7 =	simm.s32 $0x1  }
0x9: {  	s9 =	sand.u32 $0x1, s9;
	s6 =	sshrl.u32 s6, $0xA;
	s7 =	simm.s32 @!p0 $0x0  }
0xa: {  	s11 =	ssub.s32 $0x100, s5;
	s28 =	sadd.s32 s9, s10;
	s6 =	sadd.s32 s7, s6  }
0xb: {  	s8 =	sadd.s32 $0x800, s8;
	s29 =	sshrl.u32 s11, $0x7;
	s7 =	smul.u32 s28, s6  }
.Ltmp0:
0xc: {  	s30 =	sshrl.u32 s11, $0x8;
	s9 =	sand.u32 $0x1, s29;
	(pc) =	sbr.rel .LBB1_1-.Ltmp0, $4  }
0xd: {  	s1 =	rddreg [dreg:$0x2];
	_ =	strace $0x8000004A;
	s9 =	sadd.s32 s30, s9  }
0xe: {  	s14 =	smov.u32 s4;
	s6 =	simm.s32 $0x1;
	s7 =	smul.u32 s9, s7  }
0xf: {  	s15 =	smov.u32 s3;
	s11 =	simm.s32 $0x400;
	[sflag:s6] =	ssyncpa.u1 $0x0  }
0x10: {  	[sflag:s31] =	ssyncpa.u1 $0x0;
	s9 =	sshll.u32 s5, $0x3;
	s10 =	sadd.s32 $0x1, s7  }
.LBB1_4:
0x11: {  	_ =	sdelay $0x3  }
0x12: {  	[tilespmem:v0+s22+$0xFFFFFFD0 ss:$0x1] =	vst.idx.msk $0xffff, v6  }
0x13: {  	v56 =	vld.idx.msk [tilespmem:v1+s21+$0x0 ss:$0x1], $0xffff;
	[tilespmem:v0+s22+$0xFFFFFFE0 ss:$0x1] =	vst.idx.msk $0xffff, v4  }
0x14: {  	v57 =	vld.idx.msk [tilespmem:v1+s21+$0xFFFFFF90 ss:$0x1], $0xffff;
	[tilespmem:v0+s22+$0xFFFFFFF0 ss:$0x1] =	vst.idx.msk $0xffff, v2  }
0x15: {  	v58 =	vld.idx.msk [tilespmem:v1+s21+$0xFFFFFFA0 ss:$0x1], $0xffff;
	[tilespmem:v0+s22+$0x0 ss:$0x1] =	vst.idx.msk $0xffff, v3  }
0x16: {  	v59 =	vld.idx.msk [tilespmem:v1+s21+$0xFFFFFFB0 ss:$0x1], $0xffff;
	[tilespmem:v0+s22+$0x10 ss:$0x1] =	vst.idx.msk $0xffff, v5  }
0x17: {  	v60 =	vld.idx.msk [tilespmem:v1+s21+$0xFFFFFFC0 ss:$0x1], $0xffff;
	[tilespmem:v0+s22+$0x20 ss:$0x1] =	vst.idx.msk $0xffff, v7  }
0x18: {  	v61 =	vld.idx.msk [tilespmem:v1+s21+$0xFFFFFFD0 ss:$0x1], $0xffff;
	[tilespmem:v0+s21+$0x30 ss:$0x1] =	vst.idx.msk $0xffff, v56  }
0x19: {  	v62 =	vld.idx.msk [tilespmem:v1+s21+$0xFFFFFFE0 ss:$0x1], $0xffff;
	s29 =	sshll.u32 s18, $0x8;
	[tilespmem:v0+s21+$0xFFFFFFC0 ss:$0x1] =	vst.idx.msk $0xffff, v57  }
0x1a: {  	v63 =	vld.idx.msk [tilespmem:v1+s21+$0xFFFFFFF0 ss:$0x1], $0xffff;
	s19 =	sshll.u32 s19, $0x3;
	s23 =	sshll.u32 s18, $0x7;
	s22 =	sand.u32 $0x3F800, s29;
	[tilespmem:v0+s21+$0xFFFFFFD0 ss:$0x1] =	vst.idx.msk $0xffff, v58  }
0x1b: {  	s30 =	sand.u32 $0x300, s23;
	s19 =	sor.u32 s22, s19;
	[tilespmem:v0+s21+$0xFFFFFFE0 ss:$0x1] =	vst.idx.msk $0xffff, v59  }
0x1c: {  	s17 =	sshll.u32 s17, $0xF;
	s31 =	sshll.u32 s18, $0x4;
	s19 =	sor.u32 s30, s19;
	[tilespmem:v0+s21+$0xFFFFFFF0 ss:$0x1] =	vst.idx.msk $0xffff, v60  }
0x1d: {  	s18 =	sand.u32 $0x10, s31;
	s17 =	sadd.s32 s2, s17;
	s19 =	sshrl.u32 s19, $0x3;
	[tilespmem:v0+s21+$0x0 ss:$0x1] =	vst.idx.msk $0xffff, v61  }
0x1e: {  	s17 =	sadd.s32 s18, s17;
	[tilespmem:v0+s21+$0x10 ss:$0x1] =	vst.idx.msk $0xffff, v62;
	s19 =	sand.u32 $0x7FE0, s19  }
0x1f: {  	[tilespmem:v0+s21+$0x20 ss:$0x1] =	vst.idx.msk $0xffff, v63;
	s17 =	sadd.s32 s19, s17  }
0x20: {  	[hbm4b:s17+s11] =	stream.strided.scatter [tilespmem:s20], [sflag:$0x2], $0x4000, s12, s11, $0x38;
	[tilespmem:$0x10000] =	vst v63  }
.LBB1_5:
0x21: {  	s20 =	sadd.s32 $0x2, s14  }
0x22: {  	s17 =	sadd.s32 $0x400, s15;
	s21 =	smov.u32 s15;
	p1 =	sgt.s32 s20, $0x31  }
0x23: {  	s21 =	smov.u32 @p1 s17  }
0x24: {  	s20 =	smov.u32 @p1 s4;
	p1 =	sgt.s32 s21, $0x3FF  }
0x25: {  	s21 =	smov.u32 @p1 s3;
	p1 =	sne.s32 s16, s10  }
.Ltmp1:
0x26: {  	p0 =	slt.u32 s16, $0x2;
	(pc) =	sbr.rel @!p1 .LBB1_6-.Ltmp1, $4  }
0x27: {  	s18 =	smov.u32 s15;
	s19 =	simm.s32 @!p0 $0x2  }
0x28: {  	s13 =	sadd.s32 $0x4000, s13;
	_ =	swait.ge @!p0 [sflag:s19], $0x4000;
	s17 =	smov.u32 s14  }
0x29: {  	[sflag:s19] =	ssyncset.done @!p0 $0x0;
	s14 =	smov.u32 s20;
	s16 =	sadd.s32 $0x1, s16  }
0x2a: {  	[sflag:s19] =	ssyncadd.s32 @!p0 $0xFFFFC000;
	s19 =	smov.u32 s5;
	s15 =	smov.u32 s21  }
.LBB1_1:
0x2b: {  	p0 =	sge.u32 s16, s7  }
0x2c: {  	s20 =	sshll.u32 @!p0 s14, $0x8  }
0x2d: {  	s21 =	sshll.u32 @!p0 s14, $0x7;
	s20 =	sand.u32 @!p0 $0xFFFFF800, s20  }
0x2e: {  	s21 =	sand.u32 @!p0 $0x300, s21;
	s20 =	sor.u32 @!p0 s9, s20  }
0x2f: {  	s20 =	sor.u32 @!p0 s21, s20  }
0x30: {  	s20 =	sshrl.u32 @!p0 s20, $0x8  }
0x31: {  	s21 =	smulhi.u32 @!p0 $0x4924925, s20;
	_ =	sdelay $0x1  }
0x32: {  	s21 =	smul.u32 @!p0 $0x38, s21  }
0x33: {  	s31 =	sadd.s32 $0xFFFFFFFF, s16;
	s22 =	smul.u32 @!p0 $0x700, s15  }
0x34: {  	s23 =	sxor.u32 @!p0 $0xFFFFFFFF, s16;
	s20 =	ssub.s32 @!p0 s20, s21;
	s21 =	sshll.u32 @!p0 s14, $0x4  }
0x35: {  	s23 =	sshll.u32 @!p0 s23, $0xE;
	s22 =	sadd.s32 @!p0 s8, s22;
	s21 =	sand.u32 @!p0 $0x10, s21  }
0x36: {  	s23 =	sand.u32 @!p0 $0x4000, s23;
	s20 =	sshll.u32 @!p0 s20, $0x5;
	s21 =	sadd.s32 @!p0 s21, s22  }
0x37: {  	s22 =	simm.s32 @!p0 $0x3800;
	s20 =	sadd.s32 @!p0 s20, s21;
	s21 =	simm.s32 @!p0 $0x80  }
0x38: {  	[tilespmem:s23], [sflag:$0x1] =	stream.strided.gather @!p0 [hbm4b:s20+s21], $0x4000, s22, s21, $0x38;
	[tilespmem:$0x10000] =	vst v63  }
0x39: {  	p0 =	sge.u32 s31, s7  }
.Ltmp2:
0x3a: {  	_ = 	snop;
	(pc) =	sbr.rel @p0 .LBB1_5-.Ltmp2, $1  }
0x3b: {  	_ =	sdelay $0x3  }
0x3c: {  	s20 =	sand.u32 $0x4000, s13  }
0x3d: {  	s21 =	sor.u32 $0x70, s20  }
0x3e: {  	v1 =	vmov s21;
	_ =	sdelay $0x1  }
0x3f: {  	_ =	swait.ge [sflag:s6], $0x4000  }
0x40: {  	[sflag:s6] =	ssyncset.done $0x0  }
0x41: {  	s22 =	simm.s32 $0x0;
	[sflag:s6] =	ssyncadd.s32 $0xFFFFC000  }
0x42: {  	s20 =	sor.u32 $0x8040, s20;
	v7 =	vld.idx.msk [tilespmem:v1+s22+$0x0 ss:$0x1], $0xffff  }
0x43: {  	v0 =	vmov s20;
	v8 =	vld.idx.msk [tilespmem:v1+s22+$0xFFFFFF90 ss:$0x1], $0xffff  }
0x44: {  	v6 =	vld.idx.msk [tilespmem:v1+s22+$0xFFFFFFA0 ss:$0x1], $0xffff  }
0x45: {  	v4 =	vld.idx.msk [tilespmem:v1+s22+$0xFFFFFFB0 ss:$0x1], $0xffff  }
0x46: {  	v2 =	vld.idx.msk [tilespmem:v1+s22+$0xFFFFFFC0 ss:$0x1], $0xffff  }
0x47: {  	s31 =	sshll.u32 s16, $0xE;
	v3 =	vld.idx.msk [tilespmem:v1+s22+$0xFFFFFFD0 ss:$0x1], $0xffff  }
0x48: {  	s20 =	sand.u32 $0x4000, s31;
	v5 =	vld.idx.msk [tilespmem:v1+s22+$0xFFFFFFE0 ss:$0x1], $0xffff;
	[tilespmem:v0+s22+$0x30 ss:$0x1] =	vst.idx.msk $0xffff, v7  }
0x49: {  	s23 =	simm.s32 $0x400;
	s21 =	simm.s32 $0x80;
	s20 =	sor.u32 $0x8000, s20;
	[tilespmem:v0+s22+$0xFFFFFFC0 ss:$0x1] =	vst.idx.msk $0xffff, v8;
	v7 =	vld.idx.msk [tilespmem:v1+s22+$0xFFFFFFF0 ss:$0x1], $0xffff  }
.LBB1_3:
0x4a: {  	p0 =	sne.s32 s23, $0xFE00;
	v8 =	vld.idx.msk [tilespmem:v1+s21+$0x0 ss:$0x1], $0xffff;
	[tilespmem:v0+s22+$0xFFFFFFD0 ss:$0x1] =	vst.idx.msk $0xffff, v6  }
0x4b: {  	v9 =	vld.idx.msk [tilespmem:v1+s21+$0xFFFFFF90 ss:$0x1], $0xffff;
	[tilespmem:v0+s22+$0xFFFFFFE0 ss:$0x1] =	vst.idx.msk $0xffff, v4  }
0x4c: {  	v6 =	vld.idx.msk [tilespmem:v1+s21+$0xFFFFFFA0 ss:$0x1], $0xffff;
	[tilespmem:v0+s22+$0xFFFFFFF0 ss:$0x1] =	vst.idx.msk $0xffff, v2  }
.Ltmp3:
0x4d: {  	v4 =	vld.idx.msk [tilespmem:v1+s21+$0xFFFFFFB0 ss:$0x1], $0xffff;
	[tilespmem:v0+s22+$0x0 ss:$0x1] =	vst.idx.msk $0xffff, v3;
	(pc) =	sbr.rel @p0 .LBB1_3-.Ltmp3, $4  }
0x4e: {  	v2 =	vld.idx.msk [tilespmem:v1+s21+$0xFFFFFFC0 ss:$0x1], $0xffff;
	[tilespmem:v0+s22+$0x10 ss:$0x1] =	vst.idx.msk $0xffff, v5  }
0x4f: {  	v3 =	vld.idx.msk [tilespmem:v1+s21+$0xFFFFFFD0 ss:$0x1], $0xffff;
	[tilespmem:v0+s22+$0x20 ss:$0x1] =	vst.idx.msk $0xffff, v7;
	s22 =	smov.u32 s21  }
0x50: {  	v5 =	vld.idx.msk [tilespmem:v1+s22+$0xFFFFFFE0 ss:$0x1], $0xffff;
	[tilespmem:v0+s22+$0x30 ss:$0x1] =	vst.idx.msk $0xffff, v8  }
0x51: {  	s21 =	sshra.s32 s23, $0x2;
	s23 =	sadd.s32 $0x200, s23;
	[tilespmem:v0+s22+$0xFFFFFFC0 ss:$0x1] =	vst.idx.msk $0xffff, v9;
	v7 =	vld.idx.msk [tilespmem:v1+s22+$0xFFFFFFF0 ss:$0x1], $0xffff  }
.Ltmp4:
0x52: {  	_ = 	snop;
	(pc) =	sbr.rel .LBB1_4-.Ltmp4, $1  }
0x53: {  	_ =	sdelay $0x3  }
.LBB1_6:
0x54: {  	_ =	sfence.sel $0x180000  }
0x55: {  	s2 =	simm.s32 $0x1;
	[bflag:$0x0] =	sbarrier.arrive $0xFFFF  }
0x56: {  	s31 =	simm.s32 $0x2;
	[sflag:s2] =	ssyncpa.u1 $0x1  }
0x57: {  	[sflag:s31] =	ssyncpa.u1 $0x1  }
0x58: {  	p0 =	sne.s32 s0, $0x0;
	_ =	strace $0x9000004A  }
0x59: {  	s0 =	sadd.s32 @!p0 $0x100000, s1;
	[bflag:$0x2] =	sbarrier.arrive $0xFFFF  }
0x5a: {  	[sflag:s0] =	ssyncadd.tile.s32 @!p0 $0x1;
	_ =	shalt  }
.Lfunc_end1:
_tile_overlayer_lowered:
.L_overlay_start_2:
0x5b: {  	(tag) =	ssettag $0x2  }
0x5c: {  	s0 =	rddreg [dreg:$0x0];
	s2 =	stileid.u32  }
0x5d: {  	s1 =	rddreg [dreg:$0x1];
	p0 =	sne.s32 s2, $0x0  }
0x5e: {  	s3 =	rddreg [dreg:$0x2];
	[bflag:$0x3] =	sbarrier.arrive $0xFFFF;
	s2 =	simm.s32 @!p0 $0x1C01  }
0x5f: {  	[timem:s3], [sflag:s2] =	dma.local @!p0 [hbm:s0], s1  }
0x60: {  	s0 =	simm.s32 @!p0 $0x1  }
0x61: {  	_ =	swait.ge @!p0 [sflag:s0], s1  }
0x62: {  	s1 =	ssub.s32 @!p0 $0x0, s1;
	[sflag:s0] =	ssyncset.done @!p0 $0x0  }
0x63: {  	[sflag:s0] =	ssyncadd.s32 @!p0 s1  }
0x64: {  	[bflag:$0x3] =	sbarrier.arrive $0xFFFF  }
0x65: {  	_ =	shalt  }

</sc_bundles>
